<compile_context>
chip_gen: v7x
topology: tpu7x:2x2x1
jax: 0.10.2.dev20260603
libtpu: 0.0.44.dev20260713+nightly
codegen_flags: <defaults>
</compile_context>

<pallas_src>
import functools

import jax
import jax.numpy as jnp
from jax.experimental import pallas as pl
from jax.experimental.pallas import tpu as pltpu
from jax.experimental.pallas import tpu_sc as plsc

NUM_EMBEDDINGS = 1024
EMBEDDING_DIM = 64
SPARSITY_LEVEL = 5
COMMITMENT_COST = 0.25
EPS = 1e-10
DIVERSITY_WEIGHT = 0.001

NH = 8
NL = 128

TILE_B = 2048
NUM_TOKENS = 16384

SC_CORES = 2
SC_SUBCORES = 16
SC_WORKERS = SC_CORES * SC_SUBCORES
SC_CHUNK = NUM_TOKENS // SC_WORKERS
SC_LANES = 16


def _omp_step_kernel(k, d_ref, dr_ref, res_ref, usage_prev_ref, prev_idx_ref,
                     res_out_ref, idx_out_ref, alpha_out_ref, usage_out_ref):
    t = pl.program_id(0)
    d_raw = d_ref[...]
    nrm = jnp.sqrt(jnp.sum(d_raw * d_raw, axis=0, keepdims=True))
    dn = d_raw / (nrm + EPS)
    res = res_ref[...]
    bsz = res.shape[1]

    corr = jax.lax.dot_general(
        dn, res, (((0,), (0,)), ((), ())),
        preferred_element_type=jnp.float32)
    v = jnp.abs(corr).reshape(NH, NL, bsz)

    if k > 0:
        usage = usage_prev_ref[...]
        avg = jnp.sum(usage) / NUM_EMBEDDINGS
        bonus = DIVERSITY_WEIGHT * jnp.maximum(avg - usage, 0.0)
        v = v + bonus[:, :, None]

    i0 = jax.lax.broadcasted_iota(jnp.int32, (NH, NL, bsz), 0)
    i1 = jax.lax.broadcasted_iota(jnp.int32, (NH, NL, bsz), 1)
    ii = i0 * NL + i1
    for j in range(k):
        pj = prev_idx_ref[j, :]
        v = jnp.where(ii == pj[None, None, :], 0.0, v)

    l_per_slab = jnp.argmax(v, axis=1)
    m_per_slab = jnp.max(v, axis=1)
    h_star = jnp.argmax(m_per_slab, axis=0)
    ih = jax.lax.broadcasted_iota(jnp.int32, (NH, bsz), 0)
    oh_h = (ih == h_star[None, :]).astype(jnp.float32)
    l_star = jnp.sum(
        l_per_slab.astype(jnp.float32) * oh_h, axis=0).astype(jnp.int32)
    idx = h_star * NL + l_star

    il = jax.lax.broadcasted_iota(jnp.int32, (NL, bsz), 0)
    oh_l = (il == l_star[None, :]).astype(jnp.float32)

    dnr = (dr_ref[...] / (nrm.reshape(NH, 1, NL) + EPS)
           ).reshape(NH * EMBEDDING_DIM, NL)
    c0 = dnr.astype(jnp.bfloat16)
    r1 = dnr - c0.astype(jnp.float32)
    c1 = r1.astype(jnp.bfloat16)
    c2 = (r1 - c1.astype(jnp.float32)).astype(jnp.bfloat16)
    oh_l_b = oh_l.astype(jnp.bfloat16)
    dims = (((1,), (0,)), ((), ()))
    u = (jax.lax.dot_general(c0, oh_l_b, dims,
                             preferred_element_type=jnp.float32)
         + jax.lax.dot_general(c1, oh_l_b, dims,
                               preferred_element_type=jnp.float32)
         + jax.lax.dot_general(c2, oh_l_b, dims,
                               preferred_element_type=jnp.float32))
    d_sel = jnp.sum(
        u.reshape(NH, EMBEDDING_DIM, bsz) * oh_h[:, None, :], axis=0)

    num = jnp.sum(res * d_sel, axis=0, keepdims=True)
    den = jnp.sum(d_sel * d_sel, axis=0, keepdims=True)
    alpha = num / (den + EPS)

    res_out_ref[...] = res - d_sel * alpha
    idx_out_ref[...] = idx[None, :]
    alpha_out_ref[...] = alpha

    hist = jax.lax.dot_general(
        oh_h, oh_l, (((1,), (1,)), ((), ())),
        precision=jax.lax.Precision.HIGHEST,
        preferred_element_type=jnp.float32)

    @pl.when(t == 0)
    def _init():
        if k > 0:
            usage_out_ref[...] = usage_prev_ref[...] + hist
        else:
            usage_out_ref[...] = hist

    @pl.when(t != 0)
    def _acc():
        usage_out_ref[...] += hist


def _omp_step(k, d_raw, d_raw_r, res, usage_prev, prev_idx):
    b = res.shape[1]
    grid = (b // TILE_B,)
    in_specs = [
        pl.BlockSpec((EMBEDDING_DIM, NUM_EMBEDDINGS), lambda t: (0, 0)),
        pl.BlockSpec((NH, EMBEDDING_DIM, NL), lambda t: (0, 0, 0)),
        pl.BlockSpec((EMBEDDING_DIM, TILE_B), lambda t: (0, t)),
    ]
    args = [d_raw, d_raw_r, res]
    if k > 0:
        in_specs.append(pl.BlockSpec((NH, NL), lambda t: (0, 0)))
        in_specs.append(pl.BlockSpec((k, TILE_B), lambda t: (0, t)))
        args.append(usage_prev)
        args.append(prev_idx)
        body = functools.partial(_omp_step_kernel, k)
    else:
        def body(d_ref, dr_ref, res_ref, *out_refs):
            _omp_step_kernel(0, d_ref, dr_ref, res_ref, None, None, *out_refs)

    out_shape = [
        jax.ShapeDtypeStruct((EMBEDDING_DIM, b), jnp.float32),
        jax.ShapeDtypeStruct((1, b), jnp.int32),
        jax.ShapeDtypeStruct((1, b), jnp.float32),
        jax.ShapeDtypeStruct((NH, NL), jnp.float32),
    ]
    out_specs = [
        pl.BlockSpec((EMBEDDING_DIM, TILE_B), lambda t: (0, t)),
        pl.BlockSpec((1, TILE_B), lambda t: (0, t)),
        pl.BlockSpec((1, TILE_B), lambda t: (0, t)),
        pl.BlockSpec((NH, NL), lambda t: (0, 0)),
    ]
    return pl.pallas_call(
        body,
        grid=grid,
        in_specs=in_specs,
        out_specs=out_specs,
        out_shape=out_shape,
    )(*args)


def _sc_scatter_body(idx_hbm, alpha_hbm, coef_hbm, *scratch):
    idx_vs = scratch[0:SPARSITY_LEVEL]
    alpha_vs = scratch[SPARSITY_LEVEL:2 * SPARSITY_LEVEL]
    off_vs = scratch[2 * SPARSITY_LEVEL:3 * SPARSITY_LEVEL]
    sem = scratch[3 * SPARSITY_LEVEL]
    wid = jax.lax.axis_index("s") * SC_CORES + jax.lax.axis_index("c")
    base = wid * SC_CHUNK
    lane = jax.lax.iota(jnp.int32, SC_LANES)
    for r in range(SPARSITY_LEVEL):
        pltpu.sync_copy(idx_hbm.at[pl.ds(r * NUM_TOKENS + base, SC_CHUNK)],
                        idx_vs[r])
        pltpu.sync_copy(alpha_hbm.at[pl.ds(r * NUM_TOKENS + base, SC_CHUNK)],
                        alpha_vs[r])
        for i in range(SC_CHUNK // SC_LANES):
            sl = pl.ds(i * SC_LANES, SC_LANES)
            off_vs[r][sl] = (idx_vs[r][sl] * NUM_TOKENS
                             + (base + i * SC_LANES) + lane)
    descs = [pltpu.async_copy(alpha_vs[r], coef_hbm.at[off_vs[r]], sem)
             for r in range(SPARSITY_LEVEL)]
    for d in descs:
        d.wait()


_sc_scatter = pl.kernel(
    _sc_scatter_body,
    out_type=(),
    mesh=plsc.VectorSubcoreMesh(core_axis_name="c", subcore_axis_name="s"),
    scratch_types=(
        [pltpu.VMEM((SC_CHUNK,), jnp.int32) for _ in range(SPARSITY_LEVEL)]
        + [pltpu.VMEM((SC_CHUNK,), jnp.float32)
           for _ in range(SPARSITY_LEVEL)]
        + [pltpu.VMEM((SC_CHUNK,), jnp.int32) for _ in range(SPARSITY_LEVEL)]
        + [pltpu.SemaphoreType.DMA]
    ),
)


def _epilogue_kernel(x_ref, res_ref, out_ref, loss_ref):
    t = pl.program_id(0)
    x = x_ref[...]
    z_dl = x - res_ref[...]
    delta = z_dl - x
    out_ref[...] = x + delta

    part = jnp.sum(delta * delta).reshape(1, 1)

    @pl.when(t == 0)
    def _init():
        loss_ref[...] = part

    @pl.when(t != 0)
    def _acc():
        loss_ref[...] += part


def _epilogue(x, res):
    b = x.shape[1]
    grid = (b // TILE_B,)
    out_shape = [
        jax.ShapeDtypeStruct((EMBEDDING_DIM, b), jnp.float32),
        jax.ShapeDtypeStruct((1, 1), jnp.float32),
    ]
    return pl.pallas_call(
        _epilogue_kernel,
        grid=grid,
        in_specs=[
            pl.BlockSpec((EMBEDDING_DIM, TILE_B), lambda t: (0, t)),
            pl.BlockSpec((EMBEDDING_DIM, TILE_B), lambda t: (0, t)),
        ],
        out_specs=[
            pl.BlockSpec((EMBEDDING_DIM, TILE_B), lambda t: (0, t)),
            pl.BlockSpec((1, 1), lambda t: (0, 0)),
        ],
        out_shape=out_shape,
    )(x, res)


def kernel(z_e, dictionary):
    n, c, h, w = z_e.shape
    z = jnp.transpose(z_e, (0, 2, 3, 1))
    x = z.reshape(-1, EMBEDDING_DIM).T
    b = x.shape[1]

    d_raw_r = dictionary.reshape(EMBEDDING_DIM, NH, NL).transpose(1, 0, 2)

    coef_ref = jax.new_ref(jnp.zeros((NUM_EMBEDDINGS * b,), jnp.float32))

    res = x
    usage = None
    idx_list = []
    alpha_list = []
    for k in range(SPARSITY_LEVEL):
        prev_idx = jnp.concatenate(idx_list, axis=0) if k > 0 else None
        res, idx_k, alpha_k, usage = _omp_step(k, dictionary, d_raw_r, res,
                                               usage, prev_idx)
        idx_list.append(idx_k)
        alpha_list.append(alpha_k)

    idx_hist = jnp.concatenate(idx_list, axis=0).reshape(-1)
    alpha_hist = jnp.concatenate(alpha_list, axis=0).reshape(-1)
    _sc_scatter(idx_hist, alpha_hist, coef_ref)

    z_dl_st_flat, loss_sum = _epilogue(x, res)

    coef = coef_ref[...].reshape(NUM_EMBEDDINGS, b)

    m = loss_sum[0, 0] / (n * h * w * EMBEDDING_DIM)
    loss = COMMITMENT_COST * m + m

    out1 = z_dl_st_flat.T.reshape(n, h, w, c).transpose(0, 3, 1, 2)
    return (out1, loss, coef)

# --- scband reference (transcript-rebuilt; emitter-appended) ---
"""Pipeline reference for scband-dictionary-learning-15341623181401 (READ-ONLY COPY).

The authoritative reference and input builder live on the scoring server;
editing this copy changes nothing except your own understanding.
"""

import jax, jax.numpy as jnp
import numpy as np

NUM_EMBEDDINGS = 1024
EMBEDDING_DIM = 64
SPARSITY_LEVEL = 5
COMMITMENT_COST = 0.25
EPSILON = 1e-10


def setup_inputs(seed: int = 0) -> dict:
    key = jax.random.key(seed)
    k1, k2 = jax.random.split(key)
    z_e = jax.random.normal(k1, (16, 64, 32, 32), dtype=jnp.float32)
    D = jax.random.normal(k2, (EMBEDDING_DIM, NUM_EMBEDDINGS), dtype=jnp.float32)
    # mimic __init__ normalization of atoms
    D = D / jnp.linalg.norm(D, axis=0)
    return {"z_e": z_e, "dictionary": D}


def batch_omp(X, D):
    M, B = X.shape
    N = D.shape[1]
    coefficients = jnp.zeros((N, B), dtype=X.dtype)
    residual = X
    mask = jnp.ones((N, B), dtype=X.dtype)
    batch_idx = jnp.arange(B)
    global_usage = jnp.zeros((N,), dtype=X.dtype)
    diversity_weight = 0.001
    for k in range(SPARSITY_LEVEL):
        correlations = jnp.matmul(D.T, residual)
        abs_corr = jnp.abs(correlations)
        if k > 0:
            avg_usage = global_usage.sum() / N
            diversity_bonus = diversity_weight * jnp.maximum(avg_usage - global_usage, 0.0)[:, None]
            abs_corr = abs_corr + diversity_bonus
        abs_corr_masked = abs_corr * mask
        idx = jnp.argmax(abs_corr_masked, axis=0)
        mask = mask.at[idx, batch_idx].set(0.0)
        global_usage = global_usage.at[idx].add(jnp.ones((B,), dtype=X.dtype))
        d_selected = D[:, idx]
        numerator = (residual * d_selected).sum(axis=0)
        denominator = (d_selected ** 2).sum(axis=0)
        alpha = numerator / (denominator + EPSILON)
        coefficients = coefficients.at[idx, batch_idx].set(alpha)
        residual = residual - d_selected * alpha[None, :]
    return coefficients


def reference(z_e, dictionary):
    z = jnp.transpose(z_e, (0, 2, 3, 1))
    input_shape = z.shape
    ze_flattened = z.reshape(-1, EMBEDDING_DIM).T
    # normalize_atoms=True path
    dict_norms = jnp.linalg.norm(dictionary, axis=0, keepdims=True)
    dict_for_omp = dictionary / (dict_norms + 1e-10)
    dict_for_recon = dict_for_omp
    coefficients = batch_omp(ze_flattened, dict_for_omp)
    z_dl = jnp.matmul(dict_for_recon, coefficients)
    z_dl = z_dl.T.reshape(input_shape)
    e_latent_loss = jnp.mean((jax.lax.stop_gradient(z_dl) - z) ** 2)
    dl_latent_loss = jnp.mean((z_dl - jax.lax.stop_gradient(z)) ** 2)
    loss = COMMITMENT_COST * e_latent_loss + dl_latent_loss
    z_dl_st = z + jax.lax.stop_gradient(z_dl - z)
    return (jnp.transpose(z_dl_st, (0, 3, 1, 2)), loss, coefficients)

if __name__ == "__main__":
    import jax
    _d = setup_inputs()
    print(jax.jit(kernel)(*tuple(_d.values())))

</pallas_src>

<mosaic_0001>
#map = affine_map<(d0, d1) -> (0)>
module attributes {stable_mosaic.version = 14 : i64} {
  func.func @new_body(%arg0: i32, %arg1: i32, %arg2: memref<81920xi32, #tpu.memory_space<hbm>>, %arg3: memref<81920xf32, #tpu.memory_space<hbm>>, %arg4: memref<16777216xf32, #tpu.memory_space<hbm>>, %arg5: memref<16777216xf32, #tpu.memory_space<hbm>>, %arg6: memref<512xi32, #tpu.memory_space<vmem>>, %arg7: memref<512xi32, #tpu.memory_space<vmem>>, %arg8: memref<512xi32, #tpu.memory_space<vmem>>, %arg9: memref<512xi32, #tpu.memory_space<vmem>>, %arg10: memref<512xi32, #tpu.memory_space<vmem>>, %arg11: memref<512xf32, #tpu.memory_space<vmem>>, %arg12: memref<512xf32, #tpu.memory_space<vmem>>, %arg13: memref<512xf32, #tpu.memory_space<vmem>>, %arg14: memref<512xf32, #tpu.memory_space<vmem>>, %arg15: memref<512xf32, #tpu.memory_space<vmem>>, %arg16: memref<512xi32, #tpu.memory_space<vmem>>, %arg17: memref<512xi32, #tpu.memory_space<vmem>>, %arg18: memref<512xi32, #tpu.memory_space<vmem>>, %arg19: memref<512xi32, #tpu.memory_space<vmem>>, %arg20: memref<512xi32, #tpu.memory_space<vmem>>, %arg21: memref<!tpu.dma_semaphore, #tpu.memory_space<semaphore_mem>>) attributes {dimension_semantics = [#tpu.dimension_semantics<core_parallel>, #tpu.dimension_semantics<subcore_parallel>], iteration_bounds = array<i64: 2, 16>, scalar_prefetch = 0 : i64, scratch_operands = 16 : i64, tpu.core_type = #tpu.core_type<sc_vector_subcore>, window_params = [{transform_indices = #map}, {transform_indices = #map}, {transform_indices = #map}, {transform_indices = #map}]} {
    %mul3A = arith.constant 2 : i32
    %mul3A_0 = arith.muli %arg1, %mul3A : i32
    %add3A = arith.addi %mul3A_0, %arg0 : i32
    %mul3A_1 = arith.constant 512 : i32
    %mul3A_2 = arith.muli %add3A, %mul3A_1 : i32
    %iota3A = tpu.iota {dimensions = array<i32: 0>} : vector<16xi32>
    %add3A_3 = arith.constant 0 : i32
    %add3A_4 = arith.addi %add3A_3, %mul3A_2 : i32
    "tpu.region"() ({
      %run_scoped3A = tpu.sem_alloc : memref<!tpu.dma_semaphore, #tpu.memory_space<semaphore_mem>>
      %dma_start3A_2439 = tpu.memref_slice %arg2[%add3A_4] : memref<81920xi32, #tpu.memory_space<hbm>> -> memref<512xi32, #tpu.memory_space<hbm>>
      %dma_start3A_2440 = tpu.memref_slice %arg2[%add3A_4] : memref<81920xi32, #tpu.memory_space<hbm>> -> memref<512xi32, #tpu.memory_space<hbm>>
      tpu.enqueue_dma source(%dma_start3A_2440 : memref<512xi32, #tpu.memory_space<hbm>>) target(%arg6 : memref<512xi32, #tpu.memory_space<vmem>>) target_semaphore(%run_scoped3A : memref<!tpu.dma_semaphore, #tpu.memory_space<semaphore_mem>>)
      %dma_wait3A_2441 = tpu.memref_slice %arg2[%add3A_4] : memref<81920xi32, #tpu.memory_space<hbm>> -> memref<512xi32, #tpu.memory_space<hbm>>
      %dma_wait3A_2442 = tpu.memref_slice %arg2[%add3A_4] : memref<81920xi32, #tpu.memory_space<hbm>> -> memref<512xi32, #tpu.memory_space<hbm>>
      tpu.wait_dma2 semaphore(%run_scoped3A : memref<!tpu.dma_semaphore, #tpu.memory_space<semaphore_mem>>) src(%dma_wait3A_2442 : memref<512xi32, #tpu.memory_space<hbm>>) dst(%arg6 : memref<512xi32, #tpu.memory_space<vmem>>)
      tpu.yield
    }) : () -> ()
    %add3A_5 = arith.constant 0 : i32
    %add3A_6 = arith.addi %add3A_5, %mul3A_2 : i32
    "tpu.region"() ({
      %run_scoped3A = tpu.sem_alloc : memref<!tpu.dma_semaphore, #tpu.memory_space<semaphore_mem>>
      %dma_start3A_2439 = tpu.memref_slice %arg3[%add3A_6] : memref<81920xf32, #tpu.memory_space<hbm>> -> memref<512xf32, #tpu.memory_space<hbm>>
      %dma_start3A_2440 = tpu.memref_slice %arg3[%add3A_6] : memref<81920xf32, #tpu.memory_space<hbm>> -> memref<512xf32, #tpu.memory_space<hbm>>
      tpu.enqueue_dma source(%dma_start3A_2440 : memref<512xf32, #tpu.memory_space<hbm>>) target(%arg11 : memref<512xf32, #tpu.memory_space<vmem>>) target_semaphore(%run_scoped3A : memref<!tpu.dma_semaphore, #tpu.memory_space<semaphore_mem>>)
      %dma_wait3A_2441 = tpu.memref_slice %arg3[%add3A_6] : memref<81920xf32, #tpu.memory_space<hbm>> -> memref<512xf32, #tpu.memory_space<hbm>>
      %dma_wait3A_2442 = tpu.memref_slice %arg3[%add3A_6] : memref<81920xf32, #tpu.memory_space<hbm>> -> memref<512xf32, #tpu.memory_space<hbm>>
      tpu.wait_dma2 semaphore(%run_scoped3A : memref<!tpu.dma_semaphore, #tpu.memory_space<semaphore_mem>>) src(%dma_wait3A_2442 : memref<512xf32, #tpu.memory_space<hbm>>) dst(%arg11 : memref<512xf32, #tpu.memory_space<vmem>>)
      tpu.yield
    }) : () -> ()
    %get3A = arith.constant 0 : index
    %get3A_7 = tpu.vector_load %arg6[%get3A] {strides = array<i32>} : memref<512xi32, #tpu.memory_space<vmem>>, vector<16xi32>,
    %get3A_8 = vector.shape_cast %get3A_7 : vector<16xi32> to vector<16xi32>
    %mul3A_9 = arith.constant 16384 : i32
    %mul3A_10 = vector.broadcast %mul3A_9 : i32 to vector<16xi32>
    %mul3A_11 = arith.muli %get3A_8, %mul3A_10 : vector<16xi32>
    %add3A_12 = arith.constant 0 : i32
    %add3A_13 = arith.addi %mul3A_2, %add3A_12 : i32
    %add3A_14 = vector.broadcast %add3A_13 : i32 to vector<16xi32>
    %add3A_15 = arith.addi %mul3A_11, %add3A_14 : vector<16xi32>
    %add3A_16 = arith.addi %add3A_15, %iota3A : vector<16xi32>
    %swap3A = arith.constant 0 : index
    %swap3A_17 = tpu.vector_load %arg16[%swap3A] {strides = array<i32>} : memref<512xi32, #tpu.memory_space<vmem>>, vector<16xi32>,
    %swap3A_18 = vector.shape_cast %swap3A_17 : vector<16xi32> to vector<16xi32>
    %swap3A_19 = vector.shape_cast %add3A_16 : vector<16xi32> to vector<16xi32>
    tpu.vector_store %arg16[%swap3A], %swap3A_19 {strides = array<i32>} : memref<512xi32, #tpu.memory_space<vmem>>, vector<16xi32>,
    %get3A_20 = arith.constant 16 : index
    %get3A_21 = tpu.vector_load %arg6[%get3A_20] {strides = array<i32>} : memref<512xi32, #tpu.memory_space<vmem>>, vector<16xi32>,
    %get3A_22 = vector.shape_cast %get3A_21 : vector<16xi32> to vector<16xi32>
    %mul3A_23 = arith.constant 16384 : i32
    %mul3A_24 = vector.broadcast %mul3A_23 : i32 to vector<16xi32>
    %mul3A_25 = arith.muli %get3A_22, %mul3A_24 : vector<16xi32>
    %add3A_26 = arith.constant 16 : i32
    %add3A_27 = arith.addi %mul3A_2, %add3A_26 : i32
    %add3A_28 = vector.broadcast %add3A_27 : i32 to vector<16xi32>
    %add3A_29 = arith.addi %mul3A_25, %add3A_28 : vector<16xi32>
    %add3A_30 = arith.addi %add3A_29, %iota3A : vector<16xi32>
    %swap3A_31 = arith.constant 16 : index
    %swap3A_32 = tpu.vector_load %arg16[%swap3A_31] {strides = array<i32>} : memref<512xi32, #tpu.memory_space<vmem>>, vector<16xi32>,
    %swap3A_33 = vector.shape_cast %swap3A_32 : vector<16xi32> to vector<16xi32>
    %swap3A_34 = vector.shape_cast %add3A_30 : vector<16xi32> to vector<16xi32>
    tpu.vector_store %arg16[%swap3A_31], %swap3A_34 {strides = array<i32>} : memref<512xi32, #tpu.memory_space<vmem>>, vector<16xi32>,
    %get3A_35 = arith.constant 32 : index
    %get3A_36 = tpu.vector_load %arg6[%get3A_35] {strides = array<i32>} : memref<512xi32, #tpu.memory_space<vmem>>, vector<16xi32>,
    %get3A_37 = vector.shape_cast %get3A_36 : vector<16xi32> to vector<16xi32>
    %mul3A_38 = arith.constant 16384 : i32
    %mul3A_39 = vector.broadcast %mul3A_38 : i32 to vector<16xi32>
    %mul3A_40 = arith.muli %get3A_37, %mul3A_39 : vector<16xi32>
    %add3A_41 = arith.constant 32 : i32
    %add3A_42 = arith.addi %mul3A_2, %add3A_41 : i32
    %add3A_43 = vector.broadcast %add3A_42 : i32 to vector<16xi32>
    %add3A_44 = arith.addi %mul3A_40, %add3A_43 : vector<16xi32>
    %add3A_45 = arith.addi %add3A_44, %iota3A : vector<16xi32>
    %swap3A_46 = arith.constant 32 : index
    %swap3A_47 = tpu.vector_load %arg16[%swap3A_46] {strides = array<i32>} : memref<512xi32, #tpu.memory_space<vmem>>, vector<16xi32>,
    %swap3A_48 = vector.shape_cast %swap3A_47 : vector<16xi32> to vector<16xi32>
    %swap3A_49 = vector.shape_cast %add3A_45 : vector<16xi32> to vector<16xi32>
    tpu.vector_store %arg16[%swap3A_46], %swap3A_49 {strides = array<i32>} : memref<512xi32, #tpu.memory_space<vmem>>, vector<16xi32>,
    %get3A_50 = arith.constant 48 : index
    %get3A_51 = tpu.vector_load %arg6[%get3A_50] {strides = array<i32>} : memref<512xi32, #tpu.memory_space<vmem>>, vector<16xi32>,
    %get3A_52 = vector.shape_cast %get3A_51 : vector<16xi32> to vector<16xi32>
    %mul3A_53 = arith.constant 16384 : i32
    %mul3A_54 = vector.broadcast %mul3A_53 : i32 to vector<16xi32>
    %mul3A_55 = arith.muli %get3A_52, %mul3A_54 : vector<16xi32>
    %add3A_56 = arith.constant 48 : i32
    %add3A_57 = arith.addi %mul3A_2, %add3A_56 : i32
    %add3A_58 = vector.broadcast %add3A_57 : i32 to vector<16xi32>
    %add3A_59 = arith.addi %mul3A_55, %add3A_58 : vector<16xi32>
    %add3A_60 = arith.addi %add3A_59, %iota3A : vector<16xi32>
    %swap3A_61 = arith.constant 48 : index
    %swap3A_62 = tpu.vector_load %arg16[%swap3A_61] {strides = array<i32>} : memref<512xi32, #tpu.memory_space<vmem>>, vector<16xi32>,
    %swap3A_63 = vector.shape_cast %swap3A_62 : vector<16xi32> to vector<16xi32>
    %swap3A_64 = vector.shape_cast %add3A_60 : vector<16xi32> to vector<16xi32>
    tpu.vector_store %arg16[%swap3A_61], %swap3A_64 {strides = array<i32>} : memref<512xi32, #tpu.memory_space<vmem>>, vector<16xi32>,
    %get3A_65 = arith.constant 64 : index
    %get3A_66 = tpu.vector_load %arg6[%get3A_65] {strides = array<i32>} : memref<512xi32, #tpu.memory_space<vmem>>, vector<16xi32>,
    %get3A_67 = vector.shape_cast %get3A_66 : vector<16xi32> to vector<16xi32>
    %mul3A_68 = arith.constant 16384 : i32
    %mul3A_69 = vector.broadcast %mul3A_68 : i32 to vector<16xi32>
    %mul3A_70 = arith.muli %get3A_67, %mul3A_69 : vector<16xi32>
    %add3A_71 = arith.constant 64 : i32
    %add3A_72 = arith.addi %mul3A_2, %add3A_71 : i32
    %add3A_73 = vector.broadcast %add3A_72 : i32 to vector<16xi32>
    %add3A_74 = arith.addi %mul3A_70, %add3A_73 : vector<16xi32>
    %add3A_75 = arith.addi %add3A_74, %iota3A : vector<16xi32>
    %swap3A_76 = arith.constant 64 : index
    %swap3A_77 = tpu.vector_load %arg16[%swap3A_76] {strides = array<i32>} : memref<512xi32, #tpu.memory_space<vmem>>, vector<16xi32>,
    %swap3A_78 = vector.shape_cast %swap3A_77 : vector<16xi32> to vector<16xi32>
    %swap3A_79 = vector.shape_cast %add3A_75 : vector<16xi32> to vector<16xi32>
    tpu.vector_store %arg16[%swap3A_76], %swap3A_79 {strides = array<i32>} : memref<512xi32, #tpu.memory_space<vmem>>, vector<16xi32>,
    %get3A_80 = arith.constant 80 : index
    %get3A_81 = tpu.vector_load %arg6[%get3A_80] {strides = array<i32>} : memref<512xi32, #tpu.memory_space<vmem>>, vector<16xi32>,
    %get3A_82 = vector.shape_cast %get3A_81 : vector<16xi32> to vector<16xi32>
    %mul3A_83 = arith.constant 16384 : i32
    %mul3A_84 = vector.broadcast %mul3A_83 : i32 to vector<16xi32>
    %mul3A_85 = arith.muli %get3A_82, %mul3A_84 : vector<16xi32>
    %add3A_86 = arith.constant 80 : i32
    %add3A_87 = arith.addi %mul3A_2, %add3A_86 : i32
    %add3A_88 = vector.broadcast %add3A_87 : i32 to vector<16xi32>
    %add3A_89 = arith.addi %mul3A_85, %add3A_88 : vector<16xi32>
    %add3A_90 = arith.addi %add3A_89, %iota3A : vector<16xi32>
    %swap3A_91 = arith.constant 80 : index
    %swap3A_92 = tpu.vector_load %arg16[%swap3A_91] {strides = array<i32>} : memref<512xi32, #tpu.memory_space<vmem>>, vector<16xi32>,
    %swap3A_93 = vector.shape_cast %swap3A_92 : vector<16xi32> to vector<16xi32>
    %swap3A_94 = vector.shape_cast %add3A_90 : vector<16xi32> to vector<16xi32>
    tpu.vector_store %arg16[%swap3A_91], %swap3A_94 {strides = array<i32>} : memref<512xi32, #tpu.memory_space<vmem>>, vector<16xi32>,
    %get3A_95 = arith.constant 96 : index
    %get3A_96 = tpu.vector_load %arg6[%get3A_95] {strides = array<i32>} : memref<512xi32, #tpu.memory_space<vmem>>, vector<16xi32>,
    %get3A_97 = vector.shape_cast %get3A_96 : vector<16xi32> to vector<16xi32>
    %mul3A_98 = arith.constant 16384 : i32
    %mul3A_99 = vector.broadcast %mul3A_98 : i32 to vector<16xi32>
    %mul3A_100 = arith.muli %get3A_97, %mul3A_99 : vector<16xi32>
    %add3A_101 = arith.constant 96 : i32
    %add3A_102 = arith.addi %mul3A_2, %add3A_101 : i32
    %add3A_103 = vector.broadcast %add3A_102 : i32 to vector<16xi32>
    %add3A_104 = arith.addi %mul3A_100, %add3A_103 : vector<16xi32>
    %add3A_105 = arith.addi %add3A_104, %iota3A : vector<16xi32>
    %swap3A_106 = arith.constant 96 : index
    %swap3A_107 = tpu.vector_load %arg16[%swap3A_106] {strides = array<i32>} : memref<512xi32, #tpu.memory_space<vmem>>, vector<16xi32>,
    %swap3A_108 = vector.shape_cast %swap3A_107 : vector<16xi32> to vector<16xi32>
    %swap3A_109 = vector.shape_cast %add3A_105 : vector<16xi32> to vector<16xi32>
    tpu.vector_store %arg16[%swap3A_106], %swap3A_109 {strides = array<i32>} : memref<512xi32, #tpu.memory_space<vmem>>, vector<16xi32>,
    %get3A_110 = arith.constant 112 : index
    %get3A_111 = tpu.vector_load %arg6[%get3A_110] {strides = array<i32>} : memref<512xi32, #tpu.memory_space<vmem>>, vector<16xi32>,
    %get3A_112 = vector.shape_cast %get3A_111 : vector<16xi32> to vector<16xi32>
    %mul3A_113 = arith.constant 16384 : i32
    %mul3A_114 = vector.broadcast %mul3A_113 : i32 to vector<16xi32>
    %mul3A_115 = arith.muli %get3A_112, %mul3A_114 : vector<16xi32>
    %add3A_116 = arith.constant 112 : i32
    %add3A_117 = arith.addi %mul3A_2, %add3A_116 : i32
    %add3A_118 = vector.broadcast %add3A_117 : i32 to vector<16xi32>
    %add3A_119 = arith.addi %mul3A_115, %add3A_118 : vector<16xi32>
    %add3A_120 = arith.addi %add3A_119, %iota3A : vector<16xi32>
    %swap3A_121 = arith.constant 112 : index
    %swap3A_122 = tpu.vector_load %arg16[%swap3A_121] {strides = array<i32>} : memref<512xi32, #tpu.memory_space<vmem>>, vector<16xi32>,
    %swap3A_123 = vector.shape_cast %swap3A_122 : vector<16xi32> to vector<16xi32>
    %swap3A_124 = vector.shape_cast %add3A_120 : vector<16xi32> to vector<16xi32>
    tpu.vector_store %arg16[%swap3A_121], %swap3A_124 {strides = array<i32>} : memref<512xi32, #tpu.memory_space<vmem>>, vector<16xi32>,
    %get3A_125 = arith.constant 128 : index
    %get3A_126 = tpu.vector_load %arg6[%get3A_125] {strides = array<i32>} : memref<512xi32, #tpu.memory_space<vmem>>, vector<16xi32>,
    %get3A_127 = vector.shape_cast %get3A_126 : vector<16xi32> to vector<16xi32>
    %mul3A_128 = arith.constant 16384 : i32
    %mul3A_129 = vector.broadcast %mul3A_128 : i32 to vector<16xi32>
    %mul3A_130 = arith.muli %get3A_127, %mul3A_129 : vector<16xi32>
    %add3A_131 = arith.constant 128 : i32
    %add3A_132 = arith.addi %mul3A_2, %add3A_131 : i32
    %add3A_133 = vector.broadcast %add3A_132 : i32 to vector<16xi32>
    %add3A_134 = arith.addi %mul3A_130, %add3A_133 : vector<16xi32>
    %add3A_135 = arith.addi %add3A_134, %iota3A : vector<16xi32>
    %swap3A_136 = arith.constant 128 : index
    %swap3A_137 = tpu.vector_load %arg16[%swap3A_136] {strides = array<i32>} : memref<512xi32, #tpu.memory_space<vmem>>, vector<16xi32>,
    %swap3A_138 = vector.shape_cast %swap3A_137 : vector<16xi32> to vector<16xi32>
    %swap3A_139 = vector.shape_cast %add3A_135 : vector<16xi32> to vector<16xi32>
    tpu.vector_store %arg16[%swap3A_136], %swap3A_139 {strides = array<i32>} : memref<512xi32, #tpu.memory_space<vmem>>, vector<16xi32>,
    %get3A_140 = arith.constant 144 : index
    %get3A_141 = tpu.vector_load %arg6[%get3A_140] {strides = array<i32>} : memref<512xi32, #tpu.memory_space<vmem>>, vector<16xi32>,
    %get3A_142 = vector.shape_cast %get3A_141 : vector<16xi32> to vector<16xi32>
    %mul3A_143 = arith.constant 16384 : i32
    %mul3A_144 = vector.broadcast %mul3A_143 : i32 to vector<16xi32>
    %mul3A_145 = arith.muli %get3A_142, %mul3A_144 : vector<16xi32>
    %add3A_146 = arith.constant 144 : i32
    %add3A_147 = arith.addi %mul3A_2, %add3A_146 : i32
    %add3A_148 = vector.broadcast %add3A_147 : i32 to vector<16xi32>
    %add3A_149 = arith.addi %mul3A_145, %add3A_148 : vector<16xi32>
    %add3A_150 = arith.addi %add3A_149, %iota3A : vector<16xi32>
    %swap3A_151 = arith.constant 144 : index
    %swap3A_152 = tpu.vector_load %arg16[%swap3A_151] {strides = array<i32>} : memref<512xi32, #tpu.memory_space<vmem>>, vector<16xi32>,
    %swap3A_153 = vector.shape_cast %swap3A_152 : vector<16xi32> to vector<16xi32>
    %swap3A_154 = vector.shape_cast %add3A_150 : vector<16xi32> to vector<16xi32>
    tpu.vector_store %arg16[%swap3A_151], %swap3A_154 {strides = array<i32>} : memref<512xi32, #tpu.memory_space<vmem>>, vector<16xi32>,
    %get3A_155 = arith.constant 160 : index
    %get3A_156 = tpu.vector_load %arg6[%get3A_155] {strides = array<i32>} : memref<512xi32, #tpu.memory_space<vmem>>, vector<16xi32>,
    %get3A_157 = vector.shape_cast %get3A_156 : vector<16xi32> to vector<16xi32>
    %mul3A_158 = arith.constant 16384 : i32
    %mul3A_159 = vector.broadcast %mul3A_158 : i32 to vector<16xi32>
    %mul3A_160 = arith.muli %get3A_157, %mul3A_159 : vector<16xi32>
    %add3A_161 = arith.constant 160 : i32
    %add3A_162 = arith.addi %mul3A_2, %add3A_161 : i32
    %add3A_163 = vector.broadcast %add3A_162 : i32 to vector<16xi32>
    %add3A_164 = arith.addi %mul3A_160, %add3A_163 : vector<16xi32>
    %add3A_165 = arith.addi %add3A_164, %iota3A : vector<16xi32>
    %swap3A_166 = arith.constant 160 : index
    %swap3A_167 = tpu.vector_load %arg16[%swap3A_166] {strides = array<i32>} : memref<512xi32, #tpu.memory_space<vmem>>, vector<16xi32>,
    %swap3A_168 = vector.shape_cast %swap3A_167 : vector<16xi32> to vector<16xi32>
    %swap3A_169 = vector.shape_cast %add3A_165 : vector<16xi32> to vector<16xi32>
    tpu.vector_store %arg16[%swap3A_166], %swap3A_169 {strides = array<i32>} : memref<512xi32, #tpu.memory_space<vmem>>, vector<16xi32>,
    %get3A_170 = arith.constant 176 : index
    %get3A_171 = tpu.vector_load %arg6[%get3A_170] {strides = array<i32>} : memref<512xi32, #tpu.memory_space<vmem>>, vector<16xi32>,
    %get3A_172 = vector.shape_cast %get3A_171 : vector<16xi32> to vector<16xi32>
    %mul3A_173 = arith.constant 16384 : i32
    %mul3A_174 = vector.broadcast %mul3A_173 : i32 to vector<16xi32>
    %mul3A_175 = arith.muli %get3A_172, %mul3A_174 : vector<16xi32>
    %add3A_176 = arith.constant 176 : i32
    %add3A_177 = arith.addi %mul3A_2, %add3A_176 : i32
    %add3A_178 = vector.broadcast %add3A_177 : i32 to vector<16xi32>
    %add3A_179 = arith.addi %mul3A_175, %add3A_178 : vector<16xi32>
    %add3A_180 = arith.addi %add3A_179, %iota3A : vector<16xi32>
    %swap3A_181 = arith.constant 176 : index
    %swap3A_182 = tpu.vector_load %arg16[%swap3A_181] {strides = array<i32>} : memref<512xi32, #tpu.memory_space<vmem>>, vector<16xi32>,
    %swap3A_183 = vector.shape_cast %swap3A_182 : vector<16xi32> to vector<16xi32>
    %swap3A_184 = vector.shape_cast %add3A_180 : vector<16xi32> to vector<16xi32>
    tpu.vector_store %arg16[%swap3A_181], %swap3A_184 {strides = array<i32>} : memref<512xi32, #tpu.memory_space<vmem>>, vector<16xi32>,
    %get3A_185 = arith.constant 192 : index
    %get3A_186 = tpu.vector_load %arg6[%get3A_185] {strides = array<i32>} : memref<512xi32, #tpu.memory_space<vmem>>, vector<16xi32>,
    %get3A_187 = vector.shape_cast %get3A_186 : vector<16xi32> to vector<16xi32>
    %mul3A_188 = arith.constant 16384 : i32
    %mul3A_189 = vector.broadcast %mul3A_188 : i32 to vector<16xi32>
    %mul3A_190 = arith.muli %get3A_187, %mul3A_189 : vector<16xi32>
    %add3A_191 = arith.constant 192 : i32
    %add3A_192 = arith.addi %mul3A_2, %add3A_191 : i32
    %add3A_193 = vector.broadcast %add3A_192 : i32 to vector<16xi32>
    %add3A_194 = arith.addi %mul3A_190, %add3A_193 : vector<16xi32>
    %add3A_195 = arith.addi %add3A_194, %iota3A : vector<16xi32>
    %swap3A_196 = arith.constant 192 : index
    %swap3A_197 = tpu.vector_load %arg16[%swap3A_196] {strides = array<i32>} : memref<512xi32, #tpu.memory_space<vmem>>, vector<16xi32>,
    %swap3A_198 = vector.shape_cast %swap3A_197 : vector<16xi32> to vector<16xi32>
    %swap3A_199 = vector.shape_cast %add3A_195 : vector<16xi32> to vector<16xi32>
    tpu.vector_store %arg16[%swap3A_196], %swap3A_199 {strides = array<i32>} : memref<512xi32, #tpu.memory_space<vmem>>, vector<16xi32>,
    %get3A_200 = arith.constant 208 : index
    %get3A_201 = tpu.vector_load %arg6[%get3A_200] {strides = array<i32>} : memref<512xi32, #tpu.memory_space<vmem>>, vector<16xi32>,
    %get3A_202 = vector.shape_cast %get3A_201 : vector<16xi32> to vector<16xi32>
    %mul3A_203 = arith.constant 16384 : i32
    %mul3A_204 = vector.broadcast %mul3A_203 : i32 to vector<16xi32>
    %mul3A_205 = arith.muli %get3A_202, %mul3A_204 : vector<16xi32>
    %add3A_206 = arith.constant 208 : i32
    %add3A_207 = arith.addi %mul3A_2, %add3A_206 : i32
    %add3A_208 = vector.broadcast %add3A_207 : i32 to vector<16xi32>
    %add3A_209 = arith.addi %mul3A_205, %add3A_208 : vector<16xi32>
    %add3A_210 = arith.addi %add3A_209, %iota3A : vector<16xi32>
    %swap3A_211 = arith.constant 208 : index
    %swap3A_212 = tpu.vector_load %arg16[%swap3A_211] {strides = array<i32>} : memref<512xi32, #tpu.memory_space<vmem>>, vector<16xi32>,
    %swap3A_213 = vector.shape_cast %swap3A_212 : vector<16xi32> to vector<16xi32>
    %swap3A_214 = vector.shape_cast %add3A_210 : vector<16xi32> to vector<16xi32>
    tpu.vector_store %arg16[%swap3A_211], %swap3A_214 {strides = array<i32>} : memref<512xi32, #tpu.memory_space<vmem>>, vector<16xi32>,
    %get3A_215 = arith.constant 224 : index
    %get3A_216 = tpu.vector_load %arg6[%get3A_215] {strides = array<i32>} : memref<512xi32, #tpu.memory_space<vmem>>, vector<16xi32>,
    %get3A_217 = vector.shape_cast %get3A_216 : vector<16xi32> to vector<16xi32>
    %mul3A_218 = arith.constant 16384 : i32
    %mul3A_219 = vector.broadcast %mul3A_218 : i32 to vector<16xi32>
    %mul3A_220 = arith.muli %get3A_217, %mul3A_219 : vector<16xi32>
    %add3A_221 = arith.constant 224 : i32
    %add3A_222 = arith.addi %mul3A_2, %add3A_221 : i32
    %add3A_223 = vector.broadcast %add3A_222 : i32 to vector<16xi32>
    %add3A_224 = arith.addi %mul3A_220, %add3A_223 : vector<16xi32>
    %add3A_225 = arith.addi %add3A_224, %iota3A : vector<16xi32>
    %swap3A_226 = arith.constant 224 : index
    %swap3A_227 = tpu.vector_load %arg16[%swap3A_226] {strides = array<i32>} : memref<512xi32, #tpu.memory_space<vmem>>, vector<16xi32>,
    %swap3A_228 = vector.shape_cast %swap3A_227 : vector<16xi32> to vector<16xi32>
    %swap3A_229 = vector.shape_cast %add3A_225 : vector<16xi32> to vector<16xi32>
    tpu.vector_store %arg16[%swap3A_226], %swap3A_229 {strides = array<i32>} : memref<512xi32, #tpu.memory_space<vmem>>, vector<16xi32>,
    %get3A_230 = arith.constant 240 : index
    %get3A_231 = tpu.vector_load %arg6[%get3A_230] {strides = array<i32>} : memref<512xi32, #tpu.memory_space<vmem>>, vector<16xi32>,
    %get3A_232 = vector.shape_cast %get3A_231 : vector<16xi32> to vector<16xi32>
    %mul3A_233 = arith.constant 16384 : i32
    %mul3A_234 = vector.broadcast %mul3A_233 : i32 to vector<16xi32>
    %mul3A_235 = arith.muli %get3A_232, %mul3A_234 : vector<16xi32>
    %add3A_236 = arith.constant 240 : i32
    %add3A_237 = arith.addi %mul3A_2, %add3A_236 : i32
    %add3A_238 = vector.broadcast %add3A_237 : i32 to vector<16xi32>
    %add3A_239 = arith.addi %mul3A_235, %add3A_238 : vector<16xi32>
    %add3A_240 = arith.addi %add3A_239, %iota3A : vector<16xi32>
    %swap3A_241 = arith.constant 240 : index
    %swap3A_242 = tpu.vector_load %arg16[%swap3A_241] {strides = array<i32>} : memref<512xi32, #tpu.memory_space<vmem>>, vector<16xi32>,
    %swap3A_243 = vector.shape_cast %swap3A_242 : vector<16xi32> to vector<16xi32>
    %swap3A_244 = vector.shape_cast %add3A_240 : vector<16xi32> to vector<16xi32>
    tpu.vector_store %arg16[%swap3A_241], %swap3A_244 {strides = array<i32>} : memref<512xi32, #tpu.memory_space<vmem>>, vector<16xi32>,
    %get3A_245 = arith.constant 256 : index
    %get3A_246 = tpu.vector_load %arg6[%get3A_245] {strides = array<i32>} : memref<512xi32, #tpu.memory_space<vmem>>, vector<16xi32>,
    %get3A_247 = vector.shape_cast %get3A_246 : vector<16xi32> to vector<16xi32>
    %mul3A_248 = arith.constant 16384 : i32
    %mul3A_249 = vector.broadcast %mul3A_248 : i32 to vector<16xi32>
    %mul3A_250 = arith.muli %get3A_247, %mul3A_249 : vector<16xi32>
    %add3A_251 = arith.constant 256 : i32
    %add3A_252 = arith.addi %mul3A_2, %add3A_251 : i32
    %add3A_253 = vector.broadcast %add3A_252 : i32 to vector<16xi32>
    %add3A_254 = arith.addi %mul3A_250, %add3A_253 : vector<16xi32>
    %add3A_255 = arith.addi %add3A_254, %iota3A : vector<16xi32>
    %swap3A_256 = arith.constant 256 : index
    %swap3A_257 = tpu.vector_load %arg16[%swap3A_256] {strides = array<i32>} : memref<512xi32, #tpu.memory_space<vmem>>, vector<16xi32>,
    %swap3A_258 = vector.shape_cast %swap3A_257 : vector<16xi32> to vector<16xi32>
    %swap3A_259 = vector.shape_cast %add3A_255 : vector<16xi32> to vector<16xi32>
    tpu.vector_store %arg16[%swap3A_256], %swap3A_259 {strides = array<i32>} : memref<512xi32, #tpu.memory_space<vmem>>, vector<16xi32>,
    %get3A_260 = arith.constant 272 : index
    %get3A_261 = tpu.vector_load %arg6[%get3A_260] {strides = array<i32>} : memref<512xi32, #tpu.memory_space<vmem>>, vector<16xi32>,
    %get3A_262 = vector.shape_cast %get3A_261 : vector<16xi32> to vector<16xi32>
    %mul3A_263 = arith.constant 16384 : i32
    %mul3A_264 = vector.broadcast %mul3A_263 : i32 to vector<16xi32>
    %mul3A_265 = arith.muli %get3A_262, %mul3A_264 : vector<16xi32>
    %add3A_266 = arith.constant 272 : i32
    %add3A_267 = arith.addi %mul3A_2, %add3A_266 : i32
    %add3A_268 = vector.broadcast %add3A_267 : i32 to vector<16xi32>
    %add3A_269 = arith.addi %mul3A_265, %add3A_268 : vector<16xi32>
    %add3A_270 = arith.addi %add3A_269, %iota3A : vector<16xi32>
    %swap3A_271 = arith.constant 272 : index
    %swap3A_272 = tpu.vector_load %arg16[%swap3A_271] {strides = array<i32>} : memref<512xi32, #tpu.memory_space<vmem>>, vector<16xi32>,
    %swap3A_273 = vector.shape_cast %swap3A_272 : vector<16xi32> to vector<16xi32>
    %swap3A_274 = vector.shape_cast %add3A_270 : vector<16xi32> to vector<16xi32>
    tpu.vector_store %arg16[%swap3A_271], %swap3A_274 {strides = array<i32>} : memref<512xi32, #tpu.memory_space<vmem>>, vector<16xi32>,
    %get3A_275 = arith.constant 288 : index
    %get3A_276 = tpu.vector_load %arg6[%get3A_275] {strides = array<i32>} : memref<512xi32, #tpu.memory_space<vmem>>, vector<16xi32>,
    %get3A_277 = vector.shape_cast %get3A_276 : vector<16xi32> to vector<16xi32>
    %mul3A_278 = arith.constant 16384 : i32
    %mul3A_279 = vector.broadcast %mul3A_278 : i32 to vector<16xi32>
    %mul3A_280 = arith.muli %get3A_277, %mul3A_279 : vector<16xi32>
    %add3A_281 = arith.constant 288 : i32
    %add3A_282 = arith.addi %mul3A_2, %add3A_281 : i32
    %add3A_283 = vector.broadcast %add3A_282 : i32 to vector<16xi32>
    %add3A_284 = arith.addi %mul3A_280, %add3A_283 : vector<16xi32>
    %add3A_285 = arith.addi %add3A_284, %iota3A : vector<16xi32>
    %swap3A_286 = arith.constant 288 : index
    %swap3A_287 = tpu.vector_load %arg16[%swap3A_286] {strides = array<i32>} : memref<512xi32, #tpu.memory_space<vmem>>, vector<16xi32>,
    %swap3A_288 = vector.shape_cast %swap3A_287 : vector<16xi32> to vector<16xi32>
    %swap3A_289 = vector.shape_cast %add3A_285 : vector<16xi32> to vector<16xi32>
    tpu.vector_store %arg16[%swap3A_286], %swap3A_289 {strides = array<i32>} : memref<512xi32, #tpu.memory_space<vmem>>, vector<16xi32>,
    %get3A_290 = arith.constant 304 : index
    %get3A_291 = tpu.vector_load %arg6[%get3A_290] {strides = array<i32>} : memref<512xi32, #tpu.memory_space<vmem>>, vector<16xi32>,
    %get3A_292 = vector.shape_cast %get3A_291 : vector<16xi32> to vector<16xi32>
    %mul3A_293 = arith.constant 16384 : i32
    %mul3A_294 = vector.broadcast %mul3A_293 : i32 to vector<16xi32>
    %mul3A_295 = arith.muli %get3A_292, %mul3A_294 : vector<16xi32>
    %add3A_296 = arith.constant 304 : i32
    %add3A_297 = arith.addi %mul3A_2, %add3A_296 : i32
    %add3A_298 = vector.broadcast %add3A_297 : i32 to vector<16xi32>
    %add3A_299 = arith.addi %mul3A_295, %add3A_298 : vector<16xi32>
    %add3A_300 = arith.addi %add3A_299, %iota3A : vector<16xi32>
    %swap3A_301 = arith.constant 304 : index
    %swap3A_302 = tpu.vector_load %arg16[%swap3A_301] {strides = array<i32>} : memref<512xi32, #tpu.memory_space<vmem>>, vector<16xi32>,
    %swap3A_303 = vector.shape_cast %swap3A_302 : vector<16xi32> to vector<16xi32>
    %swap3A_304 = vector.shape_cast %add3A_300 : vector<16xi32> to vector<16xi32>
    tpu.vector_store %arg16[%swap3A_301], %swap3A_304 {strides = array<i32>} : memref<512xi32, #tpu.memory_space<vmem>>, vector<16xi32>,
    %get3A_305 = arith.constant 320 : index
    %get3A_306 = tpu.vector_load %arg6[%get3A_305] {strides = array<i32>} : memref<512xi32, #tpu.memory_space<vmem>>, vector<16xi32>,
    %get3A_307 = vector.shape_cast %get3A_306 : vector<16xi32> to vector<16xi32>
    %mul3A_308 = arith.constant 16384 : i32
    %mul3A_309 = vector.broadcast %mul3A_308 : i32 to vector<16xi32>
    %mul3A_310 = arith.muli %get3A_307, %mul3A_309 : vector<16xi32>
    %add3A_311 = arith.constant 320 : i32
    %add3A_312 = arith.addi %mul3A_2, %add3A_311 : i32
    %add3A_313 = vector.broadcast %add3A_312 : i32 to vector<16xi32>
    %add3A_314 = arith.addi %mul3A_310, %add3A_313 : vector<16xi32>
    %add3A_315 = arith.addi %add3A_314, %iota3A : vector<16xi32>
    %swap3A_316 = arith.constant 320 : index
    %swap3A_317 = tpu.vector_load %arg16[%swap3A_316] {strides = array<i32>} : memref<512xi32, #tpu.memory_space<vmem>>, vector<16xi32>,
    %swap3A_318 = vector.shape_cast %swap3A_317 : vector<16xi32> to vector<16xi32>
    %swap3A_319 = vector.shape_cast %add3A_315 : vector<16xi32> to vector<16xi32>
    tpu.vector_store %arg16[%swap3A_316], %swap3A_319 {strides = array<i32>} : memref<512xi32, #tpu.memory_space<vmem>>, vector<16xi32>,
    %get3A_320 = arith.constant 336 : index
    %get3A_321 = tpu.vector_load %arg6[%get3A_320] {strides = array<i32>} : memref<512xi32, #tpu.memory_space<vmem>>, vector<16xi32>,
    %get3A_322 = vector.shape_cast %get3A_321 : vector<16xi32> to vector<16xi32>
    %mul3A_323 = arith.constant 16384 : i32
    %mul3A_324 = vector.broadcast %mul3A_323 : i32 to vector<16xi32>
    %mul3A_325 = arith.muli %get3A_322, %mul3A_324 : vector<16xi32>
    %add3A_326 = arith.constant 336 : i32
    %add3A_327 = arith.addi %mul3A_2, %add3A_326 : i32
    %add3A_328 = vector.broadcast %add3A_327 : i32 to vector<16xi32>
    %add3A_329 = arith.addi %mul3A_325, %add3A_328 : vector<16xi32>
    %add3A_330 = arith.addi %add3A_329, %iota3A : vector<16xi32>
    %swap3A_331 = arith.constant 336 : index
    %swap3A_332 = tpu.vector_load %arg16[%swap3A_331] {strides = array<i32>} : memref<512xi32, #tpu.memory_space<vmem>>, vector<16xi32>,
    %swap3A_333 = vector.shape_cast %swap3A_332 : vector<16xi32> to vector<16xi32>
    %swap3A_334 = vector.shape_cast %add3A_330 : vector<16xi32> to vector<16xi32>
    tpu.vector_store %arg16[%swap3A_331], %swap3A_334 {strides = array<i32>} : memref<512xi32, #tpu.memory_space<vmem>>, vector<16xi32>,
    %get3A_335 = arith.constant 352 : index
    %get3A_336 = tpu.vector_load %arg6[%get3A_335] {strides = array<i32>} : memref<512xi32, #tpu.memory_space<vmem>>, vector<16xi32>,
    %get3A_337 = vector.shape_cast %get3A_336 : vector<16xi32> to vector<16xi32>
    %mul3A_338 = arith.constant 16384 : i32
    %mul3A_339 = vector.broadcast %mul3A_338 : i32 to vector<16xi32>
    %mul3A_340 = arith.muli %get3A_337, %mul3A_339 : vector<16xi32>
    %add3A_341 = arith.constant 352 : i32
    %add3A_342 = arith.addi %mul3A_2, %add3A_341 : i32
    %add3A_343 = vector.broadcast %add3A_342 : i32 to vector<16xi32>
    %add3A_344 = arith.addi %mul3A_340, %add3A_343 : vector<16xi32>
    %add3A_345 = arith.addi %add3A_344, %iota3A : vector<16xi32>
    %swap3A_346 = arith.constant 352 : index
    %swap3A_347 = tpu.vector_load %arg16[%swap3A_346] {strides = array<i32>} : memref<512xi32, #tpu.memory_space<vmem>>, vector<16xi32>,
    %swap3A_348 = vector.shape_cast %swap3A_347 : vector<16xi32> to vector<16xi32>
    %swap3A_349 = vector.shape_cast %add3A_345 : vector<16xi32> to vector<16xi32>
    tpu.vector_store %arg16[%swap3A_346], %swap3A_349 {strides = array<i32>} : memref<512xi32, #tpu.memory_space<vmem>>, vector<16xi32>,
    %get3A_350 = arith.constant 368 : index
    %get3A_351 = tpu.vector_load %arg6[%get3A_350] {strides = array<i32>} : memref<512xi32, #tpu.memory_space<vmem>>, vector<16xi32>,
    %get3A_352 = vector.shape_cast %get3A_351 : vector<16xi32> to vector<16xi32>
    %mul3A_353 = arith.constant 16384 : i32
    %mul3A_354 = vector.broadcast %mul3A_353 : i32 to vector<16xi32>
    %mul3A_355 = arith.muli %get3A_352, %mul3A_354 : vector<16xi32>
    %add3A_356 = arith.constant 368 : i32
    %add3A_357 = arith.addi %mul3A_2, %add3A_356 : i32
    %add3A_358 = vector.broadcast %add3A_357 : i32 to vector<16xi32>
    %add3A_359 = arith.addi %mul3A_355, %add3A_358 : vector<16xi32>
    %add3A_360 = arith.addi %add3A_359, %iota3A : vector<16xi32>
    %swap3A_361 = arith.constant 368 : index
    %swap3A_362 = tpu.vector_load %arg16[%swap3A_361] {strides = array<i32>} : memref<512xi32, #tpu.memory_space<vmem>>, vector<16xi32>,
    %swap3A_363 = vector.shape_cast %swap3A_362 : vector<16xi32> to vector<16xi32>
    %swap3A_364 = vector.shape_cast %add3A_360 : vector<16xi32> to vector<16xi32>
    tpu.vector_store %arg16[%swap3A_361], %swap3A_364 {strides = array<i32>} : memref<512xi32, #tpu.memory_space<vmem>>, vector<16xi32>,
    %get3A_365 = arith.constant 384 : index
    %get3A_366 = tpu.vector_load %arg6[%get3A_365] {strides = array<i32>} : memref<512xi32, #tpu.memory_space<vmem>>, vector<16xi32>,
    %get3A_367 = vector.shape_cast %get3A_366 : vector<16xi32> to vector<16xi32>
    %mul3A_368 = arith.constant 16384 : i32
    %mul3A_369 = vector.broadcast %mul3A_368 : i32 to vector<16xi32>
    %mul3A_370 = arith.muli %get3A_367, %mul3A_369 : vector<16xi32>
    %add3A_371 = arith.constant 384 : i32
    %add3A_372 = arith.addi %mul3A_2, %add3A_371 : i32
    %add3A_373 = vector.broadcast %add3A_372 : i32 to vector<16xi32>
    %add3A_374 = arith.addi %mul3A_370, %add3A_373 : vector<16xi32>
    %add3A_375 = arith.addi %add3A_374, %iota3A : vector<16xi32>
    %swap3A_376 = arith.constant 384 : index
    %swap3A_377 = tpu.vector_load %arg16[%swap3A_376] {strides = array<i32>} : memref<512xi32, #tpu.memory_space<vmem>>, vector<16xi32>,
    %swap3A_378 = vector.shape_cast %swap3A_377 : vector<16xi32> to vector<16xi32>
    %swap3A_379 = vector.shape_cast %add3A_375 : vector<16xi32> to vector<16xi32>
    tpu.vector_store %arg16[%swap3A_376], %swap3A_379 {strides = array<i32>} : memref<512xi32, #tpu.memory_space<vmem>>, vector<16xi32>,
    %get3A_380 = arith.constant 400 : index
    %get3A_381 = tpu.vector_load %arg6[%get3A_380] {strides = array<i32>} : memref<512xi32, #tpu.memory_space<vmem>>, vector<16xi32>,
    %get3A_382 = vector.shape_cast %get3A_381 : vector<16xi32> to vector<16xi32>
    %mul3A_383 = arith.constant 16384 : i32
    %mul3A_384 = vector.broadcast %mul3A_383 : i32 to vector<16xi32>
    %mul3A_385 = arith.muli %get3A_382, %mul3A_384 : vector<16xi32>
    %add3A_386 = arith.constant 400 : i32
    %add3A_387 = arith.addi %mul3A_2, %add3A_386 : i32
    %add3A_388 = vector.broadcast %add3A_387 : i32 to vector<16xi32>
    %add3A_389 = arith.addi %mul3A_385, %add3A_388 : vector<16xi32>
    %add3A_390 = arith.addi %add3A_389, %iota3A : vector<16xi32>
    %swap3A_391 = arith.constant 400 : index
    %swap3A_392 = tpu.vector_load %arg16[%swap3A_391] {strides = array<i32>} : memref<512xi32, #tpu.memory_space<vmem>>, vector<16xi32>,
    %swap3A_393 = vector.shape_cast %swap3A_392 : vector<16xi32> to vector<16xi32>
    %swap3A_394 = vector.shape_cast %add3A_390 : vector<16xi32> to vector<16xi32>
    tpu.vector_store %arg16[%swap3A_391], %swap3A_394 {strides = array<i32>} : memref<512xi32, #tpu.memory_space<vmem>>, vector<16xi32>,
    %get3A_395 = arith.constant 416 : index
    %get3A_396 = tpu.vector_load %arg6[%get3A_395] {strides = array<i32>} : memref<512xi32, #tpu.memory_space<vmem>>, vector<16xi32>,
    %get3A_397 = vector.shape_cast %get3A_396 : vector<16xi32> to vector<16xi32>
    %mul3A_398 = arith.constant 16384 : i32
    %mul3A_399 = vector.broadcast %mul3A_398 : i32 to vector<16xi32>
    %mul3A_400 = arith.muli %get3A_397, %mul3A_399 : vector<16xi32>
    %add3A_401 = arith.constant 416 : i32
    %add3A_402 = arith.addi %mul3A_2, %add3A_401 : i32
    %add3A_403 = vector.broadcast %add3A_402 : i32 to vector<16xi32>
    %add3A_404 = arith.addi %mul3A_400, %add3A_403 : vector<16xi32>
    %add3A_405 = arith.addi %add3A_404, %iota3A : vector<16xi32>
    %swap3A_406 = arith.constant 416 : index
    %swap3A_407 = tpu.vector_load %arg16[%swap3A_406] {strides = array<i32>} : memref<512xi32, #tpu.memory_space<vmem>>, vector<16xi32>,
    %swap3A_408 = vector.shape_cast %swap3A_407 : vector<16xi32> to vector<16xi32>
    %swap3A_409 = vector.shape_cast %add3A_405 : vector<16xi32> to vector<16xi32>
    tpu.vector_store %arg16[%swap3A_406], %swap3A_409 {strides = array<i32>} : memref<512xi32, #tpu.memory_space<vmem>>, vector<16xi32>,
    %get3A_410 = arith.constant 432 : index
    %get3A_411 = tpu.vector_load %arg6[%get3A_410] {strides = array<i32>} : memref<512xi32, #tpu.memory_space<vmem>>, vector<16xi32>,
    %get3A_412 = vector.shape_cast %get3A_411 : vector<16xi32> to vector<16xi32>
    %mul3A_413 = arith.constant 16384 : i32
    %mul3A_414 = vector.broadcast %mul3A_413 : i32 to vector<16xi32>
    %mul3A_415 = arith.muli %get3A_412, %mul3A_414 : vector<16xi32>
    %add3A_416 = arith.constant 432 : i32
    %add3A_417 = arith.addi %mul3A_2, %add3A_416 : i32
    %add3A_418 = vector.broadcast %add3A_417 : i32 to vector<16xi32>
    %add3A_419 = arith.addi %mul3A_415, %add3A_418 : vector<16xi32>
    %add3A_420 = arith.addi %add3A_419, %iota3A : vector<16xi32>
    %swap3A_421 = arith.constant 432 : index
    %swap3A_422 = tpu.vector_load %arg16[%swap3A_421] {strides = array<i32>} : memref<512xi32, #tpu.memory_space<vmem>>, vector<16xi32>,
    %swap3A_423 = vector.shape_cast %swap3A_422 : vector<16xi32> to vector<16xi32>
    %swap3A_424 = vector.shape_cast %add3A_420 : vector<16xi32> to vector<16xi32>
    tpu.vector_store %arg16[%swap3A_421], %swap3A_424 {strides = array<i32>} : memref<512xi32, #tpu.memory_space<vmem>>, vector<16xi32>,
    %get3A_425 = arith.constant 448 : index
    %get3A_426 = tpu.vector_load %arg6[%get3A_425] {strides = array<i32>} : memref<512xi32, #tpu.memory_space<vmem>>, vector<16xi32>,
    %get3A_427 = vector.shape_cast %get3A_426 : vector<16xi32> to vector<16xi32>
    %mul3A_428 = arith.constant 16384 : i32
    %mul3A_429 = vector.broadcast %mul3A_428 : i32 to vector<16xi32>
    %mul3A_430 = arith.muli %get3A_427, %mul3A_429 : vector<16xi32>
    %add3A_431 = arith.constant 448 : i32
    %add3A_432 = arith.addi %mul3A_2, %add3A_431 : i32
    %add3A_433 = vector.broadcast %add3A_432 : i32 to vector<16xi32>
    %add3A_434 = arith.addi %mul3A_430, %add3A_433 : vector<16xi32>
    %add3A_435 = arith.addi %add3A_434, %iota3A : vector<16xi32>
    %swap3A_436 = arith.constant 448 : index
    %swap3A_437 = tpu.vector_load %arg16[%swap3A_436] {strides = array<i32>} : memref<512xi32, #tpu.memory_space<vmem>>, vector<16xi32>,
    %swap3A_438 = vector.shape_cast %swap3A_437 : vector<16xi32> to vector<16xi32>
    %swap3A_439 = vector.shape_cast %add3A_435 : vector<16xi32> to vector<16xi32>
    tpu.vector_store %arg16[%swap3A_436], %swap3A_439 {strides = array<i32>} : memref<512xi32, #tpu.memory_space<vmem>>, vector<16xi32>,
    %get3A_440 = arith.constant 464 : index
    %get3A_441 = tpu.vector_load %arg6[%get3A_440] {strides = array<i32>} : memref<512xi32, #tpu.memory_space<vmem>>, vector<16xi32>,
    %get3A_442 = vector.shape_cast %get3A_441 : vector<16xi32> to vector<16xi32>
    %mul3A_443 = arith.constant 16384 : i32
    %mul3A_444 = vector.broadcast %mul3A_443 : i32 to vector<16xi32>
    %mul3A_445 = arith.muli %get3A_442, %mul3A_444 : vector<16xi32>
    %add3A_446 = arith.constant 464 : i32
    %add3A_447 = arith.addi %mul3A_2, %add3A_446 : i32
    %add3A_448 = vector.broadcast %add3A_447 : i32 to vector<16xi32>
    %add3A_449 = arith.addi %mul3A_445, %add3A_448 : vector<16xi32>
    %add3A_450 = arith.addi %add3A_449, %iota3A : vector<16xi32>
    %swap3A_451 = arith.constant 464 : index
    %swap3A_452 = tpu.vector_load %arg16[%swap3A_451] {strides = array<i32>} : memref<512xi32, #tpu.memory_space<vmem>>, vector<16xi32>,
    %swap3A_453 = vector.shape_cast %swap3A_452 : vector<16xi32> to vector<16xi32>
    %swap3A_454 = vector.shape_cast %add3A_450 : vector<16xi32> to vector<16xi32>
    tpu.vector_store %arg16[%swap3A_451], %swap3A_454 {strides = array<i32>} : memref<512xi32, #tpu.memory_space<vmem>>, vector<16xi32>,
    %get3A_455 = arith.constant 480 : index
    %get3A_456 = tpu.vector_load %arg6[%get3A_455] {strides = array<i32>} : memref<512xi32, #tpu.memory_space<vmem>>, vector<16xi32>,
    %get3A_457 = vector.shape_cast %get3A_456 : vector<16xi32> to vector<16xi32>
    %mul3A_458 = arith.constant 16384 : i32
    %mul3A_459 = vector.broadcast %mul3A_458 : i32 to vector<16xi32>
    %mul3A_460 = arith.muli %get3A_457, %mul3A_459 : vector<16xi32>
    %add3A_461 = arith.constant 480 : i32
    %add3A_462 = arith.addi %mul3A_2, %add3A_461 : i32
    %add3A_463 = vector.broadcast %add3A_462 : i32 to vector<16xi32>
    %add3A_464 = arith.addi %mul3A_460, %add3A_463 : vector<16xi32>
    %add3A_465 = arith.addi %add3A_464, %iota3A : vector<16xi32>
    %swap3A_466 = arith.constant 480 : index
    %swap3A_467 = tpu.vector_load %arg16[%swap3A_466] {strides = array<i32>} : memref<512xi32, #tpu.memory_space<vmem>>, vector<16xi32>,
    %swap3A_468 = vector.shape_cast %swap3A_467 : vector<16xi32> to vector<16xi32>
    %swap3A_469 = vector.shape_cast %add3A_465 : vector<16xi32> to vector<16xi32>
    tpu.vector_store %arg16[%swap3A_466], %swap3A_469 {strides = array<i32>} : memref<512xi32, #tpu.memory_space<vmem>>, vector<16xi32>,
    %get3A_470 = arith.constant 496 : index
    %get3A_471 = tpu.vector_load %arg6[%get3A_470] {strides = array<i32>} : memref<512xi32, #tpu.memory_space<vmem>>, vector<16xi32>,
    %get3A_472 = vector.shape_cast %get3A_471 : vector<16xi32> to vector<16xi32>
    %mul3A_473 = arith.constant 16384 : i32
    %mul3A_474 = vector.broadcast %mul3A_473 : i32 to vector<16xi32>
    %mul3A_475 = arith.muli %get3A_472, %mul3A_474 : vector<16xi32>
    %add3A_476 = arith.constant 496 : i32
    %add3A_477 = arith.addi %mul3A_2, %add3A_476 : i32
    %add3A_478 = vector.broadcast %add3A_477 : i32 to vector<16xi32>
    %add3A_479 = arith.addi %mul3A_475, %add3A_478 : vector<16xi32>
    %add3A_480 = arith.addi %add3A_479, %iota3A : vector<16xi32>
    %swap3A_481 = arith.constant 496 : index
    %swap3A_482 = tpu.vector_load %arg16[%swap3A_481] {strides = array<i32>} : memref<512xi32, #tpu.memory_space<vmem>>, vector<16xi32>,
    %swap3A_483 = vector.shape_cast %swap3A_482 : vector<16xi32> to vector<16xi32>
    %swap3A_484 = vector.shape_cast %add3A_480 : vector<16xi32> to vector<16xi32>
    tpu.vector_store %arg16[%swap3A_481], %swap3A_484 {strides = array<i32>} : memref<512xi32, #tpu.memory_space<vmem>>, vector<16xi32>,
    %add3A_485 = arith.constant 16384 : i32
    %add3A_486 = arith.addi %add3A_485, %mul3A_2 : i32
    "tpu.region"() ({
      %run_scoped3A = tpu.sem_alloc : memref<!tpu.dma_semaphore, #tpu.memory_space<semaphore_mem>>
      %dma_start3A_2439 = tpu.memref_slice %arg2[%add3A_486] : memref<81920xi32, #tpu.memory_space<hbm>> -> memref<512xi32, #tpu.memory_space<hbm>>
      %dma_start3A_2440 = tpu.memref_slice %arg2[%add3A_486] : memref<81920xi32, #tpu.memory_space<hbm>> -> memref<512xi32, #tpu.memory_space<hbm>>
      tpu.enqueue_dma source(%dma_start3A_2440 : memref<512xi32, #tpu.memory_space<hbm>>) target(%arg7 : memref<512xi32, #tpu.memory_space<vmem>>) target_semaphore(%run_scoped3A : memref<!tpu.dma_semaphore, #tpu.memory_space<semaphore_mem>>)
      %dma_wait3A_2441 = tpu.memref_slice %arg2[%add3A_486] : memref<81920xi32, #tpu.memory_space<hbm>> -> memref<512xi32, #tpu.memory_space<hbm>>
      %dma_wait3A_2442 = tpu.memref_slice %arg2[%add3A_486] : memref<81920xi32, #tpu.memory_space<hbm>> -> memref<512xi32, #tpu.memory_space<hbm>>
      tpu.wait_dma2 semaphore(%run_scoped3A : memref<!tpu.dma_semaphore, #tpu.memory_space<semaphore_mem>>) src(%dma_wait3A_2442 : memref<512xi32, #tpu.memory_space<hbm>>) dst(%arg7 : memref<512xi32, #tpu.memory_space<vmem>>)
      tpu.yield
    }) : () -> ()
    %add3A_487 = arith.constant 16384 : i32
    %add3A_488 = arith.addi %add3A_487, %mul3A_2 : i32
    "tpu.region"() ({
      %run_scoped3A = tpu.sem_alloc : memref<!tpu.dma_semaphore, #tpu.memory_space<semaphore_mem>>
      %dma_start3A_2439 = tpu.memref_slice %arg3[%add3A_488] : memref<81920xf32, #tpu.memory_space<hbm>> -> memref<512xf32, #tpu.memory_space<hbm>>
      %dma_start3A_2440 = tpu.memref_slice %arg3[%add3A_488] : memref<81920xf32, #tpu.memory_space<hbm>> -> memref<512xf32, #tpu.memory_space<hbm>>
      tpu.enqueue_dma source(%dma_start3A_2440 : memref<512xf32, #tpu.memory_space<hbm>>) target(%arg12 : memref<512xf32, #tpu.memory_space<vmem>>) target_semaphore(%run_scoped3A : memref<!tpu.dma_semaphore, #tpu.memory_space<semaphore_mem>>)
      %dma_wait3A_2441 = tpu.memref_slice %arg3[%add3A_488] : memref<81920xf32, #tpu.memory_space<hbm>> -> memref<512xf32, #tpu.memory_space<hbm>>
      %dma_wait3A_2442 = tpu.memref_slice %arg3[%add3A_488] : memref<81920xf32, #tpu.memory_space<hbm>> -> memref<512xf32, #tpu.memory_space<hbm>>
      tpu.wait_dma2 semaphore(%run_scoped3A : memref<!tpu.dma_semaphore, #tpu.memory_space<semaphore_mem>>) src(%dma_wait3A_2442 : memref<512xf32, #tpu.memory_space<hbm>>) dst(%arg12 : memref<512xf32, #tpu.memory_space<vmem>>)
      tpu.yield
    }) : () -> ()
    %get3A_489 = arith.constant 0 : index
    %get3A_490 = tpu.vector_load %arg7[%get3A_489] {strides = array<i32>} : memref<512xi32, #tpu.memory_space<vmem>>, vector<16xi32>,
    %get3A_491 = vector.shape_cast %get3A_490 : vector<16xi32> to vector<16xi32>
    %mul3A_492 = arith.constant 16384 : i32
    %mul3A_493 = vector.broadcast %mul3A_492 : i32 to vector<16xi32>
    %mul3A_494 = arith.muli %get3A_491, %mul3A_493 : vector<16xi32>
    %add3A_495 = arith.constant 0 : i32
    %add3A_496 = arith.addi %mul3A_2, %add3A_495 : i32
    %add3A_497 = vector.broadcast %add3A_496 : i32 to vector<16xi32>
    %add3A_498 = arith.addi %mul3A_494, %add3A_497 : vector<16xi32>
    %add3A_499 = arith.addi %add3A_498, %iota3A : vector<16xi32>
    %swap3A_500 = arith.constant 0 : index
    %swap3A_501 = tpu.vector_load %arg17[%swap3A_500] {strides = array<i32>} : memref<512xi32, #tpu.memory_space<vmem>>, vector<16xi32>,
    %swap3A_502 = vector.shape_cast %swap3A_501 : vector<16xi32> to vector<16xi32>
    %swap3A_503 = vector.shape_cast %add3A_499 : vector<16xi32> to vector<16xi32>
    tpu.vector_store %arg17[%swap3A_500], %swap3A_503 {strides = array<i32>} : memref<512xi32, #tpu.memory_space<vmem>>, vector<16xi32>,
    %get3A_504 = arith.constant 16 : index
    %get3A_505 = tpu.vector_load %arg7[%get3A_504] {strides = array<i32>} : memref<512xi32, #tpu.memory_space<vmem>>, vector<16xi32>,
    %get3A_506 = vector.shape_cast %get3A_505 : vector<16xi32> to vector<16xi32>
    %mul3A_507 = arith.constant 16384 : i32
    %mul3A_508 = vector.broadcast %mul3A_507 : i32 to vector<16xi32>
    %mul3A_509 = arith.muli %get3A_506, %mul3A_508 : vector<16xi32>
    %add3A_510 = arith.constant 16 : i32
    %add3A_511 = arith.addi %mul3A_2, %add3A_510 : i32
    %add3A_512 = vector.broadcast %add3A_511 : i32 to vector<16xi32>
    %add3A_513 = arith.addi %mul3A_509, %add3A_512 : vector<16xi32>
    %add3A_514 = arith.addi %add3A_513, %iota3A : vector<16xi32>
    %swap3A_515 = arith.constant 16 : index
    %swap3A_516 = tpu.vector_load %arg17[%swap3A_515] {strides = array<i32>} : memref<512xi32, #tpu.memory_space<vmem>>, vector<16xi32>,
    %swap3A_517 = vector.shape_cast %swap3A_516 : vector<16xi32> to vector<16xi32>
    %swap3A_518 = vector.shape_cast %add3A_514 : vector<16xi32> to vector<16xi32>
    tpu.vector_store %arg17[%swap3A_515], %swap3A_518 {strides = array<i32>} : memref<512xi32, #tpu.memory_space<vmem>>, vector<16xi32>,
    %get3A_519 = arith.constant 32 : index
    %get3A_520 = tpu.vector_load %arg7[%get3A_519] {strides = array<i32>} : memref<512xi32, #tpu.memory_space<vmem>>, vector<16xi32>,
    %get3A_521 = vector.shape_cast %get3A_520 : vector<16xi32> to vector<16xi32>
    %mul3A_522 = arith.constant 16384 : i32
    %mul3A_523 = vector.broadcast %mul3A_522 : i32 to vector<16xi32>
    %mul3A_524 = arith.muli %get3A_521, %mul3A_523 : vector<16xi32>
    %add3A_525 = arith.constant 32 : i32
    %add3A_526 = arith.addi %mul3A_2, %add3A_525 : i32
    %add3A_527 = vector.broadcast %add3A_526 : i32 to vector<16xi32>
    %add3A_528 = arith.addi %mul3A_524, %add3A_527 : vector<16xi32>
    %add3A_529 = arith.addi %add3A_528, %iota3A : vector<16xi32>
    %swap3A_530 = arith.constant 32 : index
    %swap3A_531 = tpu.vector_load %arg17[%swap3A_530] {strides = array<i32>} : memref<512xi32, #tpu.memory_space<vmem>>, vector<16xi32>,
    %swap3A_532 = vector.shape_cast %swap3A_531 : vector<16xi32> to vector<16xi32>
    %swap3A_533 = vector.shape_cast %add3A_529 : vector<16xi32> to vector<16xi32>
    tpu.vector_store %arg17[%swap3A_530], %swap3A_533 {strides = array<i32>} : memref<512xi32, #tpu.memory_space<vmem>>, vector<16xi32>,
    %get3A_534 = arith.constant 48 : index
    %get3A_535 = tpu.vector_load %arg7[%get3A_534] {strides = array<i32>} : memref<512xi32, #tpu.memory_space<vmem>>, vector<16xi32>,
    %get3A_536 = vector.shape_cast %get3A_535 : vector<16xi32> to vector<16xi32>
    %mul3A_537 = arith.constant 16384 : i32
    %mul3A_538 = vector.broadcast %mul3A_537 : i32 to vector<16xi32>
    %mul3A_539 = arith.muli %get3A_536, %mul3A_538 : vector<16xi32>
    %add3A_540 = arith.constant 48 : i32
    %add3A_541 = arith.addi %mul3A_2, %add3A_540 : i32
    %add3A_542 = vector.broadcast %add3A_541 : i32 to vector<16xi32>
    %add3A_543 = arith.addi %mul3A_539, %add3A_542 : vector<16xi32>
    %add3A_544 = arith.addi %add3A_543, %iota3A : vector<16xi32>
    %swap3A_545 = arith.constant 48 : index
    %swap3A_546 = tpu.vector_load %arg17[%swap3A_545] {strides = array<i32>} : memref<512xi32, #tpu.memory_space<vmem>>, vector<16xi32>,
    %swap3A_547 = vector.shape_cast %swap3A_546 : vector<16xi32> to vector<16xi32>
    %swap3A_548 = vector.shape_cast %add3A_544 : vector<16xi32> to vector<16xi32>
    tpu.vector_store %arg17[%swap3A_545], %swap3A_548 {strides = array<i32>} : memref<512xi32, #tpu.memory_space<vmem>>, vector<16xi32>,
    %get3A_549 = arith.constant 64 : index
    %get3A_550 = tpu.vector_load %arg7[%get3A_549] {strides = array<i32>} : memref<512xi32, #tpu.memory_space<vmem>>, vector<16xi32>,
    %get3A_551 = vector.shape_cast %get3A_550 : vector<16xi32> to vector<16xi32>
    %mul3A_552 = arith.constant 16384 : i32
    %mul3A_553 = vector.broadcast %mul3A_552 : i32 to vector<16xi32>
    %mul3A_554 = arith.muli %get3A_551, %mul3A_553 : vector<16xi32>
    %add3A_555 = arith.constant 64 : i32
    %add3A_556 = arith.addi %mul3A_2, %add3A_555 : i32
    %add3A_557 = vector.broadcast %add3A_556 : i32 to vector<16xi32>
    %add3A_558 = arith.addi %mul3A_554, %add3A_557 : vector<16xi32>
    %add3A_559 = arith.addi %add3A_558, %iota3A : vector<16xi32>
    %swap3A_560 = arith.constant 64 : index
    %swap3A_561 = tpu.vector_load %arg17[%swap3A_560] {strides = array<i32>} : memref<512xi32, #tpu.memory_space<vmem>>, vector<16xi32>,
    %swap3A_562 = vector.shape_cast %swap3A_561 : vector<16xi32> to vector<16xi32>
    %swap3A_563 = vector.shape_cast %add3A_559 : vector<16xi32> to vector<16xi32>
    tpu.vector_store %arg17[%swap3A_560], %swap3A_563 {strides = array<i32>} : memref<512xi32, #tpu.memory_space<vmem>>, vector<16xi32>,
    %get3A_564 = arith.constant 80 : index
    %get3A_565 = tpu.vector_load %arg7[%get3A_564] {strides = array<i32>} : memref<512xi32, #tpu.memory_space<vmem>>, vector<16xi32>,
    %get3A_566 = vector.shape_cast %get3A_565 : vector<16xi32> to vector<16xi32>
    %mul3A_567 = arith.constant 16384 : i32
    %mul3A_568 = vector.broadcast %mul3A_567 : i32 to vector<16xi32>
    %mul3A_569 = arith.muli %get3A_566, %mul3A_568 : vector<16xi32>
    %add3A_570 = arith.constant 80 : i32
    %add3A_571 = arith.addi %mul3A_2, %add3A_570 : i32
    %add3A_572 = vector.broadcast %add3A_571 : i32 to vector<16xi32>
    %add3A_573 = arith.addi %mul3A_569, %add3A_572 : vector<16xi32>
    %add3A_574 = arith.addi %add3A_573, %iota3A : vector<16xi32>
    %swap3A_575 = arith.constant 80 : index
    %swap3A_576 = tpu.vector_load %arg17[%swap3A_575] {strides = array<i32>} : memref<512xi32, #tpu.memory_space<vmem>>, vector<16xi32>,
    %swap3A_577 = vector.shape_cast %swap3A_576 : vector<16xi32> to vector<16xi32>
    %swap3A_578 = vector.shape_cast %add3A_574 : vector<16xi32> to vector<16xi32>
    tpu.vector_store %arg17[%swap3A_575], %swap3A_578 {strides = array<i32>} : memref<512xi32, #tpu.memory_space<vmem>>, vector<16xi32>,
    %get3A_579 = arith.constant 96 : index
    %get3A_580 = tpu.vector_load %arg7[%get3A_579] {strides = array<i32>} : memref<512xi32, #tpu.memory_space<vmem>>, vector<16xi32>,
    %get3A_581 = vector.shape_cast %get3A_580 : vector<16xi32> to vector<16xi32>
    %mul3A_582 = arith.constant 16384 : i32
    %mul3A_583 = vector.broadcast %mul3A_582 : i32 to vector<16xi32>
    %mul3A_584 = arith.muli %get3A_581, %mul3A_583 : vector<16xi32>
    %add3A_585 = arith.constant 96 : i32
    %add3A_586 = arith.addi %mul3A_2, %add3A_585 : i32
    %add3A_587 = vector.broadcast %add3A_586 : i32 to vector<16xi32>
    %add3A_588 = arith.addi %mul3A_584, %add3A_587 : vector<16xi32>
    %add3A_589 = arith.addi %add3A_588, %iota3A : vector<16xi32>
    %swap3A_590 = arith.constant 96 : index
    %swap3A_591 = tpu.vector_load %arg17[%swap3A_590] {strides = array<i32>} : memref<512xi32, #tpu.memory_space<vmem>>, vector<16xi32>,
    %swap3A_592 = vector.shape_cast %swap3A_591 : vector<16xi32> to vector<16xi32>
    %swap3A_593 = vector.shape_cast %add3A_589 : vector<16xi32> to vector<16xi32>
    tpu.vector_store %arg17[%swap3A_590], %swap3A_593 {strides = array<i32>} : memref<512xi32, #tpu.memory_space<vmem>>, vector<16xi32>,
    %get3A_594 = arith.constant 112 : index
    %get3A_595 = tpu.vector_load %arg7[%get3A_594] {strides = array<i32>} : memref<512xi32, #tpu.memory_space<vmem>>, vector<16xi32>,
    %get3A_596 = vector.shape_cast %get3A_595 : vector<16xi32> to vector<16xi32>
    %mul3A_597 = arith.constant 16384 : i32
    %mul3A_598 = vector.broadcast %mul3A_597 : i32 to vector<16xi32>
    %mul3A_599 = arith.muli %get3A_596, %mul3A_598 : vector<16xi32>
    %add3A_600 = arith.constant 112 : i32
    %add3A_601 = arith.addi %mul3A_2, %add3A_600 : i32
    %add3A_602 = vector.broadcast %add3A_601 : i32 to vector<16xi32>
    %add3A_603 = arith.addi %mul3A_599, %add3A_602 : vector<16xi32>
    %add3A_604 = arith.addi %add3A_603, %iota3A : vector<16xi32>
    %swap3A_605 = arith.constant 112 : index
    %swap3A_606 = tpu.vector_load %arg17[%swap3A_605] {strides = array<i32>} : memref<512xi32, #tpu.memory_space<vmem>>, vector<16xi32>,
    %swap3A_607 = vector.shape_cast %swap3A_606 : vector<16xi32> to vector<16xi32>
    %swap3A_608 = vector.shape_cast %add3A_604 : vector<16xi32> to vector<16xi32>
    tpu.vector_store %arg17[%swap3A_605], %swap3A_608 {strides = array<i32>} : memref<512xi32, #tpu.memory_space<vmem>>, vector<16xi32>,
    %get3A_609 = arith.constant 128 : index
    %get3A_610 = tpu.vector_load %arg7[%get3A_609] {strides = array<i32>} : memref<512xi32, #tpu.memory_space<vmem>>, vector<16xi32>,
    %get3A_611 = vector.shape_cast %get3A_610 : vector<16xi32> to vector<16xi32>
    %mul3A_612 = arith.constant 16384 : i32
    %mul3A_613 = vector.broadcast %mul3A_612 : i32 to vector<16xi32>
    %mul3A_614 = arith.muli %get3A_611, %mul3A_613 : vector<16xi32>
    %add3A_615 = arith.constant 128 : i32
    %add3A_616 = arith.addi %mul3A_2, %add3A_615 : i32
    %add3A_617 = vector.broadcast %add3A_616 : i32 to vector<16xi32>
    %add3A_618 = arith.addi %mul3A_614, %add3A_617 : vector<16xi32>
    %add3A_619 = arith.addi %add3A_618, %iota3A : vector<16xi32>
    %swap3A_620 = arith.constant 128 : index
    %swap3A_621 = tpu.vector_load %arg17[%swap3A_620] {strides = array<i32>} : memref<512xi32, #tpu.memory_space<vmem>>, vector<16xi32>,
    %swap3A_622 = vector.shape_cast %swap3A_621 : vector<16xi32> to vector<16xi32>
    %swap3A_623 = vector.shape_cast %add3A_619 : vector<16xi32> to vector<16xi32>
    tpu.vector_store %arg17[%swap3A_620], %swap3A_623 {strides = array<i32>} : memref<512xi32, #tpu.memory_space<vmem>>, vector<16xi32>,
    %get3A_624 = arith.constant 144 : index
    %get3A_625 = tpu.vector_load %arg7[%get3A_624] {strides = array<i32>} : memref<512xi32, #tpu.memory_space<vmem>>, vector<16xi32>,
    %get3A_626 = vector.shape_cast %get3A_625 : vector<16xi32> to vector<16xi32>
    %mul3A_627 = arith.constant 16384 : i32
    %mul3A_628 = vector.broadcast %mul3A_627 : i32 to vector<16xi32>
    %mul3A_629 = arith.muli %get3A_626, %mul3A_628 : vector<16xi32>
    %add3A_630 = arith.constant 144 : i32
    %add3A_631 = arith.addi %mul3A_2, %add3A_630 : i32
    %add3A_632 = vector.broadcast %add3A_631 : i32 to vector<16xi32>
    %add3A_633 = arith.addi %mul3A_629, %add3A_632 : vector<16xi32>
    %add3A_634 = arith.addi %add3A_633, %iota3A : vector<16xi32>
    %swap3A_635 = arith.constant 144 : index
    %swap3A_636 = tpu.vector_load %arg17[%swap3A_635] {strides = array<i32>} : memref<512xi32, #tpu.memory_space<vmem>>, vector<16xi32>,
    %swap3A_637 = vector.shape_cast %swap3A_636 : vector<16xi32> to vector<16xi32>
    %swap3A_638 = vector.shape_cast %add3A_634 : vector<16xi32> to vector<16xi32>
    tpu.vector_store %arg17[%swap3A_635], %swap3A_638 {strides = array<i32>} : memref<512xi32, #tpu.memory_space<vmem>>, vector<16xi32>,
    %get3A_639 = arith.constant 160 : index
    %get3A_640 = tpu.vector_load %arg7[%get3A_639] {strides = array<i32>} : memref<512xi32, #tpu.memory_space<vmem>>, vector<16xi32>,
    %get3A_641 = vector.shape_cast %get3A_640 : vector<16xi32> to vector<16xi32>
    %mul3A_642 = arith.constant 16384 : i32
    %mul3A_643 = vector.broadcast %mul3A_642 : i32 to vector<16xi32>
    %mul3A_644 = arith.muli %get3A_641, %mul3A_643 : vector<16xi32>
    %add3A_645 = arith.constant 160 : i32
    %add3A_646 = arith.addi %mul3A_2, %add3A_645 : i32
    %add3A_647 = vector.broadcast %add3A_646 : i32 to vector<16xi32>
    %add3A_648 = arith.addi %mul3A_644, %add3A_647 : vector<16xi32>
    %add3A_649 = arith.addi %add3A_648, %iota3A : vector<16xi32>
    %swap3A_650 = arith.constant 160 : index
    %swap3A_651 = tpu.vector_load %arg17[%swap3A_650] {strides = array<i32>} : memref<512xi32, #tpu.memory_space<vmem>>, vector<16xi32>,
    %swap3A_652 = vector.shape_cast %swap3A_651 : vector<16xi32> to vector<16xi32>
    %swap3A_653 = vector.shape_cast %add3A_649 : vector<16xi32> to vector<16xi32>
    tpu.vector_store %arg17[%swap3A_650], %swap3A_653 {strides = array<i32>} : memref<512xi32, #tpu.memory_space<vmem>>, vector<16xi32>,
    %get3A_654 = arith.constant 176 : index
    %get3A_655 = tpu.vector_load %arg7[%get3A_654] {strides = array<i32>} : memref<512xi32, #tpu.memory_space<vmem>>, vector<16xi32>,
    %get3A_656 = vector.shape_cast %get3A_655 : vector<16xi32> to vector<16xi32>
    %mul3A_657 = arith.constant 16384 : i32
    %mul3A_658 = vector.broadcast %mul3A_657 : i32 to vector<16xi32>
    %mul3A_659 = arith.muli %get3A_656, %mul3A_658 : vector<16xi32>
    %add3A_660 = arith.constant 176 : i32
    %add3A_661 = arith.addi %mul3A_2, %add3A_660 : i32
    %add3A_662 = vector.broadcast %add3A_661 : i32 to vector<16xi32>
    %add3A_663 = arith.addi %mul3A_659, %add3A_662 : vector<16xi32>
    %add3A_664 = arith.addi %add3A_663, %iota3A : vector<16xi32>
    %swap3A_665 = arith.constant 176 : index
    %swap3A_666 = tpu.vector_load %arg17[%swap3A_665] {strides = array<i32>} : memref<512xi32, #tpu.memory_space<vmem>>, vector<16xi32>,
    %swap3A_667 = vector.shape_cast %swap3A_666 : vector<16xi32> to vector<16xi32>
    %swap3A_668 = vector.shape_cast %add3A_664 : vector<16xi32> to vector<16xi32>
    tpu.vector_store %arg17[%swap3A_665], %swap3A_668 {strides = array<i32>} : memref<512xi32, #tpu.memory_space<vmem>>, vector<16xi32>,
    %get3A_669 = arith.constant 192 : index
    %get3A_670 = tpu.vector_load %arg7[%get3A_669] {strides = array<i32>} : memref<512xi32, #tpu.memory_space<vmem>>, vector<16xi32>,
    %get3A_671 = vector.shape_cast %get3A_670 : vector<16xi32> to vector<16xi32>
    %mul3A_672 = arith.constant 16384 : i32
    %mul3A_673 = vector.broadcast %mul3A_672 : i32 to vector<16xi32>
    %mul3A_674 = arith.muli %get3A_671, %mul3A_673 : vector<16xi32>
    %add3A_675 = arith.constant 192 : i32
    %add3A_676 = arith.addi %mul3A_2, %add3A_675 : i32
    %add3A_677 = vector.broadcast %add3A_676 : i32 to vector<16xi32>
    %add3A_678 = arith.addi %mul3A_674, %add3A_677 : vector<16xi32>
    %add3A_679 = arith.addi %add3A_678, %iota3A : vector<16xi32>
    %swap3A_680 = arith.constant 192 : index
    %swap3A_681 = tpu.vector_load %arg17[%swap3A_680] {strides = array<i32>} : memref<512xi32, #tpu.memory_space<vmem>>, vector<16xi32>,
    %swap3A_682 = vector.shape_cast %swap3A_681 : vector<16xi32> to vector<16xi32>
    %swap3A_683 = vector.shape_cast %add3A_679 : vector<16xi32> to vector<16xi32>
    tpu.vector_store %arg17[%swap3A_680], %swap3A_683 {strides = array<i32>} : memref<512xi32, #tpu.memory_space<vmem>>, vector<16xi32>,
    %get3A_684 = arith.constant 208 : index
    %get3A_685 = tpu.vector_load %arg7[%get3A_684] {strides = array<i32>} : memref<512xi32, #tpu.memory_space<vmem>>, vector<16xi32>,
    %get3A_686 = vector.shape_cast %get3A_685 : vector<16xi32> to vector<16xi32>
    %mul3A_687 = arith.constant 16384 : i32
    %mul3A_688 = vector.broadcast %mul3A_687 : i32 to vector<16xi32>
    %mul3A_689 = arith.muli %get3A_686, %mul3A_688 : vector<16xi32>
    %add3A_690 = arith.constant 208 : i32
    %add3A_691 = arith.addi %mul3A_2, %add3A_690 : i32
    %add3A_692 = vector.broadcast %add3A_691 : i32 to vector<16xi32>
    %add3A_693 = arith.addi %mul3A_689, %add3A_692 : vector<16xi32>
    %add3A_694 = arith.addi %add3A_693, %iota3A : vector<16xi32>
    %swap3A_695 = arith.constant 208 : index
    %swap3A_696 = tpu.vector_load %arg17[%swap3A_695] {strides = array<i32>} : memref<512xi32, #tpu.memory_space<vmem>>, vector<16xi32>,
    %swap3A_697 = vector.shape_cast %swap3A_696 : vector<16xi32> to vector<16xi32>
    %swap3A_698 = vector.shape_cast %add3A_694 : vector<16xi32> to vector<16xi32>
    tpu.vector_store %arg17[%swap3A_695], %swap3A_698 {strides = array<i32>} : memref<512xi32, #tpu.memory_space<vmem>>, vector<16xi32>,
    %get3A_699 = arith.constant 224 : index
    %get3A_700 = tpu.vector_load %arg7[%get3A_699] {strides = array<i32>} : memref<512xi32, #tpu.memory_space<vmem>>, vector<16xi32>,
    %get3A_701 = vector.shape_cast %get3A_700 : vector<16xi32> to vector<16xi32>
    %mul3A_702 = arith.constant 16384 : i32
    %mul3A_703 = vector.broadcast %mul3A_702 : i32 to vector<16xi32>
    %mul3A_704 = arith.muli %get3A_701, %mul3A_703 : vector<16xi32>
    %add3A_705 = arith.constant 224 : i32
    %add3A_706 = arith.addi %mul3A_2, %add3A_705 : i32
    %add3A_707 = vector.broadcast %add3A_706 : i32 to vector<16xi32>
    %add3A_708 = arith.addi %mul3A_704, %add3A_707 : vector<16xi32>
    %add3A_709 = arith.addi %add3A_708, %iota3A : vector<16xi32>
    %swap3A_710 = arith.constant 224 : index
    %swap3A_711 = tpu.vector_load %arg17[%swap3A_710] {strides = array<i32>} : memref<512xi32, #tpu.memory_space<vmem>>, vector<16xi32>,
    %swap3A_712 = vector.shape_cast %swap3A_711 : vector<16xi32> to vector<16xi32>
    %swap3A_713 = vector.shape_cast %add3A_709 : vector<16xi32> to vector<16xi32>
    tpu.vector_store %arg17[%swap3A_710], %swap3A_713 {strides = array<i32>} : memref<512xi32, #tpu.memory_space<vmem>>, vector<16xi32>,
    %get3A_714 = arith.constant 240 : index
    %get3A_715 = tpu.vector_load %arg7[%get3A_714] {strides = array<i32>} : memref<512xi32, #tpu.memory_space<vmem>>, vector<16xi32>,
    %get3A_716 = vector.shape_cast %get3A_715 : vector<16xi32> to vector<16xi32>
    %mul3A_717 = arith.constant 16384 : i32
    %mul3A_718 = vector.broadcast %mul3A_717 : i32 to vector<16xi32>
    %mul3A_719 = arith.muli %get3A_716, %mul3A_718 : vector<16xi32>
    %add3A_720 = arith.constant 240 : i32
    %add3A_721 = arith.addi %mul3A_2, %add3A_720 : i32
    %add3A_722 = vector.broadcast %add3A_721 : i32 to vector<16xi32>
    %add3A_723 = arith.addi %mul3A_719, %add3A_722 : vector<16xi32>
    %add3A_724 = arith.addi %add3A_723, %iota3A : vector<16xi32>
    %swap3A_725 = arith.constant 240 : index
    %swap3A_726 = tpu.vector_load %arg17[%swap3A_725] {strides = array<i32>} : memref<512xi32, #tpu.memory_space<vmem>>, vector<16xi32>,
    %swap3A_727 = vector.shape_cast %swap3A_726 : vector<16xi32> to vector<16xi32>
    %swap3A_728 = vector.shape_cast %add3A_724 : vector<16xi32> to vector<16xi32>
    tpu.vector_store %arg17[%swap3A_725], %swap3A_728 {strides = array<i32>} : memref<512xi32, #tpu.memory_space<vmem>>, vector<16xi32>,
    %get3A_729 = arith.constant 256 : index
    %get3A_730 = tpu.vector_load %arg7[%get3A_729] {strides = array<i32>} : memref<512xi32, #tpu.memory_space<vmem>>, vector<16xi32>,
    %get3A_731 = vector.shape_cast %get3A_730 : vector<16xi32> to vector<16xi32>
    %mul3A_732 = arith.constant 16384 : i32
    %mul3A_733 = vector.broadcast %mul3A_732 : i32 to vector<16xi32>
    %mul3A_734 = arith.muli %get3A_731, %mul3A_733 : vector<16xi32>
    %add3A_735 = arith.constant 256 : i32
    %add3A_736 = arith.addi %mul3A_2, %add3A_735 : i32
    %add3A_737 = vector.broadcast %add3A_736 : i32 to vector<16xi32>
    %add3A_738 = arith.addi %mul3A_734, %add3A_737 : vector<16xi32>
    %add3A_739 = arith.addi %add3A_738, %iota3A : vector<16xi32>
    %swap3A_740 = arith.constant 256 : index
    %swap3A_741 = tpu.vector_load %arg17[%swap3A_740] {strides = array<i32>} : memref<512xi32, #tpu.memory_space<vmem>>, vector<16xi32>,
    %swap3A_742 = vector.shape_cast %swap3A_741 : vector<16xi32> to vector<16xi32>
    %swap3A_743 = vector.shape_cast %add3A_739 : vector<16xi32> to vector<16xi32>
    tpu.vector_store %arg17[%swap3A_740], %swap3A_743 {strides = array<i32>} : memref<512xi32, #tpu.memory_space<vmem>>, vector<16xi32>,
    %get3A_744 = arith.constant 272 : index
    %get3A_745 = tpu.vector_load %arg7[%get3A_744] {strides = array<i32>} : memref<512xi32, #tpu.memory_space<vmem>>, vector<16xi32>,
    %get3A_746 = vector.shape_cast %get3A_745 : vector<16xi32> to vector<16xi32>
    %mul3A_747 = arith.constant 16384 : i32
    %mul3A_748 = vector.broadcast %mul3A_747 : i32 to vector<16xi32>
    %mul3A_749 = arith.muli %get3A_746, %mul3A_748 : vector<16xi32>
    %add3A_750 = arith.constant 272 : i32
    %add3A_751 = arith.addi %mul3A_2, %add3A_750 : i32
    %add3A_752 = vector.broadcast %add3A_751 : i32 to vector<16xi32>
    %add3A_753 = arith.addi %mul3A_749, %add3A_752 : vector<16xi32>
    %add3A_754 = arith.addi %add3A_753, %iota3A : vector<16xi32>
    %swap3A_755 = arith.constant 272 : index
    %swap3A_756 = tpu.vector_load %arg17[%swap3A_755] {strides = array<i32>} : memref<512xi32, #tpu.memory_space<vmem>>, vector<16xi32>,
    %swap3A_757 = vector.shape_cast %swap3A_756 : vector<16xi32> to vector<16xi32>
    %swap3A_758 = vector.shape_cast %add3A_754 : vector<16xi32> to vector<16xi32>
    tpu.vector_store %arg17[%swap3A_755], %swap3A_758 {strides = array<i32>} : memref<512xi32, #tpu.memory_space<vmem>>, vector<16xi32>,
    %get3A_759 = arith.constant 288 : index
    %get3A_760 = tpu.vector_load %arg7[%get3A_759] {strides = array<i32>} : memref<512xi32, #tpu.memory_space<vmem>>, vector<16xi32>,
    %get3A_761 = vector.shape_cast %get3A_760 : vector<16xi32> to vector<16xi32>
    %mul3A_762 = arith.constant 16384 : i32
    %mul3A_763 = vector.broadcast %mul3A_762 : i32 to vector<16xi32>
    %mul3A_764 = arith.muli %get3A_761, %mul3A_763 : vector<16xi32>
    %add3A_765 = arith.constant 288 : i32
    %add3A_766 = arith.addi %mul3A_2, %add3A_765 : i32
    %add3A_767 = vector.broadcast %add3A_766 : i32 to vector<16xi32>
    %add3A_768 = arith.addi %mul3A_764, %add3A_767 : vector<16xi32>
    %add3A_769 = arith.addi %add3A_768, %iota3A : vector<16xi32>
    %swap3A_770 = arith.constant 288 : index
    %swap3A_771 = tpu.vector_load %arg17[%swap3A_770] {strides = array<i32>} : memref<512xi32, #tpu.memory_space<vmem>>, vector<16xi32>,
    %swap3A_772 = vector.shape_cast %swap3A_771 : vector<16xi32> to vector<16xi32>
    %swap3A_773 = vector.shape_cast %add3A_769 : vector<16xi32> to vector<16xi32>
    tpu.vector_store %arg17[%swap3A_770], %swap3A_773 {strides = array<i32>} : memref<512xi32, #tpu.memory_space<vmem>>, vector<16xi32>,
    %get3A_774 = arith.constant 304 : index
    %get3A_775 = tpu.vector_load %arg7[%get3A_774] {strides = array<i32>} : memref<512xi32, #tpu.memory_space<vmem>>, vector<16xi32>,
    %get3A_776 = vector.shape_cast %get3A_775 : vector<16xi32> to vector<16xi32>
    %mul3A_777 = arith.constant 16384 : i32
    %mul3A_778 = vector.broadcast %mul3A_777 : i32 to vector<16xi32>
    %mul3A_779 = arith.muli %get3A_776, %mul3A_778 : vector<16xi32>
    %add3A_780 = arith.constant 304 : i32
    %add3A_781 = arith.addi %mul3A_2, %add3A_780 : i32
    %add3A_782 = vector.broadcast %add3A_781 : i32 to vector<16xi32>
    %add3A_783 = arith.addi %mul3A_779, %add3A_782 : vector<16xi32>
    %add3A_784 = arith.addi %add3A_783, %iota3A : vector<16xi32>
    %swap3A_785 = arith.constant 304 : index
    %swap3A_786 = tpu.vector_load %arg17[%swap3A_785] {strides = array<i32>} : memref<512xi32, #tpu.memory_space<vmem>>, vector<16xi32>,
    %swap3A_787 = vector.shape_cast %swap3A_786 : vector<16xi32> to vector<16xi32>
    %swap3A_788 = vector.shape_cast %add3A_784 : vector<16xi32> to vector<16xi32>
    tpu.vector_store %arg17[%swap3A_785], %swap3A_788 {strides = array<i32>} : memref<512xi32, #tpu.memory_space<vmem>>, vector<16xi32>,
    %get3A_789 = arith.constant 320 : index
    %get3A_790 = tpu.vector_load %arg7[%get3A_789] {strides = array<i32>} : memref<512xi32, #tpu.memory_space<vmem>>, vector<16xi32>,
    %get3A_791 = vector.shape_cast %get3A_790 : vector<16xi32> to vector<16xi32>
    %mul3A_792 = arith.constant 16384 : i32
    %mul3A_793 = vector.broadcast %mul3A_792 : i32 to vector<16xi32>
    %mul3A_794 = arith.muli %get3A_791, %mul3A_793 : vector<16xi32>
    %add3A_795 = arith.constant 320 : i32
    %add3A_796 = arith.addi %mul3A_2, %add3A_795 : i32
    %add3A_797 = vector.broadcast %add3A_796 : i32 to vector<16xi32>
    %add3A_798 = arith.addi %mul3A_794, %add3A_797 : vector<16xi32>
    %add3A_799 = arith.addi %add3A_798, %iota3A : vector<16xi32>
    %swap3A_800 = arith.constant 320 : index
    %swap3A_801 = tpu.vector_load %arg17[%swap3A_800] {strides = array<i32>} : memref<512xi32, #tpu.memory_space<vmem>>, vector<16xi32>,
    %swap3A_802 = vector.shape_cast %swap3A_801 : vector<16xi32> to vector<16xi32>
    %swap3A_803 = vector.shape_cast %add3A_799 : vector<16xi32> to vector<16xi32>
    tpu.vector_store %arg17[%swap3A_800], %swap3A_803 {strides = array<i32>} : memref<512xi32, #tpu.memory_space<vmem>>, vector<16xi32>,
    %get3A_804 = arith.constant 336 : index
    %get3A_805 = tpu.vector_load %arg7[%get3A_804] {strides = array<i32>} : memref<512xi32, #tpu.memory_space<vmem>>, vector<16xi32>,
    %get3A_806 = vector.shape_cast %get3A_805 : vector<16xi32> to vector<16xi32>
    %mul3A_807 = arith.constant 16384 : i32
    %mul3A_808 = vector.broadcast %mul3A_807 : i32 to vector<16xi32>
    %mul3A_809 = arith.muli %get3A_806, %mul3A_808 : vector<16xi32>
    %add3A_810 = arith.constant 336 : i32
    %add3A_811 = arith.addi %mul3A_2, %add3A_810 : i32
    %add3A_812 = vector.broadcast %add3A_811 : i32 to vector<16xi32>
    %add3A_813 = arith.addi %mul3A_809, %add3A_812 : vector<16xi32>
    %add3A_814 = arith.addi %add3A_813, %iota3A : vector<16xi32>
    %swap3A_815 = arith.constant 336 : index
    %swap3A_816 = tpu.vector_load %arg17[%swap3A_815] {strides = array<i32>} : memref<512xi32, #tpu.memory_space<vmem>>, vector<16xi32>,
    %swap3A_817 = vector.shape_cast %swap3A_816 : vector<16xi32> to vector<16xi32>
    %swap3A_818 = vector.shape_cast %add3A_814 : vector<16xi32> to vector<16xi32>
    tpu.vector_store %arg17[%swap3A_815], %swap3A_818 {strides = array<i32>} : memref<512xi32, #tpu.memory_space<vmem>>, vector<16xi32>,
    %get3A_819 = arith.constant 352 : index
    %get3A_820 = tpu.vector_load %arg7[%get3A_819] {strides = array<i32>} : memref<512xi32, #tpu.memory_space<vmem>>, vector<16xi32>,
    %get3A_821 = vector.shape_cast %get3A_820 : vector<16xi32> to vector<16xi32>
    %mul3A_822 = arith.constant 16384 : i32
    %mul3A_823 = vector.broadcast %mul3A_822 : i32 to vector<16xi32>
    %mul3A_824 = arith.muli %get3A_821, %mul3A_823 : vector<16xi32>
    %add3A_825 = arith.constant 352 : i32
    %add3A_826 = arith.addi %mul3A_2, %add3A_825 : i32
    %add3A_827 = vector.broadcast %add3A_826 : i32 to vector<16xi32>
    %add3A_828 = arith.addi %mul3A_824, %add3A_827 : vector<16xi32>
    %add3A_829 = arith.addi %add3A_828, %iota3A : vector<16xi32>
    %swap3A_830 = arith.constant 352 : index
    %swap3A_831 = tpu.vector_load %arg17[%swap3A_830] {strides = array<i32>} : memref<512xi32, #tpu.memory_space<vmem>>, vector<16xi32>,
    %swap3A_832 = vector.shape_cast %swap3A_831 : vector<16xi32> to vector<16xi32>
    %swap3A_833 = vector.shape_cast %add3A_829 : vector<16xi32> to vector<16xi32>
    tpu.vector_store %arg17[%swap3A_830], %swap3A_833 {strides = array<i32>} : memref<512xi32, #tpu.memory_space<vmem>>, vector<16xi32>,
    %get3A_834 = arith.constant 368 : index
    %get3A_835 = tpu.vector_load %arg7[%get3A_834] {strides = array<i32>} : memref<512xi32, #tpu.memory_space<vmem>>, vector<16xi32>,
    %get3A_836 = vector.shape_cast %get3A_835 : vector<16xi32> to vector<16xi32>
    %mul3A_837 = arith.constant 16384 : i32
    %mul3A_838 = vector.broadcast %mul3A_837 : i32 to vector<16xi32>
    %mul3A_839 = arith.muli %get3A_836, %mul3A_838 : vector<16xi32>
    %add3A_840 = arith.constant 368 : i32
    %add3A_841 = arith.addi %mul3A_2, %add3A_840 : i32
    %add3A_842 = vector.broadcast %add3A_841 : i32 to vector<16xi32>
    %add3A_843 = arith.addi %mul3A_839, %add3A_842 : vector<16xi32>
    %add3A_844 = arith.addi %add3A_843, %iota3A : vector<16xi32>
    %swap3A_845 = arith.constant 368 : index
    %swap3A_846 = tpu.vector_load %arg17[%swap3A_845] {strides = array<i32>} : memref<512xi32, #tpu.memory_space<vmem>>, vector<16xi32>,
    %swap3A_847 = vector.shape_cast %swap3A_846 : vector<16xi32> to vector<16xi32>
    %swap3A_848 = vector.shape_cast %add3A_844 : vector<16xi32> to vector<16xi32>
    tpu.vector_store %arg17[%swap3A_845], %swap3A_848 {strides = array<i32>} : memref<512xi32, #tpu.memory_space<vmem>>, vector<16xi32>,
    %get3A_849 = arith.constant 384 : index
    %get3A_850 = tpu.vector_load %arg7[%get3A_849] {strides = array<i32>} : memref<512xi32, #tpu.memory_space<vmem>>, vector<16xi32>,
    %get3A_851 = vector.shape_cast %get3A_850 : vector<16xi32> to vector<16xi32>
    %mul3A_852 = arith.constant 16384 : i32
    %mul3A_853 = vector.broadcast %mul3A_852 : i32 to vector<16xi32>
    %mul3A_854 = arith.muli %get3A_851, %mul3A_853 : vector<16xi32>
    %add3A_855 = arith.constant 384 : i32
    %add3A_856 = arith.addi %mul3A_2, %add3A_855 : i32
    %add3A_857 = vector.broadcast %add3A_856 : i32 to vector<16xi32>
    %add3A_858 = arith.addi %mul3A_854, %add3A_857 : vector<16xi32>
    %add3A_859 = arith.addi %add3A_858, %iota3A : vector<16xi32>
    %swap3A_860 = arith.constant 384 : index
    %swap3A_861 = tpu.vector_load %arg17[%swap3A_860] {strides = array<i32>} : memref<512xi32, #tpu.memory_space<vmem>>, vector<16xi32>,
    %swap3A_862 = vector.shape_cast %swap3A_861 : vector<16xi32> to vector<16xi32>
    %swap3A_863 = vector.shape_cast %add3A_859 : vector<16xi32> to vector<16xi32>
    tpu.vector_store %arg17[%swap3A_860], %swap3A_863 {strides = array<i32>} : memref<512xi32, #tpu.memory_space<vmem>>, vector<16xi32>,
    %get3A_864 = arith.constant 400 : index
    %get3A_865 = tpu.vector_load %arg7[%get3A_864] {strides = array<i32>} : memref<512xi32, #tpu.memory_space<vmem>>, vector<16xi32>,
    %get3A_866 = vector.shape_cast %get3A_865 : vector<16xi32> to vector<16xi32>
    %mul3A_867 = arith.constant 16384 : i32
    %mul3A_868 = vector.broadcast %mul3A_867 : i32 to vector<16xi32>
    %mul3A_869 = arith.muli %get3A_866, %mul3A_868 : vector<16xi32>
    %add3A_870 = arith.constant 400 : i32
    %add3A_871 = arith.addi %mul3A_2, %add3A_870 : i32
    %add3A_872 = vector.broadcast %add3A_871 : i32 to vector<16xi32>
    %add3A_873 = arith.addi %mul3A_869, %add3A_872 : vector<16xi32>
    %add3A_874 = arith.addi %add3A_873, %iota3A : vector<16xi32>
    %swap3A_875 = arith.constant 400 : index
    %swap3A_876 = tpu.vector_load %arg17[%swap3A_875] {strides = array<i32>} : memref<512xi32, #tpu.memory_space<vmem>>, vector<16xi32>,
    %swap3A_877 = vector.shape_cast %swap3A_876 : vector<16xi32> to vector<16xi32>
    %swap3A_878 = vector.shape_cast %add3A_874 : vector<16xi32> to vector<16xi32>
    tpu.vector_store %arg17[%swap3A_875], %swap3A_878 {strides = array<i32>} : memref<512xi32, #tpu.memory_space<vmem>>, vector<16xi32>,
    %get3A_879 = arith.constant 416 : index
    %get3A_880 = tpu.vector_load %arg7[%get3A_879] {strides = array<i32>} : memref<512xi32, #tpu.memory_space<vmem>>, vector<16xi32>,
    %get3A_881 = vector.shape_cast %get3A_880 : vector<16xi32> to vector<16xi32>
    %mul3A_882 = arith.constant 16384 : i32
    %mul3A_883 = vector.broadcast %mul3A_882 : i32 to vector<16xi32>
    %mul3A_884 = arith.muli %get3A_881, %mul3A_883 : vector<16xi32>
    %add3A_885 = arith.constant 416 : i32
    %add3A_886 = arith.addi %mul3A_2, %add3A_885 : i32
    %add3A_887 = vector.broadcast %add3A_886 : i32 to vector<16xi32>
    %add3A_888 = arith.addi %mul3A_884, %add3A_887 : vector<16xi32>
    %add3A_889 = arith.addi %add3A_888, %iota3A : vector<16xi32>
    %swap3A_890 = arith.constant 416 : index
    %swap3A_891 = tpu.vector_load %arg17[%swap3A_890] {strides = array<i32>} : memref<512xi32, #tpu.memory_space<vmem>>, vector<16xi32>,
    %swap3A_892 = vector.shape_cast %swap3A_891 : vector<16xi32> to vector<16xi32>
    %swap3A_893 = vector.shape_cast %add3A_889 : vector<16xi32> to vector<16xi32>
    tpu.vector_store %arg17[%swap3A_890], %swap3A_893 {strides = array<i32>} : memref<512xi32, #tpu.memory_space<vmem>>, vector<16xi32>,
    %get3A_894 = arith.constant 432 : index
    %get3A_895 = tpu.vector_load %arg7[%get3A_894] {strides = array<i32>} : memref<512xi32, #tpu.memory_space<vmem>>, vector<16xi32>,
    %get3A_896 = vector.shape_cast %get3A_895 : vector<16xi32> to vector<16xi32>
    %mul3A_897 = arith.constant 16384 : i32
    %mul3A_898 = vector.broadcast %mul3A_897 : i32 to vector<16xi32>
    %mul3A_899 = arith.muli %get3A_896, %mul3A_898 : vector<16xi32>
    %add3A_900 = arith.constant 432 : i32
    %add3A_901 = arith.addi %mul3A_2, %add3A_900 : i32
    %add3A_902 = vector.broadcast %add3A_901 : i32 to vector<16xi32>
    %add3A_903 = arith.addi %mul3A_899, %add3A_902 : vector<16xi32>
    %add3A_904 = arith.addi %add3A_903, %iota3A : vector<16xi32>
    %swap3A_905 = arith.constant 432 : index
    %swap3A_906 = tpu.vector_load %arg17[%swap3A_905] {strides = array<i32>} : memref<512xi32, #tpu.memory_space<vmem>>, vector<16xi32>,
    %swap3A_907 = vector.shape_cast %swap3A_906 : vector<16xi32> to vector<16xi32>
    %swap3A_908 = vector.shape_cast %add3A_904 : vector<16xi32> to vector<16xi32>
    tpu.vector_store %arg17[%swap3A_905], %swap3A_908 {strides = array<i32>} : memref<512xi32, #tpu.memory_space<vmem>>, vector<16xi32>,
    %get3A_909 = arith.constant 448 : index
    %get3A_910 = tpu.vector_load %arg7[%get3A_909] {strides = array<i32>} : memref<512xi32, #tpu.memory_space<vmem>>, vector<16xi32>,
    %get3A_911 = vector.shape_cast %get3A_910 : vector<16xi32> to vector<16xi32>
    %mul3A_912 = arith.constant 16384 : i32
    %mul3A_913 = vector.broadcast %mul3A_912 : i32 to vector<16xi32>
    %mul3A_914 = arith.muli %get3A_911, %mul3A_913 : vector<16xi32>
    %add3A_915 = arith.constant 448 : i32
    %add3A_916 = arith.addi %mul3A_2, %add3A_915 : i32
    %add3A_917 = vector.broadcast %add3A_916 : i32 to vector<16xi32>
    %add3A_918 = arith.addi %mul3A_914, %add3A_917 : vector<16xi32>
    %add3A_919 = arith.addi %add3A_918, %iota3A : vector<16xi32>
    %swap3A_920 = arith.constant 448 : index
    %swap3A_921 = tpu.vector_load %arg17[%swap3A_920] {strides = array<i32>} : memref<512xi32, #tpu.memory_space<vmem>>, vector<16xi32>,
    %swap3A_922 = vector.shape_cast %swap3A_921 : vector<16xi32> to vector<16xi32>
    %swap3A_923 = vector.shape_cast %add3A_919 : vector<16xi32> to vector<16xi32>
    tpu.vector_store %arg17[%swap3A_920], %swap3A_923 {strides = array<i32>} : memref<512xi32, #tpu.memory_space<vmem>>, vector<16xi32>,
    %get3A_924 = arith.constant 464 : index
    %get3A_925 = tpu.vector_load %arg7[%get3A_924] {strides = array<i32>} : memref<512xi32, #tpu.memory_space<vmem>>, vector<16xi32>,
    %get3A_926 = vector.shape_cast %get3A_925 : vector<16xi32> to vector<16xi32>
    %mul3A_927 = arith.constant 16384 : i32
    %mul3A_928 = vector.broadcast %mul3A_927 : i32 to vector<16xi32>
    %mul3A_929 = arith.muli %get3A_926, %mul3A_928 : vector<16xi32>
    %add3A_930 = arith.constant 464 : i32
    %add3A_931 = arith.addi %mul3A_2, %add3A_930 : i32
    %add3A_932 = vector.broadcast %add3A_931 : i32 to vector<16xi32>
    %add3A_933 = arith.addi %mul3A_929, %add3A_932 : vector<16xi32>
    %add3A_934 = arith.addi %add3A_933, %iota3A : vector<16xi32>
    %swap3A_935 = arith.constant 464 : index
    %swap3A_936 = tpu.vector_load %arg17[%swap3A_935] {strides = array<i32>} : memref<512xi32, #tpu.memory_space<vmem>>, vector<16xi32>,
    %swap3A_937 = vector.shape_cast %swap3A_936 : vector<16xi32> to vector<16xi32>
    %swap3A_938 = vector.shape_cast %add3A_934 : vector<16xi32> to vector<16xi32>
    tpu.vector_store %arg17[%swap3A_935], %swap3A_938 {strides = array<i32>} : memref<512xi32, #tpu.memory_space<vmem>>, vector<16xi32>,
    %get3A_939 = arith.constant 480 : index
    %get3A_940 = tpu.vector_load %arg7[%get3A_939] {strides = array<i32>} : memref<512xi32, #tpu.memory_space<vmem>>, vector<16xi32>,
    %get3A_941 = vector.shape_cast %get3A_940 : vector<16xi32> to vector<16xi32>
    %mul3A_942 = arith.constant 16384 : i32
    %mul3A_943 = vector.broadcast %mul3A_942 : i32 to vector<16xi32>
    %mul3A_944 = arith.muli %get3A_941, %mul3A_943 : vector<16xi32>
    %add3A_945 = arith.constant 480 : i32
    %add3A_946 = arith.addi %mul3A_2, %add3A_945 : i32
    %add3A_947 = vector.broadcast %add3A_946 : i32 to vector<16xi32>
    %add3A_948 = arith.addi %mul3A_944, %add3A_947 : vector<16xi32>
    %add3A_949 = arith.addi %add3A_948, %iota3A : vector<16xi32>
    %swap3A_950 = arith.constant 480 : index
    %swap3A_951 = tpu.vector_load %arg17[%swap3A_950] {strides = array<i32>} : memref<512xi32, #tpu.memory_space<vmem>>, vector<16xi32>,
    %swap3A_952 = vector.shape_cast %swap3A_951 : vector<16xi32> to vector<16xi32>
    %swap3A_953 = vector.shape_cast %add3A_949 : vector<16xi32> to vector<16xi32>
    tpu.vector_store %arg17[%swap3A_950], %swap3A_953 {strides = array<i32>} : memref<512xi32, #tpu.memory_space<vmem>>, vector<16xi32>,
    %get3A_954 = arith.constant 496 : index
    %get3A_955 = tpu.vector_load %arg7[%get3A_954] {strides = array<i32>} : memref<512xi32, #tpu.memory_space<vmem>>, vector<16xi32>,
    %get3A_956 = vector.shape_cast %get3A_955 : vector<16xi32> to vector<16xi32>
    %mul3A_957 = arith.constant 16384 : i32
    %mul3A_958 = vector.broadcast %mul3A_957 : i32 to vector<16xi32>
    %mul3A_959 = arith.muli %get3A_956, %mul3A_958 : vector<16xi32>
    %add3A_960 = arith.constant 496 : i32
    %add3A_961 = arith.addi %mul3A_2, %add3A_960 : i32
    %add3A_962 = vector.broadcast %add3A_961 : i32 to vector<16xi32>
    %add3A_963 = arith.addi %mul3A_959, %add3A_962 : vector<16xi32>
    %add3A_964 = arith.addi %add3A_963, %iota3A : vector<16xi32>
    %swap3A_965 = arith.constant 496 : index
    %swap3A_966 = tpu.vector_load %arg17[%swap3A_965] {strides = array<i32>} : memref<512xi32, #tpu.memory_space<vmem>>, vector<16xi32>,
    %swap3A_967 = vector.shape_cast %swap3A_966 : vector<16xi32> to vector<16xi32>
    %swap3A_968 = vector.shape_cast %add3A_964 : vector<16xi32> to vector<16xi32>
    tpu.vector_store %arg17[%swap3A_965], %swap3A_968 {strides = array<i32>} : memref<512xi32, #tpu.memory_space<vmem>>, vector<16xi32>,
    %add3A_969 = arith.constant 32768 : i32
    %add3A_970 = arith.addi %add3A_969, %mul3A_2 : i32
    "tpu.region"() ({
      %run_scoped3A = tpu.sem_alloc : memref<!tpu.dma_semaphore, #tpu.memory_space<semaphore_mem>>
      %dma_start3A_2439 = tpu.memref_slice %arg2[%add3A_970] : memref<81920xi32, #tpu.memory_space<hbm>> -> memref<512xi32, #tpu.memory_space<hbm>>
      %dma_start3A_2440 = tpu.memref_slice %arg2[%add3A_970] : memref<81920xi32, #tpu.memory_space<hbm>> -> memref<512xi32, #tpu.memory_space<hbm>>
      tpu.enqueue_dma source(%dma_start3A_2440 : memref<512xi32, #tpu.memory_space<hbm>>) target(%arg8 : memref<512xi32, #tpu.memory_space<vmem>>) target_semaphore(%run_scoped3A : memref<!tpu.dma_semaphore, #tpu.memory_space<semaphore_mem>>)
      %dma_wait3A_2441 = tpu.memref_slice %arg2[%add3A_970] : memref<81920xi32, #tpu.memory_space<hbm>> -> memref<512xi32, #tpu.memory_space<hbm>>
      %dma_wait3A_2442 = tpu.memref_slice %arg2[%add3A_970] : memref<81920xi32, #tpu.memory_space<hbm>> -> memref<512xi32, #tpu.memory_space<hbm>>
      tpu.wait_dma2 semaphore(%run_scoped3A : memref<!tpu.dma_semaphore, #tpu.memory_space<semaphore_mem>>) src(%dma_wait3A_2442 : memref<512xi32, #tpu.memory_space<hbm>>) dst(%arg8 : memref<512xi32, #tpu.memory_space<vmem>>)
      tpu.yield
    }) : () -> ()
    %add3A_971 = arith.constant 32768 : i32
    %add3A_972 = arith.addi %add3A_971, %mul3A_2 : i32
    "tpu.region"() ({
      %run_scoped3A = tpu.sem_alloc : memref<!tpu.dma_semaphore, #tpu.memory_space<semaphore_mem>>
      %dma_start3A_2439 = tpu.memref_slice %arg3[%add3A_972] : memref<81920xf32, #tpu.memory_space<hbm>> -> memref<512xf32, #tpu.memory_space<hbm>>
      %dma_start3A_2440 = tpu.memref_slice %arg3[%add3A_972] : memref<81920xf32, #tpu.memory_space<hbm>> -> memref<512xf32, #tpu.memory_space<hbm>>
      tpu.enqueue_dma source(%dma_start3A_2440 : memref<512xf32, #tpu.memory_space<hbm>>) target(%arg13 : memref<512xf32, #tpu.memory_space<vmem>>) target_semaphore(%run_scoped3A : memref<!tpu.dma_semaphore, #tpu.memory_space<semaphore_mem>>)
      %dma_wait3A_2441 = tpu.memref_slice %arg3[%add3A_972] : memref<81920xf32, #tpu.memory_space<hbm>> -> memref<512xf32, #tpu.memory_space<hbm>>
      %dma_wait3A_2442 = tpu.memref_slice %arg3[%add3A_972] : memref<81920xf32, #tpu.memory_space<hbm>> -> memref<512xf32, #tpu.memory_space<hbm>>
      tpu.wait_dma2 semaphore(%run_scoped3A : memref<!tpu.dma_semaphore, #tpu.memory_space<semaphore_mem>>) src(%dma_wait3A_2442 : memref<512xf32, #tpu.memory_space<hbm>>) dst(%arg13 : memref<512xf32, #tpu.memory_space<vmem>>)
      tpu.yield
    }) : () -> ()
    %get3A_973 = arith.constant 0 : index
    %get3A_974 = tpu.vector_load %arg8[%get3A_973] {strides = array<i32>} : memref<512xi32, #tpu.memory_space<vmem>>, vector<16xi32>,
    %get3A_975 = vector.shape_cast %get3A_974 : vector<16xi32> to vector<16xi32>
    %mul3A_976 = arith.constant 16384 : i32
    %mul3A_977 = vector.broadcast %mul3A_976 : i32 to vector<16xi32>
    %mul3A_978 = arith.muli %get3A_975, %mul3A_977 : vector<16xi32>
    %add3A_979 = arith.constant 0 : i32
    %add3A_980 = arith.addi %mul3A_2, %add3A_979 : i32
    %add3A_981 = vector.broadcast %add3A_980 : i32 to vector<16xi32>
    %add3A_982 = arith.addi %mul3A_978, %add3A_981 : vector<16xi32>
    %add3A_983 = arith.addi %add3A_982, %iota3A : vector<16xi32>
    %swap3A_984 = arith.constant 0 : index
    %swap3A_985 = tpu.vector_load %arg18[%swap3A_984] {strides = array<i32>} : memref<512xi32, #tpu.memory_space<vmem>>, vector<16xi32>,
    %swap3A_986 = vector.shape_cast %swap3A_985 : vector<16xi32> to vector<16xi32>
    %swap3A_987 = vector.shape_cast %add3A_983 : vector<16xi32> to vector<16xi32>
    tpu.vector_store %arg18[%swap3A_984], %swap3A_987 {strides = array<i32>} : memref<512xi32, #tpu.memory_space<vmem>>, vector<16xi32>,
    %get3A_988 = arith.constant 16 : index
    %get3A_989 = tpu.vector_load %arg8[%get3A_988] {strides = array<i32>} : memref<512xi32, #tpu.memory_space<vmem>>, vector<16xi32>,
    %get3A_990 = vector.shape_cast %get3A_989 : vector<16xi32> to vector<16xi32>
    %mul3A_991 = arith.constant 16384 : i32
    %mul3A_992 = vector.broadcast %mul3A_991 : i32 to vector<16xi32>
    %mul3A_993 = arith.muli %get3A_990, %mul3A_992 : vector<16xi32>
    %add3A_994 = arith.constant 16 : i32
    %add3A_995 = arith.addi %mul3A_2, %add3A_994 : i32
    %add3A_996 = vector.broadcast %add3A_995 : i32 to vector<16xi32>
    %add3A_997 = arith.addi %mul3A_993, %add3A_996 : vector<16xi32>
    %add3A_998 = arith.addi %add3A_997, %iota3A : vector<16xi32>
    %swap3A_999 = arith.constant 16 : index
    %swap3A_1000 = tpu.vector_load %arg18[%swap3A_999] {strides = array<i32>} : memref<512xi32, #tpu.memory_space<vmem>>, vector<16xi32>,
    %swap3A_1001 = vector.shape_cast %swap3A_1000 : vector<16xi32> to vector<16xi32>
    %swap3A_1002 = vector.shape_cast %add3A_998 : vector<16xi32> to vector<16xi32>
    tpu.vector_store %arg18[%swap3A_999], %swap3A_1002 {strides = array<i32>} : memref<512xi32, #tpu.memory_space<vmem>>, vector<16xi32>,
    %get3A_1003 = arith.constant 32 : index
    %get3A_1004 = tpu.vector_load %arg8[%get3A_1003] {strides = array<i32>} : memref<512xi32, #tpu.memory_space<vmem>>, vector<16xi32>,
    %get3A_1005 = vector.shape_cast %get3A_1004 : vector<16xi32> to vector<16xi32>
    %mul3A_1006 = arith.constant 16384 : i32
    %mul3A_1007 = vector.broadcast %mul3A_1006 : i32 to vector<16xi32>
    %mul3A_1008 = arith.muli %get3A_1005, %mul3A_1007 : vector<16xi32>
    %add3A_1009 = arith.constant 32 : i32
    %add3A_1010 = arith.addi %mul3A_2, %add3A_1009 : i32
    %add3A_1011 = vector.broadcast %add3A_1010 : i32 to vector<16xi32>
    %add3A_1012 = arith.addi %mul3A_1008, %add3A_1011 : vector<16xi32>
    %add3A_1013 = arith.addi %add3A_1012, %iota3A : vector<16xi32>
    %swap3A_1014 = arith.constant 32 : index
    %swap3A_1015 = tpu.vector_load %arg18[%swap3A_1014] {strides = array<i32>} : memref<512xi32, #tpu.memory_space<vmem>>, vector<16xi32>,
    %swap3A_1016 = vector.shape_cast %swap3A_1015 : vector<16xi32> to vector<16xi32>
    %swap3A_1017 = vector.shape_cast %add3A_1013 : vector<16xi32> to vector<16xi32>
    tpu.vector_store %arg18[%swap3A_1014], %swap3A_1017 {strides = array<i32>} : memref<512xi32, #tpu.memory_space<vmem>>, vector<16xi32>,
    %get3A_1018 = arith.constant 48 : index
    %get3A_1019 = tpu.vector_load %arg8[%get3A_1018] {strides = array<i32>} : memref<512xi32, #tpu.memory_space<vmem>>, vector<16xi32>,
    %get3A_1020 = vector.shape_cast %get3A_1019 : vector<16xi32> to vector<16xi32>
    %mul3A_1021 = arith.constant 16384 : i32
    %mul3A_1022 = vector.broadcast %mul3A_1021 : i32 to vector<16xi32>
    %mul3A_1023 = arith.muli %get3A_1020, %mul3A_1022 : vector<16xi32>
    %add3A_1024 = arith.constant 48 : i32
    %add3A_1025 = arith.addi %mul3A_2, %add3A_1024 : i32
    %add3A_1026 = vector.broadcast %add3A_1025 : i32 to vector<16xi32>
    %add3A_1027 = arith.addi %mul3A_1023, %add3A_1026 : vector<16xi32>
    %add3A_1028 = arith.addi %add3A_1027, %iota3A : vector<16xi32>
    %swap3A_1029 = arith.constant 48 : index
    %swap3A_1030 = tpu.vector_load %arg18[%swap3A_1029] {strides = array<i32>} : memref<512xi32, #tpu.memory_space<vmem>>, vector<16xi32>,
    %swap3A_1031 = vector.shape_cast %swap3A_1030 : vector<16xi32> to vector<16xi32>
    %swap3A_1032 = vector.shape_cast %add3A_1028 : vector<16xi32> to vector<16xi32>
    tpu.vector_store %arg18[%swap3A_1029], %swap3A_1032 {strides = array<i32>} : memref<512xi32, #tpu.memory_space<vmem>>, vector<16xi32>,
    %get3A_1033 = arith.constant 64 : index
    %get3A_1034 = tpu.vector_load %arg8[%get3A_1033] {strides = array<i32>} : memref<512xi32, #tpu.memory_space<vmem>>, vector<16xi32>,
    %get3A_1035 = vector.shape_cast %get3A_1034 : vector<16xi32> to vector<16xi32>
    %mul3A_1036 = arith.constant 16384 : i32
    %mul3A_1037 = vector.broadcast %mul3A_1036 : i32 to vector<16xi32>
    %mul3A_1038 = arith.muli %get3A_1035, %mul3A_1037 : vector<16xi32>
    %add3A_1039 = arith.constant 64 : i32
    %add3A_1040 = arith.addi %mul3A_2, %add3A_1039 : i32
    %add3A_1041 = vector.broadcast %add3A_1040 : i32 to vector<16xi32>
    %add3A_1042 = arith.addi %mul3A_1038, %add3A_1041 : vector<16xi32>
    %add3A_1043 = arith.addi %add3A_1042, %iota3A : vector<16xi32>
    %swap3A_1044 = arith.constant 64 : index
    %swap3A_1045 = tpu.vector_load %arg18[%swap3A_1044] {strides = array<i32>} : memref<512xi32, #tpu.memory_space<vmem>>, vector<16xi32>,
    %swap3A_1046 = vector.shape_cast %swap3A_1045 : vector<16xi32> to vector<16xi32>
    %swap3A_1047 = vector.shape_cast %add3A_1043 : vector<16xi32> to vector<16xi32>
    tpu.vector_store %arg18[%swap3A_1044], %swap3A_1047 {strides = array<i32>} : memref<512xi32, #tpu.memory_space<vmem>>, vector<16xi32>,
    %get3A_1048 = arith.constant 80 : index
    %get3A_1049 = tpu.vector_load %arg8[%get3A_1048] {strides = array<i32>} : memref<512xi32, #tpu.memory_space<vmem>>, vector<16xi32>,
    %get3A_1050 = vector.shape_cast %get3A_1049 : vector<16xi32> to vector<16xi32>
    %mul3A_1051 = arith.constant 16384 : i32
    %mul3A_1052 = vector.broadcast %mul3A_1051 : i32 to vector<16xi32>
    %mul3A_1053 = arith.muli %get3A_1050, %mul3A_1052 : vector<16xi32>
    %add3A_1054 = arith.constant 80 : i32
    %add3A_1055 = arith.addi %mul3A_2, %add3A_1054 : i32
    %add3A_1056 = vector.broadcast %add3A_1055 : i32 to vector<16xi32>
    %add3A_1057 = arith.addi %mul3A_1053, %add3A_1056 : vector<16xi32>
    %add3A_1058 = arith.addi %add3A_1057, %iota3A : vector<16xi32>
    %swap3A_1059 = arith.constant 80 : index
    %swap3A_1060 = tpu.vector_load %arg18[%swap3A_1059] {strides = array<i32>} : memref<512xi32, #tpu.memory_space<vmem>>, vector<16xi32>,
    %swap3A_1061 = vector.shape_cast %swap3A_1060 : vector<16xi32> to vector<16xi32>
    %swap3A_1062 = vector.shape_cast %add3A_1058 : vector<16xi32> to vector<16xi32>
    tpu.vector_store %arg18[%swap3A_1059], %swap3A_1062 {strides = array<i32>} : memref<512xi32, #tpu.memory_space<vmem>>, vector<16xi32>,
    %get3A_1063 = arith.constant 96 : index
    %get3A_1064 = tpu.vector_load %arg8[%get3A_1063] {strides = array<i32>} : memref<512xi32, #tpu.memory_space<vmem>>, vector<16xi32>,
    %get3A_1065 = vector.shape_cast %get3A_1064 : vector<16xi32> to vector<16xi32>
    %mul3A_1066 = arith.constant 16384 : i32
    %mul3A_1067 = vector.broadcast %mul3A_1066 : i32 to vector<16xi32>
    %mul3A_1068 = arith.muli %get3A_1065, %mul3A_1067 : vector<16xi32>
    %add3A_1069 = arith.constant 96 : i32
    %add3A_1070 = arith.addi %mul3A_2, %add3A_1069 : i32
    %add3A_1071 = vector.broadcast %add3A_1070 : i32 to vector<16xi32>
    %add3A_1072 = arith.addi %mul3A_1068, %add3A_1071 : vector<16xi32>
    %add3A_1073 = arith.addi %add3A_1072, %iota3A : vector<16xi32>
    %swap3A_1074 = arith.constant 96 : index
    %swap3A_1075 = tpu.vector_load %arg18[%swap3A_1074] {strides = array<i32>} : memref<512xi32, #tpu.memory_space<vmem>>, vector<16xi32>,
    %swap3A_1076 = vector.shape_cast %swap3A_1075 : vector<16xi32> to vector<16xi32>
    %swap3A_1077 = vector.shape_cast %add3A_1073 : vector<16xi32> to vector<16xi32>
    tpu.vector_store %arg18[%swap3A_1074], %swap3A_1077 {strides = array<i32>} : memref<512xi32, #tpu.memory_space<vmem>>, vector<16xi32>,
    %get3A_1078 = arith.constant 112 : index
    %get3A_1079 = tpu.vector_load %arg8[%get3A_1078] {strides = array<i32>} : memref<512xi32, #tpu.memory_space<vmem>>, vector<16xi32>,
    %get3A_1080 = vector.shape_cast %get3A_1079 : vector<16xi32> to vector<16xi32>
    %mul3A_1081 = arith.constant 16384 : i32
    %mul3A_1082 = vector.broadcast %mul3A_1081 : i32 to vector<16xi32>
    %mul3A_1083 = arith.muli %get3A_1080, %mul3A_1082 : vector<16xi32>
    %add3A_1084 = arith.constant 112 : i32
    %add3A_1085 = arith.addi %mul3A_2, %add3A_1084 : i32
    %add3A_1086 = vector.broadcast %add3A_1085 : i32 to vector<16xi32>
    %add3A_1087 = arith.addi %mul3A_1083, %add3A_1086 : vector<16xi32>
    %add3A_1088 = arith.addi %add3A_1087, %iota3A : vector<16xi32>
    %swap3A_1089 = arith.constant 112 : index
    %swap3A_1090 = tpu.vector_load %arg18[%swap3A_1089] {strides = array<i32>} : memref<512xi32, #tpu.memory_space<vmem>>, vector<16xi32>,
    %swap3A_1091 = vector.shape_cast %swap3A_1090 : vector<16xi32> to vector<16xi32>
    %swap3A_1092 = vector.shape_cast %add3A_1088 : vector<16xi32> to vector<16xi32>
    tpu.vector_store %arg18[%swap3A_1089], %swap3A_1092 {strides = array<i32>} : memref<512xi32, #tpu.memory_space<vmem>>, vector<16xi32>,
    %get3A_1093 = arith.constant 128 : index
    %get3A_1094 = tpu.vector_load %arg8[%get3A_1093] {strides = array<i32>} : memref<512xi32, #tpu.memory_space<vmem>>, vector<16xi32>,
    %get3A_1095 = vector.shape_cast %get3A_1094 : vector<16xi32> to vector<16xi32>
    %mul3A_1096 = arith.constant 16384 : i32
    %mul3A_1097 = vector.broadcast %mul3A_1096 : i32 to vector<16xi32>
    %mul3A_1098 = arith.muli %get3A_1095, %mul3A_1097 : vector<16xi32>
    %add3A_1099 = arith.constant 128 : i32
    %add3A_1100 = arith.addi %mul3A_2, %add3A_1099 : i32
    %add3A_1101 = vector.broadcast %add3A_1100 : i32 to vector<16xi32>
    %add3A_1102 = arith.addi %mul3A_1098, %add3A_1101 : vector<16xi32>
    %add3A_1103 = arith.addi %add3A_1102, %iota3A : vector<16xi32>
    %swap3A_1104 = arith.constant 128 : index
    %swap3A_1105 = tpu.vector_load %arg18[%swap3A_1104] {strides = array<i32>} : memref<512xi32, #tpu.memory_space<vmem>>, vector<16xi32>,
    %swap3A_1106 = vector.shape_cast %swap3A_1105 : vector<16xi32> to vector<16xi32>
    %swap3A_1107 = vector.shape_cast %add3A_1103 : vector<16xi32> to vector<16xi32>
    tpu.vector_store %arg18[%swap3A_1104], %swap3A_1107 {strides = array<i32>} : memref<512xi32, #tpu.memory_space<vmem>>, vector<16xi32>,
    %get3A_1108 = arith.constant 144 : index
    %get3A_1109 = tpu.vector_load %arg8[%get3A_1108] {strides = array<i32>} : memref<512xi32, #tpu.memory_space<vmem>>, vector<16xi32>,
    %get3A_1110 = vector.shape_cast %get3A_1109 : vector<16xi32> to vector<16xi32>
    %mul3A_1111 = arith.constant 16384 : i32
    %mul3A_1112 = vector.broadcast %mul3A_1111 : i32 to vector<16xi32>
    %mul3A_1113 = arith.muli %get3A_1110, %mul3A_1112 : vector<16xi32>
    %add3A_1114 = arith.constant 144 : i32
    %add3A_1115 = arith.addi %mul3A_2, %add3A_1114 : i32
    %add3A_1116 = vector.broadcast %add3A_1115 : i32 to vector<16xi32>
    %add3A_1117 = arith.addi %mul3A_1113, %add3A_1116 : vector<16xi32>
    %add3A_1118 = arith.addi %add3A_1117, %iota3A : vector<16xi32>
    %swap3A_1119 = arith.constant 144 : index
    %swap3A_1120 = tpu.vector_load %arg18[%swap3A_1119] {strides = array<i32>} : memref<512xi32, #tpu.memory_space<vmem>>, vector<16xi32>,
    %swap3A_1121 = vector.shape_cast %swap3A_1120 : vector<16xi32> to vector<16xi32>
    %swap3A_1122 = vector.shape_cast %add3A_1118 : vector<16xi32> to vector<16xi32>
    tpu.vector_store %arg18[%swap3A_1119], %swap3A_1122 {strides = array<i32>} : memref<512xi32, #tpu.memory_space<vmem>>, vector<16xi32>,
    %get3A_1123 = arith.constant 160 : index
    %get3A_1124 = tpu.vector_load %arg8[%get3A_1123] {strides = array<i32>} : memref<512xi32, #tpu.memory_space<vmem>>, vector<16xi32>,
    %get3A_1125 = vector.shape_cast %get3A_1124 : vector<16xi32> to vector<16xi32>
    %mul3A_1126 = arith.constant 16384 : i32
    %mul3A_1127 = vector.broadcast %mul3A_1126 : i32 to vector<16xi32>
    %mul3A_1128 = arith.muli %get3A_1125, %mul3A_1127 : vector<16xi32>
    %add3A_1129 = arith.constant 160 : i32
    %add3A_1130 = arith.addi %mul3A_2, %add3A_1129 : i32
    %add3A_1131 = vector.broadcast %add3A_1130 : i32 to vector<16xi32>
    %add3A_1132 = arith.addi %mul3A_1128, %add3A_1131 : vector<16xi32>
    %add3A_1133 = arith.addi %add3A_1132, %iota3A : vector<16xi32>
    %swap3A_1134 = arith.constant 160 : index
    %swap3A_1135 = tpu.vector_load %arg18[%swap3A_1134] {strides = array<i32>} : memref<512xi32, #tpu.memory_space<vmem>>, vector<16xi32>,
    %swap3A_1136 = vector.shape_cast %swap3A_1135 : vector<16xi32> to vector<16xi32>
    %swap3A_1137 = vector.shape_cast %add3A_1133 : vector<16xi32> to vector<16xi32>
    tpu.vector_store %arg18[%swap3A_1134], %swap3A_1137 {strides = array<i32>} : memref<512xi32, #tpu.memory_space<vmem>>, vector<16xi32>,
    %get3A_1138 = arith.constant 176 : index
    %get3A_1139 = tpu.vector_load %arg8[%get3A_1138] {strides = array<i32>} : memref<512xi32, #tpu.memory_space<vmem>>, vector<16xi32>,
    %get3A_1140 = vector.shape_cast %get3A_1139 : vector<16xi32> to vector<16xi32>
    %mul3A_1141 = arith.constant 16384 : i32
    %mul3A_1142 = vector.broadcast %mul3A_1141 : i32 to vector<16xi32>
    %mul3A_1143 = arith.muli %get3A_1140, %mul3A_1142 : vector<16xi32>
    %add3A_1144 = arith.constant 176 : i32
    %add3A_1145 = arith.addi %mul3A_2, %add3A_1144 : i32
    %add3A_1146 = vector.broadcast %add3A_1145 : i32 to vector<16xi32>
    %add3A_1147 = arith.addi %mul3A_1143, %add3A_1146 : vector<16xi32>
    %add3A_1148 = arith.addi %add3A_1147, %iota3A : vector<16xi32>
    %swap3A_1149 = arith.constant 176 : index
    %swap3A_1150 = tpu.vector_load %arg18[%swap3A_1149] {strides = array<i32>} : memref<512xi32, #tpu.memory_space<vmem>>, vector<16xi32>,
    %swap3A_1151 = vector.shape_cast %swap3A_1150 : vector<16xi32> to vector<16xi32>
    %swap3A_1152 = vector.shape_cast %add3A_1148 : vector<16xi32> to vector<16xi32>
    tpu.vector_store %arg18[%swap3A_1149], %swap3A_1152 {strides = array<i32>} : memref<512xi32, #tpu.memory_space<vmem>>, vector<16xi32>,
    %get3A_1153 = arith.constant 192 : index
    %get3A_1154 = tpu.vector_load %arg8[%get3A_1153] {strides = array<i32>} : memref<512xi32, #tpu.memory_space<vmem>>, vector<16xi32>,
    %get3A_1155 = vector.shape_cast %get3A_1154 : vector<16xi32> to vector<16xi32>
    %mul3A_1156 = arith.constant 16384 : i32
    %mul3A_1157 = vector.broadcast %mul3A_1156 : i32 to vector<16xi32>
    %mul3A_1158 = arith.muli %get3A_1155, %mul3A_1157 : vector<16xi32>
    %add3A_1159 = arith.constant 192 : i32
    %add3A_1160 = arith.addi %mul3A_2, %add3A_1159 : i32
    %add3A_1161 = vector.broadcast %add3A_1160 : i32 to vector<16xi32>
    %add3A_1162 = arith.addi %mul3A_1158, %add3A_1161 : vector<16xi32>
    %add3A_1163 = arith.addi %add3A_1162, %iota3A : vector<16xi32>
    %swap3A_1164 = arith.constant 192 : index
    %swap3A_1165 = tpu.vector_load %arg18[%swap3A_1164] {strides = array<i32>} : memref<512xi32, #tpu.memory_space<vmem>>, vector<16xi32>,
    %swap3A_1166 = vector.shape_cast %swap3A_1165 : vector<16xi32> to vector<16xi32>
    %swap3A_1167 = vector.shape_cast %add3A_1163 : vector<16xi32> to vector<16xi32>
    tpu.vector_store %arg18[%swap3A_1164], %swap3A_1167 {strides = array<i32>} : memref<512xi32, #tpu.memory_space<vmem>>, vector<16xi32>,
    %get3A_1168 = arith.constant 208 : index
    %get3A_1169 = tpu.vector_load %arg8[%get3A_1168] {strides = array<i32>} : memref<512xi32, #tpu.memory_space<vmem>>, vector<16xi32>,
    %get3A_1170 = vector.shape_cast %get3A_1169 : vector<16xi32> to vector<16xi32>
    %mul3A_1171 = arith.constant 16384 : i32
    %mul3A_1172 = vector.broadcast %mul3A_1171 : i32 to vector<16xi32>
    %mul3A_1173 = arith.muli %get3A_1170, %mul3A_1172 : vector<16xi32>
    %add3A_1174 = arith.constant 208 : i32
    %add3A_1175 = arith.addi %mul3A_2, %add3A_1174 : i32
    %add3A_1176 = vector.broadcast %add3A_1175 : i32 to vector<16xi32>
    %add3A_1177 = arith.addi %mul3A_1173, %add3A_1176 : vector<16xi32>
    %add3A_1178 = arith.addi %add3A_1177, %iota3A : vector<16xi32>
    %swap3A_1179 = arith.constant 208 : index
    %swap3A_1180 = tpu.vector_load %arg18[%swap3A_1179] {strides = array<i32>} : memref<512xi32, #tpu.memory_space<vmem>>, vector<16xi32>,
    %swap3A_1181 = vector.shape_cast %swap3A_1180 : vector<16xi32> to vector<16xi32>
    %swap3A_1182 = vector.shape_cast %add3A_1178 : vector<16xi32> to vector<16xi32>
    tpu.vector_store %arg18[%swap3A_1179], %swap3A_1182 {strides = array<i32>} : memref<512xi32, #tpu.memory_space<vmem>>, vector<16xi32>,
    %get3A_1183 = arith.constant 224 : index
    %get3A_1184 = tpu.vector_load %arg8[%get3A_1183] {strides = array<i32>} : memref<512xi32, #tpu.memory_space<vmem>>, vector<16xi32>,
    %get3A_1185 = vector.shape_cast %get3A_1184 : vector<16xi32> to vector<16xi32>
    %mul3A_1186 = arith.constant 16384 : i32
    %mul3A_1187 = vector.broadcast %mul3A_1186 : i32 to vector<16xi32>
    %mul3A_1188 = arith.muli %get3A_1185, %mul3A_1187 : vector<16xi32>
    %add3A_1189 = arith.constant 224 : i32
    %add3A_1190 = arith.addi %mul3A_2, %add3A_1189 : i32
    %add3A_1191 = vector.broadcast %add3A_1190 : i32 to vector<16xi32>
    %add3A_1192 = arith.addi %mul3A_1188, %add3A_1191 : vector<16xi32>
    %add3A_1193 = arith.addi %add3A_1192, %iota3A : vector<16xi32>
    %swap3A_1194 = arith.constant 224 : index
    %swap3A_1195 = tpu.vector_load %arg18[%swap3A_1194] {strides = array<i32>} : memref<512xi32, #tpu.memory_space<vmem>>, vector<16xi32>,
    %swap3A_1196 = vector.shape_cast %swap3A_1195 : vector<16xi32> to vector<16xi32>
    %swap3A_1197 = vector.shape_cast %add3A_1193 : vector<16xi32> to vector<16xi32>
    tpu.vector_store %arg18[%swap3A_1194], %swap3A_1197 {strides = array<i32>} : memref<512xi32, #tpu.memory_space<vmem>>, vector<16xi32>,
    %get3A_1198 = arith.constant 240 : index
    %get3A_1199 = tpu.vector_load %arg8[%get3A_1198] {strides = array<i32>} : memref<512xi32, #tpu.memory_space<vmem>>, vector<16xi32>,
    %get3A_1200 = vector.shape_cast %get3A_1199 : vector<16xi32> to vector<16xi32>
    %mul3A_1201 = arith.constant 16384 : i32
    %mul3A_1202 = vector.broadcast %mul3A_1201 : i32 to vector<16xi32>
    %mul3A_1203 = arith.muli %get3A_1200, %mul3A_1202 : vector<16xi32>
    %add3A_1204 = arith.constant 240 : i32
    %add3A_1205 = arith.addi %mul3A_2, %add3A_1204 : i32
    %add3A_1206 = vector.broadcast %add3A_1205 : i32 to vector<16xi32>
    %add3A_1207 = arith.addi %mul3A_1203, %add3A_1206 : vector<16xi32>
    %add3A_1208 = arith.addi %add3A_1207, %iota3A : vector<16xi32>
    %swap3A_1209 = arith.constant 240 : index
    %swap3A_1210 = tpu.vector_load %arg18[%swap3A_1209] {strides = array<i32>} : memref<512xi32, #tpu.memory_space<vmem>>, vector<16xi32>,
    %swap3A_1211 = vector.shape_cast %swap3A_1210 : vector<16xi32> to vector<16xi32>
    %swap3A_1212 = vector.shape_cast %add3A_1208 : vector<16xi32> to vector<16xi32>
    tpu.vector_store %arg18[%swap3A_1209], %swap3A_1212 {strides = array<i32>} : memref<512xi32, #tpu.memory_space<vmem>>, vector<16xi32>,
    %get3A_1213 = arith.constant 256 : index
    %get3A_1214 = tpu.vector_load %arg8[%get3A_1213] {strides = array<i32>} : memref<512xi32, #tpu.memory_space<vmem>>, vector<16xi32>,
    %get3A_1215 = vector.shape_cast %get3A_1214 : vector<16xi32> to vector<16xi32>
    %mul3A_1216 = arith.constant 16384 : i32
    %mul3A_1217 = vector.broadcast %mul3A_1216 : i32 to vector<16xi32>
    %mul3A_1218 = arith.muli %get3A_1215, %mul3A_1217 : vector<16xi32>
    %add3A_1219 = arith.constant 256 : i32
    %add3A_1220 = arith.addi %mul3A_2, %add3A_1219 : i32
    %add3A_1221 = vector.broadcast %add3A_1220 : i32 to vector<16xi32>
    %add3A_1222 = arith.addi %mul3A_1218, %add3A_1221 : vector<16xi32>
    %add3A_1223 = arith.addi %add3A_1222, %iota3A : vector<16xi32>
    %swap3A_1224 = arith.constant 256 : index
    %swap3A_1225 = tpu.vector_load %arg18[%swap3A_1224] {strides = array<i32>} : memref<512xi32, #tpu.memory_space<vmem>>, vector<16xi32>,
    %swap3A_1226 = vector.shape_cast %swap3A_1225 : vector<16xi32> to vector<16xi32>
    %swap3A_1227 = vector.shape_cast %add3A_1223 : vector<16xi32> to vector<16xi32>
    tpu.vector_store %arg18[%swap3A_1224], %swap3A_1227 {strides = array<i32>} : memref<512xi32, #tpu.memory_space<vmem>>, vector<16xi32>,
    %get3A_1228 = arith.constant 272 : index
    %get3A_1229 = tpu.vector_load %arg8[%get3A_1228] {strides = array<i32>} : memref<512xi32, #tpu.memory_space<vmem>>, vector<16xi32>,
    %get3A_1230 = vector.shape_cast %get3A_1229 : vector<16xi32> to vector<16xi32>
    %mul3A_1231 = arith.constant 16384 : i32
    %mul3A_1232 = vector.broadcast %mul3A_1231 : i32 to vector<16xi32>
    %mul3A_1233 = arith.muli %get3A_1230, %mul3A_1232 : vector<16xi32>
    %add3A_1234 = arith.constant 272 : i32
    %add3A_1235 = arith.addi %mul3A_2, %add3A_1234 : i32
    %add3A_1236 = vector.broadcast %add3A_1235 : i32 to vector<16xi32>
    %add3A_1237 = arith.addi %mul3A_1233, %add3A_1236 : vector<16xi32>
    %add3A_1238 = arith.addi %add3A_1237, %iota3A : vector<16xi32>
    %swap3A_1239 = arith.constant 272 : index
    %swap3A_1240 = tpu.vector_load %arg18[%swap3A_1239] {strides = array<i32>} : memref<512xi32, #tpu.memory_space<vmem>>, vector<16xi32>,
    %swap3A_1241 = vector.shape_cast %swap3A_1240 : vector<16xi32> to vector<16xi32>
    %swap3A_1242 = vector.shape_cast %add3A_1238 : vector<16xi32> to vector<16xi32>
    tpu.vector_store %arg18[%swap3A_1239], %swap3A_1242 {strides = array<i32>} : memref<512xi32, #tpu.memory_space<vmem>>, vector<16xi32>,
    %get3A_1243 = arith.constant 288 : index
    %get3A_1244 = tpu.vector_load %arg8[%get3A_1243] {strides = array<i32>} : memref<512xi32, #tpu.memory_space<vmem>>, vector<16xi32>,
    %get3A_1245 = vector.shape_cast %get3A_1244 : vector<16xi32> to vector<16xi32>
    %mul3A_1246 = arith.constant 16384 : i32
    %mul3A_1247 = vector.broadcast %mul3A_1246 : i32 to vector<16xi32>
    %mul3A_1248 = arith.muli %get3A_1245, %mul3A_1247 : vector<16xi32>
    %add3A_1249 = arith.constant 288 : i32
    %add3A_1250 = arith.addi %mul3A_2, %add3A_1249 : i32
    %add3A_1251 = vector.broadcast %add3A_1250 : i32 to vector<16xi32>
    %add3A_1252 = arith.addi %mul3A_1248, %add3A_1251 : vector<16xi32>
    %add3A_1253 = arith.addi %add3A_1252, %iota3A : vector<16xi32>
    %swap3A_1254 = arith.constant 288 : index
    %swap3A_1255 = tpu.vector_load %arg18[%swap3A_1254] {strides = array<i32>} : memref<512xi32, #tpu.memory_space<vmem>>, vector<16xi32>,
    %swap3A_1256 = vector.shape_cast %swap3A_1255 : vector<16xi32> to vector<16xi32>
    %swap3A_1257 = vector.shape_cast %add3A_1253 : vector<16xi32> to vector<16xi32>
    tpu.vector_store %arg18[%swap3A_1254], %swap3A_1257 {strides = array<i32>} : memref<512xi32, #tpu.memory_space<vmem>>, vector<16xi32>,
    %get3A_1258 = arith.constant 304 : index
    %get3A_1259 = tpu.vector_load %arg8[%get3A_1258] {strides = array<i32>} : memref<512xi32, #tpu.memory_space<vmem>>, vector<16xi32>,
    %get3A_1260 = vector.shape_cast %get3A_1259 : vector<16xi32> to vector<16xi32>
    %mul3A_1261 = arith.constant 16384 : i32
    %mul3A_1262 = vector.broadcast %mul3A_1261 : i32 to vector<16xi32>
    %mul3A_1263 = arith.muli %get3A_1260, %mul3A_1262 : vector<16xi32>
    %add3A_1264 = arith.constant 304 : i32
    %add3A_1265 = arith.addi %mul3A_2, %add3A_1264 : i32
    %add3A_1266 = vector.broadcast %add3A_1265 : i32 to vector<16xi32>
    %add3A_1267 = arith.addi %mul3A_1263, %add3A_1266 : vector<16xi32>
    %add3A_1268 = arith.addi %add3A_1267, %iota3A : vector<16xi32>
    %swap3A_1269 = arith.constant 304 : index
    %swap3A_1270 = tpu.vector_load %arg18[%swap3A_1269] {strides = array<i32>} : memref<512xi32, #tpu.memory_space<vmem>>, vector<16xi32>,
    %swap3A_1271 = vector.shape_cast %swap3A_1270 : vector<16xi32> to vector<16xi32>
    %swap3A_1272 = vector.shape_cast %add3A_1268 : vector<16xi32> to vector<16xi32>
    tpu.vector_store %arg18[%swap3A_1269], %swap3A_1272 {strides = array<i32>} : memref<512xi32, #tpu.memory_space<vmem>>, vector<16xi32>,
    %get3A_1273 = arith.constant 320 : index
    %get3A_1274 = tpu.vector_load %arg8[%get3A_1273] {strides = array<i32>} : memref<512xi32, #tpu.memory_space<vmem>>, vector<16xi32>,
    %get3A_1275 = vector.shape_cast %get3A_1274 : vector<16xi32> to vector<16xi32>
    %mul3A_1276 = arith.constant 16384 : i32
    %mul3A_1277 = vector.broadcast %mul3A_1276 : i32 to vector<16xi32>
    %mul3A_1278 = arith.muli %get3A_1275, %mul3A_1277 : vector<16xi32>
    %add3A_1279 = arith.constant 320 : i32
    %add3A_1280 = arith.addi %mul3A_2, %add3A_1279 : i32
    %add3A_1281 = vector.broadcast %add3A_1280 : i32 to vector<16xi32>
    %add3A_1282 = arith.addi %mul3A_1278, %add3A_1281 : vector<16xi32>
    %add3A_1283 = arith.addi %add3A_1282, %iota3A : vector<16xi32>
    %swap3A_1284 = arith.constant 320 : index
    %swap3A_1285 = tpu.vector_load %arg18[%swap3A_1284] {strides = array<i32>} : memref<512xi32, #tpu.memory_space<vmem>>, vector<16xi32>,
    %swap3A_1286 = vector.shape_cast %swap3A_1285 : vector<16xi32> to vector<16xi32>
    %swap3A_1287 = vector.shape_cast %add3A_1283 : vector<16xi32> to vector<16xi32>
    tpu.vector_store %arg18[%swap3A_1284], %swap3A_1287 {strides = array<i32>} : memref<512xi32, #tpu.memory_space<vmem>>, vector<16xi32>,
    %get3A_1288 = arith.constant 336 : index
    %get3A_1289 = tpu.vector_load %arg8[%get3A_1288] {strides = array<i32>} : memref<512xi32, #tpu.memory_space<vmem>>, vector<16xi32>,
    %get3A_1290 = vector.shape_cast %get3A_1289 : vector<16xi32> to vector<16xi32>
    %mul3A_1291 = arith.constant 16384 : i32
    %mul3A_1292 = vector.broadcast %mul3A_1291 : i32 to vector<16xi32>
    %mul3A_1293 = arith.muli %get3A_1290, %mul3A_1292 : vector<16xi32>
    %add3A_1294 = arith.constant 336 : i32
    %add3A_1295 = arith.addi %mul3A_2, %add3A_1294 : i32
    %add3A_1296 = vector.broadcast %add3A_1295 : i32 to vector<16xi32>
    %add3A_1297 = arith.addi %mul3A_1293, %add3A_1296 : vector<16xi32>
    %add3A_1298 = arith.addi %add3A_1297, %iota3A : vector<16xi32>
    %swap3A_1299 = arith.constant 336 : index
    %swap3A_1300 = tpu.vector_load %arg18[%swap3A_1299] {strides = array<i32>} : memref<512xi32, #tpu.memory_space<vmem>>, vector<16xi32>,
    %swap3A_1301 = vector.shape_cast %swap3A_1300 : vector<16xi32> to vector<16xi32>
    %swap3A_1302 = vector.shape_cast %add3A_1298 : vector<16xi32> to vector<16xi32>
    tpu.vector_store %arg18[%swap3A_1299], %swap3A_1302 {strides = array<i32>} : memref<512xi32, #tpu.memory_space<vmem>>, vector<16xi32>,
    %get3A_1303 = arith.constant 352 : index
    %get3A_1304 = tpu.vector_load %arg8[%get3A_1303] {strides = array<i32>} : memref<512xi32, #tpu.memory_space<vmem>>, vector<16xi32>,
    %get3A_1305 = vector.shape_cast %get3A_1304 : vector<16xi32> to vector<16xi32>
    %mul3A_1306 = arith.constant 16384 : i32
    %mul3A_1307 = vector.broadcast %mul3A_1306 : i32 to vector<16xi32>
    %mul3A_1308 = arith.muli %get3A_1305, %mul3A_1307 : vector<16xi32>
    %add3A_1309 = arith.constant 352 : i32
    %add3A_1310 = arith.addi %mul3A_2, %add3A_1309 : i32
    %add3A_1311 = vector.broadcast %add3A_1310 : i32 to vector<16xi32>
    %add3A_1312 = arith.addi %mul3A_1308, %add3A_1311 : vector<16xi32>
    %add3A_1313 = arith.addi %add3A_1312, %iota3A : vector<16xi32>
    %swap3A_1314 = arith.constant 352 : index
    %swap3A_1315 = tpu.vector_load %arg18[%swap3A_1314] {strides = array<i32>} : memref<512xi32, #tpu.memory_space<vmem>>, vector<16xi32>,
    %swap3A_1316 = vector.shape_cast %swap3A_1315 : vector<16xi32> to vector<16xi32>
    %swap3A_1317 = vector.shape_cast %add3A_1313 : vector<16xi32> to vector<16xi32>
    tpu.vector_store %arg18[%swap3A_1314], %swap3A_1317 {strides = array<i32>} : memref<512xi32, #tpu.memory_space<vmem>>, vector<16xi32>,
    %get3A_1318 = arith.constant 368 : index
    %get3A_1319 = tpu.vector_load %arg8[%get3A_1318] {strides = array<i32>} : memref<512xi32, #tpu.memory_space<vmem>>, vector<16xi32>,
    %get3A_1320 = vector.shape_cast %get3A_1319 : vector<16xi32> to vector<16xi32>
    %mul3A_1321 = arith.constant 16384 : i32
    %mul3A_1322 = vector.broadcast %mul3A_1321 : i32 to vector<16xi32>
    %mul3A_1323 = arith.muli %get3A_1320, %mul3A_1322 : vector<16xi32>
    %add3A_1324 = arith.constant 368 : i32
    %add3A_1325 = arith.addi %mul3A_2, %add3A_1324 : i32
    %add3A_1326 = vector.broadcast %add3A_1325 : i32 to vector<16xi32>
    %add3A_1327 = arith.addi %mul3A_1323, %add3A_1326 : vector<16xi32>
    %add3A_1328 = arith.addi %add3A_1327, %iota3A : vector<16xi32>
    %swap3A_1329 = arith.constant 368 : index
    %swap3A_1330 = tpu.vector_load %arg18[%swap3A_1329] {strides = array<i32>} : memref<512xi32, #tpu.memory_space<vmem>>, vector<16xi32>,
    %swap3A_1331 = vector.shape_cast %swap3A_1330 : vector<16xi32> to vector<16xi32>
    %swap3A_1332 = vector.shape_cast %add3A_1328 : vector<16xi32> to vector<16xi32>
    tpu.vector_store %arg18[%swap3A_1329], %swap3A_1332 {strides = array<i32>} : memref<512xi32, #tpu.memory_space<vmem>>, vector<16xi32>,
    %get3A_1333 = arith.constant 384 : index
    %get3A_1334 = tpu.vector_load %arg8[%get3A_1333] {strides = array<i32>} : memref<512xi32, #tpu.memory_space<vmem>>, vector<16xi32>,
    %get3A_1335 = vector.shape_cast %get3A_1334 : vector<16xi32> to vector<16xi32>
    %mul3A_1336 = arith.constant 16384 : i32
    %mul3A_1337 = vector.broadcast %mul3A_1336 : i32 to vector<16xi32>
    %mul3A_1338 = arith.muli %get3A_1335, %mul3A_1337 : vector<16xi32>
    %add3A_1339 = arith.constant 384 : i32
    %add3A_1340 = arith.addi %mul3A_2, %add3A_1339 : i32
    %add3A_1341 = vector.broadcast %add3A_1340 : i32 to vector<16xi32>
    %add3A_1342 = arith.addi %mul3A_1338, %add3A_1341 : vector<16xi32>
    %add3A_1343 = arith.addi %add3A_1342, %iota3A : vector<16xi32>
    %swap3A_1344 = arith.constant 384 : index
    %swap3A_1345 = tpu.vector_load %arg18[%swap3A_1344] {strides = array<i32>} : memref<512xi32, #tpu.memory_space<vmem>>, vector<16xi32>,
    %swap3A_1346 = vector.shape_cast %swap3A_1345 : vector<16xi32> to vector<16xi32>
    %swap3A_1347 = vector.shape_cast %add3A_1343 : vector<16xi32> to vector<16xi32>
    tpu.vector_store %arg18[%swap3A_1344], %swap3A_1347 {strides = array<i32>} : memref<512xi32, #tpu.memory_space<vmem>>, vector<16xi32>,
    %get3A_1348 = arith.constant 400 : index
    %get3A_1349 = tpu.vector_load %arg8[%get3A_1348] {strides = array<i32>} : memref<512xi32, #tpu.memory_space<vmem>>, vector<16xi32>,
    %get3A_1350 = vector.shape_cast %get3A_1349 : vector<16xi32> to vector<16xi32>
    %mul3A_1351 = arith.constant 16384 : i32
    %mul3A_1352 = vector.broadcast %mul3A_1351 : i32 to vector<16xi32>
    %mul3A_1353 = arith.muli %get3A_1350, %mul3A_1352 : vector<16xi32>
    %add3A_1354 = arith.constant 400 : i32
    %add3A_1355 = arith.addi %mul3A_2, %add3A_1354 : i32
    %add3A_1356 = vector.broadcast %add3A_1355 : i32 to vector<16xi32>
    %add3A_1357 = arith.addi %mul3A_1353, %add3A_1356 : vector<16xi32>
    %add3A_1358 = arith.addi %add3A_1357, %iota3A : vector<16xi32>
    %swap3A_1359 = arith.constant 400 : index
    %swap3A_1360 = tpu.vector_load %arg18[%swap3A_1359] {strides = array<i32>} : memref<512xi32, #tpu.memory_space<vmem>>, vector<16xi32>,
    %swap3A_1361 = vector.shape_cast %swap3A_1360 : vector<16xi32> to vector<16xi32>
    %swap3A_1362 = vector.shape_cast %add3A_1358 : vector<16xi32> to vector<16xi32>
    tpu.vector_store %arg18[%swap3A_1359], %swap3A_1362 {strides = array<i32>} : memref<512xi32, #tpu.memory_space<vmem>>, vector<16xi32>,
    %get3A_1363 = arith.constant 416 : index
    %get3A_1364 = tpu.vector_load %arg8[%get3A_1363] {strides = array<i32>} : memref<512xi32, #tpu.memory_space<vmem>>, vector<16xi32>,
    %get3A_1365 = vector.shape_cast %get3A_1364 : vector<16xi32> to vector<16xi32>
    %mul3A_1366 = arith.constant 16384 : i32
    %mul3A_1367 = vector.broadcast %mul3A_1366 : i32 to vector<16xi32>
    %mul3A_1368 = arith.muli %get3A_1365, %mul3A_1367 : vector<16xi32>
    %add3A_1369 = arith.constant 416 : i32
    %add3A_1370 = arith.addi %mul3A_2, %add3A_1369 : i32
    %add3A_1371 = vector.broadcast %add3A_1370 : i32 to vector<16xi32>
    %add3A_1372 = arith.addi %mul3A_1368, %add3A_1371 : vector<16xi32>
    %add3A_1373 = arith.addi %add3A_1372, %iota3A : vector<16xi32>
    %swap3A_1374 = arith.constant 416 : index
    %swap3A_1375 = tpu.vector_load %arg18[%swap3A_1374] {strides = array<i32>} : memref<512xi32, #tpu.memory_space<vmem>>, vector<16xi32>,
    %swap3A_1376 = vector.shape_cast %swap3A_1375 : vector<16xi32> to vector<16xi32>
    %swap3A_1377 = vector.shape_cast %add3A_1373 : vector<16xi32> to vector<16xi32>
    tpu.vector_store %arg18[%swap3A_1374], %swap3A_1377 {strides = array<i32>} : memref<512xi32, #tpu.memory_space<vmem>>, vector<16xi32>,
    %get3A_1378 = arith.constant 432 : index
    %get3A_1379 = tpu.vector_load %arg8[%get3A_1378] {strides = array<i32>} : memref<512xi32, #tpu.memory_space<vmem>>, vector<16xi32>,
    %get3A_1380 = vector.shape_cast %get3A_1379 : vector<16xi32> to vector<16xi32>
    %mul3A_1381 = arith.constant 16384 : i32
    %mul3A_1382 = vector.broadcast %mul3A_1381 : i32 to vector<16xi32>
    %mul3A_1383 = arith.muli %get3A_1380, %mul3A_1382 : vector<16xi32>
    %add3A_1384 = arith.constant 432 : i32
    %add3A_1385 = arith.addi %mul3A_2, %add3A_1384 : i32
    %add3A_1386 = vector.broadcast %add3A_1385 : i32 to vector<16xi32>
    %add3A_1387 = arith.addi %mul3A_1383, %add3A_1386 : vector<16xi32>
    %add3A_1388 = arith.addi %add3A_1387, %iota3A : vector<16xi32>
    %swap3A_1389 = arith.constant 432 : index
    %swap3A_1390 = tpu.vector_load %arg18[%swap3A_1389] {strides = array<i32>} : memref<512xi32, #tpu.memory_space<vmem>>, vector<16xi32>,
    %swap3A_1391 = vector.shape_cast %swap3A_1390 : vector<16xi32> to vector<16xi32>
    %swap3A_1392 = vector.shape_cast %add3A_1388 : vector<16xi32> to vector<16xi32>
    tpu.vector_store %arg18[%swap3A_1389], %swap3A_1392 {strides = array<i32>} : memref<512xi32, #tpu.memory_space<vmem>>, vector<16xi32>,
    %get3A_1393 = arith.constant 448 : index
    %get3A_1394 = tpu.vector_load %arg8[%get3A_1393] {strides = array<i32>} : memref<512xi32, #tpu.memory_space<vmem>>, vector<16xi32>,
    %get3A_1395 = vector.shape_cast %get3A_1394 : vector<16xi32> to vector<16xi32>
    %mul3A_1396 = arith.constant 16384 : i32
    %mul3A_1397 = vector.broadcast %mul3A_1396 : i32 to vector<16xi32>
    %mul3A_1398 = arith.muli %get3A_1395, %mul3A_1397 : vector<16xi32>
    %add3A_1399 = arith.constant 448 : i32
    %add3A_1400 = arith.addi %mul3A_2, %add3A_1399 : i32
    %add3A_1401 = vector.broadcast %add3A_1400 : i32 to vector<16xi32>
    %add3A_1402 = arith.addi %mul3A_1398, %add3A_1401 : vector<16xi32>
    %add3A_1403 = arith.addi %add3A_1402, %iota3A : vector<16xi32>
    %swap3A_1404 = arith.constant 448 : index
    %swap3A_1405 = tpu.vector_load %arg18[%swap3A_1404] {strides = array<i32>} : memref<512xi32, #tpu.memory_space<vmem>>, vector<16xi32>,
    %swap3A_1406 = vector.shape_cast %swap3A_1405 : vector<16xi32> to vector<16xi32>
    %swap3A_1407 = vector.shape_cast %add3A_1403 : vector<16xi32> to vector<16xi32>
    tpu.vector_store %arg18[%swap3A_1404], %swap3A_1407 {strides = array<i32>} : memref<512xi32, #tpu.memory_space<vmem>>, vector<16xi32>,
    %get3A_1408 = arith.constant 464 : index
    %get3A_1409 = tpu.vector_load %arg8[%get3A_1408] {strides = array<i32>} : memref<512xi32, #tpu.memory_space<vmem>>, vector<16xi32>,
    %get3A_1410 = vector.shape_cast %get3A_1409 : vector<16xi32> to vector<16xi32>
    %mul3A_1411 = arith.constant 16384 : i32
    %mul3A_1412 = vector.broadcast %mul3A_1411 : i32 to vector<16xi32>
    %mul3A_1413 = arith.muli %get3A_1410, %mul3A_1412 : vector<16xi32>
    %add3A_1414 = arith.constant 464 : i32
    %add3A_1415 = arith.addi %mul3A_2, %add3A_1414 : i32
    %add3A_1416 = vector.broadcast %add3A_1415 : i32 to vector<16xi32>
    %add3A_1417 = arith.addi %mul3A_1413, %add3A_1416 : vector<16xi32>
    %add3A_1418 = arith.addi %add3A_1417, %iota3A : vector<16xi32>
    %swap3A_1419 = arith.constant 464 : index
    %swap3A_1420 = tpu.vector_load %arg18[%swap3A_1419] {strides = array<i32>} : memref<512xi32, #tpu.memory_space<vmem>>, vector<16xi32>,
    %swap3A_1421 = vector.shape_cast %swap3A_1420 : vector<16xi32> to vector<16xi32>
    %swap3A_1422 = vector.shape_cast %add3A_1418 : vector<16xi32> to vector<16xi32>
    tpu.vector_store %arg18[%swap3A_1419], %swap3A_1422 {strides = array<i32>} : memref<512xi32, #tpu.memory_space<vmem>>, vector<16xi32>,
    %get3A_1423 = arith.constant 480 : index
    %get3A_1424 = tpu.vector_load %arg8[%get3A_1423] {strides = array<i32>} : memref<512xi32, #tpu.memory_space<vmem>>, vector<16xi32>,
    %get3A_1425 = vector.shape_cast %get3A_1424 : vector<16xi32> to vector<16xi32>
    %mul3A_1426 = arith.constant 16384 : i32
    %mul3A_1427 = vector.broadcast %mul3A_1426 : i32 to vector<16xi32>
    %mul3A_1428 = arith.muli %get3A_1425, %mul3A_1427 : vector<16xi32>
    %add3A_1429 = arith.constant 480 : i32
    %add3A_1430 = arith.addi %mul3A_2, %add3A_1429 : i32
    %add3A_1431 = vector.broadcast %add3A_1430 : i32 to vector<16xi32>
    %add3A_1432 = arith.addi %mul3A_1428, %add3A_1431 : vector<16xi32>
    %add3A_1433 = arith.addi %add3A_1432, %iota3A : vector<16xi32>
    %swap3A_1434 = arith.constant 480 : index
    %swap3A_1435 = tpu.vector_load %arg18[%swap3A_1434] {strides = array<i32>} : memref<512xi32, #tpu.memory_space<vmem>>, vector<16xi32>,
    %swap3A_1436 = vector.shape_cast %swap3A_1435 : vector<16xi32> to vector<16xi32>
    %swap3A_1437 = vector.shape_cast %add3A_1433 : vector<16xi32> to vector<16xi32>
    tpu.vector_store %arg18[%swap3A_1434], %swap3A_1437 {strides = array<i32>} : memref<512xi32, #tpu.memory_space<vmem>>, vector<16xi32>,
    %get3A_1438 = arith.constant 496 : index
    %get3A_1439 = tpu.vector_load %arg8[%get3A_1438] {strides = array<i32>} : memref<512xi32, #tpu.memory_space<vmem>>, vector<16xi32>,
    %get3A_1440 = vector.shape_cast %get3A_1439 : vector<16xi32> to vector<16xi32>
    %mul3A_1441 = arith.constant 16384 : i32
    %mul3A_1442 = vector.broadcast %mul3A_1441 : i32 to vector<16xi32>
    %mul3A_1443 = arith.muli %get3A_1440, %mul3A_1442 : vector<16xi32>
    %add3A_1444 = arith.constant 496 : i32
    %add3A_1445 = arith.addi %mul3A_2, %add3A_1444 : i32
    %add3A_1446 = vector.broadcast %add3A_1445 : i32 to vector<16xi32>
    %add3A_1447 = arith.addi %mul3A_1443, %add3A_1446 : vector<16xi32>
    %add3A_1448 = arith.addi %add3A_1447, %iota3A : vector<16xi32>
    %swap3A_1449 = arith.constant 496 : index
    %swap3A_1450 = tpu.vector_load %arg18[%swap3A_1449] {strides = array<i32>} : memref<512xi32, #tpu.memory_space<vmem>>, vector<16xi32>,
    %swap3A_1451 = vector.shape_cast %swap3A_1450 : vector<16xi32> to vector<16xi32>
    %swap3A_1452 = vector.shape_cast %add3A_1448 : vector<16xi32> to vector<16xi32>
    tpu.vector_store %arg18[%swap3A_1449], %swap3A_1452 {strides = array<i32>} : memref<512xi32, #tpu.memory_space<vmem>>, vector<16xi32>,
    %add3A_1453 = arith.constant 49152 : i32
    %add3A_1454 = arith.addi %add3A_1453, %mul3A_2 : i32
    "tpu.region"() ({
      %run_scoped3A = tpu.sem_alloc : memref<!tpu.dma_semaphore, #tpu.memory_space<semaphore_mem>>
      %dma_start3A_2439 = tpu.memref_slice %arg2[%add3A_1454] : memref<81920xi32, #tpu.memory_space<hbm>> -> memref<512xi32, #tpu.memory_space<hbm>>
      %dma_start3A_2440 = tpu.memref_slice %arg2[%add3A_1454] : memref<81920xi32, #tpu.memory_space<hbm>> -> memref<512xi32, #tpu.memory_space<hbm>>
      tpu.enqueue_dma source(%dma_start3A_2440 : memref<512xi32, #tpu.memory_space<hbm>>) target(%arg9 : memref<512xi32, #tpu.memory_space<vmem>>) target_semaphore(%run_scoped3A : memref<!tpu.dma_semaphore, #tpu.memory_space<semaphore_mem>>)
      %dma_wait3A_2441 = tpu.memref_slice %arg2[%add3A_1454] : memref<81920xi32, #tpu.memory_space<hbm>> -> memref<512xi32, #tpu.memory_space<hbm>>
      %dma_wait3A_2442 = tpu.memref_slice %arg2[%add3A_1454] : memref<81920xi32, #tpu.memory_space<hbm>> -> memref<512xi32, #tpu.memory_space<hbm>>
      tpu.wait_dma2 semaphore(%run_scoped3A : memref<!tpu.dma_semaphore, #tpu.memory_space<semaphore_mem>>) src(%dma_wait3A_2442 : memref<512xi32, #tpu.memory_space<hbm>>) dst(%arg9 : memref<512xi32, #tpu.memory_space<vmem>>)
      tpu.yield
    }) : () -> ()
    %add3A_1455 = arith.constant 49152 : i32
    %add3A_1456 = arith.addi %add3A_1455, %mul3A_2 : i32
    "tpu.region"() ({
      %run_scoped3A = tpu.sem_alloc : memref<!tpu.dma_semaphore, #tpu.memory_space<semaphore_mem>>
      %dma_start3A_2439 = tpu.memref_slice %arg3[%add3A_1456] : memref<81920xf32, #tpu.memory_space<hbm>> -> memref<512xf32, #tpu.memory_space<hbm>>
      %dma_start3A_2440 = tpu.memref_slice %arg3[%add3A_1456] : memref<81920xf32, #tpu.memory_space<hbm>> -> memref<512xf32, #tpu.memory_space<hbm>>
      tpu.enqueue_dma source(%dma_start3A_2440 : memref<512xf32, #tpu.memory_space<hbm>>) target(%arg14 : memref<512xf32, #tpu.memory_space<vmem>>) target_semaphore(%run_scoped3A : memref<!tpu.dma_semaphore, #tpu.memory_space<semaphore_mem>>)
      %dma_wait3A_2441 = tpu.memref_slice %arg3[%add3A_1456] : memref<81920xf32, #tpu.memory_space<hbm>> -> memref<512xf32, #tpu.memory_space<hbm>>
      %dma_wait3A_2442 = tpu.memref_slice %arg3[%add3A_1456] : memref<81920xf32, #tpu.memory_space<hbm>> -> memref<512xf32, #tpu.memory_space<hbm>>
      tpu.wait_dma2 semaphore(%run_scoped3A : memref<!tpu.dma_semaphore, #tpu.memory_space<semaphore_mem>>) src(%dma_wait3A_2442 : memref<512xf32, #tpu.memory_space<hbm>>) dst(%arg14 : memref<512xf32, #tpu.memory_space<vmem>>)
      tpu.yield
    }) : () -> ()
    %get3A_1457 = arith.constant 0 : index
    %get3A_1458 = tpu.vector_load %arg9[%get3A_1457] {strides = array<i32>} : memref<512xi32, #tpu.memory_space<vmem>>, vector<16xi32>,
    %get3A_1459 = vector.shape_cast %get3A_1458 : vector<16xi32> to vector<16xi32>
    %mul3A_1460 = arith.constant 16384 : i32
    %mul3A_1461 = vector.broadcast %mul3A_1460 : i32 to vector<16xi32>
    %mul3A_1462 = arith.muli %get3A_1459, %mul3A_1461 : vector<16xi32>
    %add3A_1463 = arith.constant 0 : i32
    %add3A_1464 = arith.addi %mul3A_2, %add3A_1463 : i32
    %add3A_1465 = vector.broadcast %add3A_1464 : i32 to vector<16xi32>
    %add3A_1466 = arith.addi %mul3A_1462, %add3A_1465 : vector<16xi32>
    %add3A_1467 = arith.addi %add3A_1466, %iota3A : vector<16xi32>
    %swap3A_1468 = arith.constant 0 : index
    %swap3A_1469 = tpu.vector_load %arg19[%swap3A_1468] {strides = array<i32>} : memref<512xi32, #tpu.memory_space<vmem>>, vector<16xi32>,
    %swap3A_1470 = vector.shape_cast %swap3A_1469 : vector<16xi32> to vector<16xi32>
    %swap3A_1471 = vector.shape_cast %add3A_1467 : vector<16xi32> to vector<16xi32>
    tpu.vector_store %arg19[%swap3A_1468], %swap3A_1471 {strides = array<i32>} : memref<512xi32, #tpu.memory_space<vmem>>, vector<16xi32>,
    %get3A_1472 = arith.constant 16 : index
    %get3A_1473 = tpu.vector_load %arg9[%get3A_1472] {strides = array<i32>} : memref<512xi32, #tpu.memory_space<vmem>>, vector<16xi32>,
    %get3A_1474 = vector.shape_cast %get3A_1473 : vector<16xi32> to vector<16xi32>
    %mul3A_1475 = arith.constant 16384 : i32
    %mul3A_1476 = vector.broadcast %mul3A_1475 : i32 to vector<16xi32>
    %mul3A_1477 = arith.muli %get3A_1474, %mul3A_1476 : vector<16xi32>
    %add3A_1478 = arith.constant 16 : i32
    %add3A_1479 = arith.addi %mul3A_2, %add3A_1478 : i32
    %add3A_1480 = vector.broadcast %add3A_1479 : i32 to vector<16xi32>
    %add3A_1481 = arith.addi %mul3A_1477, %add3A_1480 : vector<16xi32>
    %add3A_1482 = arith.addi %add3A_1481, %iota3A : vector<16xi32>
    %swap3A_1483 = arith.constant 16 : index
    %swap3A_1484 = tpu.vector_load %arg19[%swap3A_1483] {strides = array<i32>} : memref<512xi32, #tpu.memory_space<vmem>>, vector<16xi32>,
    %swap3A_1485 = vector.shape_cast %swap3A_1484 : vector<16xi32> to vector<16xi32>
    %swap3A_1486 = vector.shape_cast %add3A_1482 : vector<16xi32> to vector<16xi32>
    tpu.vector_store %arg19[%swap3A_1483], %swap3A_1486 {strides = array<i32>} : memref<512xi32, #tpu.memory_space<vmem>>, vector<16xi32>,
    %get3A_1487 = arith.constant 32 : index
    %get3A_1488 = tpu.vector_load %arg9[%get3A_1487] {strides = array<i32>} : memref<512xi32, #tpu.memory_space<vmem>>, vector<16xi32>,
    %get3A_1489 = vector.shape_cast %get3A_1488 : vector<16xi32> to vector<16xi32>
    %mul3A_1490 = arith.constant 16384 : i32
    %mul3A_1491 = vector.broadcast %mul3A_1490 : i32 to vector<16xi32>
    %mul3A_1492 = arith.muli %get3A_1489, %mul3A_1491 : vector<16xi32>
    %add3A_1493 = arith.constant 32 : i32
    %add3A_1494 = arith.addi %mul3A_2, %add3A_1493 : i32
    %add3A_1495 = vector.broadcast %add3A_1494 : i32 to vector<16xi32>
    %add3A_1496 = arith.addi %mul3A_1492, %add3A_1495 : vector<16xi32>
    %add3A_1497 = arith.addi %add3A_1496, %iota3A : vector<16xi32>
    %swap3A_1498 = arith.constant 32 : index
    %swap3A_1499 = tpu.vector_load %arg19[%swap3A_1498] {strides = array<i32>} : memref<512xi32, #tpu.memory_space<vmem>>, vector<16xi32>,
    %swap3A_1500 = vector.shape_cast %swap3A_1499 : vector<16xi32> to vector<16xi32>
    %swap3A_1501 = vector.shape_cast %add3A_1497 : vector<16xi32> to vector<16xi32>
    tpu.vector_store %arg19[%swap3A_1498], %swap3A_1501 {strides = array<i32>} : memref<512xi32, #tpu.memory_space<vmem>>, vector<16xi32>,
    %get3A_1502 = arith.constant 48 : index
    %get3A_1503 = tpu.vector_load %arg9[%get3A_1502] {strides = array<i32>} : memref<512xi32, #tpu.memory_space<vmem>>, vector<16xi32>,
    %get3A_1504 = vector.shape_cast %get3A_1503 : vector<16xi32> to vector<16xi32>
    %mul3A_1505 = arith.constant 16384 : i32
    %mul3A_1506 = vector.broadcast %mul3A_1505 : i32 to vector<16xi32>
    %mul3A_1507 = arith.muli %get3A_1504, %mul3A_1506 : vector<16xi32>
    %add3A_1508 = arith.constant 48 : i32
    %add3A_1509 = arith.addi %mul3A_2, %add3A_1508 : i32
    %add3A_1510 = vector.broadcast %add3A_1509 : i32 to vector<16xi32>
    %add3A_1511 = arith.addi %mul3A_1507, %add3A_1510 : vector<16xi32>
    %add3A_1512 = arith.addi %add3A_1511, %iota3A : vector<16xi32>
    %swap3A_1513 = arith.constant 48 : index
    %swap3A_1514 = tpu.vector_load %arg19[%swap3A_1513] {strides = array<i32>} : memref<512xi32, #tpu.memory_space<vmem>>, vector<16xi32>,
    %swap3A_1515 = vector.shape_cast %swap3A_1514 : vector<16xi32> to vector<16xi32>
    %swap3A_1516 = vector.shape_cast %add3A_1512 : vector<16xi32> to vector<16xi32>
    tpu.vector_store %arg19[%swap3A_1513], %swap3A_1516 {strides = array<i32>} : memref<512xi32, #tpu.memory_space<vmem>>, vector<16xi32>,
    %get3A_1517 = arith.constant 64 : index
    %get3A_1518 = tpu.vector_load %arg9[%get3A_1517] {strides = array<i32>} : memref<512xi32, #tpu.memory_space<vmem>>, vector<16xi32>,
    %get3A_1519 = vector.shape_cast %get3A_1518 : vector<16xi32> to vector<16xi32>
    %mul3A_1520 = arith.constant 16384 : i32
    %mul3A_1521 = vector.broadcast %mul3A_1520 : i32 to vector<16xi32>
    %mul3A_1522 = arith.muli %get3A_1519, %mul3A_1521 : vector<16xi32>
    %add3A_1523 = arith.constant 64 : i32
    %add3A_1524 = arith.addi %mul3A_2, %add3A_1523 : i32
    %add3A_1525 = vector.broadcast %add3A_1524 : i32 to vector<16xi32>
    %add3A_1526 = arith.addi %mul3A_1522, %add3A_1525 : vector<16xi32>
    %add3A_1527 = arith.addi %add3A_1526, %iota3A : vector<16xi32>
    %swap3A_1528 = arith.constant 64 : index
    %swap3A_1529 = tpu.vector_load %arg19[%swap3A_1528] {strides = array<i32>} : memref<512xi32, #tpu.memory_space<vmem>>, vector<16xi32>,
    %swap3A_1530 = vector.shape_cast %swap3A_1529 : vector<16xi32> to vector<16xi32>
    %swap3A_1531 = vector.shape_cast %add3A_1527 : vector<16xi32> to vector<16xi32>
    tpu.vector_store %arg19[%swap3A_1528], %swap3A_1531 {strides = array<i32>} : memref<512xi32, #tpu.memory_space<vmem>>, vector<16xi32>,
    %get3A_1532 = arith.constant 80 : index
    %get3A_1533 = tpu.vector_load %arg9[%get3A_1532] {strides = array<i32>} : memref<512xi32, #tpu.memory_space<vmem>>, vector<16xi32>,
    %get3A_1534 = vector.shape_cast %get3A_1533 : vector<16xi32> to vector<16xi32>
    %mul3A_1535 = arith.constant 16384 : i32
    %mul3A_1536 = vector.broadcast %mul3A_1535 : i32 to vector<16xi32>
    %mul3A_1537 = arith.muli %get3A_1534, %mul3A_1536 : vector<16xi32>
    %add3A_1538 = arith.constant 80 : i32
    %add3A_1539 = arith.addi %mul3A_2, %add3A_1538 : i32
    %add3A_1540 = vector.broadcast %add3A_1539 : i32 to vector<16xi32>
    %add3A_1541 = arith.addi %mul3A_1537, %add3A_1540 : vector<16xi32>
    %add3A_1542 = arith.addi %add3A_1541, %iota3A : vector<16xi32>
    %swap3A_1543 = arith.constant 80 : index
    %swap3A_1544 = tpu.vector_load %arg19[%swap3A_1543] {strides = array<i32>} : memref<512xi32, #tpu.memory_space<vmem>>, vector<16xi32>,
    %swap3A_1545 = vector.shape_cast %swap3A_1544 : vector<16xi32> to vector<16xi32>
    %swap3A_1546 = vector.shape_cast %add3A_1542 : vector<16xi32> to vector<16xi32>
    tpu.vector_store %arg19[%swap3A_1543], %swap3A_1546 {strides = array<i32>} : memref<512xi32, #tpu.memory_space<vmem>>, vector<16xi32>,
    %get3A_1547 = arith.constant 96 : index
    %get3A_1548 = tpu.vector_load %arg9[%get3A_1547] {strides = array<i32>} : memref<512xi32, #tpu.memory_space<vmem>>, vector<16xi32>,
    %get3A_1549 = vector.shape_cast %get3A_1548 : vector<16xi32> to vector<16xi32>
    %mul3A_1550 = arith.constant 16384 : i32
    %mul3A_1551 = vector.broadcast %mul3A_1550 : i32 to vector<16xi32>
    %mul3A_1552 = arith.muli %get3A_1549, %mul3A_1551 : vector<16xi32>
    %add3A_1553 = arith.constant 96 : i32
    %add3A_1554 = arith.addi %mul3A_2, %add3A_1553 : i32
    %add3A_1555 = vector.broadcast %add3A_1554 : i32 to vector<16xi32>
    %add3A_1556 = arith.addi %mul3A_1552, %add3A_1555 : vector<16xi32>
    %add3A_1557 = arith.addi %add3A_1556, %iota3A : vector<16xi32>
    %swap3A_1558 = arith.constant 96 : index
    %swap3A_1559 = tpu.vector_load %arg19[%swap3A_1558] {strides = array<i32>} : memref<512xi32, #tpu.memory_space<vmem>>, vector<16xi32>,
    %swap3A_1560 = vector.shape_cast %swap3A_1559 : vector<16xi32> to vector<16xi32>
    %swap3A_1561 = vector.shape_cast %add3A_1557 : vector<16xi32> to vector<16xi32>
    tpu.vector_store %arg19[%swap3A_1558], %swap3A_1561 {strides = array<i32>} : memref<512xi32, #tpu.memory_space<vmem>>, vector<16xi32>,
    %get3A_1562 = arith.constant 112 : index
    %get3A_1563 = tpu.vector_load %arg9[%get3A_1562] {strides = array<i32>} : memref<512xi32, #tpu.memory_space<vmem>>, vector<16xi32>,
    %get3A_1564 = vector.shape_cast %get3A_1563 : vector<16xi32> to vector<16xi32>
    %mul3A_1565 = arith.constant 16384 : i32
    %mul3A_1566 = vector.broadcast %mul3A_1565 : i32 to vector<16xi32>
    %mul3A_1567 = arith.muli %get3A_1564, %mul3A_1566 : vector<16xi32>
    %add3A_1568 = arith.constant 112 : i32
    %add3A_1569 = arith.addi %mul3A_2, %add3A_1568 : i32
    %add3A_1570 = vector.broadcast %add3A_1569 : i32 to vector<16xi32>
    %add3A_1571 = arith.addi %mul3A_1567, %add3A_1570 : vector<16xi32>
    %add3A_1572 = arith.addi %add3A_1571, %iota3A : vector<16xi32>
    %swap3A_1573 = arith.constant 112 : index
    %swap3A_1574 = tpu.vector_load %arg19[%swap3A_1573] {strides = array<i32>} : memref<512xi32, #tpu.memory_space<vmem>>, vector<16xi32>,
    %swap3A_1575 = vector.shape_cast %swap3A_1574 : vector<16xi32> to vector<16xi32>
    %swap3A_1576 = vector.shape_cast %add3A_1572 : vector<16xi32> to vector<16xi32>
    tpu.vector_store %arg19[%swap3A_1573], %swap3A_1576 {strides = array<i32>} : memref<512xi32, #tpu.memory_space<vmem>>, vector<16xi32>,
    %get3A_1577 = arith.constant 128 : index
    %get3A_1578 = tpu.vector_load %arg9[%get3A_1577] {strides = array<i32>} : memref<512xi32, #tpu.memory_space<vmem>>, vector<16xi32>,
    %get3A_1579 = vector.shape_cast %get3A_1578 : vector<16xi32> to vector<16xi32>
    %mul3A_1580 = arith.constant 16384 : i32
    %mul3A_1581 = vector.broadcast %mul3A_1580 : i32 to vector<16xi32>
    %mul3A_1582 = arith.muli %get3A_1579, %mul3A_1581 : vector<16xi32>
    %add3A_1583 = arith.constant 128 : i32
    %add3A_1584 = arith.addi %mul3A_2, %add3A_1583 : i32
    %add3A_1585 = vector.broadcast %add3A_1584 : i32 to vector<16xi32>
    %add3A_1586 = arith.addi %mul3A_1582, %add3A_1585 : vector<16xi32>
    %add3A_1587 = arith.addi %add3A_1586, %iota3A : vector<16xi32>
    %swap3A_1588 = arith.constant 128 : index
    %swap3A_1589 = tpu.vector_load %arg19[%swap3A_1588] {strides = array<i32>} : memref<512xi32, #tpu.memory_space<vmem>>, vector<16xi32>,
    %swap3A_1590 = vector.shape_cast %swap3A_1589 : vector<16xi32> to vector<16xi32>
    %swap3A_1591 = vector.shape_cast %add3A_1587 : vector<16xi32> to vector<16xi32>
    tpu.vector_store %arg19[%swap3A_1588], %swap3A_1591 {strides = array<i32>} : memref<512xi32, #tpu.memory_space<vmem>>, vector<16xi32>,
    %get3A_1592 = arith.constant 144 : index
    %get3A_1593 = tpu.vector_load %arg9[%get3A_1592] {strides = array<i32>} : memref<512xi32, #tpu.memory_space<vmem>>, vector<16xi32>,
    %get3A_1594 = vector.shape_cast %get3A_1593 : vector<16xi32> to vector<16xi32>
    %mul3A_1595 = arith.constant 16384 : i32
    %mul3A_1596 = vector.broadcast %mul3A_1595 : i32 to vector<16xi32>
    %mul3A_1597 = arith.muli %get3A_1594, %mul3A_1596 : vector<16xi32>
    %add3A_1598 = arith.constant 144 : i32
    %add3A_1599 = arith.addi %mul3A_2, %add3A_1598 : i32
    %add3A_1600 = vector.broadcast %add3A_1599 : i32 to vector<16xi32>
    %add3A_1601 = arith.addi %mul3A_1597, %add3A_1600 : vector<16xi32>
    %add3A_1602 = arith.addi %add3A_1601, %iota3A : vector<16xi32>
    %swap3A_1603 = arith.constant 144 : index
    %swap3A_1604 = tpu.vector_load %arg19[%swap3A_1603] {strides = array<i32>} : memref<512xi32, #tpu.memory_space<vmem>>, vector<16xi32>,
    %swap3A_1605 = vector.shape_cast %swap3A_1604 : vector<16xi32> to vector<16xi32>
    %swap3A_1606 = vector.shape_cast %add3A_1602 : vector<16xi32> to vector<16xi32>
    tpu.vector_store %arg19[%swap3A_1603], %swap3A_1606 {strides = array<i32>} : memref<512xi32, #tpu.memory_space<vmem>>, vector<16xi32>,
    %get3A_1607 = arith.constant 160 : index
    %get3A_1608 = tpu.vector_load %arg9[%get3A_1607] {strides = array<i32>} : memref<512xi32, #tpu.memory_space<vmem>>, vector<16xi32>,
    %get3A_1609 = vector.shape_cast %get3A_1608 : vector<16xi32> to vector<16xi32>
    %mul3A_1610 = arith.constant 16384 : i32
    %mul3A_1611 = vector.broadcast %mul3A_1610 : i32 to vector<16xi32>
    %mul3A_1612 = arith.muli %get3A_1609, %mul3A_1611 : vector<16xi32>
    %add3A_1613 = arith.constant 160 : i32
    %add3A_1614 = arith.addi %mul3A_2, %add3A_1613 : i32
    %add3A_1615 = vector.broadcast %add3A_1614 : i32 to vector<16xi32>
    %add3A_1616 = arith.addi %mul3A_1612, %add3A_1615 : vector<16xi32>
    %add3A_1617 = arith.addi %add3A_1616, %iota3A : vector<16xi32>
    %swap3A_1618 = arith.constant 160 : index
    %swap3A_1619 = tpu.vector_load %arg19[%swap3A_1618] {strides = array<i32>} : memref<512xi32, #tpu.memory_space<vmem>>, vector<16xi32>,
    %swap3A_1620 = vector.shape_cast %swap3A_1619 : vector<16xi32> to vector<16xi32>
    %swap3A_1621 = vector.shape_cast %add3A_1617 : vector<16xi32> to vector<16xi32>
    tpu.vector_store %arg19[%swap3A_1618], %swap3A_1621 {strides = array<i32>} : memref<512xi32, #tpu.memory_space<vmem>>, vector<16xi32>,
    %get3A_1622 = arith.constant 176 : index
    %get3A_1623 = tpu.vector_load %arg9[%get3A_1622] {strides = array<i32>} : memref<512xi32, #tpu.memory_space<vmem>>, vector<16xi32>,
    %get3A_1624 = vector.shape_cast %get3A_1623 : vector<16xi32> to vector<16xi32>
    %mul3A_1625 = arith.constant 16384 : i32
    %mul3A_1626 = vector.broadcast %mul3A_1625 : i32 to vector<16xi32>
    %mul3A_1627 = arith.muli %get3A_1624, %mul3A_1626 : vector<16xi32>
    %add3A_1628 = arith.constant 176 : i32
    %add3A_1629 = arith.addi %mul3A_2, %add3A_1628 : i32
    %add3A_1630 = vector.broadcast %add3A_1629 : i32 to vector<16xi32>
    %add3A_1631 = arith.addi %mul3A_1627, %add3A_1630 : vector<16xi32>
    %add3A_1632 = arith.addi %add3A_1631, %iota3A : vector<16xi32>
    %swap3A_1633 = arith.constant 176 : index
    %swap3A_1634 = tpu.vector_load %arg19[%swap3A_1633] {strides = array<i32>} : memref<512xi32, #tpu.memory_space<vmem>>, vector<16xi32>,
    %swap3A_1635 = vector.shape_cast %swap3A_1634 : vector<16xi32> to vector<16xi32>
    %swap3A_1636 = vector.shape_cast %add3A_1632 : vector<16xi32> to vector<16xi32>
    tpu.vector_store %arg19[%swap3A_1633], %swap3A_1636 {strides = array<i32>} : memref<512xi32, #tpu.memory_space<vmem>>, vector<16xi32>,
    %get3A_1637 = arith.constant 192 : index
    %get3A_1638 = tpu.vector_load %arg9[%get3A_1637] {strides = array<i32>} : memref<512xi32, #tpu.memory_space<vmem>>, vector<16xi32>,
    %get3A_1639 = vector.shape_cast %get3A_1638 : vector<16xi32> to vector<16xi32>
    %mul3A_1640 = arith.constant 16384 : i32
    %mul3A_1641 = vector.broadcast %mul3A_1640 : i32 to vector<16xi32>
    %mul3A_1642 = arith.muli %get3A_1639, %mul3A_1641 : vector<16xi32>
    %add3A_1643 = arith.constant 192 : i32
    %add3A_1644 = arith.addi %mul3A_2, %add3A_1643 : i32
    %add3A_1645 = vector.broadcast %add3A_1644 : i32 to vector<16xi32>
    %add3A_1646 = arith.addi %mul3A_1642, %add3A_1645 : vector<16xi32>
    %add3A_1647 = arith.addi %add3A_1646, %iota3A : vector<16xi32>
    %swap3A_1648 = arith.constant 192 : index
    %swap3A_1649 = tpu.vector_load %arg19[%swap3A_1648] {strides = array<i32>} : memref<512xi32, #tpu.memory_space<vmem>>, vector<16xi32>,
    %swap3A_1650 = vector.shape_cast %swap3A_1649 : vector<16xi32> to vector<16xi32>
    %swap3A_1651 = vector.shape_cast %add3A_1647 : vector<16xi32> to vector<16xi32>
    tpu.vector_store %arg19[%swap3A_1648], %swap3A_1651 {strides = array<i32>} : memref<512xi32, #tpu.memory_space<vmem>>, vector<16xi32>,
    %get3A_1652 = arith.constant 208 : index
    %get3A_1653 = tpu.vector_load %arg9[%get3A_1652] {strides = array<i32>} : memref<512xi32, #tpu.memory_space<vmem>>, vector<16xi32>,
    %get3A_1654 = vector.shape_cast %get3A_1653 : vector<16xi32> to vector<16xi32>
    %mul3A_1655 = arith.constant 16384 : i32
    %mul3A_1656 = vector.broadcast %mul3A_1655 : i32 to vector<16xi32>
    %mul3A_1657 = arith.muli %get3A_1654, %mul3A_1656 : vector<16xi32>
    %add3A_1658 = arith.constant 208 : i32
    %add3A_1659 = arith.addi %mul3A_2, %add3A_1658 : i32
    %add3A_1660 = vector.broadcast %add3A_1659 : i32 to vector<16xi32>
    %add3A_1661 = arith.addi %mul3A_1657, %add3A_1660 : vector<16xi32>
    %add3A_1662 = arith.addi %add3A_1661, %iota3A : vector<16xi32>
    %swap3A_1663 = arith.constant 208 : index
    %swap3A_1664 = tpu.vector_load %arg19[%swap3A_1663] {strides = array<i32>} : memref<512xi32, #tpu.memory_space<vmem>>, vector<16xi32>,
    %swap3A_1665 = vector.shape_cast %swap3A_1664 : vector<16xi32> to vector<16xi32>
    %swap3A_1666 = vector.shape_cast %add3A_1662 : vector<16xi32> to vector<16xi32>
    tpu.vector_store %arg19[%swap3A_1663], %swap3A_1666 {strides = array<i32>} : memref<512xi32, #tpu.memory_space<vmem>>, vector<16xi32>,
    %get3A_1667 = arith.constant 224 : index
    %get3A_1668 = tpu.vector_load %arg9[%get3A_1667] {strides = array<i32>} : memref<512xi32, #tpu.memory_space<vmem>>, vector<16xi32>,
    %get3A_1669 = vector.shape_cast %get3A_1668 : vector<16xi32> to vector<16xi32>
    %mul3A_1670 = arith.constant 16384 : i32
    %mul3A_1671 = vector.broadcast %mul3A_1670 : i32 to vector<16xi32>
    %mul3A_1672 = arith.muli %get3A_1669, %mul3A_1671 : vector<16xi32>
    %add3A_1673 = arith.constant 224 : i32
    %add3A_1674 = arith.addi %mul3A_2, %add3A_1673 : i32
    %add3A_1675 = vector.broadcast %add3A_1674 : i32 to vector<16xi32>
    %add3A_1676 = arith.addi %mul3A_1672, %add3A_1675 : vector<16xi32>
    %add3A_1677 = arith.addi %add3A_1676, %iota3A : vector<16xi32>
    %swap3A_1678 = arith.constant 224 : index
    %swap3A_1679 = tpu.vector_load %arg19[%swap3A_1678] {strides = array<i32>} : memref<512xi32, #tpu.memory_space<vmem>>, vector<16xi32>,
    %swap3A_1680 = vector.shape_cast %swap3A_1679 : vector<16xi32> to vector<16xi32>
    %swap3A_1681 = vector.shape_cast %add3A_1677 : vector<16xi32> to vector<16xi32>
    tpu.vector_store %arg19[%swap3A_1678], %swap3A_1681 {strides = array<i32>} : memref<512xi32, #tpu.memory_space<vmem>>, vector<16xi32>,
    %get3A_1682 = arith.constant 240 : index
    %get3A_1683 = tpu.vector_load %arg9[%get3A_1682] {strides = array<i32>} : memref<512xi32, #tpu.memory_space<vmem>>, vector<16xi32>,
    %get3A_1684 = vector.shape_cast %get3A_1683 : vector<16xi32> to vector<16xi32>
    %mul3A_1685 = arith.constant 16384 : i32
    %mul3A_1686 = vector.broadcast %mul3A_1685 : i32 to vector<16xi32>
    %mul3A_1687 = arith.muli %get3A_1684, %mul3A_1686 : vector<16xi32>
    %add3A_1688 = arith.constant 240 : i32
    %add3A_1689 = arith.addi %mul3A_2, %add3A_1688 : i32
    %add3A_1690 = vector.broadcast %add3A_1689 : i32 to vector<16xi32>
    %add3A_1691 = arith.addi %mul3A_1687, %add3A_1690 : vector<16xi32>
    %add3A_1692 = arith.addi %add3A_1691, %iota3A : vector<16xi32>
    %swap3A_1693 = arith.constant 240 : index
    %swap3A_1694 = tpu.vector_load %arg19[%swap3A_1693] {strides = array<i32>} : memref<512xi32, #tpu.memory_space<vmem>>, vector<16xi32>,
    %swap3A_1695 = vector.shape_cast %swap3A_1694 : vector<16xi32> to vector<16xi32>
    %swap3A_1696 = vector.shape_cast %add3A_1692 : vector<16xi32> to vector<16xi32>
    tpu.vector_store %arg19[%swap3A_1693], %swap3A_1696 {strides = array<i32>} : memref<512xi32, #tpu.memory_space<vmem>>, vector<16xi32>,
    %get3A_1697 = arith.constant 256 : index
    %get3A_1698 = tpu.vector_load %arg9[%get3A_1697] {strides = array<i32>} : memref<512xi32, #tpu.memory_space<vmem>>, vector<16xi32>,
    %get3A_1699 = vector.shape_cast %get3A_1698 : vector<16xi32> to vector<16xi32>
    %mul3A_1700 = arith.constant 16384 : i32
    %mul3A_1701 = vector.broadcast %mul3A_1700 : i32 to vector<16xi32>
    %mul3A_1702 = arith.muli %get3A_1699, %mul3A_1701 : vector<16xi32>
    %add3A_1703 = arith.constant 256 : i32
    %add3A_1704 = arith.addi %mul3A_2, %add3A_1703 : i32
    %add3A_1705 = vector.broadcast %add3A_1704 : i32 to vector<16xi32>
    %add3A_1706 = arith.addi %mul3A_1702, %add3A_1705 : vector<16xi32>
    %add3A_1707 = arith.addi %add3A_1706, %iota3A : vector<16xi32>
    %swap3A_1708 = arith.constant 256 : index
    %swap3A_1709 = tpu.vector_load %arg19[%swap3A_1708] {strides = array<i32>} : memref<512xi32, #tpu.memory_space<vmem>>, vector<16xi32>,
    %swap3A_1710 = vector.shape_cast %swap3A_1709 : vector<16xi32> to vector<16xi32>
    %swap3A_1711 = vector.shape_cast %add3A_1707 : vector<16xi32> to vector<16xi32>
    tpu.vector_store %arg19[%swap3A_1708], %swap3A_1711 {strides = array<i32>} : memref<512xi32, #tpu.memory_space<vmem>>, vector<16xi32>,
    %get3A_1712 = arith.constant 272 : index
    %get3A_1713 = tpu.vector_load %arg9[%get3A_1712] {strides = array<i32>} : memref<512xi32, #tpu.memory_space<vmem>>, vector<16xi32>,
    %get3A_1714 = vector.shape_cast %get3A_1713 : vector<16xi32> to vector<16xi32>
    %mul3A_1715 = arith.constant 16384 : i32
    %mul3A_1716 = vector.broadcast %mul3A_1715 : i32 to vector<16xi32>
    %mul3A_1717 = arith.muli %get3A_1714, %mul3A_1716 : vector<16xi32>
    %add3A_1718 = arith.constant 272 : i32
    %add3A_1719 = arith.addi %mul3A_2, %add3A_1718 : i32
    %add3A_1720 = vector.broadcast %add3A_1719 : i32 to vector<16xi32>
    %add3A_1721 = arith.addi %mul3A_1717, %add3A_1720 : vector<16xi32>
    %add3A_1722 = arith.addi %add3A_1721, %iota3A : vector<16xi32>
    %swap3A_1723 = arith.constant 272 : index
    %swap3A_1724 = tpu.vector_load %arg19[%swap3A_1723] {strides = array<i32>} : memref<512xi32, #tpu.memory_space<vmem>>, vector<16xi32>,
    %swap3A_1725 = vector.shape_cast %swap3A_1724 : vector<16xi32> to vector<16xi32>
    %swap3A_1726 = vector.shape_cast %add3A_1722 : vector<16xi32> to vector<16xi32>
    tpu.vector_store %arg19[%swap3A_1723], %swap3A_1726 {strides = array<i32>} : memref<512xi32, #tpu.memory_space<vmem>>, vector<16xi32>,
    %get3A_1727 = arith.constant 288 : index
    %get3A_1728 = tpu.vector_load %arg9[%get3A_1727] {strides = array<i32>} : memref<512xi32, #tpu.memory_space<vmem>>, vector<16xi32>,
    %get3A_1729 = vector.shape_cast %get3A_1728 : vector<16xi32> to vector<16xi32>
    %mul3A_1730 = arith.constant 16384 : i32
    %mul3A_1731 = vector.broadcast %mul3A_1730 : i32 to vector<16xi32>
    %mul3A_1732 = arith.muli %get3A_1729, %mul3A_1731 : vector<16xi32>
    %add3A_1733 = arith.constant 288 : i32
    %add3A_1734 = arith.addi %mul3A_2, %add3A_1733 : i32
    %add3A_1735 = vector.broadcast %add3A_1734 : i32 to vector<16xi32>
    %add3A_1736 = arith.addi %mul3A_1732, %add3A_1735 : vector<16xi32>
    %add3A_1737 = arith.addi %add3A_1736, %iota3A : vector<16xi32>
    %swap3A_1738 = arith.constant 288 : index
    %swap3A_1739 = tpu.vector_load %arg19[%swap3A_1738] {strides = array<i32>} : memref<512xi32, #tpu.memory_space<vmem>>, vector<16xi32>,
    %swap3A_1740 = vector.shape_cast %swap3A_1739 : vector<16xi32> to vector<16xi32>
    %swap3A_1741 = vector.shape_cast %add3A_1737 : vector<16xi32> to vector<16xi32>
    tpu.vector_store %arg19[%swap3A_1738], %swap3A_1741 {strides = array<i32>} : memref<512xi32, #tpu.memory_space<vmem>>, vector<16xi32>,
    %get3A_1742 = arith.constant 304 : index
    %get3A_1743 = tpu.vector_load %arg9[%get3A_1742] {strides = array<i32>} : memref<512xi32, #tpu.memory_space<vmem>>, vector<16xi32>,
    %get3A_1744 = vector.shape_cast %get3A_1743 : vector<16xi32> to vector<16xi32>
    %mul3A_1745 = arith.constant 16384 : i32
    %mul3A_1746 = vector.broadcast %mul3A_1745 : i32 to vector<16xi32>
    %mul3A_1747 = arith.muli %get3A_1744, %mul3A_1746 : vector<16xi32>
    %add3A_1748 = arith.constant 304 : i32
    %add3A_1749 = arith.addi %mul3A_2, %add3A_1748 : i32
    %add3A_1750 = vector.broadcast %add3A_1749 : i32 to vector<16xi32>
    %add3A_1751 = arith.addi %mul3A_1747, %add3A_1750 : vector<16xi32>
    %add3A_1752 = arith.addi %add3A_1751, %iota3A : vector<16xi32>
    %swap3A_1753 = arith.constant 304 : index
    %swap3A_1754 = tpu.vector_load %arg19[%swap3A_1753] {strides = array<i32>} : memref<512xi32, #tpu.memory_space<vmem>>, vector<16xi32>,
    %swap3A_1755 = vector.shape_cast %swap3A_1754 : vector<16xi32> to vector<16xi32>
    %swap3A_1756 = vector.shape_cast %add3A_1752 : vector<16xi32> to vector<16xi32>
    tpu.vector_store %arg19[%swap3A_1753], %swap3A_1756 {strides = array<i32>} : memref<512xi32, #tpu.memory_space<vmem>>, vector<16xi32>,
    %get3A_1757 = arith.constant 320 : index
    %get3A_1758 = tpu.vector_load %arg9[%get3A_1757] {strides = array<i32>} : memref<512xi32, #tpu.memory_space<vmem>>, vector<16xi32>,
    %get3A_1759 = vector.shape_cast %get3A_1758 : vector<16xi32> to vector<16xi32>
    %mul3A_1760 = arith.constant 16384 : i32
    %mul3A_1761 = vector.broadcast %mul3A_1760 : i32 to vector<16xi32>
    %mul3A_1762 = arith.muli %get3A_1759, %mul3A_1761 : vector<16xi32>
    %add3A_1763 = arith.constant 320 : i32
    %add3A_1764 = arith.addi %mul3A_2, %add3A_1763 : i32
    %add3A_1765 = vector.broadcast %add3A_1764 : i32 to vector<16xi32>
    %add3A_1766 = arith.addi %mul3A_1762, %add3A_1765 : vector<16xi32>
    %add3A_1767 = arith.addi %add3A_1766, %iota3A : vector<16xi32>
    %swap3A_1768 = arith.constant 320 : index
    %swap3A_1769 = tpu.vector_load %arg19[%swap3A_1768] {strides = array<i32>} : memref<512xi32, #tpu.memory_space<vmem>>, vector<16xi32>,
    %swap3A_1770 = vector.shape_cast %swap3A_1769 : vector<16xi32> to vector<16xi32>
    %swap3A_1771 = vector.shape_cast %add3A_1767 : vector<16xi32> to vector<16xi32>
    tpu.vector_store %arg19[%swap3A_1768], %swap3A_1771 {strides = array<i32>} : memref<512xi32, #tpu.memory_space<vmem>>, vector<16xi32>,
    %get3A_1772 = arith.constant 336 : index
    %get3A_1773 = tpu.vector_load %arg9[%get3A_1772] {strides = array<i32>} : memref<512xi32, #tpu.memory_space<vmem>>, vector<16xi32>,
    %get3A_1774 = vector.shape_cast %get3A_1773 : vector<16xi32> to vector<16xi32>
    %mul3A_1775 = arith.constant 16384 : i32
    %mul3A_1776 = vector.broadcast %mul3A_1775 : i32 to vector<16xi32>
    %mul3A_1777 = arith.muli %get3A_1774, %mul3A_1776 : vector<16xi32>
    %add3A_1778 = arith.constant 336 : i32
    %add3A_1779 = arith.addi %mul3A_2, %add3A_1778 : i32
    %add3A_1780 = vector.broadcast %add3A_1779 : i32 to vector<16xi32>
    %add3A_1781 = arith.addi %mul3A_1777, %add3A_1780 : vector<16xi32>
    %add3A_1782 = arith.addi %add3A_1781, %iota3A : vector<16xi32>
    %swap3A_1783 = arith.constant 336 : index
    %swap3A_1784 = tpu.vector_load %arg19[%swap3A_1783] {strides = array<i32>} : memref<512xi32, #tpu.memory_space<vmem>>, vector<16xi32>,
    %swap3A_1785 = vector.shape_cast %swap3A_1784 : vector<16xi32> to vector<16xi32>
    %swap3A_1786 = vector.shape_cast %add3A_1782 : vector<16xi32> to vector<16xi32>
    tpu.vector_store %arg19[%swap3A_1783], %swap3A_1786 {strides = array<i32>} : memref<512xi32, #tpu.memory_space<vmem>>, vector<16xi32>,
    %get3A_1787 = arith.constant 352 : index
    %get3A_1788 = tpu.vector_load %arg9[%get3A_1787] {strides = array<i32>} : memref<512xi32, #tpu.memory_space<vmem>>, vector<16xi32>,
    %get3A_1789 = vector.shape_cast %get3A_1788 : vector<16xi32> to vector<16xi32>
    %mul3A_1790 = arith.constant 16384 : i32
    %mul3A_1791 = vector.broadcast %mul3A_1790 : i32 to vector<16xi32>
    %mul3A_1792 = arith.muli %get3A_1789, %mul3A_1791 : vector<16xi32>
    %add3A_1793 = arith.constant 352 : i32
    %add3A_1794 = arith.addi %mul3A_2, %add3A_1793 : i32
    %add3A_1795 = vector.broadcast %add3A_1794 : i32 to vector<16xi32>
    %add3A_1796 = arith.addi %mul3A_1792, %add3A_1795 : vector<16xi32>
    %add3A_1797 = arith.addi %add3A_1796, %iota3A : vector<16xi32>
    %swap3A_1798 = arith.constant 352 : index
    %swap3A_1799 = tpu.vector_load %arg19[%swap3A_1798] {strides = array<i32>} : memref<512xi32, #tpu.memory_space<vmem>>, vector<16xi32>,
    %swap3A_1800 = vector.shape_cast %swap3A_1799 : vector<16xi32> to vector<16xi32>
    %swap3A_1801 = vector.shape_cast %add3A_1797 : vector<16xi32> to vector<16xi32>
    tpu.vector_store %arg19[%swap3A_1798], %swap3A_1801 {strides = array<i32>} : memref<512xi32, #tpu.memory_space<vmem>>, vector<16xi32>,
    %get3A_1802 = arith.constant 368 : index
    %get3A_1803 = tpu.vector_load %arg9[%get3A_1802] {strides = array<i32>} : memref<512xi32, #tpu.memory_space<vmem>>, vector<16xi32>,
    %get3A_1804 = vector.shape_cast %get3A_1803 : vector<16xi32> to vector<16xi32>
    %mul3A_1805 = arith.constant 16384 : i32
    %mul3A_1806 = vector.broadcast %mul3A_1805 : i32 to vector<16xi32>
    %mul3A_1807 = arith.muli %get3A_1804, %mul3A_1806 : vector<16xi32>
    %add3A_1808 = arith.constant 368 : i32
    %add3A_1809 = arith.addi %mul3A_2, %add3A_1808 : i32
    %add3A_1810 = vector.broadcast %add3A_1809 : i32 to vector<16xi32>
    %add3A_1811 = arith.addi %mul3A_1807, %add3A_1810 : vector<16xi32>
    %add3A_1812 = arith.addi %add3A_1811, %iota3A : vector<16xi32>
    %swap3A_1813 = arith.constant 368 : index
    %swap3A_1814 = tpu.vector_load %arg19[%swap3A_1813] {strides = array<i32>} : memref<512xi32, #tpu.memory_space<vmem>>, vector<16xi32>,
    %swap3A_1815 = vector.shape_cast %swap3A_1814 : vector<16xi32> to vector<16xi32>
    %swap3A_1816 = vector.shape_cast %add3A_1812 : vector<16xi32> to vector<16xi32>
    tpu.vector_store %arg19[%swap3A_1813], %swap3A_1816 {strides = array<i32>} : memref<512xi32, #tpu.memory_space<vmem>>, vector<16xi32>,
    %get3A_1817 = arith.constant 384 : index
    %get3A_1818 = tpu.vector_load %arg9[%get3A_1817] {strides = array<i32>} : memref<512xi32, #tpu.memory_space<vmem>>, vector<16xi32>,
    %get3A_1819 = vector.shape_cast %get3A_1818 : vector<16xi32> to vector<16xi32>
    %mul3A_1820 = arith.constant 16384 : i32
    %mul3A_1821 = vector.broadcast %mul3A_1820 : i32 to vector<16xi32>
    %mul3A_1822 = arith.muli %get3A_1819, %mul3A_1821 : vector<16xi32>
    %add3A_1823 = arith.constant 384 : i32
    %add3A_1824 = arith.addi %mul3A_2, %add3A_1823 : i32
    %add3A_1825 = vector.broadcast %add3A_1824 : i32 to vector<16xi32>
    %add3A_1826 = arith.addi %mul3A_1822, %add3A_1825 : vector<16xi32>
    %add3A_1827 = arith.addi %add3A_1826, %iota3A : vector<16xi32>
    %swap3A_1828 = arith.constant 384 : index
    %swap3A_1829 = tpu.vector_load %arg19[%swap3A_1828] {strides = array<i32>} : memref<512xi32, #tpu.memory_space<vmem>>, vector<16xi32>,
    %swap3A_1830 = vector.shape_cast %swap3A_1829 : vector<16xi32> to vector<16xi32>
    %swap3A_1831 = vector.shape_cast %add3A_1827 : vector<16xi32> to vector<16xi32>
    tpu.vector_store %arg19[%swap3A_1828], %swap3A_1831 {strides = array<i32>} : memref<512xi32, #tpu.memory_space<vmem>>, vector<16xi32>,
    %get3A_1832 = arith.constant 400 : index
    %get3A_1833 = tpu.vector_load %arg9[%get3A_1832] {strides = array<i32>} : memref<512xi32, #tpu.memory_space<vmem>>, vector<16xi32>,
    %get3A_1834 = vector.shape_cast %get3A_1833 : vector<16xi32> to vector<16xi32>
    %mul3A_1835 = arith.constant 16384 : i32
    %mul3A_1836 = vector.broadcast %mul3A_1835 : i32 to vector<16xi32>
    %mul3A_1837 = arith.muli %get3A_1834, %mul3A_1836 : vector<16xi32>
    %add3A_1838 = arith.constant 400 : i32
    %add3A_1839 = arith.addi %mul3A_2, %add3A_1838 : i32
    %add3A_1840 = vector.broadcast %add3A_1839 : i32 to vector<16xi32>
    %add3A_1841 = arith.addi %mul3A_1837, %add3A_1840 : vector<16xi32>
    %add3A_1842 = arith.addi %add3A_1841, %iota3A : vector<16xi32>
    %swap3A_1843 = arith.constant 400 : index
    %swap3A_1844 = tpu.vector_load %arg19[%swap3A_1843] {strides = array<i32>} : memref<512xi32, #tpu.memory_space<vmem>>, vector<16xi32>,
    %swap3A_1845 = vector.shape_cast %swap3A_1844 : vector<16xi32> to vector<16xi32>
    %swap3A_1846 = vector.shape_cast %add3A_1842 : vector<16xi32> to vector<16xi32>
    tpu.vector_store %arg19[%swap3A_1843], %swap3A_1846 {strides = array<i32>} : memref<512xi32, #tpu.memory_space<vmem>>, vector<16xi32>,
    %get3A_1847 = arith.constant 416 : index
    %get3A_1848 = tpu.vector_load %arg9[%get3A_1847] {strides = array<i32>} : memref<512xi32, #tpu.memory_space<vmem>>, vector<16xi32>,
    %get3A_1849 = vector.shape_cast %get3A_1848 : vector<16xi32> to vector<16xi32>
    %mul3A_1850 = arith.constant 16384 : i32
    %mul3A_1851 = vector.broadcast %mul3A_1850 : i32 to vector<16xi32>
    %mul3A_1852 = arith.muli %get3A_1849, %mul3A_1851 : vector<16xi32>
    %add3A_1853 = arith.constant 416 : i32
    %add3A_1854 = arith.addi %mul3A_2, %add3A_1853 : i32
    %add3A_1855 = vector.broadcast %add3A_1854 : i32 to vector<16xi32>
    %add3A_1856 = arith.addi %mul3A_1852, %add3A_1855 : vector<16xi32>
    %add3A_1857 = arith.addi %add3A_1856, %iota3A : vector<16xi32>
    %swap3A_1858 = arith.constant 416 : index
    %swap3A_1859 = tpu.vector_load %arg19[%swap3A_1858] {strides = array<i32>} : memref<512xi32, #tpu.memory_space<vmem>>, vector<16xi32>,
    %swap3A_1860 = vector.shape_cast %swap3A_1859 : vector<16xi32> to vector<16xi32>
    %swap3A_1861 = vector.shape_cast %add3A_1857 : vector<16xi32> to vector<16xi32>
    tpu.vector_store %arg19[%swap3A_1858], %swap3A_1861 {strides = array<i32>} : memref<512xi32, #tpu.memory_space<vmem>>, vector<16xi32>,
    %get3A_1862 = arith.constant 432 : index
    %get3A_1863 = tpu.vector_load %arg9[%get3A_1862] {strides = array<i32>} : memref<512xi32, #tpu.memory_space<vmem>>, vector<16xi32>,
    %get3A_1864 = vector.shape_cast %get3A_1863 : vector<16xi32> to vector<16xi32>
    %mul3A_1865 = arith.constant 16384 : i32
    %mul3A_1866 = vector.broadcast %mul3A_1865 : i32 to vector<16xi32>
    %mul3A_1867 = arith.muli %get3A_1864, %mul3A_1866 : vector<16xi32>
    %add3A_1868 = arith.constant 432 : i32
    %add3A_1869 = arith.addi %mul3A_2, %add3A_1868 : i32
    %add3A_1870 = vector.broadcast %add3A_1869 : i32 to vector<16xi32>
    %add3A_1871 = arith.addi %mul3A_1867, %add3A_1870 : vector<16xi32>
    %add3A_1872 = arith.addi %add3A_1871, %iota3A : vector<16xi32>
    %swap3A_1873 = arith.constant 432 : index
    %swap3A_1874 = tpu.vector_load %arg19[%swap3A_1873] {strides = array<i32>} : memref<512xi32, #tpu.memory_space<vmem>>, vector<16xi32>,
    %swap3A_1875 = vector.shape_cast %swap3A_1874 : vector<16xi32> to vector<16xi32>
    %swap3A_1876 = vector.shape_cast %add3A_1872 : vector<16xi32> to vector<16xi32>
    tpu.vector_store %arg19[%swap3A_1873], %swap3A_1876 {strides = array<i32>} : memref<512xi32, #tpu.memory_space<vmem>>, vector<16xi32>,
    %get3A_1877 = arith.constant 448 : index
    %get3A_1878 = tpu.vector_load %arg9[%get3A_1877] {strides = array<i32>} : memref<512xi32, #tpu.memory_space<vmem>>, vector<16xi32>,
    %get3A_1879 = vector.shape_cast %get3A_1878 : vector<16xi32> to vector<16xi32>
    %mul3A_1880 = arith.constant 16384 : i32
    %mul3A_1881 = vector.broadcast %mul3A_1880 : i32 to vector<16xi32>
    %mul3A_1882 = arith.muli %get3A_1879, %mul3A_1881 : vector<16xi32>
    %add3A_1883 = arith.constant 448 : i32
    %add3A_1884 = arith.addi %mul3A_2, %add3A_1883 : i32
    %add3A_1885 = vector.broadcast %add3A_1884 : i32 to vector<16xi32>
    %add3A_1886 = arith.addi %mul3A_1882, %add3A_1885 : vector<16xi32>
    %add3A_1887 = arith.addi %add3A_1886, %iota3A : vector<16xi32>
    %swap3A_1888 = arith.constant 448 : index
    %swap3A_1889 = tpu.vector_load %arg19[%swap3A_1888] {strides = array<i32>} : memref<512xi32, #tpu.memory_space<vmem>>, vector<16xi32>,
    %swap3A_1890 = vector.shape_cast %swap3A_1889 : vector<16xi32> to vector<16xi32>
    %swap3A_1891 = vector.shape_cast %add3A_1887 : vector<16xi32> to vector<16xi32>
    tpu.vector_store %arg19[%swap3A_1888], %swap3A_1891 {strides = array<i32>} : memref<512xi32, #tpu.memory_space<vmem>>, vector<16xi32>,
    %get3A_1892 = arith.constant 464 : index
    %get3A_1893 = tpu.vector_load %arg9[%get3A_1892] {strides = array<i32>} : memref<512xi32, #tpu.memory_space<vmem>>, vector<16xi32>,
    %get3A_1894 = vector.shape_cast %get3A_1893 : vector<16xi32> to vector<16xi32>
    %mul3A_1895 = arith.constant 16384 : i32
    %mul3A_1896 = vector.broadcast %mul3A_1895 : i32 to vector<16xi32>
    %mul3A_1897 = arith.muli %get3A_1894, %mul3A_1896 : vector<16xi32>
    %add3A_1898 = arith.constant 464 : i32
    %add3A_1899 = arith.addi %mul3A_2, %add3A_1898 : i32
    %add3A_1900 = vector.broadcast %add3A_1899 : i32 to vector<16xi32>
    %add3A_1901 = arith.addi %mul3A_1897, %add3A_1900 : vector<16xi32>
    %add3A_1902 = arith.addi %add3A_1901, %iota3A : vector<16xi32>
    %swap3A_1903 = arith.constant 464 : index
    %swap3A_1904 = tpu.vector_load %arg19[%swap3A_1903] {strides = array<i32>} : memref<512xi32, #tpu.memory_space<vmem>>, vector<16xi32>,
    %swap3A_1905 = vector.shape_cast %swap3A_1904 : vector<16xi32> to vector<16xi32>
    %swap3A_1906 = vector.shape_cast %add3A_1902 : vector<16xi32> to vector<16xi32>
    tpu.vector_store %arg19[%swap3A_1903], %swap3A_1906 {strides = array<i32>} : memref<512xi32, #tpu.memory_space<vmem>>, vector<16xi32>,
    %get3A_1907 = arith.constant 480 : index
    %get3A_1908 = tpu.vector_load %arg9[%get3A_1907] {strides = array<i32>} : memref<512xi32, #tpu.memory_space<vmem>>, vector<16xi32>,
    %get3A_1909 = vector.shape_cast %get3A_1908 : vector<16xi32> to vector<16xi32>
    %mul3A_1910 = arith.constant 16384 : i32
    %mul3A_1911 = vector.broadcast %mul3A_1910 : i32 to vector<16xi32>
    %mul3A_1912 = arith.muli %get3A_1909, %mul3A_1911 : vector<16xi32>
    %add3A_1913 = arith.constant 480 : i32
    %add3A_1914 = arith.addi %mul3A_2, %add3A_1913 : i32
    %add3A_1915 = vector.broadcast %add3A_1914 : i32 to vector<16xi32>
    %add3A_1916 = arith.addi %mul3A_1912, %add3A_1915 : vector<16xi32>
    %add3A_1917 = arith.addi %add3A_1916, %iota3A : vector<16xi32>
    %swap3A_1918 = arith.constant 480 : index
    %swap3A_1919 = tpu.vector_load %arg19[%swap3A_1918] {strides = array<i32>} : memref<512xi32, #tpu.memory_space<vmem>>, vector<16xi32>,
    %swap3A_1920 = vector.shape_cast %swap3A_1919 : vector<16xi32> to vector<16xi32>
    %swap3A_1921 = vector.shape_cast %add3A_1917 : vector<16xi32> to vector<16xi32>
    tpu.vector_store %arg19[%swap3A_1918], %swap3A_1921 {strides = array<i32>} : memref<512xi32, #tpu.memory_space<vmem>>, vector<16xi32>,
    %get3A_1922 = arith.constant 496 : index
    %get3A_1923 = tpu.vector_load %arg9[%get3A_1922] {strides = array<i32>} : memref<512xi32, #tpu.memory_space<vmem>>, vector<16xi32>,
    %get3A_1924 = vector.shape_cast %get3A_1923 : vector<16xi32> to vector<16xi32>
    %mul3A_1925 = arith.constant 16384 : i32
    %mul3A_1926 = vector.broadcast %mul3A_1925 : i32 to vector<16xi32>
    %mul3A_1927 = arith.muli %get3A_1924, %mul3A_1926 : vector<16xi32>
    %add3A_1928 = arith.constant 496 : i32
    %add3A_1929 = arith.addi %mul3A_2, %add3A_1928 : i32
    %add3A_1930 = vector.broadcast %add3A_1929 : i32 to vector<16xi32>
    %add3A_1931 = arith.addi %mul3A_1927, %add3A_1930 : vector<16xi32>
    %add3A_1932 = arith.addi %add3A_1931, %iota3A : vector<16xi32>
    %swap3A_1933 = arith.constant 496 : index
    %swap3A_1934 = tpu.vector_load %arg19[%swap3A_1933] {strides = array<i32>} : memref<512xi32, #tpu.memory_space<vmem>>, vector<16xi32>,
    %swap3A_1935 = vector.shape_cast %swap3A_1934 : vector<16xi32> to vector<16xi32>
    %swap3A_1936 = vector.shape_cast %add3A_1932 : vector<16xi32> to vector<16xi32>
    tpu.vector_store %arg19[%swap3A_1933], %swap3A_1936 {strides = array<i32>} : memref<512xi32, #tpu.memory_space<vmem>>, vector<16xi32>,
    %add3A_1937 = arith.constant 65536 : i32
    %add3A_1938 = arith.addi %add3A_1937, %mul3A_2 : i32
    "tpu.region"() ({
      %run_scoped3A = tpu.sem_alloc : memref<!tpu.dma_semaphore, #tpu.memory_space<semaphore_mem>>
      %dma_start3A_2439 = tpu.memref_slice %arg2[%add3A_1938] : memref<81920xi32, #tpu.memory_space<hbm>> -> memref<512xi32, #tpu.memory_space<hbm>>
      %dma_start3A_2440 = tpu.memref_slice %arg2[%add3A_1938] : memref<81920xi32, #tpu.memory_space<hbm>> -> memref<512xi32, #tpu.memory_space<hbm>>
      tpu.enqueue_dma source(%dma_start3A_2440 : memref<512xi32, #tpu.memory_space<hbm>>) target(%arg10 : memref<512xi32, #tpu.memory_space<vmem>>) target_semaphore(%run_scoped3A : memref<!tpu.dma_semaphore, #tpu.memory_space<semaphore_mem>>)
      %dma_wait3A_2441 = tpu.memref_slice %arg2[%add3A_1938] : memref<81920xi32, #tpu.memory_space<hbm>> -> memref<512xi32, #tpu.memory_space<hbm>>
      %dma_wait3A_2442 = tpu.memref_slice %arg2[%add3A_1938] : memref<81920xi32, #tpu.memory_space<hbm>> -> memref<512xi32, #tpu.memory_space<hbm>>
      tpu.wait_dma2 semaphore(%run_scoped3A : memref<!tpu.dma_semaphore, #tpu.memory_space<semaphore_mem>>) src(%dma_wait3A_2442 : memref<512xi32, #tpu.memory_space<hbm>>) dst(%arg10 : memref<512xi32, #tpu.memory_space<vmem>>)
      tpu.yield
    }) : () -> ()
    %add3A_1939 = arith.constant 65536 : i32
    %add3A_1940 = arith.addi %add3A_1939, %mul3A_2 : i32
    "tpu.region"() ({
      %run_scoped3A = tpu.sem_alloc : memref<!tpu.dma_semaphore, #tpu.memory_space<semaphore_mem>>
      %dma_start3A_2439 = tpu.memref_slice %arg3[%add3A_1940] : memref<81920xf32, #tpu.memory_space<hbm>> -> memref<512xf32, #tpu.memory_space<hbm>>
      %dma_start3A_2440 = tpu.memref_slice %arg3[%add3A_1940] : memref<81920xf32, #tpu.memory_space<hbm>> -> memref<512xf32, #tpu.memory_space<hbm>>
      tpu.enqueue_dma source(%dma_start3A_2440 : memref<512xf32, #tpu.memory_space<hbm>>) target(%arg15 : memref<512xf32, #tpu.memory_space<vmem>>) target_semaphore(%run_scoped3A : memref<!tpu.dma_semaphore, #tpu.memory_space<semaphore_mem>>)
      %dma_wait3A_2441 = tpu.memref_slice %arg3[%add3A_1940] : memref<81920xf32, #tpu.memory_space<hbm>> -> memref<512xf32, #tpu.memory_space<hbm>>
      %dma_wait3A_2442 = tpu.memref_slice %arg3[%add3A_1940] : memref<81920xf32, #tpu.memory_space<hbm>> -> memref<512xf32, #tpu.memory_space<hbm>>
      tpu.wait_dma2 semaphore(%run_scoped3A : memref<!tpu.dma_semaphore, #tpu.memory_space<semaphore_mem>>) src(%dma_wait3A_2442 : memref<512xf32, #tpu.memory_space<hbm>>) dst(%arg15 : memref<512xf32, #tpu.memory_space<vmem>>)
      tpu.yield
    }) : () -> ()
    %get3A_1941 = arith.constant 0 : index
    %get3A_1942 = tpu.vector_load %arg10[%get3A_1941] {strides = array<i32>} : memref<512xi32, #tpu.memory_space<vmem>>, vector<16xi32>,
    %get3A_1943 = vector.shape_cast %get3A_1942 : vector<16xi32> to vector<16xi32>
    %mul3A_1944 = arith.constant 16384 : i32
    %mul3A_1945 = vector.broadcast %mul3A_1944 : i32 to vector<16xi32>
    %mul3A_1946 = arith.muli %get3A_1943, %mul3A_1945 : vector<16xi32>
    %add3A_1947 = arith.constant 0 : i32
    %add3A_1948 = arith.addi %mul3A_2, %add3A_1947 : i32
    %add3A_1949 = vector.broadcast %add3A_1948 : i32 to vector<16xi32>
    %add3A_1950 = arith.addi %mul3A_1946, %add3A_1949 : vector<16xi32>
    %add3A_1951 = arith.addi %add3A_1950, %iota3A : vector<16xi32>
    %swap3A_1952 = arith.constant 0 : index
    %swap3A_1953 = tpu.vector_load %arg20[%swap3A_1952] {strides = array<i32>} : memref<512xi32, #tpu.memory_space<vmem>>, vector<16xi32>,
    %swap3A_1954 = vector.shape_cast %swap3A_1953 : vector<16xi32> to vector<16xi32>
    %swap3A_1955 = vector.shape_cast %add3A_1951 : vector<16xi32> to vector<16xi32>
    tpu.vector_store %arg20[%swap3A_1952], %swap3A_1955 {strides = array<i32>} : memref<512xi32, #tpu.memory_space<vmem>>, vector<16xi32>,
    %get3A_1956 = arith.constant 16 : index
    %get3A_1957 = tpu.vector_load %arg10[%get3A_1956] {strides = array<i32>} : memref<512xi32, #tpu.memory_space<vmem>>, vector<16xi32>,
    %get3A_1958 = vector.shape_cast %get3A_1957 : vector<16xi32> to vector<16xi32>
    %mul3A_1959 = arith.constant 16384 : i32
    %mul3A_1960 = vector.broadcast %mul3A_1959 : i32 to vector<16xi32>
    %mul3A_1961 = arith.muli %get3A_1958, %mul3A_1960 : vector<16xi32>
    %add3A_1962 = arith.constant 16 : i32
    %add3A_1963 = arith.addi %mul3A_2, %add3A_1962 : i32
    %add3A_1964 = vector.broadcast %add3A_1963 : i32 to vector<16xi32>
    %add3A_1965 = arith.addi %mul3A_1961, %add3A_1964 : vector<16xi32>
    %add3A_1966 = arith.addi %add3A_1965, %iota3A : vector<16xi32>
    %swap3A_1967 = arith.constant 16 : index
    %swap3A_1968 = tpu.vector_load %arg20[%swap3A_1967] {strides = array<i32>} : memref<512xi32, #tpu.memory_space<vmem>>, vector<16xi32>,
    %swap3A_1969 = vector.shape_cast %swap3A_1968 : vector<16xi32> to vector<16xi32>
    %swap3A_1970 = vector.shape_cast %add3A_1966 : vector<16xi32> to vector<16xi32>
    tpu.vector_store %arg20[%swap3A_1967], %swap3A_1970 {strides = array<i32>} : memref<512xi32, #tpu.memory_space<vmem>>, vector<16xi32>,
    %get3A_1971 = arith.constant 32 : index
    %get3A_1972 = tpu.vector_load %arg10[%get3A_1971] {strides = array<i32>} : memref<512xi32, #tpu.memory_space<vmem>>, vector<16xi32>,
    %get3A_1973 = vector.shape_cast %get3A_1972 : vector<16xi32> to vector<16xi32>
    %mul3A_1974 = arith.constant 16384 : i32
    %mul3A_1975 = vector.broadcast %mul3A_1974 : i32 to vector<16xi32>
    %mul3A_1976 = arith.muli %get3A_1973, %mul3A_1975 : vector<16xi32>
    %add3A_1977 = arith.constant 32 : i32
    %add3A_1978 = arith.addi %mul3A_2, %add3A_1977 : i32
    %add3A_1979 = vector.broadcast %add3A_1978 : i32 to vector<16xi32>
    %add3A_1980 = arith.addi %mul3A_1976, %add3A_1979 : vector<16xi32>
    %add3A_1981 = arith.addi %add3A_1980, %iota3A : vector<16xi32>
    %swap3A_1982 = arith.constant 32 : index
    %swap3A_1983 = tpu.vector_load %arg20[%swap3A_1982] {strides = array<i32>} : memref<512xi32, #tpu.memory_space<vmem>>, vector<16xi32>,
    %swap3A_1984 = vector.shape_cast %swap3A_1983 : vector<16xi32> to vector<16xi32>
    %swap3A_1985 = vector.shape_cast %add3A_1981 : vector<16xi32> to vector<16xi32>
    tpu.vector_store %arg20[%swap3A_1982], %swap3A_1985 {strides = array<i32>} : memref<512xi32, #tpu.memory_space<vmem>>, vector<16xi32>,
    %get3A_1986 = arith.constant 48 : index
    %get3A_1987 = tpu.vector_load %arg10[%get3A_1986] {strides = array<i32>} : memref<512xi32, #tpu.memory_space<vmem>>, vector<16xi32>,
    %get3A_1988 = vector.shape_cast %get3A_1987 : vector<16xi32> to vector<16xi32>
    %mul3A_1989 = arith.constant 16384 : i32
    %mul3A_1990 = vector.broadcast %mul3A_1989 : i32 to vector<16xi32>
    %mul3A_1991 = arith.muli %get3A_1988, %mul3A_1990 : vector<16xi32>
    %add3A_1992 = arith.constant 48 : i32
    %add3A_1993 = arith.addi %mul3A_2, %add3A_1992 : i32
    %add3A_1994 = vector.broadcast %add3A_1993 : i32 to vector<16xi32>
    %add3A_1995 = arith.addi %mul3A_1991, %add3A_1994 : vector<16xi32>
    %add3A_1996 = arith.addi %add3A_1995, %iota3A : vector<16xi32>
    %swap3A_1997 = arith.constant 48 : index
    %swap3A_1998 = tpu.vector_load %arg20[%swap3A_1997] {strides = array<i32>} : memref<512xi32, #tpu.memory_space<vmem>>, vector<16xi32>,
    %swap3A_1999 = vector.shape_cast %swap3A_1998 : vector<16xi32> to vector<16xi32>
    %swap3A_2000 = vector.shape_cast %add3A_1996 : vector<16xi32> to vector<16xi32>
    tpu.vector_store %arg20[%swap3A_1997], %swap3A_2000 {strides = array<i32>} : memref<512xi32, #tpu.memory_space<vmem>>, vector<16xi32>,
    %get3A_2001 = arith.constant 64 : index
    %get3A_2002 = tpu.vector_load %arg10[%get3A_2001] {strides = array<i32>} : memref<512xi32, #tpu.memory_space<vmem>>, vector<16xi32>,
    %get3A_2003 = vector.shape_cast %get3A_2002 : vector<16xi32> to vector<16xi32>
    %mul3A_2004 = arith.constant 16384 : i32
    %mul3A_2005 = vector.broadcast %mul3A_2004 : i32 to vector<16xi32>
    %mul3A_2006 = arith.muli %get3A_2003, %mul3A_2005 : vector<16xi32>
    %add3A_2007 = arith.constant 64 : i32
    %add3A_2008 = arith.addi %mul3A_2, %add3A_2007 : i32
    %add3A_2009 = vector.broadcast %add3A_2008 : i32 to vector<16xi32>
    %add3A_2010 = arith.addi %mul3A_2006, %add3A_2009 : vector<16xi32>
    %add3A_2011 = arith.addi %add3A_2010, %iota3A : vector<16xi32>
    %swap3A_2012 = arith.constant 64 : index
    %swap3A_2013 = tpu.vector_load %arg20[%swap3A_2012] {strides = array<i32>} : memref<512xi32, #tpu.memory_space<vmem>>, vector<16xi32>,
    %swap3A_2014 = vector.shape_cast %swap3A_2013 : vector<16xi32> to vector<16xi32>
    %swap3A_2015 = vector.shape_cast %add3A_2011 : vector<16xi32> to vector<16xi32>
    tpu.vector_store %arg20[%swap3A_2012], %swap3A_2015 {strides = array<i32>} : memref<512xi32, #tpu.memory_space<vmem>>, vector<16xi32>,
    %get3A_2016 = arith.constant 80 : index
    %get3A_2017 = tpu.vector_load %arg10[%get3A_2016] {strides = array<i32>} : memref<512xi32, #tpu.memory_space<vmem>>, vector<16xi32>,
    %get3A_2018 = vector.shape_cast %get3A_2017 : vector<16xi32> to vector<16xi32>
    %mul3A_2019 = arith.constant 16384 : i32
    %mul3A_2020 = vector.broadcast %mul3A_2019 : i32 to vector<16xi32>
    %mul3A_2021 = arith.muli %get3A_2018, %mul3A_2020 : vector<16xi32>
    %add3A_2022 = arith.constant 80 : i32
    %add3A_2023 = arith.addi %mul3A_2, %add3A_2022 : i32
    %add3A_2024 = vector.broadcast %add3A_2023 : i32 to vector<16xi32>
    %add3A_2025 = arith.addi %mul3A_2021, %add3A_2024 : vector<16xi32>
    %add3A_2026 = arith.addi %add3A_2025, %iota3A : vector<16xi32>
    %swap3A_2027 = arith.constant 80 : index
    %swap3A_2028 = tpu.vector_load %arg20[%swap3A_2027] {strides = array<i32>} : memref<512xi32, #tpu.memory_space<vmem>>, vector<16xi32>,
    %swap3A_2029 = vector.shape_cast %swap3A_2028 : vector<16xi32> to vector<16xi32>
    %swap3A_2030 = vector.shape_cast %add3A_2026 : vector<16xi32> to vector<16xi32>
    tpu.vector_store %arg20[%swap3A_2027], %swap3A_2030 {strides = array<i32>} : memref<512xi32, #tpu.memory_space<vmem>>, vector<16xi32>,
    %get3A_2031 = arith.constant 96 : index
    %get3A_2032 = tpu.vector_load %arg10[%get3A_2031] {strides = array<i32>} : memref<512xi32, #tpu.memory_space<vmem>>, vector<16xi32>,
    %get3A_2033 = vector.shape_cast %get3A_2032 : vector<16xi32> to vector<16xi32>
    %mul3A_2034 = arith.constant 16384 : i32
    %mul3A_2035 = vector.broadcast %mul3A_2034 : i32 to vector<16xi32>
    %mul3A_2036 = arith.muli %get3A_2033, %mul3A_2035 : vector<16xi32>
    %add3A_2037 = arith.constant 96 : i32
    %add3A_2038 = arith.addi %mul3A_2, %add3A_2037 : i32
    %add3A_2039 = vector.broadcast %add3A_2038 : i32 to vector<16xi32>
    %add3A_2040 = arith.addi %mul3A_2036, %add3A_2039 : vector<16xi32>
    %add3A_2041 = arith.addi %add3A_2040, %iota3A : vector<16xi32>
    %swap3A_2042 = arith.constant 96 : index
    %swap3A_2043 = tpu.vector_load %arg20[%swap3A_2042] {strides = array<i32>} : memref<512xi32, #tpu.memory_space<vmem>>, vector<16xi32>,
    %swap3A_2044 = vector.shape_cast %swap3A_2043 : vector<16xi32> to vector<16xi32>
    %swap3A_2045 = vector.shape_cast %add3A_2041 : vector<16xi32> to vector<16xi32>
    tpu.vector_store %arg20[%swap3A_2042], %swap3A_2045 {strides = array<i32>} : memref<512xi32, #tpu.memory_space<vmem>>, vector<16xi32>,
    %get3A_2046 = arith.constant 112 : index
    %get3A_2047 = tpu.vector_load %arg10[%get3A_2046] {strides = array<i32>} : memref<512xi32, #tpu.memory_space<vmem>>, vector<16xi32>,
    %get3A_2048 = vector.shape_cast %get3A_2047 : vector<16xi32> to vector<16xi32>
    %mul3A_2049 = arith.constant 16384 : i32
    %mul3A_2050 = vector.broadcast %mul3A_2049 : i32 to vector<16xi32>
    %mul3A_2051 = arith.muli %get3A_2048, %mul3A_2050 : vector<16xi32>
    %add3A_2052 = arith.constant 112 : i32
    %add3A_2053 = arith.addi %mul3A_2, %add3A_2052 : i32
    %add3A_2054 = vector.broadcast %add3A_2053 : i32 to vector<16xi32>
    %add3A_2055 = arith.addi %mul3A_2051, %add3A_2054 : vector<16xi32>
    %add3A_2056 = arith.addi %add3A_2055, %iota3A : vector<16xi32>
    %swap3A_2057 = arith.constant 112 : index
    %swap3A_2058 = tpu.vector_load %arg20[%swap3A_2057] {strides = array<i32>} : memref<512xi32, #tpu.memory_space<vmem>>, vector<16xi32>,
    %swap3A_2059 = vector.shape_cast %swap3A_2058 : vector<16xi32> to vector<16xi32>
    %swap3A_2060 = vector.shape_cast %add3A_2056 : vector<16xi32> to vector<16xi32>
    tpu.vector_store %arg20[%swap3A_2057], %swap3A_2060 {strides = array<i32>} : memref<512xi32, #tpu.memory_space<vmem>>, vector<16xi32>,
    %get3A_2061 = arith.constant 128 : index
    %get3A_2062 = tpu.vector_load %arg10[%get3A_2061] {strides = array<i32>} : memref<512xi32, #tpu.memory_space<vmem>>, vector<16xi32>,
    %get3A_2063 = vector.shape_cast %get3A_2062 : vector<16xi32> to vector<16xi32>
    %mul3A_2064 = arith.constant 16384 : i32
    %mul3A_2065 = vector.broadcast %mul3A_2064 : i32 to vector<16xi32>
    %mul3A_2066 = arith.muli %get3A_2063, %mul3A_2065 : vector<16xi32>
    %add3A_2067 = arith.constant 128 : i32
    %add3A_2068 = arith.addi %mul3A_2, %add3A_2067 : i32
    %add3A_2069 = vector.broadcast %add3A_2068 : i32 to vector<16xi32>
    %add3A_2070 = arith.addi %mul3A_2066, %add3A_2069 : vector<16xi32>
    %add3A_2071 = arith.addi %add3A_2070, %iota3A : vector<16xi32>
    %swap3A_2072 = arith.constant 128 : index
    %swap3A_2073 = tpu.vector_load %arg20[%swap3A_2072] {strides = array<i32>} : memref<512xi32, #tpu.memory_space<vmem>>, vector<16xi32>,
    %swap3A_2074 = vector.shape_cast %swap3A_2073 : vector<16xi32> to vector<16xi32>
    %swap3A_2075 = vector.shape_cast %add3A_2071 : vector<16xi32> to vector<16xi32>
    tpu.vector_store %arg20[%swap3A_2072], %swap3A_2075 {strides = array<i32>} : memref<512xi32, #tpu.memory_space<vmem>>, vector<16xi32>,
    %get3A_2076 = arith.constant 144 : index
    %get3A_2077 = tpu.vector_load %arg10[%get3A_2076] {strides = array<i32>} : memref<512xi32, #tpu.memory_space<vmem>>, vector<16xi32>,
    %get3A_2078 = vector.shape_cast %get3A_2077 : vector<16xi32> to vector<16xi32>
    %mul3A_2079 = arith.constant 16384 : i32
    %mul3A_2080 = vector.broadcast %mul3A_2079 : i32 to vector<16xi32>
    %mul3A_2081 = arith.muli %get3A_2078, %mul3A_2080 : vector<16xi32>
    %add3A_2082 = arith.constant 144 : i32
    %add3A_2083 = arith.addi %mul3A_2, %add3A_2082 : i32
    %add3A_2084 = vector.broadcast %add3A_2083 : i32 to vector<16xi32>
    %add3A_2085 = arith.addi %mul3A_2081, %add3A_2084 : vector<16xi32>
    %add3A_2086 = arith.addi %add3A_2085, %iota3A : vector<16xi32>
    %swap3A_2087 = arith.constant 144 : index
    %swap3A_2088 = tpu.vector_load %arg20[%swap3A_2087] {strides = array<i32>} : memref<512xi32, #tpu.memory_space<vmem>>, vector<16xi32>,
    %swap3A_2089 = vector.shape_cast %swap3A_2088 : vector<16xi32> to vector<16xi32>
    %swap3A_2090 = vector.shape_cast %add3A_2086 : vector<16xi32> to vector<16xi32>
    tpu.vector_store %arg20[%swap3A_2087], %swap3A_2090 {strides = array<i32>} : memref<512xi32, #tpu.memory_space<vmem>>, vector<16xi32>,
    %get3A_2091 = arith.constant 160 : index
    %get3A_2092 = tpu.vector_load %arg10[%get3A_2091] {strides = array<i32>} : memref<512xi32, #tpu.memory_space<vmem>>, vector<16xi32>,
    %get3A_2093 = vector.shape_cast %get3A_2092 : vector<16xi32> to vector<16xi32>
    %mul3A_2094 = arith.constant 16384 : i32
    %mul3A_2095 = vector.broadcast %mul3A_2094 : i32 to vector<16xi32>
    %mul3A_2096 = arith.muli %get3A_2093, %mul3A_2095 : vector<16xi32>
    %add3A_2097 = arith.constant 160 : i32
    %add3A_2098 = arith.addi %mul3A_2, %add3A_2097 : i32
    %add3A_2099 = vector.broadcast %add3A_2098 : i32 to vector<16xi32>
    %add3A_2100 = arith.addi %mul3A_2096, %add3A_2099 : vector<16xi32>
    %add3A_2101 = arith.addi %add3A_2100, %iota3A : vector<16xi32>
    %swap3A_2102 = arith.constant 160 : index
    %swap3A_2103 = tpu.vector_load %arg20[%swap3A_2102] {strides = array<i32>} : memref<512xi32, #tpu.memory_space<vmem>>, vector<16xi32>,
    %swap3A_2104 = vector.shape_cast %swap3A_2103 : vector<16xi32> to vector<16xi32>
    %swap3A_2105 = vector.shape_cast %add3A_2101 : vector<16xi32> to vector<16xi32>
    tpu.vector_store %arg20[%swap3A_2102], %swap3A_2105 {strides = array<i32>} : memref<512xi32, #tpu.memory_space<vmem>>, vector<16xi32>,
    %get3A_2106 = arith.constant 176 : index
    %get3A_2107 = tpu.vector_load %arg10[%get3A_2106] {strides = array<i32>} : memref<512xi32, #tpu.memory_space<vmem>>, vector<16xi32>,
    %get3A_2108 = vector.shape_cast %get3A_2107 : vector<16xi32> to vector<16xi32>
    %mul3A_2109 = arith.constant 16384 : i32
    %mul3A_2110 = vector.broadcast %mul3A_2109 : i32 to vector<16xi32>
    %mul3A_2111 = arith.muli %get3A_2108, %mul3A_2110 : vector<16xi32>
    %add3A_2112 = arith.constant 176 : i32
    %add3A_2113 = arith.addi %mul3A_2, %add3A_2112 : i32
    %add3A_2114 = vector.broadcast %add3A_2113 : i32 to vector<16xi32>
    %add3A_2115 = arith.addi %mul3A_2111, %add3A_2114 : vector<16xi32>
    %add3A_2116 = arith.addi %add3A_2115, %iota3A : vector<16xi32>
    %swap3A_2117 = arith.constant 176 : index
    %swap3A_2118 = tpu.vector_load %arg20[%swap3A_2117] {strides = array<i32>} : memref<512xi32, #tpu.memory_space<vmem>>, vector<16xi32>,
    %swap3A_2119 = vector.shape_cast %swap3A_2118 : vector<16xi32> to vector<16xi32>
    %swap3A_2120 = vector.shape_cast %add3A_2116 : vector<16xi32> to vector<16xi32>
    tpu.vector_store %arg20[%swap3A_2117], %swap3A_2120 {strides = array<i32>} : memref<512xi32, #tpu.memory_space<vmem>>, vector<16xi32>,
    %get3A_2121 = arith.constant 192 : index
    %get3A_2122 = tpu.vector_load %arg10[%get3A_2121] {strides = array<i32>} : memref<512xi32, #tpu.memory_space<vmem>>, vector<16xi32>,
    %get3A_2123 = vector.shape_cast %get3A_2122 : vector<16xi32> to vector<16xi32>
    %mul3A_2124 = arith.constant 16384 : i32
    %mul3A_2125 = vector.broadcast %mul3A_2124 : i32 to vector<16xi32>
    %mul3A_2126 = arith.muli %get3A_2123, %mul3A_2125 : vector<16xi32>
    %add3A_2127 = arith.constant 192 : i32
    %add3A_2128 = arith.addi %mul3A_2, %add3A_2127 : i32
    %add3A_2129 = vector.broadcast %add3A_2128 : i32 to vector<16xi32>
    %add3A_2130 = arith.addi %mul3A_2126, %add3A_2129 : vector<16xi32>
    %add3A_2131 = arith.addi %add3A_2130, %iota3A : vector<16xi32>
    %swap3A_2132 = arith.constant 192 : index
    %swap3A_2133 = tpu.vector_load %arg20[%swap3A_2132] {strides = array<i32>} : memref<512xi32, #tpu.memory_space<vmem>>, vector<16xi32>,
    %swap3A_2134 = vector.shape_cast %swap3A_2133 : vector<16xi32> to vector<16xi32>
    %swap3A_2135 = vector.shape_cast %add3A_2131 : vector<16xi32> to vector<16xi32>
    tpu.vector_store %arg20[%swap3A_2132], %swap3A_2135 {strides = array<i32>} : memref<512xi32, #tpu.memory_space<vmem>>, vector<16xi32>,
    %get3A_2136 = arith.constant 208 : index
    %get3A_2137 = tpu.vector_load %arg10[%get3A_2136] {strides = array<i32>} : memref<512xi32, #tpu.memory_space<vmem>>, vector<16xi32>,
    %get3A_2138 = vector.shape_cast %get3A_2137 : vector<16xi32> to vector<16xi32>
    %mul3A_2139 = arith.constant 16384 : i32
    %mul3A_2140 = vector.broadcast %mul3A_2139 : i32 to vector<16xi32>
    %mul3A_2141 = arith.muli %get3A_2138, %mul3A_2140 : vector<16xi32>
    %add3A_2142 = arith.constant 208 : i32
    %add3A_2143 = arith.addi %mul3A_2, %add3A_2142 : i32
    %add3A_2144 = vector.broadcast %add3A_2143 : i32 to vector<16xi32>
    %add3A_2145 = arith.addi %mul3A_2141, %add3A_2144 : vector<16xi32>
    %add3A_2146 = arith.addi %add3A_2145, %iota3A : vector<16xi32>
    %swap3A_2147 = arith.constant 208 : index
    %swap3A_2148 = tpu.vector_load %arg20[%swap3A_2147] {strides = array<i32>} : memref<512xi32, #tpu.memory_space<vmem>>, vector<16xi32>,
    %swap3A_2149 = vector.shape_cast %swap3A_2148 : vector<16xi32> to vector<16xi32>
    %swap3A_2150 = vector.shape_cast %add3A_2146 : vector<16xi32> to vector<16xi32>
    tpu.vector_store %arg20[%swap3A_2147], %swap3A_2150 {strides = array<i32>} : memref<512xi32, #tpu.memory_space<vmem>>, vector<16xi32>,
    %get3A_2151 = arith.constant 224 : index
    %get3A_2152 = tpu.vector_load %arg10[%get3A_2151] {strides = array<i32>} : memref<512xi32, #tpu.memory_space<vmem>>, vector<16xi32>,
    %get3A_2153 = vector.shape_cast %get3A_2152 : vector<16xi32> to vector<16xi32>
    %mul3A_2154 = arith.constant 16384 : i32
    %mul3A_2155 = vector.broadcast %mul3A_2154 : i32 to vector<16xi32>
    %mul3A_2156 = arith.muli %get3A_2153, %mul3A_2155 : vector<16xi32>
    %add3A_2157 = arith.constant 224 : i32
    %add3A_2158 = arith.addi %mul3A_2, %add3A_2157 : i32
    %add3A_2159 = vector.broadcast %add3A_2158 : i32 to vector<16xi32>
    %add3A_2160 = arith.addi %mul3A_2156, %add3A_2159 : vector<16xi32>
    %add3A_2161 = arith.addi %add3A_2160, %iota3A : vector<16xi32>
    %swap3A_2162 = arith.constant 224 : index
    %swap3A_2163 = tpu.vector_load %arg20[%swap3A_2162] {strides = array<i32>} : memref<512xi32, #tpu.memory_space<vmem>>, vector<16xi32>,
    %swap3A_2164 = vector.shape_cast %swap3A_2163 : vector<16xi32> to vector<16xi32>
    %swap3A_2165 = vector.shape_cast %add3A_2161 : vector<16xi32> to vector<16xi32>
    tpu.vector_store %arg20[%swap3A_2162], %swap3A_2165 {strides = array<i32>} : memref<512xi32, #tpu.memory_space<vmem>>, vector<16xi32>,
    %get3A_2166 = arith.constant 240 : index
    %get3A_2167 = tpu.vector_load %arg10[%get3A_2166] {strides = array<i32>} : memref<512xi32, #tpu.memory_space<vmem>>, vector<16xi32>,
    %get3A_2168 = vector.shape_cast %get3A_2167 : vector<16xi32> to vector<16xi32>
    %mul3A_2169 = arith.constant 16384 : i32
    %mul3A_2170 = vector.broadcast %mul3A_2169 : i32 to vector<16xi32>
    %mul3A_2171 = arith.muli %get3A_2168, %mul3A_2170 : vector<16xi32>
    %add3A_2172 = arith.constant 240 : i32
    %add3A_2173 = arith.addi %mul3A_2, %add3A_2172 : i32
    %add3A_2174 = vector.broadcast %add3A_2173 : i32 to vector<16xi32>
    %add3A_2175 = arith.addi %mul3A_2171, %add3A_2174 : vector<16xi32>
    %add3A_2176 = arith.addi %add3A_2175, %iota3A : vector<16xi32>
    %swap3A_2177 = arith.constant 240 : index
    %swap3A_2178 = tpu.vector_load %arg20[%swap3A_2177] {strides = array<i32>} : memref<512xi32, #tpu.memory_space<vmem>>, vector<16xi32>,
    %swap3A_2179 = vector.shape_cast %swap3A_2178 : vector<16xi32> to vector<16xi32>
    %swap3A_2180 = vector.shape_cast %add3A_2176 : vector<16xi32> to vector<16xi32>
    tpu.vector_store %arg20[%swap3A_2177], %swap3A_2180 {strides = array<i32>} : memref<512xi32, #tpu.memory_space<vmem>>, vector<16xi32>,
    %get3A_2181 = arith.constant 256 : index
    %get3A_2182 = tpu.vector_load %arg10[%get3A_2181] {strides = array<i32>} : memref<512xi32, #tpu.memory_space<vmem>>, vector<16xi32>,
    %get3A_2183 = vector.shape_cast %get3A_2182 : vector<16xi32> to vector<16xi32>
    %mul3A_2184 = arith.constant 16384 : i32
    %mul3A_2185 = vector.broadcast %mul3A_2184 : i32 to vector<16xi32>
    %mul3A_2186 = arith.muli %get3A_2183, %mul3A_2185 : vector<16xi32>
    %add3A_2187 = arith.constant 256 : i32
    %add3A_2188 = arith.addi %mul3A_2, %add3A_2187 : i32
    %add3A_2189 = vector.broadcast %add3A_2188 : i32 to vector<16xi32>
    %add3A_2190 = arith.addi %mul3A_2186, %add3A_2189 : vector<16xi32>
    %add3A_2191 = arith.addi %add3A_2190, %iota3A : vector<16xi32>
    %swap3A_2192 = arith.constant 256 : index
    %swap3A_2193 = tpu.vector_load %arg20[%swap3A_2192] {strides = array<i32>} : memref<512xi32, #tpu.memory_space<vmem>>, vector<16xi32>,
    %swap3A_2194 = vector.shape_cast %swap3A_2193 : vector<16xi32> to vector<16xi32>
    %swap3A_2195 = vector.shape_cast %add3A_2191 : vector<16xi32> to vector<16xi32>
    tpu.vector_store %arg20[%swap3A_2192], %swap3A_2195 {strides = array<i32>} : memref<512xi32, #tpu.memory_space<vmem>>, vector<16xi32>,
    %get3A_2196 = arith.constant 272 : index
    %get3A_2197 = tpu.vector_load %arg10[%get3A_2196] {strides = array<i32>} : memref<512xi32, #tpu.memory_space<vmem>>, vector<16xi32>,
    %get3A_2198 = vector.shape_cast %get3A_2197 : vector<16xi32> to vector<16xi32>
    %mul3A_2199 = arith.constant 16384 : i32
    %mul3A_2200 = vector.broadcast %mul3A_2199 : i32 to vector<16xi32>
    %mul3A_2201 = arith.muli %get3A_2198, %mul3A_2200 : vector<16xi32>
    %add3A_2202 = arith.constant 272 : i32
    %add3A_2203 = arith.addi %mul3A_2, %add3A_2202 : i32
    %add3A_2204 = vector.broadcast %add3A_2203 : i32 to vector<16xi32>
    %add3A_2205 = arith.addi %mul3A_2201, %add3A_2204 : vector<16xi32>
    %add3A_2206 = arith.addi %add3A_2205, %iota3A : vector<16xi32>
    %swap3A_2207 = arith.constant 272 : index
    %swap3A_2208 = tpu.vector_load %arg20[%swap3A_2207] {strides = array<i32>} : memref<512xi32, #tpu.memory_space<vmem>>, vector<16xi32>,
    %swap3A_2209 = vector.shape_cast %swap3A_2208 : vector<16xi32> to vector<16xi32>
    %swap3A_2210 = vector.shape_cast %add3A_2206 : vector<16xi32> to vector<16xi32>
    tpu.vector_store %arg20[%swap3A_2207], %swap3A_2210 {strides = array<i32>} : memref<512xi32, #tpu.memory_space<vmem>>, vector<16xi32>,
    %get3A_2211 = arith.constant 288 : index
    %get3A_2212 = tpu.vector_load %arg10[%get3A_2211] {strides = array<i32>} : memref<512xi32, #tpu.memory_space<vmem>>, vector<16xi32>,
    %get3A_2213 = vector.shape_cast %get3A_2212 : vector<16xi32> to vector<16xi32>
    %mul3A_2214 = arith.constant 16384 : i32
    %mul3A_2215 = vector.broadcast %mul3A_2214 : i32 to vector<16xi32>
    %mul3A_2216 = arith.muli %get3A_2213, %mul3A_2215 : vector<16xi32>
    %add3A_2217 = arith.constant 288 : i32
    %add3A_2218 = arith.addi %mul3A_2, %add3A_2217 : i32
    %add3A_2219 = vector.broadcast %add3A_2218 : i32 to vector<16xi32>
    %add3A_2220 = arith.addi %mul3A_2216, %add3A_2219 : vector<16xi32>
    %add3A_2221 = arith.addi %add3A_2220, %iota3A : vector<16xi32>
    %swap3A_2222 = arith.constant 288 : index
    %swap3A_2223 = tpu.vector_load %arg20[%swap3A_2222] {strides = array<i32>} : memref<512xi32, #tpu.memory_space<vmem>>, vector<16xi32>,
    %swap3A_2224 = vector.shape_cast %swap3A_2223 : vector<16xi32> to vector<16xi32>
    %swap3A_2225 = vector.shape_cast %add3A_2221 : vector<16xi32> to vector<16xi32>
    tpu.vector_store %arg20[%swap3A_2222], %swap3A_2225 {strides = array<i32>} : memref<512xi32, #tpu.memory_space<vmem>>, vector<16xi32>,
    %get3A_2226 = arith.constant 304 : index
    %get3A_2227 = tpu.vector_load %arg10[%get3A_2226] {strides = array<i32>} : memref<512xi32, #tpu.memory_space<vmem>>, vector<16xi32>,
    %get3A_2228 = vector.shape_cast %get3A_2227 : vector<16xi32> to vector<16xi32>
    %mul3A_2229 = arith.constant 16384 : i32
    %mul3A_2230 = vector.broadcast %mul3A_2229 : i32 to vector<16xi32>
    %mul3A_2231 = arith.muli %get3A_2228, %mul3A_2230 : vector<16xi32>
    %add3A_2232 = arith.constant 304 : i32
    %add3A_2233 = arith.addi %mul3A_2, %add3A_2232 : i32
    %add3A_2234 = vector.broadcast %add3A_2233 : i32 to vector<16xi32>
    %add3A_2235 = arith.addi %mul3A_2231, %add3A_2234 : vector<16xi32>
    %add3A_2236 = arith.addi %add3A_2235, %iota3A : vector<16xi32>
    %swap3A_2237 = arith.constant 304 : index
    %swap3A_2238 = tpu.vector_load %arg20[%swap3A_2237] {strides = array<i32>} : memref<512xi32, #tpu.memory_space<vmem>>, vector<16xi32>,
    %swap3A_2239 = vector.shape_cast %swap3A_2238 : vector<16xi32> to vector<16xi32>
    %swap3A_2240 = vector.shape_cast %add3A_2236 : vector<16xi32> to vector<16xi32>
    tpu.vector_store %arg20[%swap3A_2237], %swap3A_2240 {strides = array<i32>} : memref<512xi32, #tpu.memory_space<vmem>>, vector<16xi32>,
    %get3A_2241 = arith.constant 320 : index
    %get3A_2242 = tpu.vector_load %arg10[%get3A_2241] {strides = array<i32>} : memref<512xi32, #tpu.memory_space<vmem>>, vector<16xi32>,
    %get3A_2243 = vector.shape_cast %get3A_2242 : vector<16xi32> to vector<16xi32>
    %mul3A_2244 = arith.constant 16384 : i32
    %mul3A_2245 = vector.broadcast %mul3A_2244 : i32 to vector<16xi32>
    %mul3A_2246 = arith.muli %get3A_2243, %mul3A_2245 : vector<16xi32>
    %add3A_2247 = arith.constant 320 : i32
    %add3A_2248 = arith.addi %mul3A_2, %add3A_2247 : i32
    %add3A_2249 = vector.broadcast %add3A_2248 : i32 to vector<16xi32>
    %add3A_2250 = arith.addi %mul3A_2246, %add3A_2249 : vector<16xi32>
    %add3A_2251 = arith.addi %add3A_2250, %iota3A : vector<16xi32>
    %swap3A_2252 = arith.constant 320 : index
    %swap3A_2253 = tpu.vector_load %arg20[%swap3A_2252] {strides = array<i32>} : memref<512xi32, #tpu.memory_space<vmem>>, vector<16xi32>,
    %swap3A_2254 = vector.shape_cast %swap3A_2253 : vector<16xi32> to vector<16xi32>
    %swap3A_2255 = vector.shape_cast %add3A_2251 : vector<16xi32> to vector<16xi32>
    tpu.vector_store %arg20[%swap3A_2252], %swap3A_2255 {strides = array<i32>} : memref<512xi32, #tpu.memory_space<vmem>>, vector<16xi32>,
    %get3A_2256 = arith.constant 336 : index
    %get3A_2257 = tpu.vector_load %arg10[%get3A_2256] {strides = array<i32>} : memref<512xi32, #tpu.memory_space<vmem>>, vector<16xi32>,
    %get3A_2258 = vector.shape_cast %get3A_2257 : vector<16xi32> to vector<16xi32>
    %mul3A_2259 = arith.constant 16384 : i32
    %mul3A_2260 = vector.broadcast %mul3A_2259 : i32 to vector<16xi32>
    %mul3A_2261 = arith.muli %get3A_2258, %mul3A_2260 : vector<16xi32>
    %add3A_2262 = arith.constant 336 : i32
    %add3A_2263 = arith.addi %mul3A_2, %add3A_2262 : i32
    %add3A_2264 = vector.broadcast %add3A_2263 : i32 to vector<16xi32>
    %add3A_2265 = arith.addi %mul3A_2261, %add3A_2264 : vector<16xi32>
    %add3A_2266 = arith.addi %add3A_2265, %iota3A : vector<16xi32>
    %swap3A_2267 = arith.constant 336 : index
    %swap3A_2268 = tpu.vector_load %arg20[%swap3A_2267] {strides = array<i32>} : memref<512xi32, #tpu.memory_space<vmem>>, vector<16xi32>,
    %swap3A_2269 = vector.shape_cast %swap3A_2268 : vector<16xi32> to vector<16xi32>
    %swap3A_2270 = vector.shape_cast %add3A_2266 : vector<16xi32> to vector<16xi32>
    tpu.vector_store %arg20[%swap3A_2267], %swap3A_2270 {strides = array<i32>} : memref<512xi32, #tpu.memory_space<vmem>>, vector<16xi32>,
    %get3A_2271 = arith.constant 352 : index
    %get3A_2272 = tpu.vector_load %arg10[%get3A_2271] {strides = array<i32>} : memref<512xi32, #tpu.memory_space<vmem>>, vector<16xi32>,
    %get3A_2273 = vector.shape_cast %get3A_2272 : vector<16xi32> to vector<16xi32>
    %mul3A_2274 = arith.constant 16384 : i32
    %mul3A_2275 = vector.broadcast %mul3A_2274 : i32 to vector<16xi32>
    %mul3A_2276 = arith.muli %get3A_2273, %mul3A_2275 : vector<16xi32>
    %add3A_2277 = arith.constant 352 : i32
    %add3A_2278 = arith.addi %mul3A_2, %add3A_2277 : i32
    %add3A_2279 = vector.broadcast %add3A_2278 : i32 to vector<16xi32>
    %add3A_2280 = arith.addi %mul3A_2276, %add3A_2279 : vector<16xi32>
    %add3A_2281 = arith.addi %add3A_2280, %iota3A : vector<16xi32>
    %swap3A_2282 = arith.constant 352 : index
    %swap3A_2283 = tpu.vector_load %arg20[%swap3A_2282] {strides = array<i32>} : memref<512xi32, #tpu.memory_space<vmem>>, vector<16xi32>,
    %swap3A_2284 = vector.shape_cast %swap3A_2283 : vector<16xi32> to vector<16xi32>
    %swap3A_2285 = vector.shape_cast %add3A_2281 : vector<16xi32> to vector<16xi32>
    tpu.vector_store %arg20[%swap3A_2282], %swap3A_2285 {strides = array<i32>} : memref<512xi32, #tpu.memory_space<vmem>>, vector<16xi32>,
    %get3A_2286 = arith.constant 368 : index
    %get3A_2287 = tpu.vector_load %arg10[%get3A_2286] {strides = array<i32>} : memref<512xi32, #tpu.memory_space<vmem>>, vector<16xi32>,
    %get3A_2288 = vector.shape_cast %get3A_2287 : vector<16xi32> to vector<16xi32>
    %mul3A_2289 = arith.constant 16384 : i32
    %mul3A_2290 = vector.broadcast %mul3A_2289 : i32 to vector<16xi32>
    %mul3A_2291 = arith.muli %get3A_2288, %mul3A_2290 : vector<16xi32>
    %add3A_2292 = arith.constant 368 : i32
    %add3A_2293 = arith.addi %mul3A_2, %add3A_2292 : i32
    %add3A_2294 = vector.broadcast %add3A_2293 : i32 to vector<16xi32>
    %add3A_2295 = arith.addi %mul3A_2291, %add3A_2294 : vector<16xi32>
    %add3A_2296 = arith.addi %add3A_2295, %iota3A : vector<16xi32>
    %swap3A_2297 = arith.constant 368 : index
    %swap3A_2298 = tpu.vector_load %arg20[%swap3A_2297] {strides = array<i32>} : memref<512xi32, #tpu.memory_space<vmem>>, vector<16xi32>,
    %swap3A_2299 = vector.shape_cast %swap3A_2298 : vector<16xi32> to vector<16xi32>
    %swap3A_2300 = vector.shape_cast %add3A_2296 : vector<16xi32> to vector<16xi32>
    tpu.vector_store %arg20[%swap3A_2297], %swap3A_2300 {strides = array<i32>} : memref<512xi32, #tpu.memory_space<vmem>>, vector<16xi32>,
    %get3A_2301 = arith.constant 384 : index
    %get3A_2302 = tpu.vector_load %arg10[%get3A_2301] {strides = array<i32>} : memref<512xi32, #tpu.memory_space<vmem>>, vector<16xi32>,
    %get3A_2303 = vector.shape_cast %get3A_2302 : vector<16xi32> to vector<16xi32>
    %mul3A_2304 = arith.constant 16384 : i32
    %mul3A_2305 = vector.broadcast %mul3A_2304 : i32 to vector<16xi32>
    %mul3A_2306 = arith.muli %get3A_2303, %mul3A_2305 : vector<16xi32>
    %add3A_2307 = arith.constant 384 : i32
    %add3A_2308 = arith.addi %mul3A_2, %add3A_2307 : i32
    %add3A_2309 = vector.broadcast %add3A_2308 : i32 to vector<16xi32>
    %add3A_2310 = arith.addi %mul3A_2306, %add3A_2309 : vector<16xi32>
    %add3A_2311 = arith.addi %add3A_2310, %iota3A : vector<16xi32>
    %swap3A_2312 = arith.constant 384 : index
    %swap3A_2313 = tpu.vector_load %arg20[%swap3A_2312] {strides = array<i32>} : memref<512xi32, #tpu.memory_space<vmem>>, vector<16xi32>,
    %swap3A_2314 = vector.shape_cast %swap3A_2313 : vector<16xi32> to vector<16xi32>
    %swap3A_2315 = vector.shape_cast %add3A_2311 : vector<16xi32> to vector<16xi32>
    tpu.vector_store %arg20[%swap3A_2312], %swap3A_2315 {strides = array<i32>} : memref<512xi32, #tpu.memory_space<vmem>>, vector<16xi32>,
    %get3A_2316 = arith.constant 400 : index
    %get3A_2317 = tpu.vector_load %arg10[%get3A_2316] {strides = array<i32>} : memref<512xi32, #tpu.memory_space<vmem>>, vector<16xi32>,
    %get3A_2318 = vector.shape_cast %get3A_2317 : vector<16xi32> to vector<16xi32>
    %mul3A_2319 = arith.constant 16384 : i32
    %mul3A_2320 = vector.broadcast %mul3A_2319 : i32 to vector<16xi32>
    %mul3A_2321 = arith.muli %get3A_2318, %mul3A_2320 : vector<16xi32>
    %add3A_2322 = arith.constant 400 : i32
    %add3A_2323 = arith.addi %mul3A_2, %add3A_2322 : i32
    %add3A_2324 = vector.broadcast %add3A_2323 : i32 to vector<16xi32>
    %add3A_2325 = arith.addi %mul3A_2321, %add3A_2324 : vector<16xi32>
    %add3A_2326 = arith.addi %add3A_2325, %iota3A : vector<16xi32>
    %swap3A_2327 = arith.constant 400 : index
    %swap3A_2328 = tpu.vector_load %arg20[%swap3A_2327] {strides = array<i32>} : memref<512xi32, #tpu.memory_space<vmem>>, vector<16xi32>,
    %swap3A_2329 = vector.shape_cast %swap3A_2328 : vector<16xi32> to vector<16xi32>
    %swap3A_2330 = vector.shape_cast %add3A_2326 : vector<16xi32> to vector<16xi32>
    tpu.vector_store %arg20[%swap3A_2327], %swap3A_2330 {strides = array<i32>} : memref<512xi32, #tpu.memory_space<vmem>>, vector<16xi32>,
    %get3A_2331 = arith.constant 416 : index
    %get3A_2332 = tpu.vector_load %arg10[%get3A_2331] {strides = array<i32>} : memref<512xi32, #tpu.memory_space<vmem>>, vector<16xi32>,
    %get3A_2333 = vector.shape_cast %get3A_2332 : vector<16xi32> to vector<16xi32>
    %mul3A_2334 = arith.constant 16384 : i32
    %mul3A_2335 = vector.broadcast %mul3A_2334 : i32 to vector<16xi32>
    %mul3A_2336 = arith.muli %get3A_2333, %mul3A_2335 : vector<16xi32>
    %add3A_2337 = arith.constant 416 : i32
    %add3A_2338 = arith.addi %mul3A_2, %add3A_2337 : i32
    %add3A_2339 = vector.broadcast %add3A_2338 : i32 to vector<16xi32>
    %add3A_2340 = arith.addi %mul3A_2336, %add3A_2339 : vector<16xi32>
    %add3A_2341 = arith.addi %add3A_2340, %iota3A : vector<16xi32>
    %swap3A_2342 = arith.constant 416 : index
    %swap3A_2343 = tpu.vector_load %arg20[%swap3A_2342] {strides = array<i32>} : memref<512xi32, #tpu.memory_space<vmem>>, vector<16xi32>,
    %swap3A_2344 = vector.shape_cast %swap3A_2343 : vector<16xi32> to vector<16xi32>
    %swap3A_2345 = vector.shape_cast %add3A_2341 : vector<16xi32> to vector<16xi32>
    tpu.vector_store %arg20[%swap3A_2342], %swap3A_2345 {strides = array<i32>} : memref<512xi32, #tpu.memory_space<vmem>>, vector<16xi32>,
    %get3A_2346 = arith.constant 432 : index
    %get3A_2347 = tpu.vector_load %arg10[%get3A_2346] {strides = array<i32>} : memref<512xi32, #tpu.memory_space<vmem>>, vector<16xi32>,
    %get3A_2348 = vector.shape_cast %get3A_2347 : vector<16xi32> to vector<16xi32>
    %mul3A_2349 = arith.constant 16384 : i32
    %mul3A_2350 = vector.broadcast %mul3A_2349 : i32 to vector<16xi32>
    %mul3A_2351 = arith.muli %get3A_2348, %mul3A_2350 : vector<16xi32>
    %add3A_2352 = arith.constant 432 : i32
    %add3A_2353 = arith.addi %mul3A_2, %add3A_2352 : i32
    %add3A_2354 = vector.broadcast %add3A_2353 : i32 to vector<16xi32>
    %add3A_2355 = arith.addi %mul3A_2351, %add3A_2354 : vector<16xi32>
    %add3A_2356 = arith.addi %add3A_2355, %iota3A : vector<16xi32>
    %swap3A_2357 = arith.constant 432 : index
    %swap3A_2358 = tpu.vector_load %arg20[%swap3A_2357] {strides = array<i32>} : memref<512xi32, #tpu.memory_space<vmem>>, vector<16xi32>,
    %swap3A_2359 = vector.shape_cast %swap3A_2358 : vector<16xi32> to vector<16xi32>
    %swap3A_2360 = vector.shape_cast %add3A_2356 : vector<16xi32> to vector<16xi32>
    tpu.vector_store %arg20[%swap3A_2357], %swap3A_2360 {strides = array<i32>} : memref<512xi32, #tpu.memory_space<vmem>>, vector<16xi32>,
    %get3A_2361 = arith.constant 448 : index
    %get3A_2362 = tpu.vector_load %arg10[%get3A_2361] {strides = array<i32>} : memref<512xi32, #tpu.memory_space<vmem>>, vector<16xi32>,
    %get3A_2363 = vector.shape_cast %get3A_2362 : vector<16xi32> to vector<16xi32>
    %mul3A_2364 = arith.constant 16384 : i32
    %mul3A_2365 = vector.broadcast %mul3A_2364 : i32 to vector<16xi32>
    %mul3A_2366 = arith.muli %get3A_2363, %mul3A_2365 : vector<16xi32>
    %add3A_2367 = arith.constant 448 : i32
    %add3A_2368 = arith.addi %mul3A_2, %add3A_2367 : i32
    %add3A_2369 = vector.broadcast %add3A_2368 : i32 to vector<16xi32>
    %add3A_2370 = arith.addi %mul3A_2366, %add3A_2369 : vector<16xi32>
    %add3A_2371 = arith.addi %add3A_2370, %iota3A : vector<16xi32>
    %swap3A_2372 = arith.constant 448 : index
    %swap3A_2373 = tpu.vector_load %arg20[%swap3A_2372] {strides = array<i32>} : memref<512xi32, #tpu.memory_space<vmem>>, vector<16xi32>,
    %swap3A_2374 = vector.shape_cast %swap3A_2373 : vector<16xi32> to vector<16xi32>
    %swap3A_2375 = vector.shape_cast %add3A_2371 : vector<16xi32> to vector<16xi32>
    tpu.vector_store %arg20[%swap3A_2372], %swap3A_2375 {strides = array<i32>} : memref<512xi32, #tpu.memory_space<vmem>>, vector<16xi32>,
    %get3A_2376 = arith.constant 464 : index
    %get3A_2377 = tpu.vector_load %arg10[%get3A_2376] {strides = array<i32>} : memref<512xi32, #tpu.memory_space<vmem>>, vector<16xi32>,
    %get3A_2378 = vector.shape_cast %get3A_2377 : vector<16xi32> to vector<16xi32>
    %mul3A_2379 = arith.constant 16384 : i32
    %mul3A_2380 = vector.broadcast %mul3A_2379 : i32 to vector<16xi32>
    %mul3A_2381 = arith.muli %get3A_2378, %mul3A_2380 : vector<16xi32>
    %add3A_2382 = arith.constant 464 : i32
    %add3A_2383 = arith.addi %mul3A_2, %add3A_2382 : i32
    %add3A_2384 = vector.broadcast %add3A_2383 : i32 to vector<16xi32>
    %add3A_2385 = arith.addi %mul3A_2381, %add3A_2384 : vector<16xi32>
    %add3A_2386 = arith.addi %add3A_2385, %iota3A : vector<16xi32>
    %swap3A_2387 = arith.constant 464 : index
    %swap3A_2388 = tpu.vector_load %arg20[%swap3A_2387] {strides = array<i32>} : memref<512xi32, #tpu.memory_space<vmem>>, vector<16xi32>,
    %swap3A_2389 = vector.shape_cast %swap3A_2388 : vector<16xi32> to vector<16xi32>
    %swap3A_2390 = vector.shape_cast %add3A_2386 : vector<16xi32> to vector<16xi32>
    tpu.vector_store %arg20[%swap3A_2387], %swap3A_2390 {strides = array<i32>} : memref<512xi32, #tpu.memory_space<vmem>>, vector<16xi32>,
    %get3A_2391 = arith.constant 480 : index
    %get3A_2392 = tpu.vector_load %arg10[%get3A_2391] {strides = array<i32>} : memref<512xi32, #tpu.memory_space<vmem>>, vector<16xi32>,
    %get3A_2393 = vector.shape_cast %get3A_2392 : vector<16xi32> to vector<16xi32>
    %mul3A_2394 = arith.constant 16384 : i32
    %mul3A_2395 = vector.broadcast %mul3A_2394 : i32 to vector<16xi32>
    %mul3A_2396 = arith.muli %get3A_2393, %mul3A_2395 : vector<16xi32>
    %add3A_2397 = arith.constant 480 : i32
    %add3A_2398 = arith.addi %mul3A_2, %add3A_2397 : i32
    %add3A_2399 = vector.broadcast %add3A_2398 : i32 to vector<16xi32>
    %add3A_2400 = arith.addi %mul3A_2396, %add3A_2399 : vector<16xi32>
    %add3A_2401 = arith.addi %add3A_2400, %iota3A : vector<16xi32>
    %swap3A_2402 = arith.constant 480 : index
    %swap3A_2403 = tpu.vector_load %arg20[%swap3A_2402] {strides = array<i32>} : memref<512xi32, #tpu.memory_space<vmem>>, vector<16xi32>,
    %swap3A_2404 = vector.shape_cast %swap3A_2403 : vector<16xi32> to vector<16xi32>
    %swap3A_2405 = vector.shape_cast %add3A_2401 : vector<16xi32> to vector<16xi32>
    tpu.vector_store %arg20[%swap3A_2402], %swap3A_2405 {strides = array<i32>} : memref<512xi32, #tpu.memory_space<vmem>>, vector<16xi32>,
    %get3A_2406 = arith.constant 496 : index
    %get3A_2407 = tpu.vector_load %arg10[%get3A_2406] {strides = array<i32>} : memref<512xi32, #tpu.memory_space<vmem>>, vector<16xi32>,
    %get3A_2408 = vector.shape_cast %get3A_2407 : vector<16xi32> to vector<16xi32>
    %mul3A_2409 = arith.constant 16384 : i32
    %mul3A_2410 = vector.broadcast %mul3A_2409 : i32 to vector<16xi32>
    %mul3A_2411 = arith.muli %get3A_2408, %mul3A_2410 : vector<16xi32>
    %add3A_2412 = arith.constant 496 : i32
    %add3A_2413 = arith.addi %mul3A_2, %add3A_2412 : i32
    %add3A_2414 = vector.broadcast %add3A_2413 : i32 to vector<16xi32>
    %add3A_2415 = arith.addi %mul3A_2411, %add3A_2414 : vector<16xi32>
    %add3A_2416 = arith.addi %add3A_2415, %iota3A : vector<16xi32>
    %swap3A_2417 = arith.constant 496 : index
    %swap3A_2418 = tpu.vector_load %arg20[%swap3A_2417] {strides = array<i32>} : memref<512xi32, #tpu.memory_space<vmem>>, vector<16xi32>,
    %swap3A_2419 = vector.shape_cast %swap3A_2418 : vector<16xi32> to vector<16xi32>
    %swap3A_2420 = vector.shape_cast %add3A_2416 : vector<16xi32> to vector<16xi32>
    tpu.vector_store %arg20[%swap3A_2417], %swap3A_2420 {strides = array<i32>} : memref<512xi32, #tpu.memory_space<vmem>>, vector<16xi32>,
    %dma_start3A = arith.constant 0 : i32
    %dma_start3A_2421 = tpu.memref_slice %arg4[%dma_start3A] : memref<16777216xf32, #tpu.memory_space<hbm>> -> memref<16777216xf32, #tpu.memory_space<hbm>>
    tpu.enqueue_indirect_dma source(%arg11 : memref<512xf32, #tpu.memory_space<vmem>>) target(%dma_start3A_2421 : memref<16777216xf32, #tpu.memory_space<hbm>>) offsets(%arg16 : memref<512xi32, #tpu.memory_space<vmem>>) semaphore(%arg21 : memref<!tpu.dma_semaphore, #tpu.memory_space<semaphore_mem>>)
    %dma_start3A_2422 = arith.constant 0 : i32
    %dma_start3A_2423 = tpu.memref_slice %arg4[%dma_start3A_2422] : memref<16777216xf32, #tpu.memory_space<hbm>> -> memref<16777216xf32, #tpu.memory_space<hbm>>
    tpu.enqueue_indirect_dma source(%arg12 : memref<512xf32, #tpu.memory_space<vmem>>) target(%dma_start3A_2423 : memref<16777216xf32, #tpu.memory_space<hbm>>) offsets(%arg17 : memref<512xi32, #tpu.memory_space<vmem>>) semaphore(%arg21 : memref<!tpu.dma_semaphore, #tpu.memory_space<semaphore_mem>>)
    %dma_start3A_2424 = arith.constant 0 : i32
    %dma_start3A_2425 = tpu.memref_slice %arg4[%dma_start3A_2424] : memref<16777216xf32, #tpu.memory_space<hbm>> -> memref<16777216xf32, #tpu.memory_space<hbm>>
    tpu.enqueue_indirect_dma source(%arg13 : memref<512xf32, #tpu.memory_space<vmem>>) target(%dma_start3A_2425 : memref<16777216xf32, #tpu.memory_space<hbm>>) offsets(%arg18 : memref<512xi32, #tpu.memory_space<vmem>>) semaphore(%arg21 : memref<!tpu.dma_semaphore, #tpu.memory_space<semaphore_mem>>)
    %dma_start3A_2426 = arith.constant 0 : i32
    %dma_start3A_2427 = tpu.memref_slice %arg4[%dma_start3A_2426] : memref<16777216xf32, #tpu.memory_space<hbm>> -> memref<16777216xf32, #tpu.memory_space<hbm>>
    tpu.enqueue_indirect_dma source(%arg14 : memref<512xf32, #tpu.memory_space<vmem>>) target(%dma_start3A_2427 : memref<16777216xf32, #tpu.memory_space<hbm>>) offsets(%arg19 : memref<512xi32, #tpu.memory_space<vmem>>) semaphore(%arg21 : memref<!tpu.dma_semaphore, #tpu.memory_space<semaphore_mem>>)
    %dma_start3A_2428 = arith.constant 0 : i32
    %dma_start3A_2429 = tpu.memref_slice %arg4[%dma_start3A_2428] : memref<16777216xf32, #tpu.memory_space<hbm>> -> memref<16777216xf32, #tpu.memory_space<hbm>>
    tpu.enqueue_indirect_dma source(%arg15 : memref<512xf32, #tpu.memory_space<vmem>>) target(%dma_start3A_2429 : memref<16777216xf32, #tpu.memory_space<hbm>>) offsets(%arg20 : memref<512xi32, #tpu.memory_space<vmem>>) semaphore(%arg21 : memref<!tpu.dma_semaphore, #tpu.memory_space<semaphore_mem>>)
    %dma_wait3A = arith.constant 0 : i32
    %dma_wait3A_2430 = tpu.memref_slice %arg4[%dma_wait3A] : memref<16777216xf32, #tpu.memory_space<hbm>> -> memref<16777216xf32, #tpu.memory_space<hbm>>
    tpu.wait_indirect_dma semaphore(%arg21 : memref<!tpu.dma_semaphore, #tpu.memory_space<semaphore_mem>>) src(%arg11 : memref<512xf32, #tpu.memory_space<vmem>>) dst(%dma_wait3A_2430 : memref<16777216xf32, #tpu.memory_space<hbm>>)
    %dma_wait3A_2431 = arith.constant 0 : i32
    %dma_wait3A_2432 = tpu.memref_slice %arg4[%dma_wait3A_2431] : memref<16777216xf32, #tpu.memory_space<hbm>> -> memref<16777216xf32, #tpu.memory_space<hbm>>
    tpu.wait_indirect_dma semaphore(%arg21 : memref<!tpu.dma_semaphore, #tpu.memory_space<semaphore_mem>>) src(%arg12 : memref<512xf32, #tpu.memory_space<vmem>>) dst(%dma_wait3A_2432 : memref<16777216xf32, #tpu.memory_space<hbm>>)
    %dma_wait3A_2433 = arith.constant 0 : i32
    %dma_wait3A_2434 = tpu.memref_slice %arg4[%dma_wait3A_2433] : memref<16777216xf32, #tpu.memory_space<hbm>> -> memref<16777216xf32, #tpu.memory_space<hbm>>
    tpu.wait_indirect_dma semaphore(%arg21 : memref<!tpu.dma_semaphore, #tpu.memory_space<semaphore_mem>>) src(%arg13 : memref<512xf32, #tpu.memory_space<vmem>>) dst(%dma_wait3A_2434 : memref<16777216xf32, #tpu.memory_space<hbm>>)
    %dma_wait3A_2435 = arith.constant 0 : i32
    %dma_wait3A_2436 = tpu.memref_slice %arg4[%dma_wait3A_2435] : memref<16777216xf32, #tpu.memory_space<hbm>> -> memref<16777216xf32, #tpu.memory_space<hbm>>
    tpu.wait_indirect_dma semaphore(%arg21 : memref<!tpu.dma_semaphore, #tpu.memory_space<semaphore_mem>>) src(%arg14 : memref<512xf32, #tpu.memory_space<vmem>>) dst(%dma_wait3A_2436 : memref<16777216xf32, #tpu.memory_space<hbm>>)
    %dma_wait3A_2437 = arith.constant 0 : i32
    %dma_wait3A_2438 = tpu.memref_slice %arg4[%dma_wait3A_2437] : memref<16777216xf32, #tpu.memory_space<hbm>> -> memref<16777216xf32, #tpu.memory_space<hbm>>
    tpu.wait_indirect_dma semaphore(%arg21 : memref<!tpu.dma_semaphore, #tpu.memory_space<semaphore_mem>>) src(%arg15 : memref<512xf32, #tpu.memory_space<vmem>>) dst(%dma_wait3A_2438 : memref<16777216xf32, #tpu.memory_space<hbm>>)
    return
  }
}

module attributes {stable_mosaic.version = 14 : i64} {
  func.func @body(%arg0: i32, %arg1: memref<64x1024xf32, #tpu.memory_space<vmem>>, %arg2: memref<8x64x128xf32, #tpu.memory_space<vmem>>, %arg3: memref<64x2048xf32, #tpu.memory_space<vmem>>, %arg4: memref<64x2048xf32, #tpu.memory_space<vmem>>, %arg5: memref<1x2048xi32, #tpu.memory_space<vmem>>, %arg6: memref<1x2048xf32, #tpu.memory_space<vmem>>, %arg7: memref<8x128xf32, #tpu.memory_space<vmem>>) attributes {dimension_semantics = [#tpu.dimension_semantics<arbitrary>], iteration_bounds = array<i64: 8>, scalar_prefetch = 0 : i64, scratch_operands = 0 : i64, tpu.core_type = #tpu.core_type<tc>, window_params = [{pipeline_mode = #tpu.pipeline_mode<synchronous>, transform_indices = @transform_0, window_bounds = array<i64: 64, 1024>}, {pipeline_mode = #tpu.pipeline_mode<synchronous>, transform_indices = @transform_1, window_bounds = array<i64: 8, 64, 128>}, {transform_indices = @transform_2, window_bounds = array<i64: 64, 2048>}, {transform_indices = @transform_3, window_bounds = array<i64: 64, 2048>}, {transform_indices = @transform_4, window_bounds = array<i64: 1, 2048>}, {transform_indices = @transform_5, window_bounds = array<i64: 1, 2048>}, {pipeline_mode = #tpu.pipeline_mode<synchronous>, transform_indices = @transform_6, window_bounds = array<i64: 8, 128>}]} {
    %get3A = arith.constant 0 : index
    %get3A_0 = arith.constant 0 : index
    %get3A_1 = vector.load %arg1[%get3A, %get3A_0] : memref<64x1024xf32, #tpu.memory_space<vmem>>, vector<64x1024xf32>
    %mul3A = arith.mulf %get3A_1, %get3A_1 : vector<64x1024xf32>
    %reduce_sum3A = arith.constant dense<0.000000e+00> : vector<1024xf32>
    %reduce_sum3A_2 = vector.multi_reduction <add>, %mul3A, %reduce_sum3A [0] : vector<64x1024xf32> to vector<1024xf32>
    %broadcast_in_dim3A = vector.shape_cast %reduce_sum3A_2 : vector<1024xf32> to vector<1x1024xf32>
    %sqrt3A = math.sqrt %broadcast_in_dim3A : vector<1x1024xf32>
    %add3A = arith.constant 1.000000e-10 : f32
    %add3A_3 = vector.broadcast %add3A : f32 to vector<1x1024xf32>
    %add3A_4 = arith.addf %sqrt3A, %add3A_3 : vector<1x1024xf32>
    %div3A = vector.broadcast %add3A_4 : vector<1x1024xf32> to vector<64x1024xf32>
    %div3A_5 = arith.divf %get3A_1, %div3A : vector<64x1024xf32>
    %get3A_6 = arith.constant 0 : index
    %get3A_7 = arith.constant 0 : index
    %get3A_8 = vector.load %arg3[%get3A_6, %get3A_7] : memref<64x2048xf32, #tpu.memory_space<vmem>>, vector<64x2048xf32>
    %dot_general3A = arith.constant dense<0.000000e+00> : vector<1024x2048xf32>
    %dot_general3A_9 = tpu.matmul %div3A_5, %get3A_8, %dot_general3A {dimension_numbers = #tpu.dot_dimension_numbers<[0], [0], [1], [1], [0, 1, 1, 1], [], []>, transpose_lhs_hint = false} : vector<64x1024xf32>, vector<64x2048xf32>, vector<1024x2048xf32> -> vector<1024x2048xf32>
    %abs3A = math.absf %dot_general3A_9 : vector<1024x2048xf32>
    %reshape3A = vector.shape_cast %abs3A : vector<1024x2048xf32> to vector<8x128x2048xf32>
    %argmax3A = tpu.reduce_index %reshape3A {axis = 1 : i32, kind = #tpu.reduction_kind<arg_max>} : vector<8x128x2048xf32> -> vector<8x2048xi32>
    %reduce_max3A = arith.constant dense<0xFF800000> : vector<8x2048xf32>
    %reduce_max3A_10 = vector.multi_reduction <maximumf>, %reshape3A, %reduce_max3A [1] : vector<8x128x2048xf32> to vector<8x2048xf32>
    %argmax3A_11 = tpu.reduce_index %reduce_max3A_10 {axis = 0 : i32, kind = #tpu.reduction_kind<arg_max>} : vector<8x2048xf32> -> vector<2048xi32>
    %iota3A = tpu.iota {dimensions = array<i32: 0>} : vector<8x2048xi32>
    %broadcast_in_dim3A_12 = vector.shape_cast %argmax3A_11 : vector<2048xi32> to vector<1x2048xi32>
    %eq3A = vector.broadcast %broadcast_in_dim3A_12 : vector<1x2048xi32> to vector<8x2048xi32>
    %eq3A_13 = arith.cmpi eq, %iota3A, %eq3A : vector<8x2048xi32>
    %convert_element_type3A = arith.extui %eq3A_13 : vector<8x2048xi1> to vector<8x2048xi32>
    %convert_element_type3A_14 = arith.sitofp %convert_element_type3A : vector<8x2048xi32> to vector<8x2048xf32>
    %convert_element_type3A_15 = arith.sitofp %argmax3A : vector<8x2048xi32> to vector<8x2048xf32>
    %mul3A_16 = arith.mulf %convert_element_type3A_15, %convert_element_type3A_14 : vector<8x2048xf32>
    %reduce_sum3A_17 = arith.constant dense<0.000000e+00> : vector<2048xf32>
    %reduce_sum3A_18 = vector.multi_reduction <add>, %mul3A_16, %reduce_sum3A_17 [0] : vector<8x2048xf32> to vector<2048xf32>
    %convert_element_type3A_19 = arith.fptosi %reduce_sum3A_18 : vector<2048xf32> to vector<2048xi32>
    %mul3A_20 = arith.constant 128 : i32
    %mul3A_21 = vector.broadcast %mul3A_20 : i32 to vector<2048xi32>
    %mul3A_22 = arith.muli %argmax3A_11, %mul3A_21 : vector<2048xi32>
    %add3A_23 = arith.addi %mul3A_22, %convert_element_type3A_19 : vector<2048xi32>
    %iota3A_24 = tpu.iota {dimensions = array<i32: 0>} : vector<128x2048xi32>
    %broadcast_in_dim3A_25 = vector.shape_cast %convert_element_type3A_19 : vector<2048xi32> to vector<1x2048xi32>
    %eq3A_26 = vector.broadcast %broadcast_in_dim3A_25 : vector<1x2048xi32> to vector<128x2048xi32>
    %eq3A_27 = arith.cmpi eq, %iota3A_24, %eq3A_26 : vector<128x2048xi32>
    %convert_element_type3A_28 = arith.extui %eq3A_27 : vector<128x2048xi1> to vector<128x2048xi32>
    %convert_element_type3A_29 = arith.sitofp %convert_element_type3A_28 : vector<128x2048xi32> to vector<128x2048xf32>
    %get3A_30 = arith.constant 0 : index
    %get3A_31 = arith.constant 0 : index
    %get3A_32 = arith.constant 0 : index
    %get3A_33 = vector.load %arg2[%get3A_30, %get3A_31, %get3A_32] : memref<8x64x128xf32, #tpu.memory_space<vmem>>, vector<8x64x128xf32>
    %reshape3A_34 = vector.shape_cast %sqrt3A : vector<1x1024xf32> to vector<8x1x128xf32>
    %add3A_35 = arith.constant 1.000000e-10 : f32
    %add3A_36 = vector.broadcast %add3A_35 : f32 to vector<8x1x128xf32>
    %add3A_37 = arith.addf %reshape3A_34, %add3A_36 : vector<8x1x128xf32>
    %div3A_38 = vector.broadcast %add3A_37 : vector<8x1x128xf32> to vector<8x64x128xf32>
    %div3A_39 = arith.divf %get3A_33, %div3A_38 : vector<8x64x128xf32>
    %reshape3A_40 = vector.shape_cast %div3A_39 : vector<8x64x128xf32> to vector<512x128xf32>
    %convert_element_type3A_41 = arith.truncf %reshape3A_40 : vector<512x128xf32> to vector<512x128xbf16>
    %convert_element_type3A_42 = arith.extf %convert_element_type3A_41 : vector<512x128xbf16> to vector<512x128xf32>
    %sub3A = arith.subf %reshape3A_40, %convert_element_type3A_42 : vector<512x128xf32>
    %convert_element_type3A_43 = arith.truncf %sub3A : vector<512x128xf32> to vector<512x128xbf16>
    %convert_element_type3A_44 = arith.extf %convert_element_type3A_43 : vector<512x128xbf16> to vector<512x128xf32>
    %sub3A_45 = arith.subf %sub3A, %convert_element_type3A_44 : vector<512x128xf32>
    %convert_element_type3A_46 = arith.truncf %sub3A_45 : vector<512x128xf32> to vector<512x128xbf16>
    %convert_element_type3A_47 = arith.truncf %convert_element_type3A_29 : vector<128x2048xf32> to vector<128x2048xbf16>
    %dot_general3A_48 = arith.constant dense<0.000000e+00> : vector<512x2048xf32>
    %dot_general3A_49 = tpu.matmul %convert_element_type3A_41, %convert_element_type3A_47, %dot_general3A_48 {dimension_numbers = #tpu.dot_dimension_numbers<[1], [0], [0], [1], [0, 0, 1, 1], [], []>, transpose_lhs_hint = false} : vector<512x128xbf16>, vector<128x2048xbf16>, vector<512x2048xf32> -> vector<512x2048xf32>
    %dot_general3A_50 = arith.constant dense<0.000000e+00> : vector<512x2048xf32>
    %dot_general3A_51 = tpu.matmul %convert_element_type3A_43, %convert_element_type3A_47, %dot_general3A_50 {dimension_numbers = #tpu.dot_dimension_numbers<[1], [0], [0], [1], [0, 0, 1, 1], [], []>, transpose_lhs_hint = false} : vector<512x128xbf16>, vector<128x2048xbf16>, vector<512x2048xf32> -> vector<512x2048xf32>
    %add3A_52 = arith.addf %dot_general3A_49, %dot_general3A_51 : vector<512x2048xf32>
    %dot_general3A_53 = arith.constant dense<0.000000e+00> : vector<512x2048xf32>
    %dot_general3A_54 = tpu.matmul %convert_element_type3A_46, %convert_element_type3A_47, %dot_general3A_53 {dimension_numbers = #tpu.dot_dimension_numbers<[1], [0], [0], [1], [0, 0, 1, 1], [], []>, transpose_lhs_hint = false} : vector<512x128xbf16>, vector<128x2048xbf16>, vector<512x2048xf32> -> vector<512x2048xf32>
    %add3A_55 = arith.addf %add3A_52, %dot_general3A_54 : vector<512x2048xf32>
    %reshape3A_56 = vector.shape_cast %add3A_55 : vector<512x2048xf32> to vector<8x64x2048xf32>
    %broadcast_in_dim3A_57 = vector.shape_cast %convert_element_type3A_14 : vector<8x2048xf32> to vector<8x1x2048xf32>
    %mul3A_58 = vector.broadcast %broadcast_in_dim3A_57 : vector<8x1x2048xf32> to vector<8x64x2048xf32>
    %mul3A_59 = arith.mulf %reshape3A_56, %mul3A_58 : vector<8x64x2048xf32>
    %reduce_sum3A_60 = arith.constant dense<0.000000e+00> : vector<64x2048xf32>
    %reduce_sum3A_61 = vector.multi_reduction <add>, %mul3A_59, %reduce_sum3A_60 [0] : vector<8x64x2048xf32> to vector<64x2048xf32>
    %mul3A_62 = arith.mulf %get3A_8, %reduce_sum3A_61 : vector<64x2048xf32>
    %reduce_sum3A_63 = arith.constant dense<0.000000e+00> : vector<2048xf32>
    %reduce_sum3A_64 = vector.multi_reduction <add>, %mul3A_62, %reduce_sum3A_63 [0] : vector<64x2048xf32> to vector<2048xf32>
    %broadcast_in_dim3A_65 = vector.shape_cast %reduce_sum3A_64 : vector<2048xf32> to vector<1x2048xf32>
    %mul3A_66 = arith.mulf %reduce_sum3A_61, %reduce_sum3A_61 : vector<64x2048xf32>
    %reduce_sum3A_67 = arith.constant dense<0.000000e+00> : vector<2048xf32>
    %reduce_sum3A_68 = vector.multi_reduction <add>, %mul3A_66, %reduce_sum3A_67 [0] : vector<64x2048xf32> to vector<2048xf32>
    %broadcast_in_dim3A_69 = vector.shape_cast %reduce_sum3A_68 : vector<2048xf32> to vector<1x2048xf32>
    %add3A_70 = arith.constant 1.000000e-10 : f32
    %add3A_71 = vector.broadcast %add3A_70 : f32 to vector<1x2048xf32>
    %add3A_72 = arith.addf %broadcast_in_dim3A_69, %add3A_71 : vector<1x2048xf32>
    %div3A_73 = arith.divf %broadcast_in_dim3A_65, %add3A_72 : vector<1x2048xf32>
    %mul3A_74 = vector.broadcast %div3A_73 : vector<1x2048xf32> to vector<64x2048xf32>
    %mul3A_75 = arith.mulf %reduce_sum3A_61, %mul3A_74 : vector<64x2048xf32>
    %sub3A_76 = arith.subf %get3A_8, %mul3A_75 : vector<64x2048xf32>
    %swap3A = arith.constant 0 : index
    %swap3A_77 = arith.constant 0 : index
    %swap3A_78 = vector.load %arg4[%swap3A, %swap3A_77] : memref<64x2048xf32, #tpu.memory_space<vmem>>, vector<64x2048xf32>
    tpu.vector_store %arg4[%swap3A, %swap3A_77], %sub3A_76 {strides = array<i32>} : memref<64x2048xf32, #tpu.memory_space<vmem>>, vector<64x2048xf32>,
    %broadcast_in_dim3A_79 = vector.shape_cast %add3A_23 : vector<2048xi32> to vector<1x2048xi32>
    %swap3A_80 = arith.constant 0 : index
    %swap3A_81 = arith.constant 0 : index
    %swap3A_82 = vector.load %arg5[%swap3A_80, %swap3A_81] : memref<1x2048xi32, #tpu.memory_space<vmem>>, vector<1x2048xi32>
    tpu.vector_store %arg5[%swap3A_80, %swap3A_81], %broadcast_in_dim3A_79 {strides = array<i32>} : memref<1x2048xi32, #tpu.memory_space<vmem>>, vector<1x2048xi32>,
    %swap3A_83 = arith.constant 0 : index
    %swap3A_84 = arith.constant 0 : index
    %swap3A_85 = vector.load %arg6[%swap3A_83, %swap3A_84] : memref<1x2048xf32, #tpu.memory_space<vmem>>, vector<1x2048xf32>
    tpu.vector_store %arg6[%swap3A_83, %swap3A_84], %div3A_73 {strides = array<i32>} : memref<1x2048xf32, #tpu.memory_space<vmem>>, vector<1x2048xf32>,
    %dot_general3A_86 = arith.constant dense<0.000000e+00> : vector<8x128xf32>
    %dot_general3A_87 = tpu.matmul %convert_element_type3A_14, %convert_element_type3A_29, %dot_general3A_86 {dimension_numbers = #tpu.dot_dimension_numbers<[1], [1], [0], [0], [0, 0, 1, 0], [], []>, precision = #tpu.contract_precision<fp32>, transpose_lhs_hint = false} : vector<8x2048xf32>, vector<128x2048xf32>, vector<8x128xf32> -> vector<8x128xf32>
    %eq3A_88 = arith.constant 0 : i32
    %eq3A_89 = arith.cmpi eq, %arg0, %eq3A_88 : i32
    %convert_element_type3A_90 = arith.extui %eq3A_89 : i1 to i32
    %cond3A = arith.constant 0 : i32
    %cond3A_91 = arith.cmpi ne, %convert_element_type3A_90, %cond3A : i32
    scf.if %cond3A_91 {
      %swap3A_96 = arith.constant 0 : index
      %swap3A_97 = arith.constant 0 : index
      %swap3A_98 = vector.load %arg7[%swap3A_96, %swap3A_97] : memref<8x128xf32, #tpu.memory_space<vmem>>, vector<8x128xf32>
      tpu.vector_store %arg7[%swap3A_96, %swap3A_97], %dot_general3A_87 {strides = array<i32>} : memref<8x128xf32, #tpu.memory_space<vmem>>, vector<8x128xf32>,
    } else {
    }
    %ne3A = arith.constant 0 : i32
    %ne3A_92 = arith.cmpi ne, %arg0, %ne3A : i32
    %convert_element_type3A_93 = arith.extui %ne3A_92 : i1 to i32
    %cond3A_94 = arith.constant 0 : i32
    %cond3A_95 = arith.cmpi ne, %convert_element_type3A_93, %cond3A_94 : i32
    scf.if %cond3A_95 {
      %get3A_96 = arith.constant 0 : index
      %get3A_97 = arith.constant 0 : index
      %get3A_98 = vector.load %arg7[%get3A_96, %get3A_97] : memref<8x128xf32, #tpu.memory_space<vmem>>, vector<8x128xf32>
      %add3A_99 = arith.addf %get3A_98, %dot_general3A_87 : vector<8x128xf32>
      %swap3A_100 = arith.constant 0 : index
      %swap3A_101 = arith.constant 0 : index
      %swap3A_102 = vector.load %arg7[%swap3A_100, %swap3A_101] : memref<8x128xf32, #tpu.memory_space<vmem>>, vector<8x128xf32>
      tpu.vector_store %arg7[%swap3A_100, %swap3A_101], %add3A_99 {strides = array<i32>} : memref<8x128xf32, #tpu.memory_space<vmem>>, vector<8x128xf32>,
    } else {
    }
    return
  }
  func.func @transform_0(%arg0: i32) -> (i32, i32) {
    %c0_i32 = arith.constant 0 : i32
    %c0_i32_0 = arith.constant 0 : i32
    %c0_i32_1 = arith.constant 0 : i32
    return %c0_i32, %c0_i32_0 : i32, i32
  }
  func.func @transform_1(%arg0: i32) -> (i32, i32, i32) {
    %c0_i32 = arith.constant 0 : i32
    %c0_i32_0 = arith.constant 0 : i32
    %c0_i32_1 = arith.constant 0 : i32
    %c0_i32_2 = arith.constant 0 : i32
    return %c0_i32, %c0_i32_0, %c0_i32_1 : i32, i32, i32
  }
  func.func @transform_2(%arg0: i32) -> (i32, i32) {
    %c0_i32 = arith.constant 0 : i32
    %c0_i32_0 = arith.constant 0 : i32
    return %c0_i32, %arg0 : i32, i32
  }
  func.func @transform_3(%arg0: i32) -> (i32, i32) {
    %c0_i32 = arith.constant 0 : i32
    %c0_i32_0 = arith.constant 0 : i32
    return %c0_i32, %arg0 : i32, i32
  }
  func.func @transform_4(%arg0: i32) -> (i32, i32) {
    %c0_i32 = arith.constant 0 : i32
    %c0_i32_0 = arith.constant 0 : i32
    return %c0_i32, %arg0 : i32, i32
  }
  func.func @transform_5(%arg0: i32) -> (i32, i32) {
    %c0_i32 = arith.constant 0 : i32
    %c0_i32_0 = arith.constant 0 : i32
    return %c0_i32, %arg0 : i32, i32
  }
  func.func @transform_6(%arg0: i32) -> (i32, i32) {
    %c0_i32 = arith.constant 0 : i32
    %c0_i32_0 = arith.constant 0 : i32
    %c0_i32_1 = arith.constant 0 : i32
    return %c0_i32, %c0_i32_0 : i32, i32
  }
}

module attributes {stable_mosaic.version = 14 : i64} {
  func.func @_omp_step_kernel(%arg0: i32, %arg1: memref<64x1024xf32, #tpu.memory_space<vmem>>, %arg2: memref<8x64x128xf32, #tpu.memory_space<vmem>>, %arg3: memref<64x2048xf32, #tpu.memory_space<vmem>>, %arg4: memref<8x128xf32, #tpu.memory_space<vmem>>, %arg5: memref<1x2048xi32, #tpu.memory_space<vmem>>, %arg6: memref<64x2048xf32, #tpu.memory_space<vmem>>, %arg7: memref<1x2048xi32, #tpu.memory_space<vmem>>, %arg8: memref<1x2048xf32, #tpu.memory_space<vmem>>, %arg9: memref<8x128xf32, #tpu.memory_space<vmem>>) attributes {dimension_semantics = [#tpu.dimension_semantics<arbitrary>], iteration_bounds = array<i64: 8>, scalar_prefetch = 0 : i64, scratch_operands = 0 : i64, tpu.core_type = #tpu.core_type<tc>, window_params = [{pipeline_mode = #tpu.pipeline_mode<synchronous>, transform_indices = @transform_0, window_bounds = array<i64: 64, 1024>}, {pipeline_mode = #tpu.pipeline_mode<synchronous>, transform_indices = @transform_1, window_bounds = array<i64: 8, 64, 128>}, {transform_indices = @transform_2, window_bounds = array<i64: 64, 2048>}, {pipeline_mode = #tpu.pipeline_mode<synchronous>, transform_indices = @transform_3, window_bounds = array<i64: 8, 128>}, {transform_indices = @transform_4, window_bounds = array<i64: 1, 2048>}, {transform_indices = @transform_5, window_bounds = array<i64: 64, 2048>}, {transform_indices = @transform_6, window_bounds = array<i64: 1, 2048>}, {transform_indices = @transform_7, window_bounds = array<i64: 1, 2048>}, {pipeline_mode = #tpu.pipeline_mode<synchronous>, transform_indices = @transform_8, window_bounds = array<i64: 8, 128>}]} {
    %get3A = arith.constant 0 : index
    %get3A_0 = arith.constant 0 : index
    %get3A_1 = vector.load %arg1[%get3A, %get3A_0] : memref<64x1024xf32, #tpu.memory_space<vmem>>, vector<64x1024xf32>
    %mul3A = arith.mulf %get3A_1, %get3A_1 : vector<64x1024xf32>
    %reduce_sum3A = arith.constant dense<0.000000e+00> : vector<1024xf32>
    %reduce_sum3A_2 = vector.multi_reduction <add>, %mul3A, %reduce_sum3A [0] : vector<64x1024xf32> to vector<1024xf32>
    %broadcast_in_dim3A = vector.shape_cast %reduce_sum3A_2 : vector<1024xf32> to vector<1x1024xf32>
    %sqrt3A = math.sqrt %broadcast_in_dim3A : vector<1x1024xf32>
    %add3A = arith.constant 1.000000e-10 : f32
    %add3A_3 = vector.broadcast %add3A : f32 to vector<1x1024xf32>
    %add3A_4 = arith.addf %sqrt3A, %add3A_3 : vector<1x1024xf32>
    %div3A = vector.broadcast %add3A_4 : vector<1x1024xf32> to vector<64x1024xf32>
    %div3A_5 = arith.divf %get3A_1, %div3A : vector<64x1024xf32>
    %get3A_6 = arith.constant 0 : index
    %get3A_7 = arith.constant 0 : index
    %get3A_8 = vector.load %arg3[%get3A_6, %get3A_7] : memref<64x2048xf32, #tpu.memory_space<vmem>>, vector<64x2048xf32>
    %dot_general3A = arith.constant dense<0.000000e+00> : vector<1024x2048xf32>
    %dot_general3A_9 = tpu.matmul %div3A_5, %get3A_8, %dot_general3A {dimension_numbers = #tpu.dot_dimension_numbers<[0], [0], [1], [1], [0, 1, 1, 1], [], []>, transpose_lhs_hint = false} : vector<64x1024xf32>, vector<64x2048xf32>, vector<1024x2048xf32> -> vector<1024x2048xf32>
    %abs3A = math.absf %dot_general3A_9 : vector<1024x2048xf32>
    %reshape3A = vector.shape_cast %abs3A : vector<1024x2048xf32> to vector<8x128x2048xf32>
    %get3A_10 = arith.constant 0 : index
    %get3A_11 = arith.constant 0 : index
    %get3A_12 = vector.load %arg4[%get3A_10, %get3A_11] : memref<8x128xf32, #tpu.memory_space<vmem>>, vector<8x128xf32>
    %reduce_sum3A_13 = vector.shape_cast %get3A_12 : vector<8x128xf32> to vector<1x8x128xf32>
    %reduce_sum3A_14 = arith.constant dense<0.000000e+00> : vector<1xf32>
    %reduce_sum3A_15 = vector.multi_reduction <add>, %reduce_sum3A_13, %reduce_sum3A_14 [1, 2] : vector<1x8x128xf32> to vector<1xf32>
    %reduce_sum3A_16 = vector.shape_cast %reduce_sum3A_15 : vector<1xf32> to vector<1x1x1xf32>
    %reduce_sum3A_17 = vector.extract %reduce_sum3A_16[0, 0, 0] : f32 from vector<1x1x1xf32>
    %div3A_18 = arith.constant 1.024000e+03 : f32
    %div3A_19 = arith.divf %reduce_sum3A_17, %div3A_18 : f32
    %sub3A = vector.broadcast %div3A_19 : f32 to vector<8x128xf32>
    %sub3A_20 = arith.subf %sub3A, %get3A_12 : vector<8x128xf32>
    %max3A = arith.constant 0.000000e+00 : f32
    %max3A_21 = vector.broadcast %max3A : f32 to vector<8x128xf32>
    %max3A_22 = arith.maximumf %sub3A_20, %max3A_21 : vector<8x128xf32>
    %mul3A_23 = arith.constant 1.000000e-03 : f32
    %mul3A_24 = vector.broadcast %mul3A_23 : f32 to vector<8x128xf32>
    %mul3A_25 = arith.mulf %mul3A_24, %max3A_22 : vector<8x128xf32>
    %broadcast_in_dim3A_26 = vector.shape_cast %mul3A_25 : vector<8x128xf32> to vector<8x128x1xf32>
    %add3A_27 = vector.broadcast %broadcast_in_dim3A_26 : vector<8x128x1xf32> to vector<8x128x2048xf32>
    %add3A_28 = arith.addf %reshape3A, %add3A_27 : vector<8x128x2048xf32>
    %iota3A = tpu.iota {dimensions = array<i32: 0>} : vector<8x128x2048xi32>
    %iota3A_29 = tpu.iota {dimensions = array<i32: 1>} : vector<8x128x2048xi32>
    %mul3A_30 = arith.constant 128 : i32
    %mul3A_31 = vector.broadcast %mul3A_30 : i32 to vector<8x128x2048xi32>
    %mul3A_32 = arith.muli %iota3A, %mul3A_31 : vector<8x128x2048xi32>
    %add3A_33 = arith.addi %mul3A_32, %iota3A_29 : vector<8x128x2048xi32>
    %get3A_34 = arith.constant 0 : index
    %get3A_35 = arith.constant 0 : index
    %get3A_36 = vector.load %arg5[%get3A_34, %get3A_35] : memref<1x2048xi32, #tpu.memory_space<vmem>>, vector<1x2048xi32>
    %get3A_37 = vector.shape_cast %get3A_36 : vector<1x2048xi32> to vector<2048xi32>
    %broadcast_in_dim3A_38 = vector.shape_cast %get3A_37 : vector<2048xi32> to vector<1x1x2048xi32>
    %eq3A = vector.broadcast %broadcast_in_dim3A_38 : vector<1x1x2048xi32> to vector<8x128x2048xi32>
    %eq3A_39 = arith.cmpi eq, %add3A_33, %eq3A : vector<8x128x2048xi32>
    %jit3A = arith.constant 0.000000e+00 : f32
    %broadcast_in_dim3A_40 = vector.broadcast %jit3A : f32 to vector<8x128x2048xf32>
    %select_n3A = arith.select %eq3A_39, %broadcast_in_dim3A_40, %add3A_28 : vector<8x128x2048xi1>, vector<8x128x2048xf32>
    %argmax3A = tpu.reduce_index %select_n3A {axis = 1 : i32, kind = #tpu.reduction_kind<arg_max>} : vector<8x128x2048xf32> -> vector<8x2048xi32>
    %reduce_max3A = arith.constant dense<0xFF800000> : vector<8x2048xf32>
    %reduce_max3A_41 = vector.multi_reduction <maximumf>, %select_n3A, %reduce_max3A [1] : vector<8x128x2048xf32> to vector<8x2048xf32>
    %argmax3A_42 = tpu.reduce_index %reduce_max3A_41 {axis = 0 : i32, kind = #tpu.reduction_kind<arg_max>} : vector<8x2048xf32> -> vector<2048xi32>
    %iota3A_43 = tpu.iota {dimensions = array<i32: 0>} : vector<8x2048xi32>
    %broadcast_in_dim3A_44 = vector.shape_cast %argmax3A_42 : vector<2048xi32> to vector<1x2048xi32>
    %eq3A_45 = vector.broadcast %broadcast_in_dim3A_44 : vector<1x2048xi32> to vector<8x2048xi32>
    %eq3A_46 = arith.cmpi eq, %iota3A_43, %eq3A_45 : vector<8x2048xi32>
    %convert_element_type3A = arith.extui %eq3A_46 : vector<8x2048xi1> to vector<8x2048xi32>
    %convert_element_type3A_47 = arith.sitofp %convert_element_type3A : vector<8x2048xi32> to vector<8x2048xf32>
    %convert_element_type3A_48 = arith.sitofp %argmax3A : vector<8x2048xi32> to vector<8x2048xf32>
    %mul3A_49 = arith.mulf %convert_element_type3A_48, %convert_element_type3A_47 : vector<8x2048xf32>
    %reduce_sum3A_50 = arith.constant dense<0.000000e+00> : vector<2048xf32>
    %reduce_sum3A_51 = vector.multi_reduction <add>, %mul3A_49, %reduce_sum3A_50 [0] : vector<8x2048xf32> to vector<2048xf32>
    %convert_element_type3A_52 = arith.fptosi %reduce_sum3A_51 : vector<2048xf32> to vector<2048xi32>
    %mul3A_53 = arith.constant 128 : i32
    %mul3A_54 = vector.broadcast %mul3A_53 : i32 to vector<2048xi32>
    %mul3A_55 = arith.muli %argmax3A_42, %mul3A_54 : vector<2048xi32>
    %add3A_56 = arith.addi %mul3A_55, %convert_element_type3A_52 : vector<2048xi32>
    %iota3A_57 = tpu.iota {dimensions = array<i32: 0>} : vector<128x2048xi32>
    %broadcast_in_dim3A_58 = vector.shape_cast %convert_element_type3A_52 : vector<2048xi32> to vector<1x2048xi32>
    %eq3A_59 = vector.broadcast %broadcast_in_dim3A_58 : vector<1x2048xi32> to vector<128x2048xi32>
    %eq3A_60 = arith.cmpi eq, %iota3A_57, %eq3A_59 : vector<128x2048xi32>
    %convert_element_type3A_61 = arith.extui %eq3A_60 : vector<128x2048xi1> to vector<128x2048xi32>
    %convert_element_type3A_62 = arith.sitofp %convert_element_type3A_61 : vector<128x2048xi32> to vector<128x2048xf32>
    %get3A_63 = arith.constant 0 : index
    %get3A_64 = arith.constant 0 : index
    %get3A_65 = arith.constant 0 : index
    %get3A_66 = vector.load %arg2[%get3A_63, %get3A_64, %get3A_65] : memref<8x64x128xf32, #tpu.memory_space<vmem>>, vector<8x64x128xf32>
    %reshape3A_67 = vector.shape_cast %sqrt3A : vector<1x1024xf32> to vector<8x1x128xf32>
    %add3A_68 = arith.constant 1.000000e-10 : f32
    %add3A_69 = vector.broadcast %add3A_68 : f32 to vector<8x1x128xf32>
    %add3A_70 = arith.addf %reshape3A_67, %add3A_69 : vector<8x1x128xf32>
    %div3A_71 = vector.broadcast %add3A_70 : vector<8x1x128xf32> to vector<8x64x128xf32>
    %div3A_72 = arith.divf %get3A_66, %div3A_71 : vector<8x64x128xf32>
    %reshape3A_73 = vector.shape_cast %div3A_72 : vector<8x64x128xf32> to vector<512x128xf32>
    %convert_element_type3A_74 = arith.truncf %reshape3A_73 : vector<512x128xf32> to vector<512x128xbf16>
    %convert_element_type3A_75 = arith.extf %convert_element_type3A_74 : vector<512x128xbf16> to vector<512x128xf32>
    %sub3A_76 = arith.subf %reshape3A_73, %convert_element_type3A_75 : vector<512x128xf32>
    %convert_element_type3A_77 = arith.truncf %sub3A_76 : vector<512x128xf32> to vector<512x128xbf16>
    %convert_element_type3A_78 = arith.extf %convert_element_type3A_77 : vector<512x128xbf16> to vector<512x128xf32>
    %sub3A_79 = arith.subf %sub3A_76, %convert_element_type3A_78 : vector<512x128xf32>
    %convert_element_type3A_80 = arith.truncf %sub3A_79 : vector<512x128xf32> to vector<512x128xbf16>
    %convert_element_type3A_81 = arith.truncf %convert_element_type3A_62 : vector<128x2048xf32> to vector<128x2048xbf16>
    %dot_general3A_82 = arith.constant dense<0.000000e+00> : vector<512x2048xf32>
    %dot_general3A_83 = tpu.matmul %convert_element_type3A_74, %convert_element_type3A_81, %dot_general3A_82 {dimension_numbers = #tpu.dot_dimension_numbers<[1], [0], [0], [1], [0, 0, 1, 1], [], []>, transpose_lhs_hint = false} : vector<512x128xbf16>, vector<128x2048xbf16>, vector<512x2048xf32> -> vector<512x2048xf32>
    %dot_general3A_84 = arith.constant dense<0.000000e+00> : vector<512x2048xf32>
    %dot_general3A_85 = tpu.matmul %convert_element_type3A_77, %convert_element_type3A_81, %dot_general3A_84 {dimension_numbers = #tpu.dot_dimension_numbers<[1], [0], [0], [1], [0, 0, 1, 1], [], []>, transpose_lhs_hint = false} : vector<512x128xbf16>, vector<128x2048xbf16>, vector<512x2048xf32> -> vector<512x2048xf32>
    %add3A_86 = arith.addf %dot_general3A_83, %dot_general3A_85 : vector<512x2048xf32>
    %dot_general3A_87 = arith.constant dense<0.000000e+00> : vector<512x2048xf32>
    %dot_general3A_88 = tpu.matmul %convert_element_type3A_80, %convert_element_type3A_81, %dot_general3A_87 {dimension_numbers = #tpu.dot_dimension_numbers<[1], [0], [0], [1], [0, 0, 1, 1], [], []>, transpose_lhs_hint = false} : vector<512x128xbf16>, vector<128x2048xbf16>, vector<512x2048xf32> -> vector<512x2048xf32>
    %add3A_89 = arith.addf %add3A_86, %dot_general3A_88 : vector<512x2048xf32>
    %reshape3A_90 = vector.shape_cast %add3A_89 : vector<512x2048xf32> to vector<8x64x2048xf32>
    %broadcast_in_dim3A_91 = vector.shape_cast %convert_element_type3A_47 : vector<8x2048xf32> to vector<8x1x2048xf32>
    %mul3A_92 = vector.broadcast %broadcast_in_dim3A_91 : vector<8x1x2048xf32> to vector<8x64x2048xf32>
    %mul3A_93 = arith.mulf %reshape3A_90, %mul3A_92 : vector<8x64x2048xf32>
    %reduce_sum3A_94 = arith.constant dense<0.000000e+00> : vector<64x2048xf32>
    %reduce_sum3A_95 = vector.multi_reduction <add>, %mul3A_93, %reduce_sum3A_94 [0] : vector<8x64x2048xf32> to vector<64x2048xf32>
    %mul3A_96 = arith.mulf %get3A_8, %reduce_sum3A_95 : vector<64x2048xf32>
    %reduce_sum3A_97 = arith.constant dense<0.000000e+00> : vector<2048xf32>
    %reduce_sum3A_98 = vector.multi_reduction <add>, %mul3A_96, %reduce_sum3A_97 [0] : vector<64x2048xf32> to vector<2048xf32>
    %broadcast_in_dim3A_99 = vector.shape_cast %reduce_sum3A_98 : vector<2048xf32> to vector<1x2048xf32>
    %mul3A_100 = arith.mulf %reduce_sum3A_95, %reduce_sum3A_95 : vector<64x2048xf32>
    %reduce_sum3A_101 = arith.constant dense<0.000000e+00> : vector<2048xf32>
    %reduce_sum3A_102 = vector.multi_reduction <add>, %mul3A_100, %reduce_sum3A_101 [0] : vector<64x2048xf32> to vector<2048xf32>
    %broadcast_in_dim3A_103 = vector.shape_cast %reduce_sum3A_102 : vector<2048xf32> to vector<1x2048xf32>
    %add3A_104 = arith.constant 1.000000e-10 : f32
    %add3A_105 = vector.broadcast %add3A_104 : f32 to vector<1x2048xf32>
    %add3A_106 = arith.addf %broadcast_in_dim3A_103, %add3A_105 : vector<1x2048xf32>
    %div3A_107 = arith.divf %broadcast_in_dim3A_99, %add3A_106 : vector<1x2048xf32>
    %mul3A_108 = vector.broadcast %div3A_107 : vector<1x2048xf32> to vector<64x2048xf32>
    %mul3A_109 = arith.mulf %reduce_sum3A_95, %mul3A_108 : vector<64x2048xf32>
    %sub3A_110 = arith.subf %get3A_8, %mul3A_109 : vector<64x2048xf32>
    %swap3A = arith.constant 0 : index
    %swap3A_111 = arith.constant 0 : index
    %swap3A_112 = vector.load %arg6[%swap3A, %swap3A_111] : memref<64x2048xf32, #tpu.memory_space<vmem>>, vector<64x2048xf32>
    tpu.vector_store %arg6[%swap3A, %swap3A_111], %sub3A_110 {strides = array<i32>} : memref<64x2048xf32, #tpu.memory_space<vmem>>, vector<64x2048xf32>,
    %broadcast_in_dim3A_113 = vector.shape_cast %add3A_56 : vector<2048xi32> to vector<1x2048xi32>
    %swap3A_114 = arith.constant 0 : index
    %swap3A_115 = arith.constant 0 : index
    %swap3A_116 = vector.load %arg7[%swap3A_114, %swap3A_115] : memref<1x2048xi32, #tpu.memory_space<vmem>>, vector<1x2048xi32>
    tpu.vector_store %arg7[%swap3A_114, %swap3A_115], %broadcast_in_dim3A_113 {strides = array<i32>} : memref<1x2048xi32, #tpu.memory_space<vmem>>, vector<1x2048xi32>,
    %swap3A_117 = arith.constant 0 : index
    %swap3A_118 = arith.constant 0 : index
    %swap3A_119 = vector.load %arg8[%swap3A_117, %swap3A_118] : memref<1x2048xf32, #tpu.memory_space<vmem>>, vector<1x2048xf32>
    tpu.vector_store %arg8[%swap3A_117, %swap3A_118], %div3A_107 {strides = array<i32>} : memref<1x2048xf32, #tpu.memory_space<vmem>>, vector<1x2048xf32>,
    %dot_general3A_120 = arith.constant dense<0.000000e+00> : vector<8x128xf32>
    %dot_general3A_121 = tpu.matmul %convert_element_type3A_47, %convert_element_type3A_62, %dot_general3A_120 {dimension_numbers = #tpu.dot_dimension_numbers<[1], [1], [0], [0], [0, 0, 1, 0], [], []>, precision = #tpu.contract_precision<fp32>, transpose_lhs_hint = false} : vector<8x2048xf32>, vector<128x2048xf32>, vector<8x128xf32> -> vector<8x128xf32>
    %eq3A_122 = arith.constant 0 : i32
    %eq3A_123 = arith.cmpi eq, %arg0, %eq3A_122 : i32
    %convert_element_type3A_124 = arith.extui %eq3A_123 : i1 to i32
    %cond3A = arith.constant 0 : i32
    %cond3A_125 = arith.cmpi ne, %convert_element_type3A_124, %cond3A : i32
    scf.if %cond3A_125 {
      %get3A_130 = arith.constant 0 : index
      %get3A_131 = arith.constant 0 : index
      %get3A_132 = vector.load %arg4[%get3A_130, %get3A_131] : memref<8x128xf32, #tpu.memory_space<vmem>>, vector<8x128xf32>
      %add3A_133 = arith.addf %get3A_132, %dot_general3A_121 : vector<8x128xf32>
      %swap3A_134 = arith.constant 0 : index
      %swap3A_135 = arith.constant 0 : index
      %swap3A_136 = vector.load %arg9[%swap3A_134, %swap3A_135] : memref<8x128xf32, #tpu.memory_space<vmem>>, vector<8x128xf32>
      tpu.vector_store %arg9[%swap3A_134, %swap3A_135], %add3A_133 {strides = array<i32>} : memref<8x128xf32, #tpu.memory_space<vmem>>, vector<8x128xf32>,
    } else {
    }
    %ne3A = arith.constant 0 : i32
    %ne3A_126 = arith.cmpi ne, %arg0, %ne3A : i32
    %convert_element_type3A_127 = arith.extui %ne3A_126 : i1 to i32
    %cond3A_128 = arith.constant 0 : i32
    %cond3A_129 = arith.cmpi ne, %convert_element_type3A_127, %cond3A_128 : i32
    scf.if %cond3A_129 {
      %get3A_130 = arith.constant 0 : index
      %get3A_131 = arith.constant 0 : index
      %get3A_132 = vector.load %arg9[%get3A_130, %get3A_131] : memref<8x128xf32, #tpu.memory_space<vmem>>, vector<8x128xf32>
      %add3A_133 = arith.addf %get3A_132, %dot_general3A_121 : vector<8x128xf32>
      %swap3A_134 = arith.constant 0 : index
      %swap3A_135 = arith.constant 0 : index
      %swap3A_136 = vector.load %arg9[%swap3A_134, %swap3A_135] : memref<8x128xf32, #tpu.memory_space<vmem>>, vector<8x128xf32>
      tpu.vector_store %arg9[%swap3A_134, %swap3A_135], %add3A_133 {strides = array<i32>} : memref<8x128xf32, #tpu.memory_space<vmem>>, vector<8x128xf32>,
    } else {
    }
    return
  }
  func.func @transform_0(%arg0: i32) -> (i32, i32) {
    %c0_i32 = arith.constant 0 : i32
    %c0_i32_0 = arith.constant 0 : i32
    %c0_i32_1 = arith.constant 0 : i32
    return %c0_i32, %c0_i32_0 : i32, i32
  }
  func.func @transform_1(%arg0: i32) -> (i32, i32, i32) {
    %c0_i32 = arith.constant 0 : i32
    %c0_i32_0 = arith.constant 0 : i32
    %c0_i32_1 = arith.constant 0 : i32
    %c0_i32_2 = arith.constant 0 : i32
    return %c0_i32, %c0_i32_0, %c0_i32_1 : i32, i32, i32
  }
  func.func @transform_2(%arg0: i32) -> (i32, i32) {
    %c0_i32 = arith.constant 0 : i32
    %c0_i32_0 = arith.constant 0 : i32
    return %c0_i32, %arg0 : i32, i32
  }
  func.func @transform_3(%arg0: i32) -> (i32, i32) {
    %c0_i32 = arith.constant 0 : i32
    %c0_i32_0 = arith.constant 0 : i32
    %c0_i32_1 = arith.constant 0 : i32
    return %c0_i32, %c0_i32_0 : i32, i32
  }
  func.func @transform_4(%arg0: i32) -> (i32, i32) {
    %c0_i32 = arith.constant 0 : i32
    %c0_i32_0 = arith.constant 0 : i32
    return %c0_i32, %arg0 : i32, i32
  }
  func.func @transform_5(%arg0: i32) -> (i32, i32) {
    %c0_i32 = arith.constant 0 : i32
    %c0_i32_0 = arith.constant 0 : i32
    return %c0_i32, %arg0 : i32, i32
  }
  func.func @transform_6(%arg0: i32) -> (i32, i32) {
    %c0_i32 = arith.constant 0 : i32
    %c0_i32_0 = arith.constant 0 : i32
    return %c0_i32, %arg0 : i32, i32
  }
  func.func @transform_7(%arg0: i32) -> (i32, i32) {
    %c0_i32 = arith.constant 0 : i32
    %c0_i32_0 = arith.constant 0 : i32
    return %c0_i32, %arg0 : i32, i32
  }
  func.func @transform_8(%arg0: i32) -> (i32, i32) {
    %c0_i32 = arith.constant 0 : i32
    %c0_i32_0 = arith.constant 0 : i32
    %c0_i32_1 = arith.constant 0 : i32
    return %c0_i32, %c0_i32_0 : i32, i32
  }
}

module attributes {stable_mosaic.version = 14 : i64} {
  func.func @_omp_step_kernel(%arg0: i32, %arg1: memref<64x1024xf32, #tpu.memory_space<vmem>>, %arg2: memref<8x64x128xf32, #tpu.memory_space<vmem>>, %arg3: memref<64x2048xf32, #tpu.memory_space<vmem>>, %arg4: memref<8x128xf32, #tpu.memory_space<vmem>>, %arg5: memref<2x2048xi32, #tpu.memory_space<vmem>>, %arg6: memref<64x2048xf32, #tpu.memory_space<vmem>>, %arg7: memref<1x2048xi32, #tpu.memory_space<vmem>>, %arg8: memref<1x2048xf32, #tpu.memory_space<vmem>>, %arg9: memref<8x128xf32, #tpu.memory_space<vmem>>) attributes {dimension_semantics = [#tpu.dimension_semantics<arbitrary>], iteration_bounds = array<i64: 8>, scalar_prefetch = 0 : i64, scratch_operands = 0 : i64, tpu.core_type = #tpu.core_type<tc>, window_params = [{pipeline_mode = #tpu.pipeline_mode<synchronous>, transform_indices = @transform_0, window_bounds = array<i64: 64, 1024>}, {pipeline_mode = #tpu.pipeline_mode<synchronous>, transform_indices = @transform_1, window_bounds = array<i64: 8, 64, 128>}, {transform_indices = @transform_2, window_bounds = array<i64: 64, 2048>}, {pipeline_mode = #tpu.pipeline_mode<synchronous>, transform_indices = @transform_3, window_bounds = array<i64: 8, 128>}, {transform_indices = @transform_4, window_bounds = array<i64: 2, 2048>}, {transform_indices = @transform_5, window_bounds = array<i64: 64, 2048>}, {transform_indices = @transform_6, window_bounds = array<i64: 1, 2048>}, {transform_indices = @transform_7, window_bounds = array<i64: 1, 2048>}, {pipeline_mode = #tpu.pipeline_mode<synchronous>, transform_indices = @transform_8, window_bounds = array<i64: 8, 128>}]} {
    %get3A = arith.constant 0 : index
    %get3A_0 = arith.constant 0 : index
    %get3A_1 = vector.load %arg1[%get3A, %get3A_0] : memref<64x1024xf32, #tpu.memory_space<vmem>>, vector<64x1024xf32>
    %mul3A = arith.mulf %get3A_1, %get3A_1 : vector<64x1024xf32>
    %reduce_sum3A = arith.constant dense<0.000000e+00> : vector<1024xf32>
    %reduce_sum3A_2 = vector.multi_reduction <add>, %mul3A, %reduce_sum3A [0] : vector<64x1024xf32> to vector<1024xf32>
    %broadcast_in_dim3A = vector.shape_cast %reduce_sum3A_2 : vector<1024xf32> to vector<1x1024xf32>
    %sqrt3A = math.sqrt %broadcast_in_dim3A : vector<1x1024xf32>
    %add3A = arith.constant 1.000000e-10 : f32
    %add3A_3 = vector.broadcast %add3A : f32 to vector<1x1024xf32>
    %add3A_4 = arith.addf %sqrt3A, %add3A_3 : vector<1x1024xf32>
    %div3A = vector.broadcast %add3A_4 : vector<1x1024xf32> to vector<64x1024xf32>
    %div3A_5 = arith.divf %get3A_1, %div3A : vector<64x1024xf32>
    %get3A_6 = arith.constant 0 : index
    %get3A_7 = arith.constant 0 : index
    %get3A_8 = vector.load %arg3[%get3A_6, %get3A_7] : memref<64x2048xf32, #tpu.memory_space<vmem>>, vector<64x2048xf32>
    %dot_general3A = arith.constant dense<0.000000e+00> : vector<1024x2048xf32>
    %dot_general3A_9 = tpu.matmul %div3A_5, %get3A_8, %dot_general3A {dimension_numbers = #tpu.dot_dimension_numbers<[0], [0], [1], [1], [0, 1, 1, 1], [], []>, transpose_lhs_hint = false} : vector<64x1024xf32>, vector<64x2048xf32>, vector<1024x2048xf32> -> vector<1024x2048xf32>
    %abs3A = math.absf %dot_general3A_9 : vector<1024x2048xf32>
    %reshape3A = vector.shape_cast %abs3A : vector<1024x2048xf32> to vector<8x128x2048xf32>
    %get3A_10 = arith.constant 0 : index
    %get3A_11 = arith.constant 0 : index
    %get3A_12 = vector.load %arg4[%get3A_10, %get3A_11] : memref<8x128xf32, #tpu.memory_space<vmem>>, vector<8x128xf32>
    %reduce_sum3A_13 = vector.shape_cast %get3A_12 : vector<8x128xf32> to vector<1x8x128xf32>
    %reduce_sum3A_14 = arith.constant dense<0.000000e+00> : vector<1xf32>
    %reduce_sum3A_15 = vector.multi_reduction <add>, %reduce_sum3A_13, %reduce_sum3A_14 [1, 2] : vector<1x8x128xf32> to vector<1xf32>
    %reduce_sum3A_16 = vector.shape_cast %reduce_sum3A_15 : vector<1xf32> to vector<1x1x1xf32>
    %reduce_sum3A_17 = vector.extract %reduce_sum3A_16[0, 0, 0] : f32 from vector<1x1x1xf32>
    %div3A_18 = arith.constant 1.024000e+03 : f32
    %div3A_19 = arith.divf %reduce_sum3A_17, %div3A_18 : f32
    %sub3A = vector.broadcast %div3A_19 : f32 to vector<8x128xf32>
    %sub3A_20 = arith.subf %sub3A, %get3A_12 : vector<8x128xf32>
    %max3A = arith.constant 0.000000e+00 : f32
    %max3A_21 = vector.broadcast %max3A : f32 to vector<8x128xf32>
    %max3A_22 = arith.maximumf %sub3A_20, %max3A_21 : vector<8x128xf32>
    %mul3A_23 = arith.constant 1.000000e-03 : f32
    %mul3A_24 = vector.broadcast %mul3A_23 : f32 to vector<8x128xf32>
    %mul3A_25 = arith.mulf %mul3A_24, %max3A_22 : vector<8x128xf32>
    %broadcast_in_dim3A_26 = vector.shape_cast %mul3A_25 : vector<8x128xf32> to vector<8x128x1xf32>
    %add3A_27 = vector.broadcast %broadcast_in_dim3A_26 : vector<8x128x1xf32> to vector<8x128x2048xf32>
    %add3A_28 = arith.addf %reshape3A, %add3A_27 : vector<8x128x2048xf32>
    %iota3A = tpu.iota {dimensions = array<i32: 0>} : vector<8x128x2048xi32>
    %iota3A_29 = tpu.iota {dimensions = array<i32: 1>} : vector<8x128x2048xi32>
    %mul3A_30 = arith.constant 128 : i32
    %mul3A_31 = vector.broadcast %mul3A_30 : i32 to vector<8x128x2048xi32>
    %mul3A_32 = arith.muli %iota3A, %mul3A_31 : vector<8x128x2048xi32>
    %add3A_33 = arith.addi %mul3A_32, %iota3A_29 : vector<8x128x2048xi32>
    %get3A_34 = arith.constant 0 : index
    %get3A_35 = arith.constant 0 : index
    %get3A_36 = vector.load %arg5[%get3A_34, %get3A_35] : memref<2x2048xi32, #tpu.memory_space<vmem>>, vector<1x2048xi32>
    %get3A_37 = vector.shape_cast %get3A_36 : vector<1x2048xi32> to vector<2048xi32>
    %broadcast_in_dim3A_38 = vector.shape_cast %get3A_37 : vector<2048xi32> to vector<1x1x2048xi32>
    %eq3A = vector.broadcast %broadcast_in_dim3A_38 : vector<1x1x2048xi32> to vector<8x128x2048xi32>
    %eq3A_39 = arith.cmpi eq, %add3A_33, %eq3A : vector<8x128x2048xi32>
    %jit3A = arith.constant 0.000000e+00 : f32
    %broadcast_in_dim3A_40 = vector.broadcast %jit3A : f32 to vector<8x128x2048xf32>
    %select_n3A = arith.select %eq3A_39, %broadcast_in_dim3A_40, %add3A_28 : vector<8x128x2048xi1>, vector<8x128x2048xf32>
    %get3A_41 = arith.constant 1 : index
    %get3A_42 = arith.constant 0 : index
    %get3A_43 = vector.load %arg5[%get3A_41, %get3A_42] : memref<2x2048xi32, #tpu.memory_space<vmem>>, vector<1x2048xi32>
    %get3A_44 = vector.shape_cast %get3A_43 : vector<1x2048xi32> to vector<2048xi32>
    %broadcast_in_dim3A_45 = vector.shape_cast %get3A_44 : vector<2048xi32> to vector<1x1x2048xi32>
    %eq3A_46 = vector.broadcast %broadcast_in_dim3A_45 : vector<1x1x2048xi32> to vector<8x128x2048xi32>
    %eq3A_47 = arith.cmpi eq, %add3A_33, %eq3A_46 : vector<8x128x2048xi32>
    %jit3A_48 = arith.constant 0.000000e+00 : f32
    %broadcast_in_dim3A_49 = vector.broadcast %jit3A_48 : f32 to vector<8x128x2048xf32>
    %select_n3A_50 = arith.select %eq3A_47, %broadcast_in_dim3A_49, %select_n3A : vector<8x128x2048xi1>, vector<8x128x2048xf32>
    %argmax3A = tpu.reduce_index %select_n3A_50 {axis = 1 : i32, kind = #tpu.reduction_kind<arg_max>} : vector<8x128x2048xf32> -> vector<8x2048xi32>
    %reduce_max3A = arith.constant dense<0xFF800000> : vector<8x2048xf32>
    %reduce_max3A_51 = vector.multi_reduction <maximumf>, %select_n3A_50, %reduce_max3A [1] : vector<8x128x2048xf32> to vector<8x2048xf32>
    %argmax3A_52 = tpu.reduce_index %reduce_max3A_51 {axis = 0 : i32, kind = #tpu.reduction_kind<arg_max>} : vector<8x2048xf32> -> vector<2048xi32>
    %iota3A_53 = tpu.iota {dimensions = array<i32: 0>} : vector<8x2048xi32>
    %broadcast_in_dim3A_54 = vector.shape_cast %argmax3A_52 : vector<2048xi32> to vector<1x2048xi32>
    %eq3A_55 = vector.broadcast %broadcast_in_dim3A_54 : vector<1x2048xi32> to vector<8x2048xi32>
    %eq3A_56 = arith.cmpi eq, %iota3A_53, %eq3A_55 : vector<8x2048xi32>
    %convert_element_type3A = arith.extui %eq3A_56 : vector<8x2048xi1> to vector<8x2048xi32>
    %convert_element_type3A_57 = arith.sitofp %convert_element_type3A : vector<8x2048xi32> to vector<8x2048xf32>
    %convert_element_type3A_58 = arith.sitofp %argmax3A : vector<8x2048xi32> to vector<8x2048xf32>
    %mul3A_59 = arith.mulf %convert_element_type3A_58, %convert_element_type3A_57 : vector<8x2048xf32>
    %reduce_sum3A_60 = arith.constant dense<0.000000e+00> : vector<2048xf32>
    %reduce_sum3A_61 = vector.multi_reduction <add>, %mul3A_59, %reduce_sum3A_60 [0] : vector<8x2048xf32> to vector<2048xf32>
    %convert_element_type3A_62 = arith.fptosi %reduce_sum3A_61 : vector<2048xf32> to vector<2048xi32>
    %mul3A_63 = arith.constant 128 : i32
    %mul3A_64 = vector.broadcast %mul3A_63 : i32 to vector<2048xi32>
    %mul3A_65 = arith.muli %argmax3A_52, %mul3A_64 : vector<2048xi32>
    %add3A_66 = arith.addi %mul3A_65, %convert_element_type3A_62 : vector<2048xi32>
    %iota3A_67 = tpu.iota {dimensions = array<i32: 0>} : vector<128x2048xi32>
    %broadcast_in_dim3A_68 = vector.shape_cast %convert_element_type3A_62 : vector<2048xi32> to vector<1x2048xi32>
    %eq3A_69 = vector.broadcast %broadcast_in_dim3A_68 : vector<1x2048xi32> to vector<128x2048xi32>
    %eq3A_70 = arith.cmpi eq, %iota3A_67, %eq3A_69 : vector<128x2048xi32>
    %convert_element_type3A_71 = arith.extui %eq3A_70 : vector<128x2048xi1> to vector<128x2048xi32>
    %convert_element_type3A_72 = arith.sitofp %convert_element_type3A_71 : vector<128x2048xi32> to vector<128x2048xf32>
    %get3A_73 = arith.constant 0 : index
    %get3A_74 = arith.constant 0 : index
    %get3A_75 = arith.constant 0 : index
    %get3A_76 = vector.load %arg2[%get3A_73, %get3A_74, %get3A_75] : memref<8x64x128xf32, #tpu.memory_space<vmem>>, vector<8x64x128xf32>
    %reshape3A_77 = vector.shape_cast %sqrt3A : vector<1x1024xf32> to vector<8x1x128xf32>
    %add3A_78 = arith.constant 1.000000e-10 : f32
    %add3A_79 = vector.broadcast %add3A_78 : f32 to vector<8x1x128xf32>
    %add3A_80 = arith.addf %reshape3A_77, %add3A_79 : vector<8x1x128xf32>
    %div3A_81 = vector.broadcast %add3A_80 : vector<8x1x128xf32> to vector<8x64x128xf32>
    %div3A_82 = arith.divf %get3A_76, %div3A_81 : vector<8x64x128xf32>
    %reshape3A_83 = vector.shape_cast %div3A_82 : vector<8x64x128xf32> to vector<512x128xf32>
    %convert_element_type3A_84 = arith.truncf %reshape3A_83 : vector<512x128xf32> to vector<512x128xbf16>
    %convert_element_type3A_85 = arith.extf %convert_element_type3A_84 : vector<512x128xbf16> to vector<512x128xf32>
    %sub3A_86 = arith.subf %reshape3A_83, %convert_element_type3A_85 : vector<512x128xf32>
    %convert_element_type3A_87 = arith.truncf %sub3A_86 : vector<512x128xf32> to vector<512x128xbf16>
    %convert_element_type3A_88 = arith.extf %convert_element_type3A_87 : vector<512x128xbf16> to vector<512x128xf32>
    %sub3A_89 = arith.subf %sub3A_86, %convert_element_type3A_88 : vector<512x128xf32>
    %convert_element_type3A_90 = arith.truncf %sub3A_89 : vector<512x128xf32> to vector<512x128xbf16>
    %convert_element_type3A_91 = arith.truncf %convert_element_type3A_72 : vector<128x2048xf32> to vector<128x2048xbf16>
    %dot_general3A_92 = arith.constant dense<0.000000e+00> : vector<512x2048xf32>
    %dot_general3A_93 = tpu.matmul %convert_element_type3A_84, %convert_element_type3A_91, %dot_general3A_92 {dimension_numbers = #tpu.dot_dimension_numbers<[1], [0], [0], [1], [0, 0, 1, 1], [], []>, transpose_lhs_hint = false} : vector<512x128xbf16>, vector<128x2048xbf16>, vector<512x2048xf32> -> vector<512x2048xf32>
    %dot_general3A_94 = arith.constant dense<0.000000e+00> : vector<512x2048xf32>
    %dot_general3A_95 = tpu.matmul %convert_element_type3A_87, %convert_element_type3A_91, %dot_general3A_94 {dimension_numbers = #tpu.dot_dimension_numbers<[1], [0], [0], [1], [0, 0, 1, 1], [], []>, transpose_lhs_hint = false} : vector<512x128xbf16>, vector<128x2048xbf16>, vector<512x2048xf32> -> vector<512x2048xf32>
    %add3A_96 = arith.addf %dot_general3A_93, %dot_general3A_95 : vector<512x2048xf32>
    %dot_general3A_97 = arith.constant dense<0.000000e+00> : vector<512x2048xf32>
    %dot_general3A_98 = tpu.matmul %convert_element_type3A_90, %convert_element_type3A_91, %dot_general3A_97 {dimension_numbers = #tpu.dot_dimension_numbers<[1], [0], [0], [1], [0, 0, 1, 1], [], []>, transpose_lhs_hint = false} : vector<512x128xbf16>, vector<128x2048xbf16>, vector<512x2048xf32> -> vector<512x2048xf32>
    %add3A_99 = arith.addf %add3A_96, %dot_general3A_98 : vector<512x2048xf32>
    %reshape3A_100 = vector.shape_cast %add3A_99 : vector<512x2048xf32> to vector<8x64x2048xf32>
    %broadcast_in_dim3A_101 = vector.shape_cast %convert_element_type3A_57 : vector<8x2048xf32> to vector<8x1x2048xf32>
    %mul3A_102 = vector.broadcast %broadcast_in_dim3A_101 : vector<8x1x2048xf32> to vector<8x64x2048xf32>
    %mul3A_103 = arith.mulf %reshape3A_100, %mul3A_102 : vector<8x64x2048xf32>
    %reduce_sum3A_104 = arith.constant dense<0.000000e+00> : vector<64x2048xf32>
    %reduce_sum3A_105 = vector.multi_reduction <add>, %mul3A_103, %reduce_sum3A_104 [0] : vector<8x64x2048xf32> to vector<64x2048xf32>
    %mul3A_106 = arith.mulf %get3A_8, %reduce_sum3A_105 : vector<64x2048xf32>
    %reduce_sum3A_107 = arith.constant dense<0.000000e+00> : vector<2048xf32>
    %reduce_sum3A_108 = vector.multi_reduction <add>, %mul3A_106, %reduce_sum3A_107 [0] : vector<64x2048xf32> to vector<2048xf32>
    %broadcast_in_dim3A_109 = vector.shape_cast %reduce_sum3A_108 : vector<2048xf32> to vector<1x2048xf32>
    %mul3A_110 = arith.mulf %reduce_sum3A_105, %reduce_sum3A_105 : vector<64x2048xf32>
    %reduce_sum3A_111 = arith.constant dense<0.000000e+00> : vector<2048xf32>
    %reduce_sum3A_112 = vector.multi_reduction <add>, %mul3A_110, %reduce_sum3A_111 [0] : vector<64x2048xf32> to vector<2048xf32>
    %broadcast_in_dim3A_113 = vector.shape_cast %reduce_sum3A_112 : vector<2048xf32> to vector<1x2048xf32>
    %add3A_114 = arith.constant 1.000000e-10 : f32
    %add3A_115 = vector.broadcast %add3A_114 : f32 to vector<1x2048xf32>
    %add3A_116 = arith.addf %broadcast_in_dim3A_113, %add3A_115 : vector<1x2048xf32>
    %div3A_117 = arith.divf %broadcast_in_dim3A_109, %add3A_116 : vector<1x2048xf32>
    %mul3A_118 = vector.broadcast %div3A_117 : vector<1x2048xf32> to vector<64x2048xf32>
    %mul3A_119 = arith.mulf %reduce_sum3A_105, %mul3A_118 : vector<64x2048xf32>
    %sub3A_120 = arith.subf %get3A_8, %mul3A_119 : vector<64x2048xf32>
    %swap3A = arith.constant 0 : index
    %swap3A_121 = arith.constant 0 : index
    %swap3A_122 = vector.load %arg6[%swap3A, %swap3A_121] : memref<64x2048xf32, #tpu.memory_space<vmem>>, vector<64x2048xf32>
    tpu.vector_store %arg6[%swap3A, %swap3A_121], %sub3A_120 {strides = array<i32>} : memref<64x2048xf32, #tpu.memory_space<vmem>>, vector<64x2048xf32>,
    %broadcast_in_dim3A_123 = vector.shape_cast %add3A_66 : vector<2048xi32> to vector<1x2048xi32>
    %swap3A_124 = arith.constant 0 : index
    %swap3A_125 = arith.constant 0 : index
    %swap3A_126 = vector.load %arg7[%swap3A_124, %swap3A_125] : memref<1x2048xi32, #tpu.memory_space<vmem>>, vector<1x2048xi32>
    tpu.vector_store %arg7[%swap3A_124, %swap3A_125], %broadcast_in_dim3A_123 {strides = array<i32>} : memref<1x2048xi32, #tpu.memory_space<vmem>>, vector<1x2048xi32>,
    %swap3A_127 = arith.constant 0 : index
    %swap3A_128 = arith.constant 0 : index
    %swap3A_129 = vector.load %arg8[%swap3A_127, %swap3A_128] : memref<1x2048xf32, #tpu.memory_space<vmem>>, vector<1x2048xf32>
    tpu.vector_store %arg8[%swap3A_127, %swap3A_128], %div3A_117 {strides = array<i32>} : memref<1x2048xf32, #tpu.memory_space<vmem>>, vector<1x2048xf32>,
    %dot_general3A_130 = arith.constant dense<0.000000e+00> : vector<8x128xf32>
    %dot_general3A_131 = tpu.matmul %convert_element_type3A_57, %convert_element_type3A_72, %dot_general3A_130 {dimension_numbers = #tpu.dot_dimension_numbers<[1], [1], [0], [0], [0, 0, 1, 0], [], []>, precision = #tpu.contract_precision<fp32>, transpose_lhs_hint = false} : vector<8x2048xf32>, vector<128x2048xf32>, vector<8x128xf32> -> vector<8x128xf32>
    %eq3A_132 = arith.constant 0 : i32
    %eq3A_133 = arith.cmpi eq, %arg0, %eq3A_132 : i32
    %convert_element_type3A_134 = arith.extui %eq3A_133 : i1 to i32
    %cond3A = arith.constant 0 : i32
    %cond3A_135 = arith.cmpi ne, %convert_element_type3A_134, %cond3A : i32
    scf.if %cond3A_135 {
      %get3A_140 = arith.constant 0 : index
      %get3A_141 = arith.constant 0 : index
      %get3A_142 = vector.load %arg4[%get3A_140, %get3A_141] : memref<8x128xf32, #tpu.memory_space<vmem>>, vector<8x128xf32>
      %add3A_143 = arith.addf %get3A_142, %dot_general3A_131 : vector<8x128xf32>
      %swap3A_144 = arith.constant 0 : index
      %swap3A_145 = arith.constant 0 : index
      %swap3A_146 = vector.load %arg9[%swap3A_144, %swap3A_145] : memref<8x128xf32, #tpu.memory_space<vmem>>, vector<8x128xf32>
      tpu.vector_store %arg9[%swap3A_144, %swap3A_145], %add3A_143 {strides = array<i32>} : memref<8x128xf32, #tpu.memory_space<vmem>>, vector<8x128xf32>,
    } else {
    }
    %ne3A = arith.constant 0 : i32
    %ne3A_136 = arith.cmpi ne, %arg0, %ne3A : i32
    %convert_element_type3A_137 = arith.extui %ne3A_136 : i1 to i32
    %cond3A_138 = arith.constant 0 : i32
    %cond3A_139 = arith.cmpi ne, %convert_element_type3A_137, %cond3A_138 : i32
    scf.if %cond3A_139 {
      %get3A_140 = arith.constant 0 : index
      %get3A_141 = arith.constant 0 : index
      %get3A_142 = vector.load %arg9[%get3A_140, %get3A_141] : memref<8x128xf32, #tpu.memory_space<vmem>>, vector<8x128xf32>
      %add3A_143 = arith.addf %get3A_142, %dot_general3A_131 : vector<8x128xf32>
      %swap3A_144 = arith.constant 0 : index
      %swap3A_145 = arith.constant 0 : index
      %swap3A_146 = vector.load %arg9[%swap3A_144, %swap3A_145] : memref<8x128xf32, #tpu.memory_space<vmem>>, vector<8x128xf32>
      tpu.vector_store %arg9[%swap3A_144, %swap3A_145], %add3A_143 {strides = array<i32>} : memref<8x128xf32, #tpu.memory_space<vmem>>, vector<8x128xf32>,
    } else {
    }
    return
  }
  func.func @transform_0(%arg0: i32) -> (i32, i32) {
    %c0_i32 = arith.constant 0 : i32
    %c0_i32_0 = arith.constant 0 : i32
    %c0_i32_1 = arith.constant 0 : i32
    return %c0_i32, %c0_i32_0 : i32, i32
  }
  func.func @transform_1(%arg0: i32) -> (i32, i32, i32) {
    %c0_i32 = arith.constant 0 : i32
    %c0_i32_0 = arith.constant 0 : i32
    %c0_i32_1 = arith.constant 0 : i32
    %c0_i32_2 = arith.constant 0 : i32
    return %c0_i32, %c0_i32_0, %c0_i32_1 : i32, i32, i32
  }
  func.func @transform_2(%arg0: i32) -> (i32, i32) {
    %c0_i32 = arith.constant 0 : i32
    %c0_i32_0 = arith.constant 0 : i32
    return %c0_i32, %arg0 : i32, i32
  }
  func.func @transform_3(%arg0: i32) -> (i32, i32) {
    %c0_i32 = arith.constant 0 : i32
    %c0_i32_0 = arith.constant 0 : i32
    %c0_i32_1 = arith.constant 0 : i32
    return %c0_i32, %c0_i32_0 : i32, i32
  }
  func.func @transform_4(%arg0: i32) -> (i32, i32) {
    %c0_i32 = arith.constant 0 : i32
    %c0_i32_0 = arith.constant 0 : i32
    return %c0_i32, %arg0 : i32, i32
  }
  func.func @transform_5(%arg0: i32) -> (i32, i32) {
    %c0_i32 = arith.constant 0 : i32
    %c0_i32_0 = arith.constant 0 : i32
    return %c0_i32, %arg0 : i32, i32
  }
  func.func @transform_6(%arg0: i32) -> (i32, i32) {
    %c0_i32 = arith.constant 0 : i32
    %c0_i32_0 = arith.constant 0 : i32
    return %c0_i32, %arg0 : i32, i32
  }
  func.func @transform_7(%arg0: i32) -> (i32, i32) {
    %c0_i32 = arith.constant 0 : i32
    %c0_i32_0 = arith.constant 0 : i32
    return %c0_i32, %arg0 : i32, i32
  }
  func.func @transform_8(%arg0: i32) -> (i32, i32) {
    %c0_i32 = arith.constant 0 : i32
    %c0_i32_0 = arith.constant 0 : i32
    %c0_i32_1 = arith.constant 0 : i32
    return %c0_i32, %c0_i32_0 : i32, i32
  }
}

module attributes {stable_mosaic.version = 14 : i64} {
  func.func @_omp_step_kernel(%arg0: i32, %arg1: memref<64x1024xf32, #tpu.memory_space<vmem>>, %arg2: memref<8x64x128xf32, #tpu.memory_space<vmem>>, %arg3: memref<64x2048xf32, #tpu.memory_space<vmem>>, %arg4: memref<8x128xf32, #tpu.memory_space<vmem>>, %arg5: memref<3x2048xi32, #tpu.memory_space<vmem>>, %arg6: memref<64x2048xf32, #tpu.memory_space<vmem>>, %arg7: memref<1x2048xi32, #tpu.memory_space<vmem>>, %arg8: memref<1x2048xf32, #tpu.memory_space<vmem>>, %arg9: memref<8x128xf32, #tpu.memory_space<vmem>>) attributes {dimension_semantics = [#tpu.dimension_semantics<arbitrary>], iteration_bounds = array<i64: 8>, scalar_prefetch = 0 : i64, scratch_operands = 0 : i64, tpu.core_type = #tpu.core_type<tc>, window_params = [{pipeline_mode = #tpu.pipeline_mode<synchronous>, transform_indices = @transform_0, window_bounds = array<i64: 64, 1024>}, {pipeline_mode = #tpu.pipeline_mode<synchronous>, transform_indices = @transform_1, window_bounds = array<i64: 8, 64, 128>}, {transform_indices = @transform_2, window_bounds = array<i64: 64, 2048>}, {pipeline_mode = #tpu.pipeline_mode<synchronous>, transform_indices = @transform_3, window_bounds = array<i64: 8, 128>}, {transform_indices = @transform_4, window_bounds = array<i64: 3, 2048>}, {transform_indices = @transform_5, window_bounds = array<i64: 64, 2048>}, {transform_indices = @transform_6, window_bounds = array<i64: 1, 2048>}, {transform_indices = @transform_7, window_bounds = array<i64: 1, 2048>}, {pipeline_mode = #tpu.pipeline_mode<synchronous>, transform_indices = @transform_8, window_bounds = array<i64: 8, 128>}]} {
    %get3A = arith.constant 0 : index
    %get3A_0 = arith.constant 0 : index
    %get3A_1 = vector.load %arg1[%get3A, %get3A_0] : memref<64x1024xf32, #tpu.memory_space<vmem>>, vector<64x1024xf32>
    %mul3A = arith.mulf %get3A_1, %get3A_1 : vector<64x1024xf32>
    %reduce_sum3A = arith.constant dense<0.000000e+00> : vector<1024xf32>
    %reduce_sum3A_2 = vector.multi_reduction <add>, %mul3A, %reduce_sum3A [0] : vector<64x1024xf32> to vector<1024xf32>
    %broadcast_in_dim3A = vector.shape_cast %reduce_sum3A_2 : vector<1024xf32> to vector<1x1024xf32>
    %sqrt3A = math.sqrt %broadcast_in_dim3A : vector<1x1024xf32>
    %add3A = arith.constant 1.000000e-10 : f32
    %add3A_3 = vector.broadcast %add3A : f32 to vector<1x1024xf32>
    %add3A_4 = arith.addf %sqrt3A, %add3A_3 : vector<1x1024xf32>
    %div3A = vector.broadcast %add3A_4 : vector<1x1024xf32> to vector<64x1024xf32>
    %div3A_5 = arith.divf %get3A_1, %div3A : vector<64x1024xf32>
    %get3A_6 = arith.constant 0 : index
    %get3A_7 = arith.constant 0 : index
    %get3A_8 = vector.load %arg3[%get3A_6, %get3A_7] : memref<64x2048xf32, #tpu.memory_space<vmem>>, vector<64x2048xf32>
    %dot_general3A = arith.constant dense<0.000000e+00> : vector<1024x2048xf32>
    %dot_general3A_9 = tpu.matmul %div3A_5, %get3A_8, %dot_general3A {dimension_numbers = #tpu.dot_dimension_numbers<[0], [0], [1], [1], [0, 1, 1, 1], [], []>, transpose_lhs_hint = false} : vector<64x1024xf32>, vector<64x2048xf32>, vector<1024x2048xf32> -> vector<1024x2048xf32>
    %abs3A = math.absf %dot_general3A_9 : vector<1024x2048xf32>
    %reshape3A = vector.shape_cast %abs3A : vector<1024x2048xf32> to vector<8x128x2048xf32>
    %get3A_10 = arith.constant 0 : index
    %get3A_11 = arith.constant 0 : index
    %get3A_12 = vector.load %arg4[%get3A_10, %get3A_11] : memref<8x128xf32, #tpu.memory_space<vmem>>, vector<8x128xf32>
    %reduce_sum3A_13 = vector.shape_cast %get3A_12 : vector<8x128xf32> to vector<1x8x128xf32>
    %reduce_sum3A_14 = arith.constant dense<0.000000e+00> : vector<1xf32>
    %reduce_sum3A_15 = vector.multi_reduction <add>, %reduce_sum3A_13, %reduce_sum3A_14 [1, 2] : vector<1x8x128xf32> to vector<1xf32>
    %reduce_sum3A_16 = vector.shape_cast %reduce_sum3A_15 : vector<1xf32> to vector<1x1x1xf32>
    %reduce_sum3A_17 = vector.extract %reduce_sum3A_16[0, 0, 0] : f32 from vector<1x1x1xf32>
    %div3A_18 = arith.constant 1.024000e+03 : f32
    %div3A_19 = arith.divf %reduce_sum3A_17, %div3A_18 : f32
    %sub3A = vector.broadcast %div3A_19 : f32 to vector<8x128xf32>
    %sub3A_20 = arith.subf %sub3A, %get3A_12 : vector<8x128xf32>
    %max3A = arith.constant 0.000000e+00 : f32
    %max3A_21 = vector.broadcast %max3A : f32 to vector<8x128xf32>
    %max3A_22 = arith.maximumf %sub3A_20, %max3A_21 : vector<8x128xf32>
    %mul3A_23 = arith.constant 1.000000e-03 : f32
    %mul3A_24 = vector.broadcast %mul3A_23 : f32 to vector<8x128xf32>
    %mul3A_25 = arith.mulf %mul3A_24, %max3A_22 : vector<8x128xf32>
    %broadcast_in_dim3A_26 = vector.shape_cast %mul3A_25 : vector<8x128xf32> to vector<8x128x1xf32>
    %add3A_27 = vector.broadcast %broadcast_in_dim3A_26 : vector<8x128x1xf32> to vector<8x128x2048xf32>
    %add3A_28 = arith.addf %reshape3A, %add3A_27 : vector<8x128x2048xf32>
    %iota3A = tpu.iota {dimensions = array<i32: 0>} : vector<8x128x2048xi32>
    %iota3A_29 = tpu.iota {dimensions = array<i32: 1>} : vector<8x128x2048xi32>
    %mul3A_30 = arith.constant 128 : i32
    %mul3A_31 = vector.broadcast %mul3A_30 : i32 to vector<8x128x2048xi32>
    %mul3A_32 = arith.muli %iota3A, %mul3A_31 : vector<8x128x2048xi32>
    %add3A_33 = arith.addi %mul3A_32, %iota3A_29 : vector<8x128x2048xi32>
    %get3A_34 = arith.constant 0 : index
    %get3A_35 = arith.constant 0 : index
    %get3A_36 = vector.load %arg5[%get3A_34, %get3A_35] : memref<3x2048xi32, #tpu.memory_space<vmem>>, vector<1x2048xi32>
    %get3A_37 = vector.shape_cast %get3A_36 : vector<1x2048xi32> to vector<2048xi32>
    %broadcast_in_dim3A_38 = vector.shape_cast %get3A_37 : vector<2048xi32> to vector<1x1x2048xi32>
    %eq3A = vector.broadcast %broadcast_in_dim3A_38 : vector<1x1x2048xi32> to vector<8x128x2048xi32>
    %eq3A_39 = arith.cmpi eq, %add3A_33, %eq3A : vector<8x128x2048xi32>
    %jit3A = arith.constant 0.000000e+00 : f32
    %broadcast_in_dim3A_40 = vector.broadcast %jit3A : f32 to vector<8x128x2048xf32>
    %select_n3A = arith.select %eq3A_39, %broadcast_in_dim3A_40, %add3A_28 : vector<8x128x2048xi1>, vector<8x128x2048xf32>
    %get3A_41 = arith.constant 1 : index
    %get3A_42 = arith.constant 0 : index
    %get3A_43 = vector.load %arg5[%get3A_41, %get3A_42] : memref<3x2048xi32, #tpu.memory_space<vmem>>, vector<1x2048xi32>
    %get3A_44 = vector.shape_cast %get3A_43 : vector<1x2048xi32> to vector<2048xi32>
    %broadcast_in_dim3A_45 = vector.shape_cast %get3A_44 : vector<2048xi32> to vector<1x1x2048xi32>
    %eq3A_46 = vector.broadcast %broadcast_in_dim3A_45 : vector<1x1x2048xi32> to vector<8x128x2048xi32>
    %eq3A_47 = arith.cmpi eq, %add3A_33, %eq3A_46 : vector<8x128x2048xi32>
    %jit3A_48 = arith.constant 0.000000e+00 : f32
    %broadcast_in_dim3A_49 = vector.broadcast %jit3A_48 : f32 to vector<8x128x2048xf32>
    %select_n3A_50 = arith.select %eq3A_47, %broadcast_in_dim3A_49, %select_n3A : vector<8x128x2048xi1>, vector<8x128x2048xf32>
    %get3A_51 = arith.constant 2 : index
    %get3A_52 = arith.constant 0 : index
    %get3A_53 = vector.load %arg5[%get3A_51, %get3A_52] : memref<3x2048xi32, #tpu.memory_space<vmem>>, vector<1x2048xi32>
    %get3A_54 = vector.shape_cast %get3A_53 : vector<1x2048xi32> to vector<2048xi32>
    %broadcast_in_dim3A_55 = vector.shape_cast %get3A_54 : vector<2048xi32> to vector<1x1x2048xi32>
    %eq3A_56 = vector.broadcast %broadcast_in_dim3A_55 : vector<1x1x2048xi32> to vector<8x128x2048xi32>
    %eq3A_57 = arith.cmpi eq, %add3A_33, %eq3A_56 : vector<8x128x2048xi32>
    %jit3A_58 = arith.constant 0.000000e+00 : f32
    %broadcast_in_dim3A_59 = vector.broadcast %jit3A_58 : f32 to vector<8x128x2048xf32>
    %select_n3A_60 = arith.select %eq3A_57, %broadcast_in_dim3A_59, %select_n3A_50 : vector<8x128x2048xi1>, vector<8x128x2048xf32>
    %argmax3A = tpu.reduce_index %select_n3A_60 {axis = 1 : i32, kind = #tpu.reduction_kind<arg_max>} : vector<8x128x2048xf32> -> vector<8x2048xi32>
    %reduce_max3A = arith.constant dense<0xFF800000> : vector<8x2048xf32>
    %reduce_max3A_61 = vector.multi_reduction <maximumf>, %select_n3A_60, %reduce_max3A [1] : vector<8x128x2048xf32> to vector<8x2048xf32>
    %argmax3A_62 = tpu.reduce_index %reduce_max3A_61 {axis = 0 : i32, kind = #tpu.reduction_kind<arg_max>} : vector<8x2048xf32> -> vector<2048xi32>
    %iota3A_63 = tpu.iota {dimensions = array<i32: 0>} : vector<8x2048xi32>
    %broadcast_in_dim3A_64 = vector.shape_cast %argmax3A_62 : vector<2048xi32> to vector<1x2048xi32>
    %eq3A_65 = vector.broadcast %broadcast_in_dim3A_64 : vector<1x2048xi32> to vector<8x2048xi32>
    %eq3A_66 = arith.cmpi eq, %iota3A_63, %eq3A_65 : vector<8x2048xi32>
    %convert_element_type3A = arith.extui %eq3A_66 : vector<8x2048xi1> to vector<8x2048xi32>
    %convert_element_type3A_67 = arith.sitofp %convert_element_type3A : vector<8x2048xi32> to vector<8x2048xf32>
    %convert_element_type3A_68 = arith.sitofp %argmax3A : vector<8x2048xi32> to vector<8x2048xf32>
    %mul3A_69 = arith.mulf %convert_element_type3A_68, %convert_element_type3A_67 : vector<8x2048xf32>
    %reduce_sum3A_70 = arith.constant dense<0.000000e+00> : vector<2048xf32>
    %reduce_sum3A_71 = vector.multi_reduction <add>, %mul3A_69, %reduce_sum3A_70 [0] : vector<8x2048xf32> to vector<2048xf32>
    %convert_element_type3A_72 = arith.fptosi %reduce_sum3A_71 : vector<2048xf32> to vector<2048xi32>
    %mul3A_73 = arith.constant 128 : i32
    %mul3A_74 = vector.broadcast %mul3A_73 : i32 to vector<2048xi32>
    %mul3A_75 = arith.muli %argmax3A_62, %mul3A_74 : vector<2048xi32>
    %add3A_76 = arith.addi %mul3A_75, %convert_element_type3A_72 : vector<2048xi32>
    %iota3A_77 = tpu.iota {dimensions = array<i32: 0>} : vector<128x2048xi32>
    %broadcast_in_dim3A_78 = vector.shape_cast %convert_element_type3A_72 : vector<2048xi32> to vector<1x2048xi32>
    %eq3A_79 = vector.broadcast %broadcast_in_dim3A_78 : vector<1x2048xi32> to vector<128x2048xi32>
    %eq3A_80 = arith.cmpi eq, %iota3A_77, %eq3A_79 : vector<128x2048xi32>
    %convert_element_type3A_81 = arith.extui %eq3A_80 : vector<128x2048xi1> to vector<128x2048xi32>
    %convert_element_type3A_82 = arith.sitofp %convert_element_type3A_81 : vector<128x2048xi32> to vector<128x2048xf32>
    %get3A_83 = arith.constant 0 : index
    %get3A_84 = arith.constant 0 : index
    %get3A_85 = arith.constant 0 : index
    %get3A_86 = vector.load %arg2[%get3A_83, %get3A_84, %get3A_85] : memref<8x64x128xf32, #tpu.memory_space<vmem>>, vector<8x64x128xf32>
    %reshape3A_87 = vector.shape_cast %sqrt3A : vector<1x1024xf32> to vector<8x1x128xf32>
    %add3A_88 = arith.constant 1.000000e-10 : f32
    %add3A_89 = vector.broadcast %add3A_88 : f32 to vector<8x1x128xf32>
    %add3A_90 = arith.addf %reshape3A_87, %add3A_89 : vector<8x1x128xf32>
    %div3A_91 = vector.broadcast %add3A_90 : vector<8x1x128xf32> to vector<8x64x128xf32>
    %div3A_92 = arith.divf %get3A_86, %div3A_91 : vector<8x64x128xf32>
    %reshape3A_93 = vector.shape_cast %div3A_92 : vector<8x64x128xf32> to vector<512x128xf32>
    %convert_element_type3A_94 = arith.truncf %reshape3A_93 : vector<512x128xf32> to vector<512x128xbf16>
    %convert_element_type3A_95 = arith.extf %convert_element_type3A_94 : vector<512x128xbf16> to vector<512x128xf32>
    %sub3A_96 = arith.subf %reshape3A_93, %convert_element_type3A_95 : vector<512x128xf32>
    %convert_element_type3A_97 = arith.truncf %sub3A_96 : vector<512x128xf32> to vector<512x128xbf16>
    %convert_element_type3A_98 = arith.extf %convert_element_type3A_97 : vector<512x128xbf16> to vector<512x128xf32>
    %sub3A_99 = arith.subf %sub3A_96, %convert_element_type3A_98 : vector<512x128xf32>
    %convert_element_type3A_100 = arith.truncf %sub3A_99 : vector<512x128xf32> to vector<512x128xbf16>
    %convert_element_type3A_101 = arith.truncf %convert_element_type3A_82 : vector<128x2048xf32> to vector<128x2048xbf16>
    %dot_general3A_102 = arith.constant dense<0.000000e+00> : vector<512x2048xf32>
    %dot_general3A_103 = tpu.matmul %convert_element_type3A_94, %convert_element_type3A_101, %dot_general3A_102 {dimension_numbers = #tpu.dot_dimension_numbers<[1], [0], [0], [1], [0, 0, 1, 1], [], []>, transpose_lhs_hint = false} : vector<512x128xbf16>, vector<128x2048xbf16>, vector<512x2048xf32> -> vector<512x2048xf32>
    %dot_general3A_104 = arith.constant dense<0.000000e+00> : vector<512x2048xf32>
    %dot_general3A_105 = tpu.matmul %convert_element_type3A_97, %convert_element_type3A_101, %dot_general3A_104 {dimension_numbers = #tpu.dot_dimension_numbers<[1], [0], [0], [1], [0, 0, 1, 1], [], []>, transpose_lhs_hint = false} : vector<512x128xbf16>, vector<128x2048xbf16>, vector<512x2048xf32> -> vector<512x2048xf32>
    %add3A_106 = arith.addf %dot_general3A_103, %dot_general3A_105 : vector<512x2048xf32>
    %dot_general3A_107 = arith.constant dense<0.000000e+00> : vector<512x2048xf32>
    %dot_general3A_108 = tpu.matmul %convert_element_type3A_100, %convert_element_type3A_101, %dot_general3A_107 {dimension_numbers = #tpu.dot_dimension_numbers<[1], [0], [0], [1], [0, 0, 1, 1], [], []>, transpose_lhs_hint = false} : vector<512x128xbf16>, vector<128x2048xbf16>, vector<512x2048xf32> -> vector<512x2048xf32>
    %add3A_109 = arith.addf %add3A_106, %dot_general3A_108 : vector<512x2048xf32>
    %reshape3A_110 = vector.shape_cast %add3A_109 : vector<512x2048xf32> to vector<8x64x2048xf32>
    %broadcast_in_dim3A_111 = vector.shape_cast %convert_element_type3A_67 : vector<8x2048xf32> to vector<8x1x2048xf32>
    %mul3A_112 = vector.broadcast %broadcast_in_dim3A_111 : vector<8x1x2048xf32> to vector<8x64x2048xf32>
    %mul3A_113 = arith.mulf %reshape3A_110, %mul3A_112 : vector<8x64x2048xf32>
    %reduce_sum3A_114 = arith.constant dense<0.000000e+00> : vector<64x2048xf32>
    %reduce_sum3A_115 = vector.multi_reduction <add>, %mul3A_113, %reduce_sum3A_114 [0] : vector<8x64x2048xf32> to vector<64x2048xf32>
    %mul3A_116 = arith.mulf %get3A_8, %reduce_sum3A_115 : vector<64x2048xf32>
    %reduce_sum3A_117 = arith.constant dense<0.000000e+00> : vector<2048xf32>
    %reduce_sum3A_118 = vector.multi_reduction <add>, %mul3A_116, %reduce_sum3A_117 [0] : vector<64x2048xf32> to vector<2048xf32>
    %broadcast_in_dim3A_119 = vector.shape_cast %reduce_sum3A_118 : vector<2048xf32> to vector<1x2048xf32>
    %mul3A_120 = arith.mulf %reduce_sum3A_115, %reduce_sum3A_115 : vector<64x2048xf32>
    %reduce_sum3A_121 = arith.constant dense<0.000000e+00> : vector<2048xf32>
    %reduce_sum3A_122 = vector.multi_reduction <add>, %mul3A_120, %reduce_sum3A_121 [0] : vector<64x2048xf32> to vector<2048xf32>
    %broadcast_in_dim3A_123 = vector.shape_cast %reduce_sum3A_122 : vector<2048xf32> to vector<1x2048xf32>
    %add3A_124 = arith.constant 1.000000e-10 : f32
    %add3A_125 = vector.broadcast %add3A_124 : f32 to vector<1x2048xf32>
    %add3A_126 = arith.addf %broadcast_in_dim3A_123, %add3A_125 : vector<1x2048xf32>
    %div3A_127 = arith.divf %broadcast_in_dim3A_119, %add3A_126 : vector<1x2048xf32>
    %mul3A_128 = vector.broadcast %div3A_127 : vector<1x2048xf32> to vector<64x2048xf32>
    %mul3A_129 = arith.mulf %reduce_sum3A_115, %mul3A_128 : vector<64x2048xf32>
    %sub3A_130 = arith.subf %get3A_8, %mul3A_129 : vector<64x2048xf32>
    %swap3A = arith.constant 0 : index
    %swap3A_131 = arith.constant 0 : index
    %swap3A_132 = vector.load %arg6[%swap3A, %swap3A_131] : memref<64x2048xf32, #tpu.memory_space<vmem>>, vector<64x2048xf32>
    tpu.vector_store %arg6[%swap3A, %swap3A_131], %sub3A_130 {strides = array<i32>} : memref<64x2048xf32, #tpu.memory_space<vmem>>, vector<64x2048xf32>,
    %broadcast_in_dim3A_133 = vector.shape_cast %add3A_76 : vector<2048xi32> to vector<1x2048xi32>
    %swap3A_134 = arith.constant 0 : index
    %swap3A_135 = arith.constant 0 : index
    %swap3A_136 = vector.load %arg7[%swap3A_134, %swap3A_135] : memref<1x2048xi32, #tpu.memory_space<vmem>>, vector<1x2048xi32>
    tpu.vector_store %arg7[%swap3A_134, %swap3A_135], %broadcast_in_dim3A_133 {strides = array<i32>} : memref<1x2048xi32, #tpu.memory_space<vmem>>, vector<1x2048xi32>,
    %swap3A_137 = arith.constant 0 : index
    %swap3A_138 = arith.constant 0 : index
    %swap3A_139 = vector.load %arg8[%swap3A_137, %swap3A_138] : memref<1x2048xf32, #tpu.memory_space<vmem>>, vector<1x2048xf32>
    tpu.vector_store %arg8[%swap3A_137, %swap3A_138], %div3A_127 {strides = array<i32>} : memref<1x2048xf32, #tpu.memory_space<vmem>>, vector<1x2048xf32>,
    %dot_general3A_140 = arith.constant dense<0.000000e+00> : vector<8x128xf32>
    %dot_general3A_141 = tpu.matmul %convert_element_type3A_67, %convert_element_type3A_82, %dot_general3A_140 {dimension_numbers = #tpu.dot_dimension_numbers<[1], [1], [0], [0], [0, 0, 1, 0], [], []>, precision = #tpu.contract_precision<fp32>, transpose_lhs_hint = false} : vector<8x2048xf32>, vector<128x2048xf32>, vector<8x128xf32> -> vector<8x128xf32>
    %eq3A_142 = arith.constant 0 : i32
    %eq3A_143 = arith.cmpi eq, %arg0, %eq3A_142 : i32
    %convert_element_type3A_144 = arith.extui %eq3A_143 : i1 to i32
    %cond3A = arith.constant 0 : i32
    %cond3A_145 = arith.cmpi ne, %convert_element_type3A_144, %cond3A : i32
    scf.if %cond3A_145 {
      %get3A_150 = arith.constant 0 : index
      %get3A_151 = arith.constant 0 : index
      %get3A_152 = vector.load %arg4[%get3A_150, %get3A_151] : memref<8x128xf32, #tpu.memory_space<vmem>>, vector<8x128xf32>
      %add3A_153 = arith.addf %get3A_152, %dot_general3A_141 : vector<8x128xf32>
      %swap3A_154 = arith.constant 0 : index
      %swap3A_155 = arith.constant 0 : index
      %swap3A_156 = vector.load %arg9[%swap3A_154, %swap3A_155] : memref<8x128xf32, #tpu.memory_space<vmem>>, vector<8x128xf32>
      tpu.vector_store %arg9[%swap3A_154, %swap3A_155], %add3A_153 {strides = array<i32>} : memref<8x128xf32, #tpu.memory_space<vmem>>, vector<8x128xf32>,
    } else {
    }
    %ne3A = arith.constant 0 : i32
    %ne3A_146 = arith.cmpi ne, %arg0, %ne3A : i32
    %convert_element_type3A_147 = arith.extui %ne3A_146 : i1 to i32
    %cond3A_148 = arith.constant 0 : i32
    %cond3A_149 = arith.cmpi ne, %convert_element_type3A_147, %cond3A_148 : i32
    scf.if %cond3A_149 {
      %get3A_150 = arith.constant 0 : index
      %get3A_151 = arith.constant 0 : index
      %get3A_152 = vector.load %arg9[%get3A_150, %get3A_151] : memref<8x128xf32, #tpu.memory_space<vmem>>, vector<8x128xf32>
      %add3A_153 = arith.addf %get3A_152, %dot_general3A_141 : vector<8x128xf32>
      %swap3A_154 = arith.constant 0 : index
      %swap3A_155 = arith.constant 0 : index
      %swap3A_156 = vector.load %arg9[%swap3A_154, %swap3A_155] : memref<8x128xf32, #tpu.memory_space<vmem>>, vector<8x128xf32>
      tpu.vector_store %arg9[%swap3A_154, %swap3A_155], %add3A_153 {strides = array<i32>} : memref<8x128xf32, #tpu.memory_space<vmem>>, vector<8x128xf32>,
    } else {
    }
    return
  }
  func.func @transform_0(%arg0: i32) -> (i32, i32) {
    %c0_i32 = arith.constant 0 : i32
    %c0_i32_0 = arith.constant 0 : i32
    %c0_i32_1 = arith.constant 0 : i32
    return %c0_i32, %c0_i32_0 : i32, i32
  }
  func.func @transform_1(%arg0: i32) -> (i32, i32, i32) {
    %c0_i32 = arith.constant 0 : i32
    %c0_i32_0 = arith.constant 0 : i32
    %c0_i32_1 = arith.constant 0 : i32
    %c0_i32_2 = arith.constant 0 : i32
    return %c0_i32, %c0_i32_0, %c0_i32_1 : i32, i32, i32
  }
  func.func @transform_2(%arg0: i32) -> (i32, i32) {
    %c0_i32 = arith.constant 0 : i32
    %c0_i32_0 = arith.constant 0 : i32
    return %c0_i32, %arg0 : i32, i32
  }
  func.func @transform_3(%arg0: i32) -> (i32, i32) {
    %c0_i32 = arith.constant 0 : i32
    %c0_i32_0 = arith.constant 0 : i32
    %c0_i32_1 = arith.constant 0 : i32
    return %c0_i32, %c0_i32_0 : i32, i32
  }
  func.func @transform_4(%arg0: i32) -> (i32, i32) {
    %c0_i32 = arith.constant 0 : i32
    %c0_i32_0 = arith.constant 0 : i32
    return %c0_i32, %arg0 : i32, i32
  }
  func.func @transform_5(%arg0: i32) -> (i32, i32) {
    %c0_i32 = arith.constant 0 : i32
    %c0_i32_0 = arith.constant 0 : i32
    return %c0_i32, %arg0 : i32, i32
  }
  func.func @transform_6(%arg0: i32) -> (i32, i32) {
    %c0_i32 = arith.constant 0 : i32
    %c0_i32_0 = arith.constant 0 : i32
    return %c0_i32, %arg0 : i32, i32
  }
  func.func @transform_7(%arg0: i32) -> (i32, i32) {
    %c0_i32 = arith.constant 0 : i32
    %c0_i32_0 = arith.constant 0 : i32
    return %c0_i32, %arg0 : i32, i32
  }
  func.func @transform_8(%arg0: i32) -> (i32, i32) {
    %c0_i32 = arith.constant 0 : i32
    %c0_i32_0 = arith.constant 0 : i32
    %c0_i32_1 = arith.constant 0 : i32
    return %c0_i32, %c0_i32_0 : i32, i32
  }
}

module attributes {stable_mosaic.version = 14 : i64} {
  func.func @_omp_step_kernel(%arg0: i32, %arg1: memref<64x1024xf32, #tpu.memory_space<vmem>>, %arg2: memref<8x64x128xf32, #tpu.memory_space<vmem>>, %arg3: memref<64x2048xf32, #tpu.memory_space<vmem>>, %arg4: memref<8x128xf32, #tpu.memory_space<vmem>>, %arg5: memref<4x2048xi32, #tpu.memory_space<vmem>>, %arg6: memref<64x2048xf32, #tpu.memory_space<vmem>>, %arg7: memref<1x2048xi32, #tpu.memory_space<vmem>>, %arg8: memref<1x2048xf32, #tpu.memory_space<vmem>>, %arg9: memref<8x128xf32, #tpu.memory_space<vmem>>) attributes {dimension_semantics = [#tpu.dimension_semantics<arbitrary>], iteration_bounds = array<i64: 8>, scalar_prefetch = 0 : i64, scratch_operands = 0 : i64, tpu.core_type = #tpu.core_type<tc>, window_params = [{pipeline_mode = #tpu.pipeline_mode<synchronous>, transform_indices = @transform_0, window_bounds = array<i64: 64, 1024>}, {pipeline_mode = #tpu.pipeline_mode<synchronous>, transform_indices = @transform_1, window_bounds = array<i64: 8, 64, 128>}, {transform_indices = @transform_2, window_bounds = array<i64: 64, 2048>}, {pipeline_mode = #tpu.pipeline_mode<synchronous>, transform_indices = @transform_3, window_bounds = array<i64: 8, 128>}, {transform_indices = @transform_4, window_bounds = array<i64: 4, 2048>}, {transform_indices = @transform_5, window_bounds = array<i64: 64, 2048>}, {transform_indices = @transform_6, window_bounds = array<i64: 1, 2048>}, {transform_indices = @transform_7, window_bounds = array<i64: 1, 2048>}, {pipeline_mode = #tpu.pipeline_mode<synchronous>, transform_indices = @transform_8, window_bounds = array<i64: 8, 128>}]} {
    %get3A = arith.constant 0 : index
    %get3A_0 = arith.constant 0 : index
    %get3A_1 = vector.load %arg1[%get3A, %get3A_0] : memref<64x1024xf32, #tpu.memory_space<vmem>>, vector<64x1024xf32>
    %mul3A = arith.mulf %get3A_1, %get3A_1 : vector<64x1024xf32>
    %reduce_sum3A = arith.constant dense<0.000000e+00> : vector<1024xf32>
    %reduce_sum3A_2 = vector.multi_reduction <add>, %mul3A, %reduce_sum3A [0] : vector<64x1024xf32> to vector<1024xf32>
    %broadcast_in_dim3A = vector.shape_cast %reduce_sum3A_2 : vector<1024xf32> to vector<1x1024xf32>
    %sqrt3A = math.sqrt %broadcast_in_dim3A : vector<1x1024xf32>
    %add3A = arith.constant 1.000000e-10 : f32
    %add3A_3 = vector.broadcast %add3A : f32 to vector<1x1024xf32>
    %add3A_4 = arith.addf %sqrt3A, %add3A_3 : vector<1x1024xf32>
    %div3A = vector.broadcast %add3A_4 : vector<1x1024xf32> to vector<64x1024xf32>
    %div3A_5 = arith.divf %get3A_1, %div3A : vector<64x1024xf32>
    %get3A_6 = arith.constant 0 : index
    %get3A_7 = arith.constant 0 : index
    %get3A_8 = vector.load %arg3[%get3A_6, %get3A_7] : memref<64x2048xf32, #tpu.memory_space<vmem>>, vector<64x2048xf32>
    %dot_general3A = arith.constant dense<0.000000e+00> : vector<1024x2048xf32>
    %dot_general3A_9 = tpu.matmul %div3A_5, %get3A_8, %dot_general3A {dimension_numbers = #tpu.dot_dimension_numbers<[0], [0], [1], [1], [0, 1, 1, 1], [], []>, transpose_lhs_hint = false} : vector<64x1024xf32>, vector<64x2048xf32>, vector<1024x2048xf32> -> vector<1024x2048xf32>
    %abs3A = math.absf %dot_general3A_9 : vector<1024x2048xf32>
    %reshape3A = vector.shape_cast %abs3A : vector<1024x2048xf32> to vector<8x128x2048xf32>
    %get3A_10 = arith.constant 0 : index
    %get3A_11 = arith.constant 0 : index
    %get3A_12 = vector.load %arg4[%get3A_10, %get3A_11] : memref<8x128xf32, #tpu.memory_space<vmem>>, vector<8x128xf32>
    %reduce_sum3A_13 = vector.shape_cast %get3A_12 : vector<8x128xf32> to vector<1x8x128xf32>
    %reduce_sum3A_14 = arith.constant dense<0.000000e+00> : vector<1xf32>
    %reduce_sum3A_15 = vector.multi_reduction <add>, %reduce_sum3A_13, %reduce_sum3A_14 [1, 2] : vector<1x8x128xf32> to vector<1xf32>
    %reduce_sum3A_16 = vector.shape_cast %reduce_sum3A_15 : vector<1xf32> to vector<1x1x1xf32>
    %reduce_sum3A_17 = vector.extract %reduce_sum3A_16[0, 0, 0] : f32 from vector<1x1x1xf32>
    %div3A_18 = arith.constant 1.024000e+03 : f32
    %div3A_19 = arith.divf %reduce_sum3A_17, %div3A_18 : f32
    %sub3A = vector.broadcast %div3A_19 : f32 to vector<8x128xf32>
    %sub3A_20 = arith.subf %sub3A, %get3A_12 : vector<8x128xf32>
    %max3A = arith.constant 0.000000e+00 : f32
    %max3A_21 = vector.broadcast %max3A : f32 to vector<8x128xf32>
    %max3A_22 = arith.maximumf %sub3A_20, %max3A_21 : vector<8x128xf32>
    %mul3A_23 = arith.constant 1.000000e-03 : f32
    %mul3A_24 = vector.broadcast %mul3A_23 : f32 to vector<8x128xf32>
    %mul3A_25 = arith.mulf %mul3A_24, %max3A_22 : vector<8x128xf32>
    %broadcast_in_dim3A_26 = vector.shape_cast %mul3A_25 : vector<8x128xf32> to vector<8x128x1xf32>
    %add3A_27 = vector.broadcast %broadcast_in_dim3A_26 : vector<8x128x1xf32> to vector<8x128x2048xf32>
    %add3A_28 = arith.addf %reshape3A, %add3A_27 : vector<8x128x2048xf32>
    %iota3A = tpu.iota {dimensions = array<i32: 0>} : vector<8x128x2048xi32>
    %iota3A_29 = tpu.iota {dimensions = array<i32: 1>} : vector<8x128x2048xi32>
    %mul3A_30 = arith.constant 128 : i32
    %mul3A_31 = vector.broadcast %mul3A_30 : i32 to vector<8x128x2048xi32>
    %mul3A_32 = arith.muli %iota3A, %mul3A_31 : vector<8x128x2048xi32>
    %add3A_33 = arith.addi %mul3A_32, %iota3A_29 : vector<8x128x2048xi32>
    %get3A_34 = arith.constant 0 : index
    %get3A_35 = arith.constant 0 : index
    %get3A_36 = vector.load %arg5[%get3A_34, %get3A_35] : memref<4x2048xi32, #tpu.memory_space<vmem>>, vector<1x2048xi32>
    %get3A_37 = vector.shape_cast %get3A_36 : vector<1x2048xi32> to vector<2048xi32>
    %broadcast_in_dim3A_38 = vector.shape_cast %get3A_37 : vector<2048xi32> to vector<1x1x2048xi32>
    %eq3A = vector.broadcast %broadcast_in_dim3A_38 : vector<1x1x2048xi32> to vector<8x128x2048xi32>
    %eq3A_39 = arith.cmpi eq, %add3A_33, %eq3A : vector<8x128x2048xi32>
    %jit3A = arith.constant 0.000000e+00 : f32
    %broadcast_in_dim3A_40 = vector.broadcast %jit3A : f32 to vector<8x128x2048xf32>
    %select_n3A = arith.select %eq3A_39, %broadcast_in_dim3A_40, %add3A_28 : vector<8x128x2048xi1>, vector<8x128x2048xf32>
    %get3A_41 = arith.constant 1 : index
    %get3A_42 = arith.constant 0 : index
    %get3A_43 = vector.load %arg5[%get3A_41, %get3A_42] : memref<4x2048xi32, #tpu.memory_space<vmem>>, vector<1x2048xi32>
    %get3A_44 = vector.shape_cast %get3A_43 : vector<1x2048xi32> to vector<2048xi32>
    %broadcast_in_dim3A_45 = vector.shape_cast %get3A_44 : vector<2048xi32> to vector<1x1x2048xi32>
    %eq3A_46 = vector.broadcast %broadcast_in_dim3A_45 : vector<1x1x2048xi32> to vector<8x128x2048xi32>
    %eq3A_47 = arith.cmpi eq, %add3A_33, %eq3A_46 : vector<8x128x2048xi32>
    %jit3A_48 = arith.constant 0.000000e+00 : f32
    %broadcast_in_dim3A_49 = vector.broadcast %jit3A_48 : f32 to vector<8x128x2048xf32>
    %select_n3A_50 = arith.select %eq3A_47, %broadcast_in_dim3A_49, %select_n3A : vector<8x128x2048xi1>, vector<8x128x2048xf32>
    %get3A_51 = arith.constant 2 : index
    %get3A_52 = arith.constant 0 : index
    %get3A_53 = vector.load %arg5[%get3A_51, %get3A_52] : memref<4x2048xi32, #tpu.memory_space<vmem>>, vector<1x2048xi32>
    %get3A_54 = vector.shape_cast %get3A_53 : vector<1x2048xi32> to vector<2048xi32>
    %broadcast_in_dim3A_55 = vector.shape_cast %get3A_54 : vector<2048xi32> to vector<1x1x2048xi32>
    %eq3A_56 = vector.broadcast %broadcast_in_dim3A_55 : vector<1x1x2048xi32> to vector<8x128x2048xi32>
    %eq3A_57 = arith.cmpi eq, %add3A_33, %eq3A_56 : vector<8x128x2048xi32>
    %jit3A_58 = arith.constant 0.000000e+00 : f32
    %broadcast_in_dim3A_59 = vector.broadcast %jit3A_58 : f32 to vector<8x128x2048xf32>
    %select_n3A_60 = arith.select %eq3A_57, %broadcast_in_dim3A_59, %select_n3A_50 : vector<8x128x2048xi1>, vector<8x128x2048xf32>
    %get3A_61 = arith.constant 3 : index
    %get3A_62 = arith.constant 0 : index
    %get3A_63 = vector.load %arg5[%get3A_61, %get3A_62] : memref<4x2048xi32, #tpu.memory_space<vmem>>, vector<1x2048xi32>
    %get3A_64 = vector.shape_cast %get3A_63 : vector<1x2048xi32> to vector<2048xi32>
    %broadcast_in_dim3A_65 = vector.shape_cast %get3A_64 : vector<2048xi32> to vector<1x1x2048xi32>
    %eq3A_66 = vector.broadcast %broadcast_in_dim3A_65 : vector<1x1x2048xi32> to vector<8x128x2048xi32>
    %eq3A_67 = arith.cmpi eq, %add3A_33, %eq3A_66 : vector<8x128x2048xi32>
    %jit3A_68 = arith.constant 0.000000e+00 : f32
    %broadcast_in_dim3A_69 = vector.broadcast %jit3A_68 : f32 to vector<8x128x2048xf32>
    %select_n3A_70 = arith.select %eq3A_67, %broadcast_in_dim3A_69, %select_n3A_60 : vector<8x128x2048xi1>, vector<8x128x2048xf32>
    %argmax3A = tpu.reduce_index %select_n3A_70 {axis = 1 : i32, kind = #tpu.reduction_kind<arg_max>} : vector<8x128x2048xf32> -> vector<8x2048xi32>
    %reduce_max3A = arith.constant dense<0xFF800000> : vector<8x2048xf32>
    %reduce_max3A_71 = vector.multi_reduction <maximumf>, %select_n3A_70, %reduce_max3A [1] : vector<8x128x2048xf32> to vector<8x2048xf32>
    %argmax3A_72 = tpu.reduce_index %reduce_max3A_71 {axis = 0 : i32, kind = #tpu.reduction_kind<arg_max>} : vector<8x2048xf32> -> vector<2048xi32>
    %iota3A_73 = tpu.iota {dimensions = array<i32: 0>} : vector<8x2048xi32>
    %broadcast_in_dim3A_74 = vector.shape_cast %argmax3A_72 : vector<2048xi32> to vector<1x2048xi32>
    %eq3A_75 = vector.broadcast %broadcast_in_dim3A_74 : vector<1x2048xi32> to vector<8x2048xi32>
    %eq3A_76 = arith.cmpi eq, %iota3A_73, %eq3A_75 : vector<8x2048xi32>
    %convert_element_type3A = arith.extui %eq3A_76 : vector<8x2048xi1> to vector<8x2048xi32>
    %convert_element_type3A_77 = arith.sitofp %convert_element_type3A : vector<8x2048xi32> to vector<8x2048xf32>
    %convert_element_type3A_78 = arith.sitofp %argmax3A : vector<8x2048xi32> to vector<8x2048xf32>
    %mul3A_79 = arith.mulf %convert_element_type3A_78, %convert_element_type3A_77 : vector<8x2048xf32>
    %reduce_sum3A_80 = arith.constant dense<0.000000e+00> : vector<2048xf32>
    %reduce_sum3A_81 = vector.multi_reduction <add>, %mul3A_79, %reduce_sum3A_80 [0] : vector<8x2048xf32> to vector<2048xf32>
    %convert_element_type3A_82 = arith.fptosi %reduce_sum3A_81 : vector<2048xf32> to vector<2048xi32>
    %mul3A_83 = arith.constant 128 : i32
    %mul3A_84 = vector.broadcast %mul3A_83 : i32 to vector<2048xi32>
    %mul3A_85 = arith.muli %argmax3A_72, %mul3A_84 : vector<2048xi32>
    %add3A_86 = arith.addi %mul3A_85, %convert_element_type3A_82 : vector<2048xi32>
    %iota3A_87 = tpu.iota {dimensions = array<i32: 0>} : vector<128x2048xi32>
    %broadcast_in_dim3A_88 = vector.shape_cast %convert_element_type3A_82 : vector<2048xi32> to vector<1x2048xi32>
    %eq3A_89 = vector.broadcast %broadcast_in_dim3A_88 : vector<1x2048xi32> to vector<128x2048xi32>
    %eq3A_90 = arith.cmpi eq, %iota3A_87, %eq3A_89 : vector<128x2048xi32>
    %convert_element_type3A_91 = arith.extui %eq3A_90 : vector<128x2048xi1> to vector<128x2048xi32>
    %convert_element_type3A_92 = arith.sitofp %convert_element_type3A_91 : vector<128x2048xi32> to vector<128x2048xf32>
    %get3A_93 = arith.constant 0 : index
    %get3A_94 = arith.constant 0 : index
    %get3A_95 = arith.constant 0 : index
    %get3A_96 = vector.load %arg2[%get3A_93, %get3A_94, %get3A_95] : memref<8x64x128xf32, #tpu.memory_space<vmem>>, vector<8x64x128xf32>
    %reshape3A_97 = vector.shape_cast %sqrt3A : vector<1x1024xf32> to vector<8x1x128xf32>
    %add3A_98 = arith.constant 1.000000e-10 : f32
    %add3A_99 = vector.broadcast %add3A_98 : f32 to vector<8x1x128xf32>
    %add3A_100 = arith.addf %reshape3A_97, %add3A_99 : vector<8x1x128xf32>
    %div3A_101 = vector.broadcast %add3A_100 : vector<8x1x128xf32> to vector<8x64x128xf32>
    %div3A_102 = arith.divf %get3A_96, %div3A_101 : vector<8x64x128xf32>
    %reshape3A_103 = vector.shape_cast %div3A_102 : vector<8x64x128xf32> to vector<512x128xf32>
    %convert_element_type3A_104 = arith.truncf %reshape3A_103 : vector<512x128xf32> to vector<512x128xbf16>
    %convert_element_type3A_105 = arith.extf %convert_element_type3A_104 : vector<512x128xbf16> to vector<512x128xf32>
    %sub3A_106 = arith.subf %reshape3A_103, %convert_element_type3A_105 : vector<512x128xf32>
    %convert_element_type3A_107 = arith.truncf %sub3A_106 : vector<512x128xf32> to vector<512x128xbf16>
    %convert_element_type3A_108 = arith.extf %convert_element_type3A_107 : vector<512x128xbf16> to vector<512x128xf32>
    %sub3A_109 = arith.subf %sub3A_106, %convert_element_type3A_108 : vector<512x128xf32>
    %convert_element_type3A_110 = arith.truncf %sub3A_109 : vector<512x128xf32> to vector<512x128xbf16>
    %convert_element_type3A_111 = arith.truncf %convert_element_type3A_92 : vector<128x2048xf32> to vector<128x2048xbf16>
    %dot_general3A_112 = arith.constant dense<0.000000e+00> : vector<512x2048xf32>
    %dot_general3A_113 = tpu.matmul %convert_element_type3A_104, %convert_element_type3A_111, %dot_general3A_112 {dimension_numbers = #tpu.dot_dimension_numbers<[1], [0], [0], [1], [0, 0, 1, 1], [], []>, transpose_lhs_hint = false} : vector<512x128xbf16>, vector<128x2048xbf16>, vector<512x2048xf32> -> vector<512x2048xf32>
    %dot_general3A_114 = arith.constant dense<0.000000e+00> : vector<512x2048xf32>
    %dot_general3A_115 = tpu.matmul %convert_element_type3A_107, %convert_element_type3A_111, %dot_general3A_114 {dimension_numbers = #tpu.dot_dimension_numbers<[1], [0], [0], [1], [0, 0, 1, 1], [], []>, transpose_lhs_hint = false} : vector<512x128xbf16>, vector<128x2048xbf16>, vector<512x2048xf32> -> vector<512x2048xf32>
    %add3A_116 = arith.addf %dot_general3A_113, %dot_general3A_115 : vector<512x2048xf32>
    %dot_general3A_117 = arith.constant dense<0.000000e+00> : vector<512x2048xf32>
    %dot_general3A_118 = tpu.matmul %convert_element_type3A_110, %convert_element_type3A_111, %dot_general3A_117 {dimension_numbers = #tpu.dot_dimension_numbers<[1], [0], [0], [1], [0, 0, 1, 1], [], []>, transpose_lhs_hint = false} : vector<512x128xbf16>, vector<128x2048xbf16>, vector<512x2048xf32> -> vector<512x2048xf32>
    %add3A_119 = arith.addf %add3A_116, %dot_general3A_118 : vector<512x2048xf32>
    %reshape3A_120 = vector.shape_cast %add3A_119 : vector<512x2048xf32> to vector<8x64x2048xf32>
    %broadcast_in_dim3A_121 = vector.shape_cast %convert_element_type3A_77 : vector<8x2048xf32> to vector<8x1x2048xf32>
    %mul3A_122 = vector.broadcast %broadcast_in_dim3A_121 : vector<8x1x2048xf32> to vector<8x64x2048xf32>
    %mul3A_123 = arith.mulf %reshape3A_120, %mul3A_122 : vector<8x64x2048xf32>
    %reduce_sum3A_124 = arith.constant dense<0.000000e+00> : vector<64x2048xf32>
    %reduce_sum3A_125 = vector.multi_reduction <add>, %mul3A_123, %reduce_sum3A_124 [0] : vector<8x64x2048xf32> to vector<64x2048xf32>
    %mul3A_126 = arith.mulf %get3A_8, %reduce_sum3A_125 : vector<64x2048xf32>
    %reduce_sum3A_127 = arith.constant dense<0.000000e+00> : vector<2048xf32>
    %reduce_sum3A_128 = vector.multi_reduction <add>, %mul3A_126, %reduce_sum3A_127 [0] : vector<64x2048xf32> to vector<2048xf32>
    %broadcast_in_dim3A_129 = vector.shape_cast %reduce_sum3A_128 : vector<2048xf32> to vector<1x2048xf32>
    %mul3A_130 = arith.mulf %reduce_sum3A_125, %reduce_sum3A_125 : vector<64x2048xf32>
    %reduce_sum3A_131 = arith.constant dense<0.000000e+00> : vector<2048xf32>
    %reduce_sum3A_132 = vector.multi_reduction <add>, %mul3A_130, %reduce_sum3A_131 [0] : vector<64x2048xf32> to vector<2048xf32>
    %broadcast_in_dim3A_133 = vector.shape_cast %reduce_sum3A_132 : vector<2048xf32> to vector<1x2048xf32>
    %add3A_134 = arith.constant 1.000000e-10 : f32
    %add3A_135 = vector.broadcast %add3A_134 : f32 to vector<1x2048xf32>
    %add3A_136 = arith.addf %broadcast_in_dim3A_133, %add3A_135 : vector<1x2048xf32>
    %div3A_137 = arith.divf %broadcast_in_dim3A_129, %add3A_136 : vector<1x2048xf32>
    %mul3A_138 = vector.broadcast %div3A_137 : vector<1x2048xf32> to vector<64x2048xf32>
    %mul3A_139 = arith.mulf %reduce_sum3A_125, %mul3A_138 : vector<64x2048xf32>
    %sub3A_140 = arith.subf %get3A_8, %mul3A_139 : vector<64x2048xf32>
    %swap3A = arith.constant 0 : index
    %swap3A_141 = arith.constant 0 : index
    %swap3A_142 = vector.load %arg6[%swap3A, %swap3A_141] : memref<64x2048xf32, #tpu.memory_space<vmem>>, vector<64x2048xf32>
    tpu.vector_store %arg6[%swap3A, %swap3A_141], %sub3A_140 {strides = array<i32>} : memref<64x2048xf32, #tpu.memory_space<vmem>>, vector<64x2048xf32>,
    %broadcast_in_dim3A_143 = vector.shape_cast %add3A_86 : vector<2048xi32> to vector<1x2048xi32>
    %swap3A_144 = arith.constant 0 : index
    %swap3A_145 = arith.constant 0 : index
    %swap3A_146 = vector.load %arg7[%swap3A_144, %swap3A_145] : memref<1x2048xi32, #tpu.memory_space<vmem>>, vector<1x2048xi32>
    tpu.vector_store %arg7[%swap3A_144, %swap3A_145], %broadcast_in_dim3A_143 {strides = array<i32>} : memref<1x2048xi32, #tpu.memory_space<vmem>>, vector<1x2048xi32>,
    %swap3A_147 = arith.constant 0 : index
    %swap3A_148 = arith.constant 0 : index
    %swap3A_149 = vector.load %arg8[%swap3A_147, %swap3A_148] : memref<1x2048xf32, #tpu.memory_space<vmem>>, vector<1x2048xf32>
    tpu.vector_store %arg8[%swap3A_147, %swap3A_148], %div3A_137 {strides = array<i32>} : memref<1x2048xf32, #tpu.memory_space<vmem>>, vector<1x2048xf32>,
    %dot_general3A_150 = arith.constant dense<0.000000e+00> : vector<8x128xf32>
    %dot_general3A_151 = tpu.matmul %convert_element_type3A_77, %convert_element_type3A_92, %dot_general3A_150 {dimension_numbers = #tpu.dot_dimension_numbers<[1], [1], [0], [0], [0, 0, 1, 0], [], []>, precision = #tpu.contract_precision<fp32>, transpose_lhs_hint = false} : vector<8x2048xf32>, vector<128x2048xf32>, vector<8x128xf32> -> vector<8x128xf32>
    %eq3A_152 = arith.constant 0 : i32
    %eq3A_153 = arith.cmpi eq, %arg0, %eq3A_152 : i32
    %convert_element_type3A_154 = arith.extui %eq3A_153 : i1 to i32
    %cond3A = arith.constant 0 : i32
    %cond3A_155 = arith.cmpi ne, %convert_element_type3A_154, %cond3A : i32
    scf.if %cond3A_155 {
      %get3A_160 = arith.constant 0 : index
      %get3A_161 = arith.constant 0 : index
      %get3A_162 = vector.load %arg4[%get3A_160, %get3A_161] : memref<8x128xf32, #tpu.memory_space<vmem>>, vector<8x128xf32>
      %add3A_163 = arith.addf %get3A_162, %dot_general3A_151 : vector<8x128xf32>
      %swap3A_164 = arith.constant 0 : index
      %swap3A_165 = arith.constant 0 : index
      %swap3A_166 = vector.load %arg9[%swap3A_164, %swap3A_165] : memref<8x128xf32, #tpu.memory_space<vmem>>, vector<8x128xf32>
      tpu.vector_store %arg9[%swap3A_164, %swap3A_165], %add3A_163 {strides = array<i32>} : memref<8x128xf32, #tpu.memory_space<vmem>>, vector<8x128xf32>,
    } else {
    }
    %ne3A = arith.constant 0 : i32
    %ne3A_156 = arith.cmpi ne, %arg0, %ne3A : i32
    %convert_element_type3A_157 = arith.extui %ne3A_156 : i1 to i32
    %cond3A_158 = arith.constant 0 : i32
    %cond3A_159 = arith.cmpi ne, %convert_element_type3A_157, %cond3A_158 : i32
    scf.if %cond3A_159 {
      %get3A_160 = arith.constant 0 : index
      %get3A_161 = arith.constant 0 : index
      %get3A_162 = vector.load %arg9[%get3A_160, %get3A_161] : memref<8x128xf32, #tpu.memory_space<vmem>>, vector<8x128xf32>
      %add3A_163 = arith.addf %get3A_162, %dot_general3A_151 : vector<8x128xf32>
      %swap3A_164 = arith.constant 0 : index
      %swap3A_165 = arith.constant 0 : index
      %swap3A_166 = vector.load %arg9[%swap3A_164, %swap3A_165] : memref<8x128xf32, #tpu.memory_space<vmem>>, vector<8x128xf32>
      tpu.vector_store %arg9[%swap3A_164, %swap3A_165], %add3A_163 {strides = array<i32>} : memref<8x128xf32, #tpu.memory_space<vmem>>, vector<8x128xf32>,
    } else {
    }
    return
  }
  func.func @transform_0(%arg0: i32) -> (i32, i32) {
    %c0_i32 = arith.constant 0 : i32
    %c0_i32_0 = arith.constant 0 : i32
    %c0_i32_1 = arith.constant 0 : i32
    return %c0_i32, %c0_i32_0 : i32, i32
  }
  func.func @transform_1(%arg0: i32) -> (i32, i32, i32) {
    %c0_i32 = arith.constant 0 : i32
    %c0_i32_0 = arith.constant 0 : i32
    %c0_i32_1 = arith.constant 0 : i32
    %c0_i32_2 = arith.constant 0 : i32
    return %c0_i32, %c0_i32_0, %c0_i32_1 : i32, i32, i32
  }
  func.func @transform_2(%arg0: i32) -> (i32, i32) {
    %c0_i32 = arith.constant 0 : i32
    %c0_i32_0 = arith.constant 0 : i32
    return %c0_i32, %arg0 : i32, i32
  }
  func.func @transform_3(%arg0: i32) -> (i32, i32) {
    %c0_i32 = arith.constant 0 : i32
    %c0_i32_0 = arith.constant 0 : i32
    %c0_i32_1 = arith.constant 0 : i32
    return %c0_i32, %c0_i32_0 : i32, i32
  }
  func.func @transform_4(%arg0: i32) -> (i32, i32) {
    %c0_i32 = arith.constant 0 : i32
    %c0_i32_0 = arith.constant 0 : i32
    return %c0_i32, %arg0 : i32, i32
  }
  func.func @transform_5(%arg0: i32) -> (i32, i32) {
    %c0_i32 = arith.constant 0 : i32
    %c0_i32_0 = arith.constant 0 : i32
    return %c0_i32, %arg0 : i32, i32
  }
  func.func @transform_6(%arg0: i32) -> (i32, i32) {
    %c0_i32 = arith.constant 0 : i32
    %c0_i32_0 = arith.constant 0 : i32
    return %c0_i32, %arg0 : i32, i32
  }
  func.func @transform_7(%arg0: i32) -> (i32, i32) {
    %c0_i32 = arith.constant 0 : i32
    %c0_i32_0 = arith.constant 0 : i32
    return %c0_i32, %arg0 : i32, i32
  }
  func.func @transform_8(%arg0: i32) -> (i32, i32) {
    %c0_i32 = arith.constant 0 : i32
    %c0_i32_0 = arith.constant 0 : i32
    %c0_i32_1 = arith.constant 0 : i32
    return %c0_i32, %c0_i32_0 : i32, i32
  }
}

module attributes {stable_mosaic.version = 14 : i64} {
  func.func @_epilogue_kernel(%arg0: i32, %arg1: memref<64x2048xf32, #tpu.memory_space<vmem>>, %arg2: memref<64x2048xf32, #tpu.memory_space<vmem>>, %arg3: memref<64x2048xf32, #tpu.memory_space<vmem>>, %arg4: memref<1x1xf32, #tpu.memory_space<vmem>>) attributes {dimension_semantics = [#tpu.dimension_semantics<arbitrary>], iteration_bounds = array<i64: 8>, scalar_prefetch = 0 : i64, scratch_operands = 0 : i64, tpu.core_type = #tpu.core_type<tc>, window_params = [{transform_indices = @transform_0, window_bounds = array<i64: 64, 2048>}, {transform_indices = @transform_1, window_bounds = array<i64: 64, 2048>}, {transform_indices = @transform_2, window_bounds = array<i64: 64, 2048>}, {pipeline_mode = #tpu.pipeline_mode<synchronous>, transform_indices = @transform_3, window_bounds = array<i64: 1, 1>}]} {
    %get3A = arith.constant 0 : index
    %get3A_0 = arith.constant 0 : index
    %get3A_1 = vector.load %arg1[%get3A, %get3A_0] : memref<64x2048xf32, #tpu.memory_space<vmem>>, vector<64x2048xf32>
    %get3A_2 = arith.constant 0 : index
    %get3A_3 = arith.constant 0 : index
    %get3A_4 = vector.load %arg2[%get3A_2, %get3A_3] : memref<64x2048xf32, #tpu.memory_space<vmem>>, vector<64x2048xf32>
    %sub3A = arith.subf %get3A_1, %get3A_4 : vector<64x2048xf32>
    %sub3A_5 = arith.subf %sub3A, %get3A_1 : vector<64x2048xf32>
    %add3A = arith.addf %get3A_1, %sub3A_5 : vector<64x2048xf32>
    %swap3A = arith.constant 0 : index
    %swap3A_6 = arith.constant 0 : index
    %swap3A_7 = vector.load %arg3[%swap3A, %swap3A_6] : memref<64x2048xf32, #tpu.memory_space<vmem>>, vector<64x2048xf32>
    tpu.vector_store %arg3[%swap3A, %swap3A_6], %add3A {strides = array<i32>} : memref<64x2048xf32, #tpu.memory_space<vmem>>, vector<64x2048xf32>,
    %mul3A = arith.mulf %sub3A_5, %sub3A_5 : vector<64x2048xf32>
    %reduce_sum3A = vector.shape_cast %mul3A : vector<64x2048xf32> to vector<1x64x2048xf32>
    %reduce_sum3A_8 = arith.constant dense<0.000000e+00> : vector<1xf32>
    %reduce_sum3A_9 = vector.multi_reduction <add>, %reduce_sum3A, %reduce_sum3A_8 [1, 2] : vector<1x64x2048xf32> to vector<1xf32>
    %reduce_sum3A_10 = vector.shape_cast %reduce_sum3A_9 : vector<1xf32> to vector<1x1x1xf32>
    %reduce_sum3A_11 = vector.extract %reduce_sum3A_10[0, 0, 0] : f32 from vector<1x1x1xf32>
    %reshape3A = vector.broadcast %reduce_sum3A_11 : f32 to vector<1x1xf32>
    %eq3A = arith.constant 0 : i32
    %eq3A_12 = arith.cmpi eq, %arg0, %eq3A : i32
    %convert_element_type3A = arith.extui %eq3A_12 : i1 to i32
    %cond3A = arith.constant 0 : i32
    %cond3A_13 = arith.cmpi ne, %convert_element_type3A, %cond3A : i32
    scf.if %cond3A_13 {
      %swap3A_18 = arith.constant 0 : index
      %swap3A_19 = arith.constant 0 : index
      %swap3A_20 = vector.load %arg4[%swap3A_18, %swap3A_19] : memref<1x1xf32, #tpu.memory_space<vmem>>, vector<1x1xf32>
      tpu.vector_store %arg4[%swap3A_18, %swap3A_19], %reshape3A {strides = array<i32>} : memref<1x1xf32, #tpu.memory_space<vmem>>, vector<1x1xf32>,
    } else {
    }
    %ne3A = arith.constant 0 : i32
    %ne3A_14 = arith.cmpi ne, %arg0, %ne3A : i32
    %convert_element_type3A_15 = arith.extui %ne3A_14 : i1 to i32
    %cond3A_16 = arith.constant 0 : i32
    %cond3A_17 = arith.cmpi ne, %convert_element_type3A_15, %cond3A_16 : i32
    scf.if %cond3A_17 {
      %get3A_18 = arith.constant 0 : index
      %get3A_19 = arith.constant 0 : index
      %get3A_20 = vector.load %arg4[%get3A_18, %get3A_19] : memref<1x1xf32, #tpu.memory_space<vmem>>, vector<1x1xf32>
      %add3A_21 = arith.addf %get3A_20, %reshape3A : vector<1x1xf32>
      %swap3A_22 = arith.constant 0 : index
      %swap3A_23 = arith.constant 0 : index
      %swap3A_24 = vector.load %arg4[%swap3A_22, %swap3A_23] : memref<1x1xf32, #tpu.memory_space<vmem>>, vector<1x1xf32>
      tpu.vector_store %arg4[%swap3A_22, %swap3A_23], %add3A_21 {strides = array<i32>} : memref<1x1xf32, #tpu.memory_space<vmem>>, vector<1x1xf32>,
    } else {
    }
    return
  }
  func.func @transform_0(%arg0: i32) -> (i32, i32) {
    %c0_i32 = arith.constant 0 : i32
    %c0_i32_0 = arith.constant 0 : i32
    return %c0_i32, %arg0 : i32, i32
  }
  func.func @transform_1(%arg0: i32) -> (i32, i32) {
    %c0_i32 = arith.constant 0 : i32
    %c0_i32_0 = arith.constant 0 : i32
    return %c0_i32, %arg0 : i32, i32
  }
  func.func @transform_2(%arg0: i32) -> (i32, i32) {
    %c0_i32 = arith.constant 0 : i32
    %c0_i32_0 = arith.constant 0 : i32
    return %c0_i32, %arg0 : i32, i32
  }
  func.func @transform_3(%arg0: i32) -> (i32, i32) {
    %c0_i32 = arith.constant 0 : i32
    %c0_i32_0 = arith.constant 0 : i32
    %c0_i32_1 = arith.constant 0 : i32
    return %c0_i32, %c0_i32_0 : i32, i32
  }
}

</mosaic_0001>

<sc_bundles>
// kernel: kernel.9.cloned.1.call-start
scs
__scs_entry_jumppad:
0x0: {  	(pc) =	sbr.rel $0x88, $3  }
0x1: {  	(tag) =	ssettag $0x0;
	lr =	simm.s32 $0x1  }
0x2: {  	[smem:$0x3F9F] =	sst lr;
	_ =	strace $0xD0000000  }
0x3: {  	_ = 	snop  }
0x4: {  	_ = 	snop  }
0x5: {  	_ = 	snop  }
0x6: {  	_ = 	snop  }
0x7: {  	_ = 	snop  }
__scs_overlays_trampoline_lowered:
0x8: {  	[smem:$0x3FAE] =	sst s0  }
0x9: {  	[smem:$0x3FAF] =	sst s1  }
0xa: {  	[smem:$0x3FB0] =	sst s2  }
0xb: {  	[smem:$0x3FB1] =	sst s3  }
0xc: {  	[smem:$0x3FB2] =	sst s4  }
0xd: {  	[smem:$0x3FB3] =	sst s5  }
0xe: {  	[smem:$0x3FB4] =	sst s6  }
0xf: {  	[smem:$0x3FB5] =	sst s7  }
0x10: {  	[smem:$0x3FB6] =	sst s8  }
0x11: {  	[smem:$0x3FB7] =	sst s9;
	s0 =	simm.s32 @!p0 $0x0  }
0x12: {  	s1 =	sld [smem:$0x3F9D];
	s0 =	simm.s32 @p0 $0x1  }
0x13: {  	[smem:$0x3FB8] =	sst s0;
	s0 =	simm.s32 @!p1 $0x0  }
0x14: {  	s2 =	sld [smem:$0x3F9C];
	s0 =	simm.s32 @p1 $0x1  }
0x15: {  	[smem:$0x3FB9] =	sst s0;
	s0 =	simm.s32 @!p2 $0x0  }
0x16: {  	s3 =	sld [smem:$0x3FDB];
	s0 =	simm.s32 @p2 $0x1  }
0x17: {  	s4 =	simm.s32 $0x1BF5;
	[smem:$0x3FBB] =	sst s0  }
0x18: {  	s0 =	sld [smem:$0x3F9E];
	_ =	swait.ge [sflag:s4], $0x0  }
0x19: {  	s7 =	sld [smem:$0x3F9F]  }
0x1a: {  	s8 =	sadd.s32 $0xFFFFE003, lr  }
0x1b: {  	s9 =	sadd.s32 $0xFFFFFEF7, lr;
	s5 =	simm.s32 $0xFFFFFFFF;
	p2 =	slt.u32 s8, $0xFFFFF086  }
0x1c: {  	p1 =	slt.u32 s9, $0xF7A;
	s5 =	simm.s32 @!p2 $0x0  }
0x1d: {  	s5 =	simm.s32 @p1 $0x1;
	p0 =	seq.s32 s7, s2  }
0x1e: {  	s7 =	smul.u32 @!p0 $0xF7A, s2;
	p2 =	seq.s32 @!p0 s5, $0x0  }
0x1f: {  	s9 =	smul.u32 $0xF7A, s1;
	s8 =	simm.s32 @!p0 $0x1BF5;
	p2 =	por !p2, p0  }
0x20: {  	[sflag:s8] =	ssyncset.s32 @!p0 $0xFFFFF086;
	s6 =	sadd.s32 @!p0 s3, s7;
	s7 =	simm.s32 @!p0 $0x108  }
0x21: {  	s3 =	sadd.s32 s3, s9;
	s6 =	sadd.s32 @!p0 $0x88, s6;
	s7 =	simm.s32 @p2 $0x1082  }
0x22: {  	[simem:s7], [sflag:s8] =	dma.local @!p0 [hbm:s6], $0xF7A  }
0x23: {  	s9 =	sor.u32 $0xD0000000, s2;
	s6 =	simm.s32 $0x108;
	_ =	swait.ge @!p0 [sflag:s8], $0x0  }
0x24: {  	s3 =	sadd.s32 $0x88, s3;
	s6 =	simm.s32 @!p1 $0x1082;
	[sflag:s4] =	ssyncset.s32 $0xFFFFF086  }
0x25: {  	[simem:s6], [sflag:s4] =	dma.local [hbm:s3], $0xF7A  }
0x26: {  	[smem:$0x3F9F] =	sst s1;
	(tag) =	ssettag s2;
	_ =	strace s9  }
0x27: {  	s1 =	sld [smem:$0x3FAF]  }
0x28: {  	s2 =	sld [smem:$0x3FB0]  }
0x29: {  	s4 =	sld [smem:$0x3FB2]  }
0x2a: {  	p0 =	seq.s32 s5, $0x0;
	s5 =	sld [smem:$0x3FB3]  }
0x2b: {  	s6 =	sld [smem:$0x3FB4]  }
0x2c: {  	s7 =	sld [smem:$0x3FB5]  }
0x2d: {  	s3 =	simm.s32 $0x108;
	s8 =	sld [smem:$0x3FB6]  }
0x2e: {  	s3 =	simm.s32 @!p0 $0x1082;
	s9 =	sld [smem:$0x3FB7]  }
0x2f: {  	lr =	sadd.s32 s0, s3;
	s0 =	sld [smem:$0x3FAE]  }
0x30: {  	s3 =	sld [smem:$0x3FB1]  }
0x31: {  	[smem:$0x3FBA] =	sst s10  }
0x32: {  	s10 =	sld [smem:$0x3FB8];
	_ =	sdelay $0x3  }
0x33: {  	p0 =	seq.s32 s10, $0x1;
	s10 =	sld [smem:$0x3FBA];
	_ =	sdelay $0x3  }
0x34: {  	[smem:$0x3FBA] =	sst s10  }
0x35: {  	s10 =	sld [smem:$0x3FB9];
	_ =	sdelay $0x3  }
0x36: {  	p1 =	seq.s32 s10, $0x1;
	s10 =	sld [smem:$0x3FBA];
	_ =	sdelay $0x3  }
0x37: {  	[smem:$0x3FBA] =	sst s10  }
0x38: {  	s10 =	sld [smem:$0x3FBB]  }
0x39: {  	_ = 	snop;
	(pc) =	sbr.ind lr, $3  }
0x3a: {  	_ = 	snop  }
0x3b: {  	_ = 	snop  }
0x3c: {  	p2 =	seq.s32 s10, $0x1;
	s10 =	sld [smem:$0x3FBA]  }
0x3d: {  	_ =	shalt  }
0x3e: {  	_ =	shalt  }
0x3f: {  	_ =	shalt  }
0x40: {  	_ =	shalt  }
0x41: {  	_ =	shalt  }
0x42: {  	_ =	shalt  }
0x43: {  	_ =	shalt  }
0x44: {  	_ =	shalt  }
0x45: {  	_ =	shalt  }
0x46: {  	_ =	shalt  }
0x47: {  	_ =	shalt  }
0x48: {  	_ =	shalt  }
0x49: {  	_ =	shalt  }
0x4a: {  	_ =	shalt  }
0x4b: {  	_ =	shalt  }
0x4c: {  	_ =	shalt  }
0x4d: {  	_ =	shalt  }
0x4e: {  	_ =	shalt  }
0x4f: {  	_ =	shalt  }
0x50: {  	_ =	shalt  }
0x51: {  	_ =	shalt  }
0x52: {  	_ =	shalt  }
0x53: {  	_ =	shalt  }
0x54: {  	_ =	shalt  }
0x55: {  	_ =	shalt  }
0x56: {  	_ =	shalt  }
0x57: {  	_ =	shalt  }
0x58: {  	_ =	shalt  }
0x59: {  	_ =	shalt  }
0x5a: {  	_ =	shalt  }
0x5b: {  	_ =	shalt  }
0x5c: {  	_ =	shalt  }
0x5d: {  	_ =	shalt  }
0x5e: {  	_ =	shalt  }
0x5f: {  	_ =	shalt  }
0x60: {  	_ =	shalt  }
0x61: {  	_ =	shalt  }
0x62: {  	_ =	shalt  }
0x63: {  	_ =	shalt  }
0x64: {  	_ =	shalt  }
0x65: {  	_ =	shalt  }
0x66: {  	_ =	shalt  }
0x67: {  	_ =	shalt  }
0x68: {  	_ =	shalt  }
0x69: {  	_ =	shalt  }
0x6a: {  	_ =	shalt  }
0x6b: {  	_ =	shalt  }
0x6c: {  	_ =	shalt  }
0x6d: {  	_ =	shalt  }
0x6e: {  	_ =	shalt  }
0x6f: {  	_ =	shalt  }
0x70: {  	_ =	shalt  }
0x71: {  	_ =	shalt  }
0x72: {  	_ =	shalt  }
0x73: {  	_ =	shalt  }
0x74: {  	_ =	shalt  }
0x75: {  	_ =	shalt  }
0x76: {  	_ =	shalt  }
0x77: {  	_ =	shalt  }
0x78: {  	_ =	shalt  }
0x79: {  	_ =	shalt  }
0x7a: {  	_ =	shalt  }
0x7b: {  	_ =	shalt  }
0x7c: {  	_ =	shalt  }
0x7d: {  	_ =	shalt  }
0x7e: {  	_ =	shalt  }
0x7f: {  	_ =	shalt  }
0x80: {  	_ =	shalt  }
0x81: {  	_ =	shalt  }
0x82: {  	_ =	shalt  }
0x83: {  	_ =	shalt  }
0x84: {  	_ =	shalt  }
0x85: {  	_ =	shalt  }
0x86: {  	_ =	shalt  }
0x87: {  	_ =	shalt  }
.Lfunc_end0:
.L_simem_size_0:
called_computation_lowered:
.L_overlay_start_0:
0x88: {  	s2 =	sld [smem:$0x3FD9]  }
0x89: {  	s3 =	sld [smem:$0x3FFE];
	_ =	sdelay $0x1  }
0x8a: {  	s1 =	srdreg.scid  }
0x8b: {  	s0 =	sand.u32 $0x1, s1  }
0x8c: {  	s16 =	sshll.u32 s0, $0xA;
	s2 =	sadd.s32 s3, s2  }
0x8d: {  	s2 =	sadd.s32 s2, s16  }
0x8e: {  	[smem:$0x3FC6] =	sst s2  }
0x8f: {  	_ = 	snop  }
0x90: {  	(tm) =	ssettm $0x1  }
0x91: {  	s17 =	sld [smem:$0x3FFB];
	_ =	sdelay $0x3  }
0x92: {  	_ =	strace s17  }
0x93: {  	s2 =	sld [smem:$0x3FFC];
	_ =	sdelay $0x3  }
0x94: {  	_ =	strace s2  }
0x95: {  	s2 =	sld [smem:$0x3FFD];
	_ =	sdelay $0x3  }
0x96: {  	_ =	strace s2  }
0x97: {  	_ =	strace $0x8FFFFFFF  }
0x98: {  	s18 =	sld [smem:$0x3FDB];
	_ =	sdelay $0x1  }
0x99: {  	s19 =	simm.s32 $_scs_section_size  }
0x9a: {  	s4 =	simm.s32 $_size__tile_overlayer_lowered;
	s5 =	simm.s32 $_tile_overlayer_lowered  }
0x9b: {  	s22 =	simm.s32 $0x1BFF;
	s21 =	sshll.u32 s5, $0x1;
	s2 =	sadd.s32 s19, s18  }
0x9c: {  	s6 =	simm.s32 $0x0;
	s20 =	sshll.u32 s4, $0x1;
	s4 =	sadd.s32 s21, s2  }
0x9d: {  	[timem:s6], [sflag:s22] =	dma.local [hbm:s4], s20  }
0x9e: {  	_ =	swait.ge [sflag:s22], s20  }
0x9f: {  	s3 =	ssub.s32 $0x0, s20;
	[sflag:s22] =	ssyncset.done $0x0  }
0xa0: {  	[sflag:s22] =	ssyncadd.s32 s3;
	_ =	sdelay $0x1  }
0xa1: {  	s23 =	simm.s32 $0x1B8B  }
0xa2: {  	_ =	swait.ge [sflag:s23], $0x1  }
0xa3: {  	[sflag:s23] =	ssyncset.done $0x0  }
0xa4: {  	s25 =	simm.s32 $0x1B8E;
	s24 =	sld [smem:$0x3FFE];
	[sflag:s23] =	ssyncadd.s32 $0xFFFFFFFF  }
0xa5: {  	s26 =	simm.s32 $execute0_lowered;
	[smem:$0x3FD2] =	sst s25  }
0xa6: {  	s4 =	sshll.u32 s26, $0x1;
	_ =	strace $0x80000046;
	[dreg:$0x1] =	wrdreg $0xFFFFFFFF  }
0xa7: {  	s28 =	simm.s32 $_size_execute0_lowered;
	s2 =	sadd.s32 s2, s4;
	[dreg:$0x0] =	wrdreg $0x0  }
0xa8: {  	s4 =	sshll.u32 s28, $0x1;
	[dreg:$0x2] =	wrdreg s2  }
0xa9: {  	[dreg:$0x3] =	wrdreg s4  }
0xaa: {  	[dreg:$0x4] =	wrdreg $0xC0  }
0xab: {  	_ =	task [dreg:s6], $0x5FFFF  }
0xac: {  	[dreg:$0x1] =	wrdreg $0xFFFFFFFF  }
0xad: {  	[dreg:$0x0] =	wrdreg $0x60  }
0xae: {  	[dreg:$0x2] =	wrdreg s24  }
0xaf: {  	[dreg:$0x3] =	wrdreg $0x9  }
0xb0: {  	_ =	task.clear_ibuf [dreg:s6], $0x4FFFF;
	_ =	strace $0x90000046  }
0xb1: {  	s29 =	simm.s32 $0x9;
	_ =	strace $0x80000048  }
0xb2: {  	_ =	swait.ge [sflag:s29], $0x1  }
0xb3: {  	[sflag:s29] =	ssyncadd.s32 $0xFFFFFFFF  }
0xb4: {  	_ =	strace $0x90000048  }
0xb5: {  	_ =	sfence  }
0xb6: {  	s30 =	sld [smem:$0x0];
	_ =	sdelay $0x2  }
0xb7: {  	s31 =	sshll.u32 s1, $0xD;
	s1 =	sshrl.u32 s1, $0x2  }
0xb8: {  	s3 =	sand.u32 $0x4000, s31;
	s1 =	sadd.s32 s1, s30  }
0xb9: {  	s0 =	sor.u32 s3, s0;
	s1 =	sshll.u32 s1, $0x11  }
0xba: {  	s0 =	sor.u32 s1, s0  }
0xbb: {  	s0 =	sadd.s32 $0x8F2B, s0  }
0xbc: {  	[sflag:s0] =	ssyncadd.remote.s32 $0x1  }
0xbd: {  	_ =	sfence.sel $0xFFFF  }
0xbe: {  	[dreg:$0x0] =	wrdreg $0xFFFFFFFF;
	(pc) =	sbr.abs _section_cstart, $3  }
0xbf: {  	[dreg:$0x1] =	wrdreg $0xFFFFFFFF  }
0xc0: {  	_ =	task.clear_ibuf [dreg:s6], $0x2FFFF;
	_ =	strace $0x9FFFFFFF  }
0xc1: {  	(tm) =	ssettm $0x7FFFFFFF  }
tec
execute0_lowered:
.L_overlay_start_1:
0x0: {  	(tag) =	ssettag $0x1  }
0x1: {  	s3 =	rddreg [dreg:$0x0]  }
0x2: {  	s2 =	simm.s32 $0x0;
	s4 =	srdreg.scid;
	s1 =	stileid.u32  }
0x3: {  	[smem:$0x7FF] =	sst s2;
	s4 =	sand.u32 $0x1, s4;
	s12 =	sadd.s32 $0x4200, s3  }
0x4: {  	s5 =	sshll.u32 s1, $0xA;
	s13 =	sadd.s32 $0x1A00, s3;
	s6 =	sshll.u32 s4, $0x9  }
0x5: {  	s3 =	sadd.s32 $0x6A00, s3;
	s4 =	ssub.s32 $0x2, s4;
	s14 =	sor.u32 s6, s5  }
0x6: {  	_ =	strace $0x80000047;
	s26 =	sshrl.u32 s4, $0x1;
	s11 =	sshrl.u32 s14, $0x3  }
0x7: {  	s15 =	ssub.s32 s4, s26;
	s16 =	sor.u32 $0x10, s14;
	s17 =	sor.u32 $0x20, s14  }
0x8: {  	s18 =	sor.u32 $0x30, s14;
	s19 =	sor.u32 $0x40, s14;
	s20 =	sor.u32 $0x50, s14  }
0x9: {  	s21 =	sor.u32 $0x60, s14;
	s22 =	sor.u32 $0x70, s14;
	s23 =	sor.u32 $0x80, s14  }
0xa: {  	s24 =	sor.u32 $0x90, s14;
	s28 =	sor.u32 $0xC0, s14;
	s29 =	sor.u32 $0xD0, s14  }
0xb: {  	s30 =	sor.u32 $0xE0, s14;
	s31 =	sor.u32 $0xF0, s14;
	s0 =	sor.u32 $0x120, s14  }
0xc: {  	s4 =	sadd.s32 s12, s11;
	s5 =	sadd.s32 s13, s11;
	s7 =	sor.u32 $0x800, s11  }
0xd: {  	v31 =	vlaneseq.u32;
	s9 =	sor.u32 $0x1000, s11;
	s25 =	sor.u32 $0x1800, s11;
	s26 =	sor.u32 $0x2000, s11  }
0xe: {  	v0 =	vor.u32 s16, v31;
	v1 =	vor.u32 s17, v31;
	s16 =	sor.u32 $0x100, s14;
	s17 =	sor.u32 $0x110, s14;
	v2 =	vor.u32 s18, v31;
	s18 =	sor.u32 $0x130, s14  }
0xf: {  	v3 =	vor.u32 s19, v31;
	v4 =	vor.u32 s20, v31;
	s19 =	sor.u32 $0x140, s14;
	s20 =	sor.u32 $0x150, s14;
	v5 =	vor.u32 s21, v31;
	s21 =	sor.u32 $0x160, s14  }
0x10: {  	v6 =	vor.u32 s22, v31;
	v7 =	vor.u32 s23, v31;
	s22 =	sor.u32 $0x170, s14;
	s23 =	sor.u32 $0x180, s14;
	v8 =	vor.u32 s24, v31;
	s24 =	sor.u32 $0x190, s14  }
0x11: {  	v11 =	vor.u32 s28, v31;
	v12 =	vor.u32 s29, v31;
	v13 =	vor.u32 s30, v31;
	s28 =	sor.u32 $0x1C0, s14;
	s29 =	sor.u32 $0x1D0, s14;
	s30 =	sor.u32 $0x1E0, s14  }
0x12: {  	v14 =	vor.u32 s31, v31;
	s31 =	sor.u32 $0x1F0, s14;
	s6 =	sadd.s32 s12, s7;
	s7 =	sadd.s32 s13, s7  }
0x13: {  	s8 =	sadd.s32 s12, s9;
	s9 =	sadd.s32 s13, s9;
	s10 =	sadd.s32 s12, s25  }
0x14: {  	s11 =	sadd.s32 s13, s25;
	s12 =	sadd.s32 s12, s26;
	s13 =	sadd.s32 s13, s26  }
0x15: {  	s25 =	sor.u32 $0xA0, s14;
	s26 =	sor.u32 $0xB0, s14;
	v15 =	vor.u32 s16, v31;
	s16 =	simm.s32 $0xA00  }
0x16: {  	v17 =	vor.u32 s17, v31;
	v19 =	vor.u32 s18, v31;
	s17 =	simm.s32 $0x200;
	s18 =	simm.s32 $0xC00;
	v20 =	vor.u32 s19, v31;
	s19 =	simm.s32 $0x400  }
0x17: {  	v21 =	vor.u32 s20, v31;
	v22 =	vor.u32 s21, v31;
	s20 =	simm.s32 $0xE00;
	s21 =	simm.s32 $0x600;
	v23 =	vor.u32 s22, v31;
	s22 =	simm.s32 $0x1000  }
0x18: {  	v24 =	vor.u32 s23, v31;
	v25 =	vor.u32 s24, v31;
	s23 =	simm.s32 $0x800;
	s24 =	simm.s32 $0x1200;
	v28 =	vor.u32 s28, v31;
	s28 =	simm.s32 $0x1800  }
0x19: {  	v29 =	vor.u32 s29, v31;
	v30 =	vor.u32 s30, v31;
	s29 =	simm.s32 $0x1A00;
	s30 =	simm.s32 $0x1C00;
	v9 =	vor.u32 s25, v31;
	s25 =	sor.u32 $0x1A0, s14  }
0x1a: {  	v16 =	vor.u32 s14, v31;
	v18 =	vor.u32 s0, v31;
	v10 =	vor.u32 s26, v31;
	s26 =	sor.u32 $0x1B0, s14;
	s14 =	smax.u32 s15, $0x1;
	s15 =	simm.s32 $0x2  }
0x1b: {  	v26 =	vor.u32 s25, v31;
	v27 =	vor.u32 s26, v31;
	s25 =	simm.s32 $0x1400;
	s26 =	simm.s32 $0x1600;
	v31 =	vor.u32 s31, v31;
	s31 =	simm.s32 $0x1  }
.LBB2_1:
0x1c: {  	[tilespmem:s2], [sflag:$0x2] =	stream.linear.gather [hbm4b:s4+s2], $0x200, $0x38;
	[tilespmem:$0x1E00] =	vst v63  }
0x1d: {  	_ =	swait.ge [sflag:s15], $0x200  }
0x1e: {  	[sflag:s15] =	ssyncset.done $0x0  }
0x1f: {  	[sflag:s15] =	ssyncadd.s32 $0xFFFFFE00  }
0x20: {  	[tilespmem:s16], [sflag:$0x2] =	stream.linear.gather [hbm4b:s5+s2], $0x200, $0x38;
	[tilespmem:$0x1E00] =	vst v63  }
0x21: {  	_ =	swait.ge [sflag:s15], $0x200  }
0x22: {  	[sflag:s15] =	ssyncset.done $0x0  }
0x23: {  	[sflag:s15] =	ssyncadd.s32 $0xFFFFFE00  }
0x24: {  	v32 =	vld [tilespmem:$0x0]  }
0x25: {  	v33 =	vld [tilespmem:$0x10]  }
0x26: {  	v34 =	vld [tilespmem:$0x20]  }
0x27: {  	v35 =	vld [tilespmem:$0x30]  }
0x28: {  	v36 =	vld [tilespmem:$0x40]  }
0x29: {  	v37 =	vld [tilespmem:$0x50];
	v32 =	vshll.u32 v32, $0xE  }
0x2a: {  	v38 =	vld [tilespmem:$0x60];
	v33 =	vshll.u32 v33, $0xE;
	v32 =	vor.u32 v16, v32  }
0x2b: {  	v45 =	vld [tilespmem:$0x70];
	v44 =	vshll.u32 v34, $0xE;
	v43 =	vor.u32 v0, v33;
	[tilespmem:$0x1400] =	vst v32  }
0x2c: {  	v48 =	vld [tilespmem:$0x80];
	v47 =	vshll.u32 v35, $0xE;
	v46 =	vor.u32 v1, v44;
	[tilespmem:$0x1410] =	vst v43  }
0x2d: {  	v51 =	vld [tilespmem:$0x90];
	v50 =	vshll.u32 v36, $0xE;
	v49 =	vor.u32 v2, v47;
	[tilespmem:$0x1420] =	vst v46  }
0x2e: {  	v54 =	vld [tilespmem:$0xA0];
	v53 =	vshll.u32 v37, $0xE;
	v52 =	vor.u32 v3, v50;
	[tilespmem:$0x1430] =	vst v49  }
0x2f: {  	v57 =	vld [tilespmem:$0xB0];
	v56 =	vshll.u32 v38, $0xE;
	v55 =	vor.u32 v4, v53;
	[tilespmem:$0x1440] =	vst v52  }
0x30: {  	v60 =	vld [tilespmem:$0xC0];
	v59 =	vshll.u32 v45, $0xE;
	v58 =	vor.u32 v5, v56;
	[tilespmem:$0x1450] =	vst v55  }
0x31: {  	v63 =	vld [tilespmem:$0xD0];
	v62 =	vshll.u32 v48, $0xE;
	v61 =	vor.u32 v6, v59;
	[tilespmem:$0x1460] =	vst v58  }
0x32: {  	v42 =	vld [tilespmem:$0xE0];
	v41 =	vshll.u32 v51, $0xE;
	v40 =	vor.u32 v7, v62;
	[tilespmem:$0x1470] =	vst v61  }
0x33: {  	v45 =	vld [tilespmem:$0xF0];
	v44 =	vshll.u32 v54, $0xE;
	[tilespmem:$0x1480] =	vst v40;
	v43 =	vor.u32 v8, v41  }
0x34: {  	v48 =	vld [tilespmem:$0x100];
	v47 =	vshll.u32 v57, $0xE;
	v46 =	vor.u32 v9, v44;
	[tilespmem:$0x1490] =	vst v43  }
0x35: {  	v51 =	vld [tilespmem:$0x110];
	v50 =	vshll.u32 v60, $0xE;
	v49 =	vor.u32 v10, v47;
	[tilespmem:$0x14A0] =	vst v46  }
0x36: {  	v53 =	vshll.u32 v63, $0xE;
	v54 =	vld [tilespmem:$0x120];
	v52 =	vor.u32 v11, v50;
	[tilespmem:$0x14B0] =	vst v49  }
0x37: {  	v56 =	vshll.u32 v42, $0xE;
	v57 =	vld [tilespmem:$0x130];
	v55 =	vor.u32 v12, v53;
	[tilespmem:$0x14C0] =	vst v52  }
0x38: {  	v60 =	vld [tilespmem:$0x140];
	v58 =	vor.u32 v13, v56;
	[tilespmem:$0x14D0] =	vst v55;
	v59 =	vshll.u32 v45, $0xE  }
0x39: {  	v63 =	vld [tilespmem:$0x150];
	[tilespmem:$0x14E0] =	vst v58;
	v62 =	vshll.u32 v48, $0xE;
	v61 =	vor.u32 v14, v59  }
0x3a: {  	v42 =	vld [tilespmem:$0x160];
	v41 =	vshll.u32 v51, $0xE;
	v40 =	vor.u32 v15, v62;
	[tilespmem:$0x14F0] =	vst v61  }
0x3b: {  	v45 =	vld [tilespmem:$0x170];
	v43 =	vor.u32 v17, v41;
	v44 =	vshll.u32 v54, $0xE;
	[tilespmem:$0x1500] =	vst v40  }
0x3c: {  	v48 =	vld [tilespmem:$0x180];
	v47 =	vshll.u32 v57, $0xE;
	[tilespmem:$0x1510] =	vst v43;
	v46 =	vor.u32 v18, v44  }
0x3d: {  	v51 =	vld [tilespmem:$0x190];
	v50 =	vshll.u32 v60, $0xE;
	v49 =	vor.u32 v19, v47;
	[tilespmem:$0x1520] =	vst v46  }
0x3e: {  	v53 =	vshll.u32 v63, $0xE;
	v54 =	vld [tilespmem:$0x1A0];
	v52 =	vor.u32 v20, v50;
	[tilespmem:$0x1530] =	vst v49  }
0x3f: {  	v56 =	vshll.u32 v42, $0xE;
	v57 =	vld [tilespmem:$0x1B0];
	v55 =	vor.u32 v21, v53;
	[tilespmem:$0x1540] =	vst v52  }
0x40: {  	v60 =	vld [tilespmem:$0x1C0];
	v58 =	vor.u32 v22, v56;
	[tilespmem:$0x1550] =	vst v55;
	v59 =	vshll.u32 v45, $0xE  }
0x41: {  	v63 =	vld [tilespmem:$0x1D0];
	[tilespmem:$0x1560] =	vst v58;
	v62 =	vshll.u32 v48, $0xE;
	v61 =	vor.u32 v23, v59  }
0x42: {  	v42 =	vld [tilespmem:$0x1E0];
	v41 =	vshll.u32 v51, $0xE;
	v40 =	vor.u32 v24, v62;
	[tilespmem:$0x1570] =	vst v61  }
0x43: {  	v45 =	vld [tilespmem:$0x1F0];
	v43 =	vor.u32 v25, v41;
	v44 =	vshll.u32 v54, $0xE;
	[tilespmem:$0x1580] =	vst v40  }
0x44: {  	v47 =	vshll.u32 v57, $0xE;
	[tilespmem:$0x1590] =	vst v43;
	v46 =	vor.u32 v26, v44  }
0x45: {  	v49 =	vshll.u32 v60, $0xE;
	v48 =	vor.u32 v27, v47;
	[tilespmem:$0x15A0] =	vst v46  }
0x46: {  	v51 =	vshll.u32 v63, $0xE;
	v50 =	vor.u32 v28, v49;
	[tilespmem:$0x15B0] =	vst v48  }
0x47: {  	v53 =	vshll.u32 v42, $0xE;
	v52 =	vor.u32 v29, v51;
	[tilespmem:$0x15C0] =	vst v50  }
0x48: {  	v54 =	vor.u32 v30, v53;
	[tilespmem:$0x15D0] =	vst v52;
	v55 =	vshll.u32 v45, $0xE  }
0x49: {  	[tilespmem:$0x15E0] =	vst v54;
	v56 =	vor.u32 v31, v55  }
0x4a: {  	[tilespmem:$0x15F0] =	vst v56  }
0x4b: {  	[tilespmem:s17], [sflag:$0x2] =	stream.linear.gather [hbm4b:s6+s2], $0x200, $0x38;
	[tilespmem:$0x1E00] =	vst v63  }
0x4c: {  	_ =	swait.ge [sflag:s15], $0x200  }
0x4d: {  	[sflag:s15] =	ssyncset.done $0x0  }
0x4e: {  	[sflag:s15] =	ssyncadd.s32 $0xFFFFFE00  }
0x4f: {  	[tilespmem:s18], [sflag:$0x2] =	stream.linear.gather [hbm4b:s7+s2], $0x200, $0x38;
	[tilespmem:$0x1E00] =	vst v63  }
0x50: {  	_ =	swait.ge [sflag:s15], $0x200  }
0x51: {  	[sflag:s15] =	ssyncset.done $0x0  }
0x52: {  	[sflag:s15] =	ssyncadd.s32 $0xFFFFFE00  }
0x53: {  	v57 =	vld [tilespmem:$0x200]  }
0x54: {  	v58 =	vld [tilespmem:$0x210]  }
0x55: {  	v59 =	vld [tilespmem:$0x220]  }
0x56: {  	v60 =	vld [tilespmem:$0x230]  }
0x57: {  	v61 =	vld [tilespmem:$0x240]  }
0x58: {  	v62 =	vld [tilespmem:$0x250];
	v32 =	vshll.u32 v57, $0xE  }
0x59: {  	v63 =	vld [tilespmem:$0x260];
	v33 =	vshll.u32 v58, $0xE;
	v32 =	vor.u32 v16, v32  }
0x5a: {  	v42 =	vld [tilespmem:$0x270];
	v41 =	vshll.u32 v59, $0xE;
	v40 =	vor.u32 v0, v33;
	[tilespmem:$0x1600] =	vst v32  }
0x5b: {  	v45 =	vld [tilespmem:$0x280];
	v44 =	vshll.u32 v60, $0xE;
	v43 =	vor.u32 v1, v41;
	[tilespmem:$0x1610] =	vst v40  }
0x5c: {  	v48 =	vld [tilespmem:$0x290];
	v47 =	vshll.u32 v61, $0xE;
	v46 =	vor.u32 v2, v44;
	[tilespmem:$0x1620] =	vst v43  }
0x5d: {  	v51 =	vld [tilespmem:$0x2A0];
	v50 =	vshll.u32 v62, $0xE;
	v49 =	vor.u32 v3, v47;
	[tilespmem:$0x1630] =	vst v46  }
0x5e: {  	v54 =	vld [tilespmem:$0x2B0];
	v53 =	vshll.u32 v63, $0xE;
	v52 =	vor.u32 v4, v50;
	[tilespmem:$0x1640] =	vst v49  }
0x5f: {  	v56 =	vshll.u32 v42, $0xE;
	v57 =	vld [tilespmem:$0x2C0];
	v55 =	vor.u32 v5, v53;
	[tilespmem:$0x1650] =	vst v52  }
0x60: {  	v59 =	vshll.u32 v45, $0xE;
	v60 =	vld [tilespmem:$0x2D0];
	v58 =	vor.u32 v6, v56;
	[tilespmem:$0x1660] =	vst v55  }
0x61: {  	v62 =	vshll.u32 v48, $0xE;
	v63 =	vld [tilespmem:$0x2E0];
	v61 =	vor.u32 v7, v59;
	[tilespmem:$0x1670] =	vst v58  }
0x62: {  	v42 =	vld [tilespmem:$0x2F0];
	v41 =	vshll.u32 v51, $0xE;
	[tilespmem:$0x1680] =	vst v61;
	v40 =	vor.u32 v8, v62  }
0x63: {  	v45 =	vld [tilespmem:$0x300];
	v44 =	vshll.u32 v54, $0xE;
	v43 =	vor.u32 v9, v41;
	[tilespmem:$0x1690] =	vst v40  }
0x64: {  	v48 =	vld [tilespmem:$0x310];
	v46 =	vor.u32 v10, v44;
	[tilespmem:$0x16A0] =	vst v43;
	v47 =	vshll.u32 v57, $0xE  }
0x65: {  	v51 =	vld [tilespmem:$0x320];
	[tilespmem:$0x16B0] =	vst v46;
	v50 =	vshll.u32 v60, $0xE;
	v49 =	vor.u32 v11, v47  }
0x66: {  	v54 =	vld [tilespmem:$0x330];
	v53 =	vshll.u32 v63, $0xE;
	v52 =	vor.u32 v12, v50;
	[tilespmem:$0x16C0] =	vst v49  }
0x67: {  	v56 =	vshll.u32 v42, $0xE;
	v57 =	vld [tilespmem:$0x340];
	v55 =	vor.u32 v13, v53;
	[tilespmem:$0x16D0] =	vst v52  }
0x68: {  	v59 =	vshll.u32 v45, $0xE;
	v60 =	vld [tilespmem:$0x350];
	v58 =	vor.u32 v14, v56;
	[tilespmem:$0x16E0] =	vst v55  }
0x69: {  	v62 =	vshll.u32 v48, $0xE;
	v63 =	vld [tilespmem:$0x360];
	v61 =	vor.u32 v15, v59;
	[tilespmem:$0x16F0] =	vst v58  }
0x6a: {  	v42 =	vld [tilespmem:$0x370];
	v40 =	vor.u32 v17, v62;
	v41 =	vshll.u32 v51, $0xE;
	[tilespmem:$0x1700] =	vst v61  }
0x6b: {  	v45 =	vld [tilespmem:$0x380];
	v44 =	vshll.u32 v54, $0xE;
	[tilespmem:$0x1710] =	vst v40;
	v43 =	vor.u32 v18, v41  }
0x6c: {  	v48 =	vld [tilespmem:$0x390];
	v46 =	vor.u32 v19, v44;
	[tilespmem:$0x1720] =	vst v43;
	v47 =	vshll.u32 v57, $0xE  }
0x6d: {  	v51 =	vld [tilespmem:$0x3A0];
	[tilespmem:$0x1730] =	vst v46;
	v50 =	vshll.u32 v60, $0xE;
	v49 =	vor.u32 v20, v47  }
0x6e: {  	v54 =	vld [tilespmem:$0x3B0];
	v53 =	vshll.u32 v63, $0xE;
	v52 =	vor.u32 v21, v50;
	[tilespmem:$0x1740] =	vst v49  }
0x6f: {  	v56 =	vshll.u32 v42, $0xE;
	v57 =	vld [tilespmem:$0x3C0];
	v55 =	vor.u32 v22, v53;
	[tilespmem:$0x1750] =	vst v52  }
0x70: {  	v59 =	vshll.u32 v45, $0xE;
	v60 =	vld [tilespmem:$0x3D0];
	v58 =	vor.u32 v23, v56;
	[tilespmem:$0x1760] =	vst v55  }
0x71: {  	v62 =	vshll.u32 v48, $0xE;
	v63 =	vld [tilespmem:$0x3E0];
	v61 =	vor.u32 v24, v59;
	[tilespmem:$0x1770] =	vst v58  }
0x72: {  	v42 =	vld [tilespmem:$0x3F0];
	v40 =	vor.u32 v25, v62;
	v41 =	vshll.u32 v51, $0xE;
	[tilespmem:$0x1780] =	vst v61  }
0x73: {  	v44 =	vshll.u32 v54, $0xE;
	[tilespmem:$0x1790] =	vst v40;
	v43 =	vor.u32 v26, v41  }
0x74: {  	v45 =	vor.u32 v27, v44;
	[tilespmem:$0x17A0] =	vst v43;
	v46 =	vshll.u32 v57, $0xE  }
0x75: {  	[tilespmem:$0x17B0] =	vst v45;
	v48 =	vshll.u32 v60, $0xE;
	v47 =	vor.u32 v28, v46  }
0x76: {  	v50 =	vshll.u32 v63, $0xE;
	v49 =	vor.u32 v29, v48;
	[tilespmem:$0x17C0] =	vst v47  }
0x77: {  	v52 =	vshll.u32 v42, $0xE;
	v51 =	vor.u32 v30, v50;
	[tilespmem:$0x17D0] =	vst v49  }
0x78: {  	v53 =	vor.u32 v31, v52;
	[tilespmem:$0x17E0] =	vst v51  }
0x79: {  	[tilespmem:$0x17F0] =	vst v53  }
0x7a: {  	[tilespmem:s19], [sflag:$0x2] =	stream.linear.gather [hbm4b:s8+s2], $0x200, $0x38;
	[tilespmem:$0x1E00] =	vst v63  }
0x7b: {  	_ =	swait.ge [sflag:s15], $0x200  }
0x7c: {  	[sflag:s15] =	ssyncset.done $0x0  }
0x7d: {  	[sflag:s15] =	ssyncadd.s32 $0xFFFFFE00  }
0x7e: {  	[tilespmem:s20], [sflag:$0x2] =	stream.linear.gather [hbm4b:s9+s2], $0x200, $0x38;
	[tilespmem:$0x1E00] =	vst v63  }
0x7f: {  	_ =	swait.ge [sflag:s15], $0x200  }
0x80: {  	[sflag:s15] =	ssyncset.done $0x0  }
0x81: {  	[sflag:s15] =	ssyncadd.s32 $0xFFFFFE00  }
0x82: {  	v54 =	vld [tilespmem:$0x400]  }
0x83: {  	v55 =	vld [tilespmem:$0x410]  }
0x84: {  	v56 =	vld [tilespmem:$0x420]  }
0x85: {  	v57 =	vld [tilespmem:$0x430]  }
0x86: {  	v58 =	vld [tilespmem:$0x440]  }
0x87: {  	v59 =	vld [tilespmem:$0x450];
	v32 =	vshll.u32 v54, $0xE  }
0x88: {  	v60 =	vld [tilespmem:$0x460];
	v33 =	vshll.u32 v55, $0xE;
	v32 =	vor.u32 v16, v32  }
0x89: {  	v63 =	vld [tilespmem:$0x470];
	v62 =	vshll.u32 v56, $0xE;
	v61 =	vor.u32 v0, v33;
	[tilespmem:$0x1800] =	vst v32  }
0x8a: {  	v42 =	vld [tilespmem:$0x480];
	v41 =	vshll.u32 v57, $0xE;
	v40 =	vor.u32 v1, v62;
	[tilespmem:$0x1810] =	vst v61  }
0x8b: {  	v45 =	vld [tilespmem:$0x490];
	v44 =	vshll.u32 v58, $0xE;
	v43 =	vor.u32 v2, v41;
	[tilespmem:$0x1820] =	vst v40  }
0x8c: {  	v48 =	vld [tilespmem:$0x4A0];
	v47 =	vshll.u32 v59, $0xE;
	v46 =	vor.u32 v3, v44;
	[tilespmem:$0x1830] =	vst v43  }
0x8d: {  	v51 =	vld [tilespmem:$0x4B0];
	v50 =	vshll.u32 v60, $0xE;
	v49 =	vor.u32 v4, v47;
	[tilespmem:$0x1840] =	vst v46  }
0x8e: {  	v53 =	vshll.u32 v63, $0xE;
	v54 =	vld [tilespmem:$0x4C0];
	v52 =	vor.u32 v5, v50;
	[tilespmem:$0x1850] =	vst v49  }
0x8f: {  	v56 =	vshll.u32 v42, $0xE;
	v57 =	vld [tilespmem:$0x4D0];
	v55 =	vor.u32 v6, v53;
	[tilespmem:$0x1860] =	vst v52  }
0x90: {  	v59 =	vshll.u32 v45, $0xE;
	v60 =	vld [tilespmem:$0x4E0];
	v58 =	vor.u32 v7, v56;
	[tilespmem:$0x1870] =	vst v55  }
0x91: {  	v63 =	vld [tilespmem:$0x4F0];
	v62 =	vshll.u32 v48, $0xE;
	[tilespmem:$0x1880] =	vst v58;
	v61 =	vor.u32 v8, v59  }
0x92: {  	v42 =	vld [tilespmem:$0x500];
	v41 =	vshll.u32 v51, $0xE;
	v40 =	vor.u32 v9, v62;
	[tilespmem:$0x1890] =	vst v61  }
0x93: {  	v45 =	vld [tilespmem:$0x510];
	v43 =	vor.u32 v10, v41;
	[tilespmem:$0x18A0] =	vst v40;
	v44 =	vshll.u32 v54, $0xE  }
0x94: {  	v48 =	vld [tilespmem:$0x520];
	[tilespmem:$0x18B0] =	vst v43;
	v47 =	vshll.u32 v57, $0xE;
	v46 =	vor.u32 v11, v44  }
0x95: {  	v51 =	vld [tilespmem:$0x530];
	v50 =	vshll.u32 v60, $0xE;
	v49 =	vor.u32 v12, v47;
	[tilespmem:$0x18C0] =	vst v46  }
0x96: {  	v53 =	vshll.u32 v63, $0xE;
	v54 =	vld [tilespmem:$0x540];
	v52 =	vor.u32 v13, v50;
	[tilespmem:$0x18D0] =	vst v49  }
0x97: {  	v56 =	vshll.u32 v42, $0xE;
	v57 =	vld [tilespmem:$0x550];
	v55 =	vor.u32 v14, v53;
	[tilespmem:$0x18E0] =	vst v52  }
0x98: {  	v59 =	vshll.u32 v45, $0xE;
	v60 =	vld [tilespmem:$0x560];
	v58 =	vor.u32 v15, v56;
	[tilespmem:$0x18F0] =	vst v55  }
0x99: {  	v63 =	vld [tilespmem:$0x570];
	v61 =	vor.u32 v17, v59;
	v62 =	vshll.u32 v48, $0xE;
	[tilespmem:$0x1900] =	vst v58  }
0x9a: {  	v42 =	vld [tilespmem:$0x580];
	v41 =	vshll.u32 v51, $0xE;
	[tilespmem:$0x1910] =	vst v61;
	v40 =	vor.u32 v18, v62  }
0x9b: {  	v45 =	vld [tilespmem:$0x590];
	v43 =	vor.u32 v19, v41;
	[tilespmem:$0x1920] =	vst v40;
	v44 =	vshll.u32 v54, $0xE  }
0x9c: {  	v48 =	vld [tilespmem:$0x5A0];
	[tilespmem:$0x1930] =	vst v43;
	v47 =	vshll.u32 v57, $0xE;
	v46 =	vor.u32 v20, v44  }
0x9d: {  	v51 =	vld [tilespmem:$0x5B0];
	v50 =	vshll.u32 v60, $0xE;
	v49 =	vor.u32 v21, v47;
	[tilespmem:$0x1940] =	vst v46  }
0x9e: {  	v53 =	vshll.u32 v63, $0xE;
	v54 =	vld [tilespmem:$0x5C0];
	v52 =	vor.u32 v22, v50;
	[tilespmem:$0x1950] =	vst v49  }
0x9f: {  	v56 =	vshll.u32 v42, $0xE;
	v57 =	vld [tilespmem:$0x5D0];
	v55 =	vor.u32 v23, v53;
	[tilespmem:$0x1960] =	vst v52  }
0xa0: {  	v59 =	vshll.u32 v45, $0xE;
	v60 =	vld [tilespmem:$0x5E0];
	v58 =	vor.u32 v24, v56;
	[tilespmem:$0x1970] =	vst v55  }
0xa1: {  	v63 =	vld [tilespmem:$0x5F0];
	v61 =	vor.u32 v25, v59;
	v62 =	vshll.u32 v48, $0xE;
	[tilespmem:$0x1980] =	vst v58  }
0xa2: {  	v40 =	vshll.u32 v51, $0xE;
	[tilespmem:$0x1990] =	vst v61;
	v39 =	vor.u32 v26, v62  }
0xa3: {  	v41 =	vor.u32 v27, v40;
	[tilespmem:$0x19A0] =	vst v39;
	v42 =	vshll.u32 v54, $0xE  }
0xa4: {  	[tilespmem:$0x19B0] =	vst v41;
	v44 =	vshll.u32 v57, $0xE;
	v43 =	vor.u32 v28, v42  }
0xa5: {  	v46 =	vshll.u32 v60, $0xE;
	v45 =	vor.u32 v29, v44;
	[tilespmem:$0x19C0] =	vst v43  }
0xa6: {  	v48 =	vshll.u32 v63, $0xE;
	v47 =	vor.u32 v30, v46;
	[tilespmem:$0x19D0] =	vst v45  }
0xa7: {  	v49 =	vor.u32 v31, v48;
	[tilespmem:$0x19E0] =	vst v47  }
0xa8: {  	[tilespmem:$0x19F0] =	vst v49  }
0xa9: {  	[tilespmem:s21], [sflag:$0x2] =	stream.linear.gather [hbm4b:s10+s2], $0x200, $0x38;
	[tilespmem:$0x1E00] =	vst v63  }
0xaa: {  	_ =	swait.ge [sflag:s15], $0x200  }
0xab: {  	[sflag:s15] =	ssyncset.done $0x0  }
0xac: {  	[sflag:s15] =	ssyncadd.s32 $0xFFFFFE00  }
0xad: {  	[tilespmem:s22], [sflag:$0x2] =	stream.linear.gather [hbm4b:s11+s2], $0x200, $0x38;
	[tilespmem:$0x1E00] =	vst v63  }
0xae: {  	_ =	swait.ge [sflag:s15], $0x200  }
0xaf: {  	[sflag:s15] =	ssyncset.done $0x0  }
0xb0: {  	[sflag:s15] =	ssyncadd.s32 $0xFFFFFE00  }
0xb1: {  	v50 =	vld [tilespmem:$0x600]  }
0xb2: {  	v51 =	vld [tilespmem:$0x610]  }
0xb3: {  	v52 =	vld [tilespmem:$0x620]  }
0xb4: {  	v53 =	vld [tilespmem:$0x630]  }
0xb5: {  	v54 =	vld [tilespmem:$0x640]  }
0xb6: {  	v55 =	vld [tilespmem:$0x650];
	v32 =	vshll.u32 v50, $0xE  }
0xb7: {  	v56 =	vld [tilespmem:$0x660];
	v33 =	vshll.u32 v51, $0xE;
	v32 =	vor.u32 v16, v32  }
0xb8: {  	v59 =	vld [tilespmem:$0x670];
	v58 =	vshll.u32 v52, $0xE;
	v57 =	vor.u32 v0, v33;
	[tilespmem:$0x1A00] =	vst v32  }
0xb9: {  	v62 =	vld [tilespmem:$0x680];
	v61 =	vshll.u32 v53, $0xE;
	v60 =	vor.u32 v1, v58;
	[tilespmem:$0x1A10] =	vst v57  }
0xba: {  	v41 =	vld [tilespmem:$0x690];
	v40 =	vshll.u32 v54, $0xE;
	v63 =	vor.u32 v2, v61;
	[tilespmem:$0x1A20] =	vst v60  }
0xbb: {  	v44 =	vld [tilespmem:$0x6A0];
	v43 =	vshll.u32 v55, $0xE;
	v42 =	vor.u32 v3, v40;
	[tilespmem:$0x1A30] =	vst v63  }
0xbc: {  	v47 =	vld [tilespmem:$0x6B0];
	v46 =	vshll.u32 v56, $0xE;
	v45 =	vor.u32 v4, v43;
	[tilespmem:$0x1A40] =	vst v42  }
0xbd: {  	v49 =	vshll.u32 v59, $0xE;
	v50 =	vld [tilespmem:$0x6C0];
	v48 =	vor.u32 v5, v46;
	[tilespmem:$0x1A50] =	vst v45  }
0xbe: {  	v52 =	vshll.u32 v62, $0xE;
	v53 =	vld [tilespmem:$0x6D0];
	v51 =	vor.u32 v6, v49;
	[tilespmem:$0x1A60] =	vst v48  }
0xbf: {  	v55 =	vshll.u32 v41, $0xE;
	v56 =	vld [tilespmem:$0x6E0];
	v54 =	vor.u32 v7, v52;
	[tilespmem:$0x1A70] =	vst v51  }
0xc0: {  	v59 =	vld [tilespmem:$0x6F0];
	v58 =	vshll.u32 v44, $0xE;
	[tilespmem:$0x1A80] =	vst v54;
	v57 =	vor.u32 v8, v55  }
0xc1: {  	v62 =	vld [tilespmem:$0x700];
	v61 =	vshll.u32 v47, $0xE;
	v60 =	vor.u32 v9, v58;
	[tilespmem:$0x1A90] =	vst v57  }
0xc2: {  	v40 =	vld [tilespmem:$0x710];
	v63 =	vor.u32 v10, v61;
	[tilespmem:$0x1AA0] =	vst v60;
	v39 =	vshll.u32 v50, $0xE  }
0xc3: {  	v43 =	vld [tilespmem:$0x720];
	[tilespmem:$0x1AB0] =	vst v63;
	v42 =	vshll.u32 v53, $0xE;
	v41 =	vor.u32 v11, v39  }
0xc4: {  	v46 =	vld [tilespmem:$0x730];
	v45 =	vshll.u32 v56, $0xE;
	v44 =	vor.u32 v12, v42;
	[tilespmem:$0x1AC0] =	vst v41  }
0xc5: {  	v49 =	vld [tilespmem:$0x740];
	v48 =	vshll.u32 v59, $0xE;
	v47 =	vor.u32 v13, v45;
	[tilespmem:$0x1AD0] =	vst v44  }
0xc6: {  	v52 =	vld [tilespmem:$0x750];
	v51 =	vshll.u32 v62, $0xE;
	v50 =	vor.u32 v14, v48;
	[tilespmem:$0x1AE0] =	vst v47  }
0xc7: {  	v55 =	vld [tilespmem:$0x760];
	v53 =	vor.u32 v15, v51;
	v54 =	vshll.u32 v40, $0xE;
	[tilespmem:$0x1AF0] =	vst v50  }
0xc8: {  	v58 =	vld [tilespmem:$0x770];
	v57 =	vshll.u32 v43, $0xE;
	[tilespmem:$0x1B00] =	vst v53;
	v56 =	vor.u32 v17, v54  }
0xc9: {  	v61 =	vld [tilespmem:$0x780];
	v60 =	vshll.u32 v46, $0xE;
	v59 =	vor.u32 v18, v57;
	[tilespmem:$0x1B10] =	vst v56  }
0xca: {  	v63 =	vshll.u32 v49, $0xE;
	v40 =	vld [tilespmem:$0x790];
	v62 =	vor.u32 v19, v60;
	[tilespmem:$0x1B20] =	vst v59  }
0xcb: {  	v42 =	vshll.u32 v52, $0xE;
	v43 =	vld [tilespmem:$0x7A0];
	v41 =	vor.u32 v20, v63;
	[tilespmem:$0x1B30] =	vst v62  }
0xcc: {  	v46 =	vld [tilespmem:$0x7B0];
	v44 =	vor.u32 v21, v42;
	v45 =	vshll.u32 v55, $0xE;
	[tilespmem:$0x1B40] =	vst v41  }
0xcd: {  	v49 =	vld [tilespmem:$0x7C0];
	v48 =	vshll.u32 v58, $0xE;
	[tilespmem:$0x1B50] =	vst v44;
	v47 =	vor.u32 v22, v45  }
0xce: {  	v52 =	vld [tilespmem:$0x7D0];
	v51 =	vshll.u32 v61, $0xE;
	v50 =	vor.u32 v23, v48;
	[tilespmem:$0x1B60] =	vst v47  }
0xcf: {  	v55 =	vld [tilespmem:$0x7E0];
	v53 =	vor.u32 v24, v51;
	[tilespmem:$0x1B70] =	vst v50;
	v54 =	vshll.u32 v40, $0xE  }
0xd0: {  	v58 =	vld [tilespmem:$0x7F0];
	[tilespmem:$0x1B80] =	vst v53;
	v57 =	vshll.u32 v43, $0xE;
	v56 =	vor.u32 v25, v54  }
0xd1: {  	v60 =	vshll.u32 v46, $0xE;
	v59 =	vor.u32 v26, v57;
	[tilespmem:$0x1B90] =	vst v56  }
0xd2: {  	v62 =	vshll.u32 v49, $0xE;
	v61 =	vor.u32 v27, v60;
	[tilespmem:$0x1BA0] =	vst v59  }
0xd3: {  	v36 =	vshll.u32 v52, $0xE;
	v63 =	vor.u32 v28, v62;
	[tilespmem:$0x1BB0] =	vst v61  }
0xd4: {  	v39 =	vor.u32 v29, v36;
	v40 =	vshll.u32 v55, $0xE;
	[tilespmem:$0x1BC0] =	vst v63  }
0xd5: {  	v42 =	vshll.u32 v58, $0xE;
	[tilespmem:$0x1BD0] =	vst v39;
	v41 =	vor.u32 v30, v40  }
0xd6: {  	v43 =	vor.u32 v31, v42;
	[tilespmem:$0x1BE0] =	vst v41  }
0xd7: {  	[tilespmem:$0x1BF0] =	vst v43  }
0xd8: {  	[tilespmem:s23], [sflag:$0x2] =	stream.linear.gather [hbm4b:s12+s2], $0x200, $0x38;
	[tilespmem:$0x1E00] =	vst v63  }
0xd9: {  	_ =	swait.ge [sflag:s15], $0x200  }
0xda: {  	[sflag:s15] =	ssyncset.done $0x0  }
0xdb: {  	[sflag:s15] =	ssyncadd.s32 $0xFFFFFE00  }
0xdc: {  	[tilespmem:s24], [sflag:$0x2] =	stream.linear.gather [hbm4b:s13+s2], $0x200, $0x38;
	[tilespmem:$0x1E00] =	vst v63  }
0xdd: {  	_ =	swait.ge [sflag:s15], $0x200  }
0xde: {  	[sflag:s15] =	ssyncset.done $0x0  }
0xdf: {  	[sflag:s15] =	ssyncadd.s32 $0xFFFFFE00  }
0xe0: {  	v44 =	vld [tilespmem:$0x800]  }
0xe1: {  	v45 =	vld [tilespmem:$0x810]  }
0xe2: {  	v46 =	vld [tilespmem:$0x820]  }
0xe3: {  	v47 =	vld [tilespmem:$0x830]  }
0xe4: {  	v48 =	vld [tilespmem:$0x840]  }
0xe5: {  	v49 =	vld [tilespmem:$0x850];
	v32 =	vshll.u32 v44, $0xE  }
0xe6: {  	v50 =	vld [tilespmem:$0x860];
	v33 =	vshll.u32 v45, $0xE;
	v32 =	vor.u32 v16, v32  }
0xe7: {  	v53 =	vld [tilespmem:$0x870];
	v52 =	vshll.u32 v46, $0xE;
	v51 =	vor.u32 v0, v33;
	[tilespmem:$0x1C00] =	vst v32  }
0xe8: {  	v56 =	vld [tilespmem:$0x880];
	v55 =	vshll.u32 v47, $0xE;
	v54 =	vor.u32 v1, v52;
	[tilespmem:$0x1C10] =	vst v51  }
0xe9: {  	v59 =	vld [tilespmem:$0x890];
	v58 =	vshll.u32 v48, $0xE;
	v57 =	vor.u32 v2, v55;
	[tilespmem:$0x1C20] =	vst v54  }
0xea: {  	v62 =	vld [tilespmem:$0x8A0];
	v61 =	vshll.u32 v49, $0xE;
	v60 =	vor.u32 v3, v58;
	[tilespmem:$0x1C30] =	vst v57  }
0xeb: {  	v41 =	vld [tilespmem:$0x8B0];
	v40 =	vshll.u32 v50, $0xE;
	v63 =	vor.u32 v4, v61;
	[tilespmem:$0x1C40] =	vst v60  }
0xec: {  	v43 =	vshll.u32 v53, $0xE;
	v44 =	vld [tilespmem:$0x8C0];
	v42 =	vor.u32 v5, v40;
	[tilespmem:$0x1C50] =	vst v63  }
0xed: {  	v46 =	vshll.u32 v56, $0xE;
	v47 =	vld [tilespmem:$0x8D0];
	v45 =	vor.u32 v6, v43;
	[tilespmem:$0x1C60] =	vst v42  }
0xee: {  	v49 =	vshll.u32 v59, $0xE;
	v50 =	vld [tilespmem:$0x8E0];
	v48 =	vor.u32 v7, v46;
	[tilespmem:$0x1C70] =	vst v45  }
0xef: {  	v53 =	vld [tilespmem:$0x8F0];
	v52 =	vshll.u32 v62, $0xE;
	[tilespmem:$0x1C80] =	vst v48;
	v51 =	vor.u32 v8, v49  }
0xf0: {  	v56 =	vld [tilespmem:$0x900];
	v55 =	vshll.u32 v41, $0xE;
	v54 =	vor.u32 v9, v52;
	[tilespmem:$0x1C90] =	vst v51  }
0xf1: {  	v59 =	vld [tilespmem:$0x910];
	v57 =	vor.u32 v10, v55;
	[tilespmem:$0x1CA0] =	vst v54;
	v58 =	vshll.u32 v44, $0xE  }
0xf2: {  	v62 =	vld [tilespmem:$0x920];
	[tilespmem:$0x1CB0] =	vst v57;
	v61 =	vshll.u32 v47, $0xE;
	v60 =	vor.u32 v11, v58  }
0xf3: {  	v41 =	vld [tilespmem:$0x930];
	v40 =	vshll.u32 v50, $0xE;
	v63 =	vor.u32 v12, v61;
	[tilespmem:$0x1CC0] =	vst v60  }
0xf4: {  	v43 =	vshll.u32 v53, $0xE;
	v44 =	vld [tilespmem:$0x940];
	v42 =	vor.u32 v13, v40;
	[tilespmem:$0x1CD0] =	vst v63  }
0xf5: {  	v46 =	vshll.u32 v56, $0xE;
	v47 =	vld [tilespmem:$0x950];
	v45 =	vor.u32 v14, v43;
	[tilespmem:$0x1CE0] =	vst v42  }
0xf6: {  	v49 =	vshll.u32 v59, $0xE;
	v50 =	vld [tilespmem:$0x960];
	v48 =	vor.u32 v15, v46;
	[tilespmem:$0x1CF0] =	vst v45  }
0xf7: {  	v53 =	vld [tilespmem:$0x970];
	v51 =	vor.u32 v17, v49;
	v52 =	vshll.u32 v62, $0xE;
	[tilespmem:$0x1D00] =	vst v48  }
0xf8: {  	v56 =	vld [tilespmem:$0x980];
	v55 =	vshll.u32 v41, $0xE;
	[tilespmem:$0x1D10] =	vst v51;
	v54 =	vor.u32 v18, v52  }
0xf9: {  	v59 =	vld [tilespmem:$0x990];
	v57 =	vor.u32 v19, v55;
	[tilespmem:$0x1D20] =	vst v54;
	v58 =	vshll.u32 v44, $0xE  }
0xfa: {  	v62 =	vld [tilespmem:$0x9A0];
	[tilespmem:$0x1D30] =	vst v57;
	v61 =	vshll.u32 v47, $0xE;
	v60 =	vor.u32 v20, v58  }
0xfb: {  	v40 =	vld [tilespmem:$0x9B0];
	v39 =	vshll.u32 v50, $0xE;
	v63 =	vor.u32 v21, v61;
	[tilespmem:$0x1D40] =	vst v60  }
0xfc: {  	v43 =	vld [tilespmem:$0x9C0];
	v42 =	vshll.u32 v53, $0xE;
	v41 =	vor.u32 v22, v39;
	[tilespmem:$0x1D50] =	vst v63  }
0xfd: {  	v46 =	vld [tilespmem:$0x9D0];
	v45 =	vshll.u32 v56, $0xE;
	v44 =	vor.u32 v23, v42;
	[tilespmem:$0x1D60] =	vst v41  }
0xfe: {  	v49 =	vld [tilespmem:$0x9E0];
	v48 =	vshll.u32 v59, $0xE;
	v47 =	vor.u32 v24, v45;
	[tilespmem:$0x1D70] =	vst v44  }
0xff: {  	v52 =	vld [tilespmem:$0x9F0];
	v50 =	vor.u32 v25, v48;
	v51 =	vshll.u32 v62, $0xE;
	[tilespmem:$0x1D80] =	vst v47  }
0x100: {  	v54 =	vshll.u32 v40, $0xE;
	[tilespmem:$0x1D90] =	vst v50;
	v53 =	vor.u32 v26, v51  }
0x101: {  	v56 =	vshll.u32 v43, $0xE;
	v55 =	vor.u32 v27, v54;
	[tilespmem:$0x1DA0] =	vst v53  }
0x102: {  	v58 =	vshll.u32 v46, $0xE;
	v57 =	vor.u32 v28, v56;
	[tilespmem:$0x1DB0] =	vst v55  }
0x103: {  	v59 =	vor.u32 v29, v58;
	v60 =	vshll.u32 v49, $0xE;
	[tilespmem:$0x1DC0] =	vst v57  }
0x104: {  	v62 =	vshll.u32 v52, $0xE;
	[tilespmem:$0x1DD0] =	vst v59;
	v61 =	vor.u32 v30, v60  }
0x105: {  	v63 =	vor.u32 v31, v62;
	[tilespmem:$0x1DE0] =	vst v61  }
0x106: {  	[tilespmem:$0x1DF0] =	vst v63  }
0x107: {  	[hbm4b:s3+s17] =	stream.indirect.scatter [tilespmem:s16], [sflag:$0x1], $0x1, s25, s17, $0xb8;
	[tilespmem:$0x1E00] =	vst v63  }
0x108: {  	_ = 	snop  }
0x109: {  	[hbm4b:s3+s17] =	stream.indirect.scatter [tilespmem:s18], [sflag:$0x1], $0x1, s26, s17, $0xb8;
	[tilespmem:$0x1E00] =	vst v63  }
0x10a: {  	_ = 	snop  }
0x10b: {  	[hbm4b:s3+s17] =	stream.indirect.scatter [tilespmem:s20], [sflag:$0x1], $0x1, s28, s17, $0xb8;
	[tilespmem:$0x1E00] =	vst v63  }
0x10c: {  	_ = 	snop  }
0x10d: {  	[hbm4b:s3+s17] =	stream.indirect.scatter [tilespmem:s22], [sflag:$0x1], $0x1, s29, s17, $0xb8;
	[tilespmem:$0x1E00] =	vst v63  }
0x10e: {  	_ = 	snop  }
0x10f: {  	[hbm4b:s3+s17] =	stream.indirect.scatter [tilespmem:s24], [sflag:$0x1], $0x1, s30, s17, $0xb8;
	[tilespmem:$0x1E00] =	vst v63  }
0x110: {  	_ =	swait.ge [sflag:s31], $0x200  }
0x111: {  	[sflag:s31] =	ssyncset.done $0x0  }
0x112: {  	[sflag:s31] =	ssyncadd.s32 $0xFFFFFE00  }
0x113: {  	_ =	swait.ge [sflag:s31], $0x200  }
0x114: {  	[sflag:s31] =	ssyncset.done $0x0  }
0x115: {  	[sflag:s31] =	ssyncadd.s32 $0xFFFFFE00  }
0x116: {  	_ =	swait.ge [sflag:s31], $0x200  }
0x117: {  	[sflag:s31] =	ssyncset.done $0x0  }
0x118: {  	[sflag:s31] =	ssyncadd.s32 $0xFFFFFE00  }
0x119: {  	p0 =	sne.s32 s14, $0x1;
	_ =	swait.ge [sflag:s31], $0x200  }
.Ltmp0:
0x11a: {  	[sflag:s31] =	ssyncset.done $0x0;
	(pc) =	sbr.rel @p0 .LBB2_1-.Ltmp0, $4  }
0x11b: {  	[sflag:s31] =	ssyncadd.s32 $0xFFFFFE00  }
0x11c: {  	_ =	swait.ge [sflag:s31], $0x200  }
0x11d: {  	[sflag:s31] =	ssyncset.done $0x0  }
0x11e: {  	s14 =	sadd.s32 $0xFFFFFFFF, s14;
	[sflag:s31] =	ssyncadd.s32 $0xFFFFFE00  }
0x11f: {  	_ =	sfence.sel $0x180000  }
0x120: {  	[bflag:$0x0] =	sbarrier.arrive $0xFFFF  }
0x121: {  	_ =	strace $0x90000047  }
0x122: {  	[bflag:$0x2] =	sbarrier.arrive $0xFFFF  }
0x123: {  	p0 =	sne.s32 s1, $0x0;
	s0 =	rddreg [dreg:$0x1]  }
0x124: {  	s0 =	sadd.s32 @!p0 $0x100000, s0  }
0x125: {  	[sflag:s0] =	ssyncadd.tile.s32 @!p0 $0x1;
	_ =	shalt  }
.Lfunc_end2:
_tile_overlayer_lowered:
.L_overlay_start_2:
0x126: {  	(tag) =	ssettag $0x2  }
0x127: {  	s0 =	rddreg [dreg:$0x0];
	s2 =	stileid.u32  }
0x128: {  	s1 =	rddreg [dreg:$0x1];
	p0 =	sne.s32 s2, $0x0  }
0x129: {  	s3 =	rddreg [dreg:$0x2];
	[bflag:$0x3] =	sbarrier.arrive $0xFFFF;
	s2 =	simm.s32 @!p0 $0x1C02  }
0x12a: {  	[timem:s3], [sflag:s2] =	dma.local @!p0 [hbm:s0], s1  }
0x12b: {  	s0 =	simm.s32 @!p0 $0x2  }
0x12c: {  	_ =	swait.ge @!p0 [sflag:s0], s1  }
0x12d: {  	s1 =	ssub.s32 @!p0 $0x0, s1;
	[sflag:s0] =	ssyncset.done @!p0 $0x0  }
0x12e: {  	[sflag:s0] =	ssyncadd.s32 @!p0 s1  }
0x12f: {  	[bflag:$0x3] =	sbarrier.arrive $0xFFFF  }
0x130: {  	_ =	shalt  }

</sc_bundles>
